<compile_context>
chip_gen: v7x
topology: tpu7x:2x2x1
jax: 0.10.2.dev20260603
libtpu: 0.0.44.dev20260713+nightly
codegen_flags: <defaults>
</compile_context>

<pallas_src>
import functools

import jax
import jax.numpy as jnp
from jax import lax
from jax.experimental import pallas as pl
from jax.experimental.pallas import tpu as pltpu
from jax.experimental.pallas import tpu_sc as plsc

MEM = 100000
DIM = 128
BS = 1024
K = 512
TEMP = 0.07

ROWS_PER_TILE = 2048
HALF = ROWS_PER_TILE // 2
NTILES = 49
NWORDS = NTILES * HALF * BS

NWORKERS = 32
BPW = BS // NWORKERS
NEG_PER_W = BPW * K
NCHUNK = NEG_PER_W // 128
WINDOW = 16


def _neg_sample_draw():
    return jax.random.randint(
        jax.random.key(1), (BS, K), 0, MEM - 1).astype(jnp.int32)


def _pack_bf16_pair(se, so):
    be = lax.bitcast_convert_type(se, jnp.int32)
    bo = lax.bitcast_convert_type(so, jnp.int32)
    re = lax.shift_right_logical(be + 0x8000, 16)
    ro = lax.shift_right_logical(bo + 0x8000, 16)
    return (ro << 16) | re


def _tc_body(sy_ref, sperm_ref, starts_ref,
             vemb_ref, aemb_ref, m1_ref, m2_ref,
             s1_ref, s2_ref, n1_ref, n2_ref,
             vn_ref, an_ref, vsc_ref, asc_ref):
    t = pl.program_id(0)

    @pl.when(t == 0)
    def _():
        v = vemb_ref[...]
        vn = v / jnp.maximum(jnp.sqrt(jnp.sum(v * v, axis=1, keepdims=True)), 1e-12)
        vn_ref[...] = vn
        vsc_ref[...] = (vn * (1.0 / TEMP)).astype(jnp.bfloat16)
        a = aemb_ref[...]
        an = a / jnp.maximum(jnp.sqrt(jnp.sum(a * a, axis=1, keepdims=True)), 1e-12)
        an_ref[...] = an
        asc_ref[...] = (an * (1.0 / TEMP)).astype(jnp.bfloat16)

    m1 = m1_ref[...]
    m2 = m2_ref[...]
    dn = (((1,), (1,)), ((), ()))
    for cb in range(HALF // 128):
        slo = slice(cb * 128, (cb + 1) * 128)
        shi = slice(HALF + cb * 128, HALF + (cb + 1) * 128)
        s1_ref[pl.ds(cb * BS, BS), :] = _pack_bf16_pair(
            lax.dot_general(asc_ref[...], m1[slo].astype(jnp.bfloat16),
                            dn, preferred_element_type=jnp.float32),
            lax.dot_general(asc_ref[...], m1[shi].astype(jnp.bfloat16),
                            dn, preferred_element_type=jnp.float32))
        s2_ref[pl.ds(cb * BS, BS), :] = _pack_bf16_pair(
            lax.dot_general(vsc_ref[...], m2[slo].astype(jnp.bfloat16),
                            dn, preferred_element_type=jnp.float32),
            lax.dot_general(vsc_ref[...], m2[shi].astype(jnp.bfloat16),
                            dn, preferred_element_type=jnp.float32))
    n1_ref[...] = m1
    n2_ref[...] = m2

    lo = starts_ref[t]
    hi = starts_ref[t + 1]
    base = t * ROWS_PER_TILE

    def upd(j, carry):
        row = sy_ref[j] - base
        b = sperm_ref[j]
        old = jnp.concatenate(
            [m1_ref[pl.ds(row, 1), :], m2_ref[pl.ds(row, 1), :]], axis=0)
        emb = jnp.concatenate(
            [vn_ref[pl.ds(b, 1), :], an_ref[pl.ds(b, 1), :]], axis=0)
        l = old * 0.5 + emb * 0.5
        s = jnp.sum(l * l, axis=1, keepdims=True)
        l = l / jnp.maximum(jnp.sqrt(s), 1e-12)
        n1_ref[pl.ds(row, 1), :] = l[0:1, :]
        n2_ref[pl.ds(row, 1), :] = l[1:2, :]
        return carry

    lax.fori_loop(lo, hi, upd, 0)


_TC_GRID = pltpu.PrefetchScalarGridSpec(
    num_scalar_prefetch=3,
    grid=(NTILES,),
    in_specs=[
        pl.BlockSpec((BS, DIM), lambda t, *_: (0, 0)),
        pl.BlockSpec((BS, DIM), lambda t, *_: (0, 0)),
        pl.BlockSpec((ROWS_PER_TILE, DIM), lambda t, *_: (t, 0)),
        pl.BlockSpec((ROWS_PER_TILE, DIM), lambda t, *_: (t, 0)),
    ],
    out_specs=[
        pl.BlockSpec((HALF // 128 * BS, DIM), lambda t, *_: (t, 0)),
        pl.BlockSpec((HALF // 128 * BS, DIM), lambda t, *_: (t, 0)),
        pl.BlockSpec((ROWS_PER_TILE, DIM), lambda t, *_: (t, 0)),
        pl.BlockSpec((ROWS_PER_TILE, DIM), lambda t, *_: (t, 0)),
    ],
    scratch_shapes=[
        pltpu.VMEM((BS, DIM), jnp.float32),
        pltpu.VMEM((BS, DIM), jnp.float32),
        pltpu.VMEM((BS, DIM), jnp.bfloat16),
        pltpu.VMEM((BS, DIM), jnp.bfloat16),
    ],
)


def _sc_body(s2_ref, s1_ref, y_ref, r_ref,
             outn_ref, outp_ref,
             rb_v, y_v, fidx_v, half_v, fidxp_v, halfp_v,
             gath_v, gathf_v, gathp_v, gathpf_v, sem):
    cid = lax.axis_index("c")
    sid = lax.axis_index("s")
    wid = sid * 2 + cid
    base_b = wid * BPW

    pltpu.sync_copy(r_ref.at[pl.ds(base_b, BPW), :], rb_v)
    pltpu.sync_copy(y_ref.at[pl.ds(base_b, BPW)], y_v)

    ones = jnp.ones((16,), jnp.int32)
    c3 = jnp.full((16,), 3, jnp.int32)
    c7 = jnp.full((16,), 7, jnp.int32)
    c10 = jnp.full((16,), 10, jnp.int32)
    c11 = jnp.full((16,), 11, jnp.int32)
    c16 = jnp.full((16,), 16, jnp.int32)
    c17 = jnp.full((16,), 17, jnp.int32)
    c127 = jnp.full((16,), 127, jnp.int32)
    c1023 = jnp.full((16,), 1023, jnp.int32)
    cmask = jnp.full((16,), 0xFFFF, jnp.int32)

    def word_of(jv, b7):
        q = jv & c1023
        g = (lax.shift_left(lax.shift_right_logical(jv, c11), c3)
             + lax.shift_right_logical(q, c7))
        return lax.shift_left(g, c17) + (q & c127) + b7

    def half_of(jv):
        return lax.shift_right_logical(jv, c10) & ones

    for h in range(BPW // 16):
        yv = y_v[pl.ds(h * 16, 16)]
        b7 = lax.shift_left(
            jnp.full((16,), base_b + h * 16, jnp.int32)
            + lax.iota(jnp.int32, 16), c7)
        fidxp_v[pl.ds(h * 16, 16)] = word_of(yv, b7)
        halfp_v[pl.ds(h * 16, 16)] = half_of(yv)

        for j in range(16):
            bl = h * 16 + j
            tbvec = jnp.full((16,), yv[j], jnp.int32)
            bvec7 = jnp.full((16,), (base_b + bl) << 7, jnp.int32)

            def fill_k(kc, c2, bl=bl, tbvec=tbvec, bvec7=bvec7):
                rv = rb_v[bl, pl.ds(kc * 16, 16)]
                jv = jnp.where(rv >= tbvec, rv + ones, rv)
                off = bl * K + kc * 16
                fidx_v[pl.ds(off, 16)] = word_of(jv, bvec7)
                half_v[pl.ds(off, 16)] = half_of(jv)
                return c2

            lax.fori_loop(0, K // 16, fill_k, 0)

    for m, sref in ((0, s2_ref), (1, s1_ref)):
        def gbody(c, carry, sref=sref):
            pltpu.async_copy(
                sref.at[fidx_v.at[pl.ds(c * 128, 128)]],
                gath_v.at[pl.ds(c * 128, 128)], sem)

            @pl.when(c >= WINDOW)
            def _():
                cw = c - WINDOW
                pltpu.make_async_copy(
                    sref.at[fidx_v.at[pl.ds(cw * 128, 128)]],
                    gath_v.at[pl.ds(cw * 128, 128)], sem).wait()
            return carry

        lax.fori_loop(0, NCHUNK, gbody, 0)
        for w in range(WINDOW):
            cw = NCHUNK - WINDOW + w
            pltpu.make_async_copy(
                sref.at[fidx_v.at[pl.ds(cw * 128, 128)]],
                gath_v.at[pl.ds(cw * 128, 128)], sem).wait()
        pltpu.async_copy(sref.at[fidxp_v], gathp_v, sem).wait()

        def unpack(c, carry):
            g = gath_v[pl.ds(c * 16, 16)]
            sh = half_v[pl.ds(c * 16, 16)] << jnp.full((16,), 4, jnp.int32)
            bits = (lax.shift_right_logical(g, sh) & cmask) << c16
            gathf_v[pl.ds(c * 16, 16)] = lax.bitcast_convert_type(bits, jnp.float32)
            return carry

        lax.fori_loop(0, NEG_PER_W // 16, unpack, 0)
        for h in range(BPW // 16):
            g = gathp_v[pl.ds(h * 16, 16)]
            sh = halfp_v[pl.ds(h * 16, 16)] << jnp.full((16,), 4, jnp.int32)
            bits = (lax.shift_right_logical(g, sh) & cmask) << c16
            gathpf_v[pl.ds(h * 16, 16)] = lax.bitcast_convert_type(bits, jnp.float32)

        pltpu.sync_copy(gathf_v, outn_ref.at[m, pl.ds(wid * NEG_PER_W, NEG_PER_W)])
        pltpu.sync_copy(gathpf_v, outp_ref.at[m, pl.ds(wid * BPW, BPW)])


_sc_extract_cached = None


def _sc_extract(*args):
    global _sc_extract_cached
    if _sc_extract_cached is None:
        _sc_extract_cached = functools.partial(
            pl.kernel,
            out_type=(
                jax.ShapeDtypeStruct((2, BS * K), jnp.float32),
                jax.ShapeDtypeStruct((2, BS), jnp.float32),
            ),
            mesh=plsc.VectorSubcoreMesh(core_axis_name="c", subcore_axis_name="s"),
            scratch_types=[
                pltpu.VMEM((BPW, K), jnp.int32),
                pltpu.VMEM((BPW,), jnp.int32),
                pltpu.VMEM((NEG_PER_W,), jnp.int32),
                pltpu.VMEM((NEG_PER_W,), jnp.int32),
                pltpu.VMEM((BPW,), jnp.int32),
                pltpu.VMEM((BPW,), jnp.int32),
                pltpu.VMEM((NEG_PER_W,), jnp.int32),
                pltpu.VMEM((NEG_PER_W,), jnp.float32),
                pltpu.VMEM((BPW,), jnp.int32),
                pltpu.VMEM((BPW,), jnp.float32),
                pltpu.SemaphoreType.DMA,
            ],
        )(_sc_body)
    return _sc_extract_cached(*args)


def kernel(video_emb, audio_emb, y, view1_mem, view2_mem):
    y = y.astype(jnp.int32)

    bidx = jnp.arange(BS, dtype=jnp.int32)
    skey = y * BS + bidx
    rank = jnp.sum((skey[None, :] < skey[:, None]).astype(jnp.int32), axis=1)
    onehot = (rank[:, None] == bidx[None, :]).astype(jnp.int32)
    sy = jnp.sum(onehot * y[:, None], axis=0)
    perm = jnp.sum(onehot * bidx[:, None], axis=0)
    tiles = jnp.arange(NTILES + 1, dtype=jnp.int32)
    starts = jnp.sum(
        (y[None, :] < (tiles * ROWS_PER_TILE)[:, None]).astype(jnp.int32),
        axis=1)

    s1, s2, n1, n2 = pl.pallas_call(
        _tc_body,
        grid_spec=_TC_GRID,
        out_shape=[
            jax.ShapeDtypeStruct((NWORDS // 128, DIM), jnp.int32),
            jax.ShapeDtypeStruct((NWORDS // 128, DIM), jnp.int32),
            jax.ShapeDtypeStruct((MEM, DIM), jnp.float32),
            jax.ShapeDtypeStruct((MEM, DIM), jnp.float32),
        ],
    )(sy, perm, starts, video_emb, audio_emb, view1_mem, view2_mem)

    negs, pos = _sc_extract(
        s2.reshape(-1), s1.reshape(-1), y, _neg_sample_draw())

    scores = jnp.concatenate(
        [pos.reshape(2, BS, 1), negs.reshape(2, BS, K)], axis=2)
    return scores, n1, n2

# --- scband reference (transcript-rebuilt; emitter-appended) ---
"""Pipeline reference for scband-avidsimilarity-memory-bank-59072980189428 (READ-ONLY COPY).

The authoritative reference and input builder live on the scoring server;
editing this copy changes nothing except your own understanding.
"""

import jax, jax.numpy as jnp
import numpy as np

MEM_SIZE = 100000
DIM = 128
BS = 1024
K = 512
TEMP = 0.07
MOM_V = 0.5
MOM_A = 0.5


def _l2norm(x, axis=1, eps=1e-12):
    n = jnp.linalg.norm(x, ord=2, axis=axis, keepdims=True)
    return x / jnp.maximum(n, eps)


def setup_inputs(seed: int = 0) -> dict:
    key = jax.random.key(seed)
    k1, k2, k3, k4, k5 = jax.random.split(key, 5)
    video_emb = jax.random.normal(k1, (BS, DIM), dtype=jnp.float32)
    audio_emb = jax.random.normal(k2, (BS, DIM), dtype=jnp.float32)
    y = jax.random.randint(k3, (BS,), 0, MEM_SIZE)
    view1_mem = _l2norm(jax.random.normal(k4, (MEM_SIZE, DIM), dtype=jnp.float32))
    view2_mem = _l2norm(jax.random.normal(k5, (MEM_SIZE, DIM), dtype=jnp.float32))
    return {"video_emb": video_emb, "audio_emb": audio_emb, "y": y,
            "view1_mem": view1_mem, "view2_mem": view2_mem}


def _sample_negatives(y, k_neg):
    # AliasMethod over uniform weights on (memory_size - 1) items == uniform sampling
    skey = jax.random.key(1)
    idx = jax.random.randint(skey, (y.shape[0], k_neg), 0, MEM_SIZE - 1)
    idx = idx + (idx >= y[:, None]).astype(idx.dtype)
    return idx


def reference(video_emb, audio_emb, y, view1_mem, view2_mem):
    bs, dim = video_emb.shape
    v = _l2norm(video_emb)  # [bs, dim]
    a = _l2norm(audio_emb)  # [bs, dim]

    # no_grad gathers (detached in torch)
    video_pos_mem = jax.lax.stop_gradient(jnp.take(view1_mem, y, axis=0))      # [bs, dim]
    audio_pos_mem = jax.lax.stop_gradient(jnp.take(view2_mem, y, axis=0))      # [bs, dim]
    idx = _sample_negatives(y, K)                                              # [bs, K]
    video_neg_mem = jax.lax.stop_gradient(jnp.take(view1_mem, idx, axis=0))    # [bs, K, dim]
    audio_neg_mem = jax.lax.stop_gradient(jnp.take(view2_mem, idx, axis=0))    # [bs, K, dim]

    # xModal scores: bmm(trg, context) / T
    v2a_pos = jnp.sum(audio_pos_mem * v, axis=1, keepdims=True) / TEMP          # [bs, 1]
    v2a_neg = jnp.einsum('bkd,bd->bk', audio_neg_mem, v) / TEMP                 # [bs, K]
    a2v_pos = jnp.sum(video_pos_mem * a, axis=1, keepdims=True) / TEMP          # [bs, 1]
    a2v_neg = jnp.einsum('bkd,bd->bk', video_neg_mem, a) / TEMP                 # [bs, K]

    scores = jnp.stack([
        jnp.concatenate([v2a_pos, v2a_neg], axis=1),
        jnp.concatenate([a2v_pos, a2v_neg], axis=1),
    ], axis=0)  # [2, bs, K+1]

    # memory update (no_grad, momentum + renormalize + index_copy)
    l1 = jnp.take(view1_mem, y, axis=0) * MOM_V + v * (1.0 - MOM_V)
    l1 = _l2norm(l1)
    new_view1 = jax.lax.stop_gradient(view1_mem.at[y].set(l1))
    l2 = jnp.take(view2_mem, y, axis=0) * MOM_A + a * (1.0 - MOM_A)
    l2 = _l2norm(l2)
    new_view2 = jax.lax.stop_gradient(view2_mem.at[y].set(l2))

    return scores, new_view1, new_view2

if __name__ == "__main__":
    import jax
    _d = setup_inputs()
    print(jax.jit(kernel)(*tuple(_d.values())))

</pallas_src>

<mosaic_0001>
#map = affine_map<(d0, d1) -> (0)>
#map1 = affine_map<(d0, d1) -> (0, 0)>
module attributes {stable_mosaic.version = 14 : i64} {
  func.func @_sc_body(%arg0: i32, %arg1: i32, %arg2: memref<51380224xi32, #tpu.memory_space<hbm>>, %arg3: memref<51380224xi32, #tpu.memory_space<hbm>>, %arg4: memref<1024xi32, #tpu.memory_space<hbm>>, %arg5: memref<1024x512xi32, #tpu.memory_space<hbm>>, %arg6: memref<2x524288xf32, #tpu.memory_space<hbm>>, %arg7: memref<2x1024xf32, #tpu.memory_space<hbm>>, %arg8: memref<32x512xi32, #tpu.memory_space<vmem>>, %arg9: memref<32xi32, #tpu.memory_space<vmem>>, %arg10: memref<16384xi32, #tpu.memory_space<vmem>>, %arg11: memref<16384xi32, #tpu.memory_space<vmem>>, %arg12: memref<32xi32, #tpu.memory_space<vmem>>, %arg13: memref<32xi32, #tpu.memory_space<vmem>>, %arg14: memref<16384xi32, #tpu.memory_space<vmem>>, %arg15: memref<16384xf32, #tpu.memory_space<vmem>>, %arg16: memref<32xi32, #tpu.memory_space<vmem>>, %arg17: memref<32xf32, #tpu.memory_space<vmem>>, %arg18: memref<!tpu.dma_semaphore, #tpu.memory_space<semaphore_mem>>) attributes {dimension_semantics = [#tpu.dimension_semantics<core_parallel>, #tpu.dimension_semantics<subcore_parallel>], iteration_bounds = array<i64: 2, 16>, scalar_prefetch = 0 : i64, scratch_operands = 11 : i64, tpu.core_type = #tpu.core_type<sc_vector_subcore>, window_params = [{transform_indices = #map}, {transform_indices = #map}, {transform_indices = #map}, {transform_indices = #map1}, {transform_indices = #map1}, {transform_indices = #map1}]} {
    %mul3A = arith.constant 2 : i32
    %mul3A_0 = arith.muli %arg1, %mul3A : i32
    %add3A = arith.addi %mul3A_0, %arg0 : i32
    %mul3A_1 = arith.constant 32 : i32
    %mul3A_2 = arith.muli %add3A, %mul3A_1 : i32
    "tpu.region"() ({
      %run_scoped3A_817 = tpu.sem_alloc : memref<!tpu.dma_semaphore, #tpu.memory_space<semaphore_mem>>
      %dma_start3A_818 = arith.constant 0 : i32
      %dma_start3A_819 = tpu.memref_slice %arg5[%mul3A_2, %dma_start3A_818] : memref<1024x512xi32, #tpu.memory_space<hbm>> -> memref<32x512xi32, #tpu.memory_space<hbm>>
      %dma_start3A_820 = arith.constant 0 : i32
      %dma_start3A_821 = tpu.memref_slice %arg5[%mul3A_2, %dma_start3A_820] : memref<1024x512xi32, #tpu.memory_space<hbm>> -> memref<32x512xi32, #tpu.memory_space<hbm>>
      tpu.enqueue_dma source(%dma_start3A_821 : memref<32x512xi32, #tpu.memory_space<hbm>>) target(%arg8 : memref<32x512xi32, #tpu.memory_space<vmem>>) target_semaphore(%run_scoped3A_817 : memref<!tpu.dma_semaphore, #tpu.memory_space<semaphore_mem>>)
      %dma_wait3A_822 = arith.constant 0 : i32
      %dma_wait3A_823 = tpu.memref_slice %arg5[%mul3A_2, %dma_wait3A_822] : memref<1024x512xi32, #tpu.memory_space<hbm>> -> memref<32x512xi32, #tpu.memory_space<hbm>>
      %dma_wait3A_824 = arith.constant 0 : i32
      %dma_wait3A_825 = tpu.memref_slice %arg5[%mul3A_2, %dma_wait3A_824] : memref<1024x512xi32, #tpu.memory_space<hbm>> -> memref<32x512xi32, #tpu.memory_space<hbm>>
      tpu.wait_dma2 semaphore(%run_scoped3A_817 : memref<!tpu.dma_semaphore, #tpu.memory_space<semaphore_mem>>) src(%dma_wait3A_825 : memref<32x512xi32, #tpu.memory_space<hbm>>) dst(%arg8 : memref<32x512xi32, #tpu.memory_space<vmem>>)
      tpu.yield
    }) : () -> ()
    "tpu.region"() ({
      %run_scoped3A_817 = tpu.sem_alloc : memref<!tpu.dma_semaphore, #tpu.memory_space<semaphore_mem>>
      %dma_start3A_818 = tpu.memref_slice %arg4[%mul3A_2] : memref<1024xi32, #tpu.memory_space<hbm>> -> memref<32xi32, #tpu.memory_space<hbm>>
      %dma_start3A_819 = tpu.memref_slice %arg4[%mul3A_2] : memref<1024xi32, #tpu.memory_space<hbm>> -> memref<32xi32, #tpu.memory_space<hbm>>
      tpu.enqueue_dma source(%dma_start3A_819 : memref<32xi32, #tpu.memory_space<hbm>>) target(%arg9 : memref<32xi32, #tpu.memory_space<vmem>>) target_semaphore(%run_scoped3A_817 : memref<!tpu.dma_semaphore, #tpu.memory_space<semaphore_mem>>)
      %dma_wait3A_820 = tpu.memref_slice %arg4[%mul3A_2] : memref<1024xi32, #tpu.memory_space<hbm>> -> memref<32xi32, #tpu.memory_space<hbm>>
      %dma_wait3A_821 = tpu.memref_slice %arg4[%mul3A_2] : memref<1024xi32, #tpu.memory_space<hbm>> -> memref<32xi32, #tpu.memory_space<hbm>>
      tpu.wait_dma2 semaphore(%run_scoped3A_817 : memref<!tpu.dma_semaphore, #tpu.memory_space<semaphore_mem>>) src(%dma_wait3A_821 : memref<32xi32, #tpu.memory_space<hbm>>) dst(%arg9 : memref<32xi32, #tpu.memory_space<vmem>>)
      tpu.yield
    }) : () -> ()
    %broadcast_in_dim3A = arith.constant 1 : i32
    %broadcast_in_dim3A_3 = vector.broadcast %broadcast_in_dim3A : i32 to vector<16xi32>
    %broadcast_in_dim3A_4 = arith.constant 3 : i32
    %broadcast_in_dim3A_5 = vector.broadcast %broadcast_in_dim3A_4 : i32 to vector<16xi32>
    %broadcast_in_dim3A_6 = arith.constant 7 : i32
    %broadcast_in_dim3A_7 = vector.broadcast %broadcast_in_dim3A_6 : i32 to vector<16xi32>
    %broadcast_in_dim3A_8 = arith.constant 10 : i32
    %broadcast_in_dim3A_9 = vector.broadcast %broadcast_in_dim3A_8 : i32 to vector<16xi32>
    %broadcast_in_dim3A_10 = arith.constant 11 : i32
    %broadcast_in_dim3A_11 = vector.broadcast %broadcast_in_dim3A_10 : i32 to vector<16xi32>
    %broadcast_in_dim3A_12 = arith.constant 16 : i32
    %broadcast_in_dim3A_13 = vector.broadcast %broadcast_in_dim3A_12 : i32 to vector<16xi32>
    %broadcast_in_dim3A_14 = arith.constant 17 : i32
    %broadcast_in_dim3A_15 = vector.broadcast %broadcast_in_dim3A_14 : i32 to vector<16xi32>
    %broadcast_in_dim3A_16 = arith.constant 127 : i32
    %broadcast_in_dim3A_17 = vector.broadcast %broadcast_in_dim3A_16 : i32 to vector<16xi32>
    %broadcast_in_dim3A_18 = arith.constant 1023 : i32
    %broadcast_in_dim3A_19 = vector.broadcast %broadcast_in_dim3A_18 : i32 to vector<16xi32>
    %broadcast_in_dim3A_20 = arith.constant 65535 : i32
    %broadcast_in_dim3A_21 = vector.broadcast %broadcast_in_dim3A_20 : i32 to vector<16xi32>
    %get3A = arith.constant 0 : index
    %get3A_22 = tpu.vector_load %arg9[%get3A] {strides = array<i32>} : memref<32xi32, #tpu.memory_space<vmem>>, vector<16xi32>,
    %get3A_23 = vector.shape_cast %get3A_22 : vector<16xi32> to vector<16xi32>
    %add3A_24 = arith.constant 0 : i32
    %add3A_25 = arith.addi %mul3A_2, %add3A_24 : i32
    %broadcast_in_dim3A_26 = vector.broadcast %add3A_25 : i32 to vector<16xi32>
    %iota3A = tpu.iota {dimensions = array<i32: 0>} : vector<16xi32>
    %add3A_27 = arith.addi %broadcast_in_dim3A_26, %iota3A : vector<16xi32>
    %shift_left3A = arith.shli %add3A_27, %broadcast_in_dim3A_7 : vector<16xi32>
    %and3A = arith.andi %get3A_23, %broadcast_in_dim3A_19 : vector<16xi32>
    %shift_right_logical3A = arith.shrui %get3A_23, %broadcast_in_dim3A_11 : vector<16xi32>
    %shift_left3A_28 = arith.shli %shift_right_logical3A, %broadcast_in_dim3A_5 : vector<16xi32>
    %shift_right_logical3A_29 = arith.shrui %and3A, %broadcast_in_dim3A_7 : vector<16xi32>
    %add3A_30 = arith.addi %shift_left3A_28, %shift_right_logical3A_29 : vector<16xi32>
    %shift_left3A_31 = arith.shli %add3A_30, %broadcast_in_dim3A_15 : vector<16xi32>
    %and3A_32 = arith.andi %and3A, %broadcast_in_dim3A_17 : vector<16xi32>
    %add3A_33 = arith.addi %shift_left3A_31, %and3A_32 : vector<16xi32>
    %add3A_34 = arith.addi %add3A_33, %shift_left3A : vector<16xi32>
    %swap3A = arith.constant 0 : index
    %swap3A_35 = tpu.vector_load %arg12[%swap3A] {strides = array<i32>} : memref<32xi32, #tpu.memory_space<vmem>>, vector<16xi32>,
    %swap3A_36 = vector.shape_cast %swap3A_35 : vector<16xi32> to vector<16xi32>
    %swap3A_37 = vector.shape_cast %add3A_34 : vector<16xi32> to vector<16xi32>
    tpu.vector_store %arg12[%swap3A], %swap3A_37 {strides = array<i32>} : memref<32xi32, #tpu.memory_space<vmem>>, vector<16xi32>,
    %shift_right_logical3A_38 = arith.shrui %get3A_23, %broadcast_in_dim3A_9 : vector<16xi32>
    %and3A_39 = arith.andi %shift_right_logical3A_38, %broadcast_in_dim3A_3 : vector<16xi32>
    %swap3A_40 = arith.constant 0 : index
    %swap3A_41 = tpu.vector_load %arg13[%swap3A_40] {strides = array<i32>} : memref<32xi32, #tpu.memory_space<vmem>>, vector<16xi32>,
    %swap3A_42 = vector.shape_cast %swap3A_41 : vector<16xi32> to vector<16xi32>
    %swap3A_43 = vector.shape_cast %and3A_39 : vector<16xi32> to vector<16xi32>
    tpu.vector_store %arg13[%swap3A_40], %swap3A_43 {strides = array<i32>} : memref<32xi32, #tpu.memory_space<vmem>>, vector<16xi32>,
    %slice3A = vector.extract_strided_slice %get3A_23 {offsets = [0], sizes = [1], strides = [1]} : vector<16xi32> to vector<1xi32>
    %squeeze3A = vector.extract %slice3A[0] : i32 from vector<1xi32>
    %broadcast_in_dim3A_44 = vector.broadcast %squeeze3A : i32 to vector<16xi32>
    %add3A_45 = arith.constant 0 : i32
    %add3A_46 = arith.addi %mul3A_2, %add3A_45 : i32
    %shift_left3A_47 = arith.constant 7 : i32
    %shift_left3A_48 = arith.shli %add3A_46, %shift_left3A_47 : i32
    %broadcast_in_dim3A_49 = vector.broadcast %shift_left3A_48 : i32 to vector<16xi32>
    %scan3A = arith.constant 0 : i32
    %scan3A_50 = arith.constant 0 : i32
    %scan3A_51 = arith.constant 32 : i32
    %scan3A_52 = arith.addi %scan3A_50, %scan3A_51 : i32
    %scan3A_53 = arith.constant 1 : i32
    scf.for %scan3A_817 = %scan3A_50 to %scan3A_52 step %scan3A_53  : i32 {
      %mul3A_818 = arith.constant 16 : i32
      %mul3A_819 = arith.muli %scan3A_817, %mul3A_818 : i32
      %get3A_820 = arith.constant 0 : i32
      %get3A_821 = arith.index_cast %get3A_820 : i32 to index
      %get3A_822 = arith.index_cast %mul3A_819 : i32 to index
      %get3A_823 = tpu.vector_load %arg8[%get3A_821, %get3A_822] {strides = array<i32>} : memref<32x512xi32, #tpu.memory_space<vmem>>, vector<1x16xi32>,
      %get3A_824 = vector.shape_cast %get3A_823 : vector<1x16xi32> to vector<16xi32>
      %ge3A = arith.cmpi sge, %get3A_824, %broadcast_in_dim3A_44 : vector<16xi32>
      %add3A_825 = arith.addi %get3A_824, %broadcast_in_dim3A_3 : vector<16xi32>
      %select_n3A = arith.select %ge3A, %add3A_825, %get3A_824 : vector<16xi1>, vector<16xi32>
      %mul3A_826 = arith.constant 16 : i32
      %mul3A_827 = arith.muli %scan3A_817, %mul3A_826 : i32
      %add3A_828 = arith.constant 0 : i32
      %add3A_829 = arith.addi %add3A_828, %mul3A_827 : i32
      %and3A_830 = arith.andi %select_n3A, %broadcast_in_dim3A_19 : vector<16xi32>
      %shift_right_logical3A_831 = arith.shrui %select_n3A, %broadcast_in_dim3A_11 : vector<16xi32>
      %shift_left3A_832 = arith.shli %shift_right_logical3A_831, %broadcast_in_dim3A_5 : vector<16xi32>
      %shift_right_logical3A_833 = arith.shrui %and3A_830, %broadcast_in_dim3A_7 : vector<16xi32>
      %add3A_834 = arith.addi %shift_left3A_832, %shift_right_logical3A_833 : vector<16xi32>
      %shift_left3A_835 = arith.shli %add3A_834, %broadcast_in_dim3A_15 : vector<16xi32>
      %and3A_836 = arith.andi %and3A_830, %broadcast_in_dim3A_17 : vector<16xi32>
      %add3A_837 = arith.addi %shift_left3A_835, %and3A_836 : vector<16xi32>
      %add3A_838 = arith.addi %add3A_837, %broadcast_in_dim3A_49 : vector<16xi32>
      %swap3A_839 = arith.index_cast %add3A_829 : i32 to index
      %swap3A_840 = tpu.vector_load %arg10[%swap3A_839] {strides = array<i32>} : memref<16384xi32, #tpu.memory_space<vmem>>, vector<16xi32>,
      %swap3A_841 = vector.shape_cast %swap3A_840 : vector<16xi32> to vector<16xi32>
      %swap3A_842 = vector.shape_cast %add3A_838 : vector<16xi32> to vector<16xi32>
      tpu.vector_store %arg10[%swap3A_839], %swap3A_842 {strides = array<i32>} : memref<16384xi32, #tpu.memory_space<vmem>>, vector<16xi32>,
      %shift_right_logical3A_843 = arith.shrui %select_n3A, %broadcast_in_dim3A_9 : vector<16xi32>
      %and3A_844 = arith.andi %shift_right_logical3A_843, %broadcast_in_dim3A_3 : vector<16xi32>
      %swap3A_845 = arith.index_cast %add3A_829 : i32 to index
      %swap3A_846 = tpu.vector_load %arg11[%swap3A_845] {strides = array<i32>} : memref<16384xi32, #tpu.memory_space<vmem>>, vector<16xi32>,
      %swap3A_847 = vector.shape_cast %swap3A_846 : vector<16xi32> to vector<16xi32>
      %swap3A_848 = vector.shape_cast %and3A_844 : vector<16xi32> to vector<16xi32>
      tpu.vector_store %arg11[%swap3A_845], %swap3A_848 {strides = array<i32>} : memref<16384xi32, #tpu.memory_space<vmem>>, vector<16xi32>,
    }
    %scan3A_54 = arith.constant 32 : i32
    %slice3A_55 = vector.extract_strided_slice %get3A_23 {offsets = [1], sizes = [1], strides = [1]} : vector<16xi32> to vector<1xi32>
    %squeeze3A_56 = vector.extract %slice3A_55[0] : i32 from vector<1xi32>
    %broadcast_in_dim3A_57 = vector.broadcast %squeeze3A_56 : i32 to vector<16xi32>
    %add3A_58 = arith.constant 1 : i32
    %add3A_59 = arith.addi %mul3A_2, %add3A_58 : i32
    %shift_left3A_60 = arith.constant 7 : i32
    %shift_left3A_61 = arith.shli %add3A_59, %shift_left3A_60 : i32
    %broadcast_in_dim3A_62 = vector.broadcast %shift_left3A_61 : i32 to vector<16xi32>
    %scan3A_63 = arith.constant 0 : i32
    %scan3A_64 = arith.constant 0 : i32
    %scan3A_65 = arith.constant 32 : i32
    %scan3A_66 = arith.addi %scan3A_64, %scan3A_65 : i32
    %scan3A_67 = arith.constant 1 : i32
    scf.for %scan3A_817 = %scan3A_64 to %scan3A_66 step %scan3A_67  : i32 {
      %mul3A_818 = arith.constant 16 : i32
      %mul3A_819 = arith.muli %scan3A_817, %mul3A_818 : i32
      %get3A_820 = arith.constant 1 : i32
      %get3A_821 = arith.index_cast %get3A_820 : i32 to index
      %get3A_822 = arith.index_cast %mul3A_819 : i32 to index
      %get3A_823 = tpu.vector_load %arg8[%get3A_821, %get3A_822] {strides = array<i32>} : memref<32x512xi32, #tpu.memory_space<vmem>>, vector<1x16xi32>,
      %get3A_824 = vector.shape_cast %get3A_823 : vector<1x16xi32> to vector<16xi32>
      %ge3A = arith.cmpi sge, %get3A_824, %broadcast_in_dim3A_57 : vector<16xi32>
      %add3A_825 = arith.addi %get3A_824, %broadcast_in_dim3A_3 : vector<16xi32>
      %select_n3A = arith.select %ge3A, %add3A_825, %get3A_824 : vector<16xi1>, vector<16xi32>
      %mul3A_826 = arith.constant 16 : i32
      %mul3A_827 = arith.muli %scan3A_817, %mul3A_826 : i32
      %add3A_828 = arith.constant 512 : i32
      %add3A_829 = arith.addi %add3A_828, %mul3A_827 : i32
      %and3A_830 = arith.andi %select_n3A, %broadcast_in_dim3A_19 : vector<16xi32>
      %shift_right_logical3A_831 = arith.shrui %select_n3A, %broadcast_in_dim3A_11 : vector<16xi32>
      %shift_left3A_832 = arith.shli %shift_right_logical3A_831, %broadcast_in_dim3A_5 : vector<16xi32>
      %shift_right_logical3A_833 = arith.shrui %and3A_830, %broadcast_in_dim3A_7 : vector<16xi32>
      %add3A_834 = arith.addi %shift_left3A_832, %shift_right_logical3A_833 : vector<16xi32>
      %shift_left3A_835 = arith.shli %add3A_834, %broadcast_in_dim3A_15 : vector<16xi32>
      %and3A_836 = arith.andi %and3A_830, %broadcast_in_dim3A_17 : vector<16xi32>
      %add3A_837 = arith.addi %shift_left3A_835, %and3A_836 : vector<16xi32>
      %add3A_838 = arith.addi %add3A_837, %broadcast_in_dim3A_62 : vector<16xi32>
      %swap3A_839 = arith.index_cast %add3A_829 : i32 to index
      %swap3A_840 = tpu.vector_load %arg10[%swap3A_839] {strides = array<i32>} : memref<16384xi32, #tpu.memory_space<vmem>>, vector<16xi32>,
      %swap3A_841 = vector.shape_cast %swap3A_840 : vector<16xi32> to vector<16xi32>
      %swap3A_842 = vector.shape_cast %add3A_838 : vector<16xi32> to vector<16xi32>
      tpu.vector_store %arg10[%swap3A_839], %swap3A_842 {strides = array<i32>} : memref<16384xi32, #tpu.memory_space<vmem>>, vector<16xi32>,
      %shift_right_logical3A_843 = arith.shrui %select_n3A, %broadcast_in_dim3A_9 : vector<16xi32>
      %and3A_844 = arith.andi %shift_right_logical3A_843, %broadcast_in_dim3A_3 : vector<16xi32>
      %swap3A_845 = arith.index_cast %add3A_829 : i32 to index
      %swap3A_846 = tpu.vector_load %arg11[%swap3A_845] {strides = array<i32>} : memref<16384xi32, #tpu.memory_space<vmem>>, vector<16xi32>,
      %swap3A_847 = vector.shape_cast %swap3A_846 : vector<16xi32> to vector<16xi32>
      %swap3A_848 = vector.shape_cast %and3A_844 : vector<16xi32> to vector<16xi32>
      tpu.vector_store %arg11[%swap3A_845], %swap3A_848 {strides = array<i32>} : memref<16384xi32, #tpu.memory_space<vmem>>, vector<16xi32>,
    }
    %scan3A_68 = arith.constant 32 : i32
    %slice3A_69 = vector.extract_strided_slice %get3A_23 {offsets = [2], sizes = [1], strides = [1]} : vector<16xi32> to vector<1xi32>
    %squeeze3A_70 = vector.extract %slice3A_69[0] : i32 from vector<1xi32>
    %broadcast_in_dim3A_71 = vector.broadcast %squeeze3A_70 : i32 to vector<16xi32>
    %add3A_72 = arith.constant 2 : i32
    %add3A_73 = arith.addi %mul3A_2, %add3A_72 : i32
    %shift_left3A_74 = arith.constant 7 : i32
    %shift_left3A_75 = arith.shli %add3A_73, %shift_left3A_74 : i32
    %broadcast_in_dim3A_76 = vector.broadcast %shift_left3A_75 : i32 to vector<16xi32>
    %scan3A_77 = arith.constant 0 : i32
    %scan3A_78 = arith.constant 0 : i32
    %scan3A_79 = arith.constant 32 : i32
    %scan3A_80 = arith.addi %scan3A_78, %scan3A_79 : i32
    %scan3A_81 = arith.constant 1 : i32
    scf.for %scan3A_817 = %scan3A_78 to %scan3A_80 step %scan3A_81  : i32 {
      %mul3A_818 = arith.constant 16 : i32
      %mul3A_819 = arith.muli %scan3A_817, %mul3A_818 : i32
      %get3A_820 = arith.constant 2 : i32
      %get3A_821 = arith.index_cast %get3A_820 : i32 to index
      %get3A_822 = arith.index_cast %mul3A_819 : i32 to index
      %get3A_823 = tpu.vector_load %arg8[%get3A_821, %get3A_822] {strides = array<i32>} : memref<32x512xi32, #tpu.memory_space<vmem>>, vector<1x16xi32>,
      %get3A_824 = vector.shape_cast %get3A_823 : vector<1x16xi32> to vector<16xi32>
      %ge3A = arith.cmpi sge, %get3A_824, %broadcast_in_dim3A_71 : vector<16xi32>
      %add3A_825 = arith.addi %get3A_824, %broadcast_in_dim3A_3 : vector<16xi32>
      %select_n3A = arith.select %ge3A, %add3A_825, %get3A_824 : vector<16xi1>, vector<16xi32>
      %mul3A_826 = arith.constant 16 : i32
      %mul3A_827 = arith.muli %scan3A_817, %mul3A_826 : i32
      %add3A_828 = arith.constant 1024 : i32
      %add3A_829 = arith.addi %add3A_828, %mul3A_827 : i32
      %and3A_830 = arith.andi %select_n3A, %broadcast_in_dim3A_19 : vector<16xi32>
      %shift_right_logical3A_831 = arith.shrui %select_n3A, %broadcast_in_dim3A_11 : vector<16xi32>
      %shift_left3A_832 = arith.shli %shift_right_logical3A_831, %broadcast_in_dim3A_5 : vector<16xi32>
      %shift_right_logical3A_833 = arith.shrui %and3A_830, %broadcast_in_dim3A_7 : vector<16xi32>
      %add3A_834 = arith.addi %shift_left3A_832, %shift_right_logical3A_833 : vector<16xi32>
      %shift_left3A_835 = arith.shli %add3A_834, %broadcast_in_dim3A_15 : vector<16xi32>
      %and3A_836 = arith.andi %and3A_830, %broadcast_in_dim3A_17 : vector<16xi32>
      %add3A_837 = arith.addi %shift_left3A_835, %and3A_836 : vector<16xi32>
      %add3A_838 = arith.addi %add3A_837, %broadcast_in_dim3A_76 : vector<16xi32>
      %swap3A_839 = arith.index_cast %add3A_829 : i32 to index
      %swap3A_840 = tpu.vector_load %arg10[%swap3A_839] {strides = array<i32>} : memref<16384xi32, #tpu.memory_space<vmem>>, vector<16xi32>,
      %swap3A_841 = vector.shape_cast %swap3A_840 : vector<16xi32> to vector<16xi32>
      %swap3A_842 = vector.shape_cast %add3A_838 : vector<16xi32> to vector<16xi32>
      tpu.vector_store %arg10[%swap3A_839], %swap3A_842 {strides = array<i32>} : memref<16384xi32, #tpu.memory_space<vmem>>, vector<16xi32>,
      %shift_right_logical3A_843 = arith.shrui %select_n3A, %broadcast_in_dim3A_9 : vector<16xi32>
      %and3A_844 = arith.andi %shift_right_logical3A_843, %broadcast_in_dim3A_3 : vector<16xi32>
      %swap3A_845 = arith.index_cast %add3A_829 : i32 to index
      %swap3A_846 = tpu.vector_load %arg11[%swap3A_845] {strides = array<i32>} : memref<16384xi32, #tpu.memory_space<vmem>>, vector<16xi32>,
      %swap3A_847 = vector.shape_cast %swap3A_846 : vector<16xi32> to vector<16xi32>
      %swap3A_848 = vector.shape_cast %and3A_844 : vector<16xi32> to vector<16xi32>
      tpu.vector_store %arg11[%swap3A_845], %swap3A_848 {strides = array<i32>} : memref<16384xi32, #tpu.memory_space<vmem>>, vector<16xi32>,
    }
    %scan3A_82 = arith.constant 32 : i32
    %slice3A_83 = vector.extract_strided_slice %get3A_23 {offsets = [3], sizes = [1], strides = [1]} : vector<16xi32> to vector<1xi32>
    %squeeze3A_84 = vector.extract %slice3A_83[0] : i32 from vector<1xi32>
    %broadcast_in_dim3A_85 = vector.broadcast %squeeze3A_84 : i32 to vector<16xi32>
    %add3A_86 = arith.constant 3 : i32
    %add3A_87 = arith.addi %mul3A_2, %add3A_86 : i32
    %shift_left3A_88 = arith.constant 7 : i32
    %shift_left3A_89 = arith.shli %add3A_87, %shift_left3A_88 : i32
    %broadcast_in_dim3A_90 = vector.broadcast %shift_left3A_89 : i32 to vector<16xi32>
    %scan3A_91 = arith.constant 0 : i32
    %scan3A_92 = arith.constant 0 : i32
    %scan3A_93 = arith.constant 32 : i32
    %scan3A_94 = arith.addi %scan3A_92, %scan3A_93 : i32
    %scan3A_95 = arith.constant 1 : i32
    scf.for %scan3A_817 = %scan3A_92 to %scan3A_94 step %scan3A_95  : i32 {
      %mul3A_818 = arith.constant 16 : i32
      %mul3A_819 = arith.muli %scan3A_817, %mul3A_818 : i32
      %get3A_820 = arith.constant 3 : i32
      %get3A_821 = arith.index_cast %get3A_820 : i32 to index
      %get3A_822 = arith.index_cast %mul3A_819 : i32 to index
      %get3A_823 = tpu.vector_load %arg8[%get3A_821, %get3A_822] {strides = array<i32>} : memref<32x512xi32, #tpu.memory_space<vmem>>, vector<1x16xi32>,
      %get3A_824 = vector.shape_cast %get3A_823 : vector<1x16xi32> to vector<16xi32>
      %ge3A = arith.cmpi sge, %get3A_824, %broadcast_in_dim3A_85 : vector<16xi32>
      %add3A_825 = arith.addi %get3A_824, %broadcast_in_dim3A_3 : vector<16xi32>
      %select_n3A = arith.select %ge3A, %add3A_825, %get3A_824 : vector<16xi1>, vector<16xi32>
      %mul3A_826 = arith.constant 16 : i32
      %mul3A_827 = arith.muli %scan3A_817, %mul3A_826 : i32
      %add3A_828 = arith.constant 1536 : i32
      %add3A_829 = arith.addi %add3A_828, %mul3A_827 : i32
      %and3A_830 = arith.andi %select_n3A, %broadcast_in_dim3A_19 : vector<16xi32>
      %shift_right_logical3A_831 = arith.shrui %select_n3A, %broadcast_in_dim3A_11 : vector<16xi32>
      %shift_left3A_832 = arith.shli %shift_right_logical3A_831, %broadcast_in_dim3A_5 : vector<16xi32>
      %shift_right_logical3A_833 = arith.shrui %and3A_830, %broadcast_in_dim3A_7 : vector<16xi32>
      %add3A_834 = arith.addi %shift_left3A_832, %shift_right_logical3A_833 : vector<16xi32>
      %shift_left3A_835 = arith.shli %add3A_834, %broadcast_in_dim3A_15 : vector<16xi32>
      %and3A_836 = arith.andi %and3A_830, %broadcast_in_dim3A_17 : vector<16xi32>
      %add3A_837 = arith.addi %shift_left3A_835, %and3A_836 : vector<16xi32>
      %add3A_838 = arith.addi %add3A_837, %broadcast_in_dim3A_90 : vector<16xi32>
      %swap3A_839 = arith.index_cast %add3A_829 : i32 to index
      %swap3A_840 = tpu.vector_load %arg10[%swap3A_839] {strides = array<i32>} : memref<16384xi32, #tpu.memory_space<vmem>>, vector<16xi32>,
      %swap3A_841 = vector.shape_cast %swap3A_840 : vector<16xi32> to vector<16xi32>
      %swap3A_842 = vector.shape_cast %add3A_838 : vector<16xi32> to vector<16xi32>
      tpu.vector_store %arg10[%swap3A_839], %swap3A_842 {strides = array<i32>} : memref<16384xi32, #tpu.memory_space<vmem>>, vector<16xi32>,
      %shift_right_logical3A_843 = arith.shrui %select_n3A, %broadcast_in_dim3A_9 : vector<16xi32>
      %and3A_844 = arith.andi %shift_right_logical3A_843, %broadcast_in_dim3A_3 : vector<16xi32>
      %swap3A_845 = arith.index_cast %add3A_829 : i32 to index
      %swap3A_846 = tpu.vector_load %arg11[%swap3A_845] {strides = array<i32>} : memref<16384xi32, #tpu.memory_space<vmem>>, vector<16xi32>,
      %swap3A_847 = vector.shape_cast %swap3A_846 : vector<16xi32> to vector<16xi32>
      %swap3A_848 = vector.shape_cast %and3A_844 : vector<16xi32> to vector<16xi32>
      tpu.vector_store %arg11[%swap3A_845], %swap3A_848 {strides = array<i32>} : memref<16384xi32, #tpu.memory_space<vmem>>, vector<16xi32>,
    }
    %scan3A_96 = arith.constant 32 : i32
    %slice3A_97 = vector.extract_strided_slice %get3A_23 {offsets = [4], sizes = [1], strides = [1]} : vector<16xi32> to vector<1xi32>
    %squeeze3A_98 = vector.extract %slice3A_97[0] : i32 from vector<1xi32>
    %broadcast_in_dim3A_99 = vector.broadcast %squeeze3A_98 : i32 to vector<16xi32>
    %add3A_100 = arith.constant 4 : i32
    %add3A_101 = arith.addi %mul3A_2, %add3A_100 : i32
    %shift_left3A_102 = arith.constant 7 : i32
    %shift_left3A_103 = arith.shli %add3A_101, %shift_left3A_102 : i32
    %broadcast_in_dim3A_104 = vector.broadcast %shift_left3A_103 : i32 to vector<16xi32>
    %scan3A_105 = arith.constant 0 : i32
    %scan3A_106 = arith.constant 0 : i32
    %scan3A_107 = arith.constant 32 : i32
    %scan3A_108 = arith.addi %scan3A_106, %scan3A_107 : i32
    %scan3A_109 = arith.constant 1 : i32
    scf.for %scan3A_817 = %scan3A_106 to %scan3A_108 step %scan3A_109  : i32 {
      %mul3A_818 = arith.constant 16 : i32
      %mul3A_819 = arith.muli %scan3A_817, %mul3A_818 : i32
      %get3A_820 = arith.constant 4 : i32
      %get3A_821 = arith.index_cast %get3A_820 : i32 to index
      %get3A_822 = arith.index_cast %mul3A_819 : i32 to index
      %get3A_823 = tpu.vector_load %arg8[%get3A_821, %get3A_822] {strides = array<i32>} : memref<32x512xi32, #tpu.memory_space<vmem>>, vector<1x16xi32>,
      %get3A_824 = vector.shape_cast %get3A_823 : vector<1x16xi32> to vector<16xi32>
      %ge3A = arith.cmpi sge, %get3A_824, %broadcast_in_dim3A_99 : vector<16xi32>
      %add3A_825 = arith.addi %get3A_824, %broadcast_in_dim3A_3 : vector<16xi32>
      %select_n3A = arith.select %ge3A, %add3A_825, %get3A_824 : vector<16xi1>, vector<16xi32>
      %mul3A_826 = arith.constant 16 : i32
      %mul3A_827 = arith.muli %scan3A_817, %mul3A_826 : i32
      %add3A_828 = arith.constant 2048 : i32
      %add3A_829 = arith.addi %add3A_828, %mul3A_827 : i32
      %and3A_830 = arith.andi %select_n3A, %broadcast_in_dim3A_19 : vector<16xi32>
      %shift_right_logical3A_831 = arith.shrui %select_n3A, %broadcast_in_dim3A_11 : vector<16xi32>
      %shift_left3A_832 = arith.shli %shift_right_logical3A_831, %broadcast_in_dim3A_5 : vector<16xi32>
      %shift_right_logical3A_833 = arith.shrui %and3A_830, %broadcast_in_dim3A_7 : vector<16xi32>
      %add3A_834 = arith.addi %shift_left3A_832, %shift_right_logical3A_833 : vector<16xi32>
      %shift_left3A_835 = arith.shli %add3A_834, %broadcast_in_dim3A_15 : vector<16xi32>
      %and3A_836 = arith.andi %and3A_830, %broadcast_in_dim3A_17 : vector<16xi32>
      %add3A_837 = arith.addi %shift_left3A_835, %and3A_836 : vector<16xi32>
      %add3A_838 = arith.addi %add3A_837, %broadcast_in_dim3A_104 : vector<16xi32>
      %swap3A_839 = arith.index_cast %add3A_829 : i32 to index
      %swap3A_840 = tpu.vector_load %arg10[%swap3A_839] {strides = array<i32>} : memref<16384xi32, #tpu.memory_space<vmem>>, vector<16xi32>,
      %swap3A_841 = vector.shape_cast %swap3A_840 : vector<16xi32> to vector<16xi32>
      %swap3A_842 = vector.shape_cast %add3A_838 : vector<16xi32> to vector<16xi32>
      tpu.vector_store %arg10[%swap3A_839], %swap3A_842 {strides = array<i32>} : memref<16384xi32, #tpu.memory_space<vmem>>, vector<16xi32>,
      %shift_right_logical3A_843 = arith.shrui %select_n3A, %broadcast_in_dim3A_9 : vector<16xi32>
      %and3A_844 = arith.andi %shift_right_logical3A_843, %broadcast_in_dim3A_3 : vector<16xi32>
      %swap3A_845 = arith.index_cast %add3A_829 : i32 to index
      %swap3A_846 = tpu.vector_load %arg11[%swap3A_845] {strides = array<i32>} : memref<16384xi32, #tpu.memory_space<vmem>>, vector<16xi32>,
      %swap3A_847 = vector.shape_cast %swap3A_846 : vector<16xi32> to vector<16xi32>
      %swap3A_848 = vector.shape_cast %and3A_844 : vector<16xi32> to vector<16xi32>
      tpu.vector_store %arg11[%swap3A_845], %swap3A_848 {strides = array<i32>} : memref<16384xi32, #tpu.memory_space<vmem>>, vector<16xi32>,
    }
    %scan3A_110 = arith.constant 32 : i32
    %slice3A_111 = vector.extract_strided_slice %get3A_23 {offsets = [5], sizes = [1], strides = [1]} : vector<16xi32> to vector<1xi32>
    %squeeze3A_112 = vector.extract %slice3A_111[0] : i32 from vector<1xi32>
    %broadcast_in_dim3A_113 = vector.broadcast %squeeze3A_112 : i32 to vector<16xi32>
    %add3A_114 = arith.constant 5 : i32
    %add3A_115 = arith.addi %mul3A_2, %add3A_114 : i32
    %shift_left3A_116 = arith.constant 7 : i32
    %shift_left3A_117 = arith.shli %add3A_115, %shift_left3A_116 : i32
    %broadcast_in_dim3A_118 = vector.broadcast %shift_left3A_117 : i32 to vector<16xi32>
    %scan3A_119 = arith.constant 0 : i32
    %scan3A_120 = arith.constant 0 : i32
    %scan3A_121 = arith.constant 32 : i32
    %scan3A_122 = arith.addi %scan3A_120, %scan3A_121 : i32
    %scan3A_123 = arith.constant 1 : i32
    scf.for %scan3A_817 = %scan3A_120 to %scan3A_122 step %scan3A_123  : i32 {
      %mul3A_818 = arith.constant 16 : i32
      %mul3A_819 = arith.muli %scan3A_817, %mul3A_818 : i32
      %get3A_820 = arith.constant 5 : i32
      %get3A_821 = arith.index_cast %get3A_820 : i32 to index
      %get3A_822 = arith.index_cast %mul3A_819 : i32 to index
      %get3A_823 = tpu.vector_load %arg8[%get3A_821, %get3A_822] {strides = array<i32>} : memref<32x512xi32, #tpu.memory_space<vmem>>, vector<1x16xi32>,
      %get3A_824 = vector.shape_cast %get3A_823 : vector<1x16xi32> to vector<16xi32>
      %ge3A = arith.cmpi sge, %get3A_824, %broadcast_in_dim3A_113 : vector<16xi32>
      %add3A_825 = arith.addi %get3A_824, %broadcast_in_dim3A_3 : vector<16xi32>
      %select_n3A = arith.select %ge3A, %add3A_825, %get3A_824 : vector<16xi1>, vector<16xi32>
      %mul3A_826 = arith.constant 16 : i32
      %mul3A_827 = arith.muli %scan3A_817, %mul3A_826 : i32
      %add3A_828 = arith.constant 2560 : i32
      %add3A_829 = arith.addi %add3A_828, %mul3A_827 : i32
      %and3A_830 = arith.andi %select_n3A, %broadcast_in_dim3A_19 : vector<16xi32>
      %shift_right_logical3A_831 = arith.shrui %select_n3A, %broadcast_in_dim3A_11 : vector<16xi32>
      %shift_left3A_832 = arith.shli %shift_right_logical3A_831, %broadcast_in_dim3A_5 : vector<16xi32>
      %shift_right_logical3A_833 = arith.shrui %and3A_830, %broadcast_in_dim3A_7 : vector<16xi32>
      %add3A_834 = arith.addi %shift_left3A_832, %shift_right_logical3A_833 : vector<16xi32>
      %shift_left3A_835 = arith.shli %add3A_834, %broadcast_in_dim3A_15 : vector<16xi32>
      %and3A_836 = arith.andi %and3A_830, %broadcast_in_dim3A_17 : vector<16xi32>
      %add3A_837 = arith.addi %shift_left3A_835, %and3A_836 : vector<16xi32>
      %add3A_838 = arith.addi %add3A_837, %broadcast_in_dim3A_118 : vector<16xi32>
      %swap3A_839 = arith.index_cast %add3A_829 : i32 to index
      %swap3A_840 = tpu.vector_load %arg10[%swap3A_839] {strides = array<i32>} : memref<16384xi32, #tpu.memory_space<vmem>>, vector<16xi32>,
      %swap3A_841 = vector.shape_cast %swap3A_840 : vector<16xi32> to vector<16xi32>
      %swap3A_842 = vector.shape_cast %add3A_838 : vector<16xi32> to vector<16xi32>
      tpu.vector_store %arg10[%swap3A_839], %swap3A_842 {strides = array<i32>} : memref<16384xi32, #tpu.memory_space<vmem>>, vector<16xi32>,
      %shift_right_logical3A_843 = arith.shrui %select_n3A, %broadcast_in_dim3A_9 : vector<16xi32>
      %and3A_844 = arith.andi %shift_right_logical3A_843, %broadcast_in_dim3A_3 : vector<16xi32>
      %swap3A_845 = arith.index_cast %add3A_829 : i32 to index
      %swap3A_846 = tpu.vector_load %arg11[%swap3A_845] {strides = array<i32>} : memref<16384xi32, #tpu.memory_space<vmem>>, vector<16xi32>,
      %swap3A_847 = vector.shape_cast %swap3A_846 : vector<16xi32> to vector<16xi32>
      %swap3A_848 = vector.shape_cast %and3A_844 : vector<16xi32> to vector<16xi32>
      tpu.vector_store %arg11[%swap3A_845], %swap3A_848 {strides = array<i32>} : memref<16384xi32, #tpu.memory_space<vmem>>, vector<16xi32>,
    }
    %scan3A_124 = arith.constant 32 : i32
    %slice3A_125 = vector.extract_strided_slice %get3A_23 {offsets = [6], sizes = [1], strides = [1]} : vector<16xi32> to vector<1xi32>
    %squeeze3A_126 = vector.extract %slice3A_125[0] : i32 from vector<1xi32>
    %broadcast_in_dim3A_127 = vector.broadcast %squeeze3A_126 : i32 to vector<16xi32>
    %add3A_128 = arith.constant 6 : i32
    %add3A_129 = arith.addi %mul3A_2, %add3A_128 : i32
    %shift_left3A_130 = arith.constant 7 : i32
    %shift_left3A_131 = arith.shli %add3A_129, %shift_left3A_130 : i32
    %broadcast_in_dim3A_132 = vector.broadcast %shift_left3A_131 : i32 to vector<16xi32>
    %scan3A_133 = arith.constant 0 : i32
    %scan3A_134 = arith.constant 0 : i32
    %scan3A_135 = arith.constant 32 : i32
    %scan3A_136 = arith.addi %scan3A_134, %scan3A_135 : i32
    %scan3A_137 = arith.constant 1 : i32
    scf.for %scan3A_817 = %scan3A_134 to %scan3A_136 step %scan3A_137  : i32 {
      %mul3A_818 = arith.constant 16 : i32
      %mul3A_819 = arith.muli %scan3A_817, %mul3A_818 : i32
      %get3A_820 = arith.constant 6 : i32
      %get3A_821 = arith.index_cast %get3A_820 : i32 to index
      %get3A_822 = arith.index_cast %mul3A_819 : i32 to index
      %get3A_823 = tpu.vector_load %arg8[%get3A_821, %get3A_822] {strides = array<i32>} : memref<32x512xi32, #tpu.memory_space<vmem>>, vector<1x16xi32>,
      %get3A_824 = vector.shape_cast %get3A_823 : vector<1x16xi32> to vector<16xi32>
      %ge3A = arith.cmpi sge, %get3A_824, %broadcast_in_dim3A_127 : vector<16xi32>
      %add3A_825 = arith.addi %get3A_824, %broadcast_in_dim3A_3 : vector<16xi32>
      %select_n3A = arith.select %ge3A, %add3A_825, %get3A_824 : vector<16xi1>, vector<16xi32>
      %mul3A_826 = arith.constant 16 : i32
      %mul3A_827 = arith.muli %scan3A_817, %mul3A_826 : i32
      %add3A_828 = arith.constant 3072 : i32
      %add3A_829 = arith.addi %add3A_828, %mul3A_827 : i32
      %and3A_830 = arith.andi %select_n3A, %broadcast_in_dim3A_19 : vector<16xi32>
      %shift_right_logical3A_831 = arith.shrui %select_n3A, %broadcast_in_dim3A_11 : vector<16xi32>
      %shift_left3A_832 = arith.shli %shift_right_logical3A_831, %broadcast_in_dim3A_5 : vector<16xi32>
      %shift_right_logical3A_833 = arith.shrui %and3A_830, %broadcast_in_dim3A_7 : vector<16xi32>
      %add3A_834 = arith.addi %shift_left3A_832, %shift_right_logical3A_833 : vector<16xi32>
      %shift_left3A_835 = arith.shli %add3A_834, %broadcast_in_dim3A_15 : vector<16xi32>
      %and3A_836 = arith.andi %and3A_830, %broadcast_in_dim3A_17 : vector<16xi32>
      %add3A_837 = arith.addi %shift_left3A_835, %and3A_836 : vector<16xi32>
      %add3A_838 = arith.addi %add3A_837, %broadcast_in_dim3A_132 : vector<16xi32>
      %swap3A_839 = arith.index_cast %add3A_829 : i32 to index
      %swap3A_840 = tpu.vector_load %arg10[%swap3A_839] {strides = array<i32>} : memref<16384xi32, #tpu.memory_space<vmem>>, vector<16xi32>,
      %swap3A_841 = vector.shape_cast %swap3A_840 : vector<16xi32> to vector<16xi32>
      %swap3A_842 = vector.shape_cast %add3A_838 : vector<16xi32> to vector<16xi32>
      tpu.vector_store %arg10[%swap3A_839], %swap3A_842 {strides = array<i32>} : memref<16384xi32, #tpu.memory_space<vmem>>, vector<16xi32>,
      %shift_right_logical3A_843 = arith.shrui %select_n3A, %broadcast_in_dim3A_9 : vector<16xi32>
      %and3A_844 = arith.andi %shift_right_logical3A_843, %broadcast_in_dim3A_3 : vector<16xi32>
      %swap3A_845 = arith.index_cast %add3A_829 : i32 to index
      %swap3A_846 = tpu.vector_load %arg11[%swap3A_845] {strides = array<i32>} : memref<16384xi32, #tpu.memory_space<vmem>>, vector<16xi32>,
      %swap3A_847 = vector.shape_cast %swap3A_846 : vector<16xi32> to vector<16xi32>
      %swap3A_848 = vector.shape_cast %and3A_844 : vector<16xi32> to vector<16xi32>
      tpu.vector_store %arg11[%swap3A_845], %swap3A_848 {strides = array<i32>} : memref<16384xi32, #tpu.memory_space<vmem>>, vector<16xi32>,
    }
    %scan3A_138 = arith.constant 32 : i32
    %slice3A_139 = vector.extract_strided_slice %get3A_23 {offsets = [7], sizes = [1], strides = [1]} : vector<16xi32> to vector<1xi32>
    %squeeze3A_140 = vector.extract %slice3A_139[0] : i32 from vector<1xi32>
    %broadcast_in_dim3A_141 = vector.broadcast %squeeze3A_140 : i32 to vector<16xi32>
    %add3A_142 = arith.constant 7 : i32
    %add3A_143 = arith.addi %mul3A_2, %add3A_142 : i32
    %shift_left3A_144 = arith.constant 7 : i32
    %shift_left3A_145 = arith.shli %add3A_143, %shift_left3A_144 : i32
    %broadcast_in_dim3A_146 = vector.broadcast %shift_left3A_145 : i32 to vector<16xi32>
    %scan3A_147 = arith.constant 0 : i32
    %scan3A_148 = arith.constant 0 : i32
    %scan3A_149 = arith.constant 32 : i32
    %scan3A_150 = arith.addi %scan3A_148, %scan3A_149 : i32
    %scan3A_151 = arith.constant 1 : i32
    scf.for %scan3A_817 = %scan3A_148 to %scan3A_150 step %scan3A_151  : i32 {
      %mul3A_818 = arith.constant 16 : i32
      %mul3A_819 = arith.muli %scan3A_817, %mul3A_818 : i32
      %get3A_820 = arith.constant 7 : i32
      %get3A_821 = arith.index_cast %get3A_820 : i32 to index
      %get3A_822 = arith.index_cast %mul3A_819 : i32 to index
      %get3A_823 = tpu.vector_load %arg8[%get3A_821, %get3A_822] {strides = array<i32>} : memref<32x512xi32, #tpu.memory_space<vmem>>, vector<1x16xi32>,
      %get3A_824 = vector.shape_cast %get3A_823 : vector<1x16xi32> to vector<16xi32>
      %ge3A = arith.cmpi sge, %get3A_824, %broadcast_in_dim3A_141 : vector<16xi32>
      %add3A_825 = arith.addi %get3A_824, %broadcast_in_dim3A_3 : vector<16xi32>
      %select_n3A = arith.select %ge3A, %add3A_825, %get3A_824 : vector<16xi1>, vector<16xi32>
      %mul3A_826 = arith.constant 16 : i32
      %mul3A_827 = arith.muli %scan3A_817, %mul3A_826 : i32
      %add3A_828 = arith.constant 3584 : i32
      %add3A_829 = arith.addi %add3A_828, %mul3A_827 : i32
      %and3A_830 = arith.andi %select_n3A, %broadcast_in_dim3A_19 : vector<16xi32>
      %shift_right_logical3A_831 = arith.shrui %select_n3A, %broadcast_in_dim3A_11 : vector<16xi32>
      %shift_left3A_832 = arith.shli %shift_right_logical3A_831, %broadcast_in_dim3A_5 : vector<16xi32>
      %shift_right_logical3A_833 = arith.shrui %and3A_830, %broadcast_in_dim3A_7 : vector<16xi32>
      %add3A_834 = arith.addi %shift_left3A_832, %shift_right_logical3A_833 : vector<16xi32>
      %shift_left3A_835 = arith.shli %add3A_834, %broadcast_in_dim3A_15 : vector<16xi32>
      %and3A_836 = arith.andi %and3A_830, %broadcast_in_dim3A_17 : vector<16xi32>
      %add3A_837 = arith.addi %shift_left3A_835, %and3A_836 : vector<16xi32>
      %add3A_838 = arith.addi %add3A_837, %broadcast_in_dim3A_146 : vector<16xi32>
      %swap3A_839 = arith.index_cast %add3A_829 : i32 to index
      %swap3A_840 = tpu.vector_load %arg10[%swap3A_839] {strides = array<i32>} : memref<16384xi32, #tpu.memory_space<vmem>>, vector<16xi32>,
      %swap3A_841 = vector.shape_cast %swap3A_840 : vector<16xi32> to vector<16xi32>
      %swap3A_842 = vector.shape_cast %add3A_838 : vector<16xi32> to vector<16xi32>
      tpu.vector_store %arg10[%swap3A_839], %swap3A_842 {strides = array<i32>} : memref<16384xi32, #tpu.memory_space<vmem>>, vector<16xi32>,
      %shift_right_logical3A_843 = arith.shrui %select_n3A, %broadcast_in_dim3A_9 : vector<16xi32>
      %and3A_844 = arith.andi %shift_right_logical3A_843, %broadcast_in_dim3A_3 : vector<16xi32>
      %swap3A_845 = arith.index_cast %add3A_829 : i32 to index
      %swap3A_846 = tpu.vector_load %arg11[%swap3A_845] {strides = array<i32>} : memref<16384xi32, #tpu.memory_space<vmem>>, vector<16xi32>,
      %swap3A_847 = vector.shape_cast %swap3A_846 : vector<16xi32> to vector<16xi32>
      %swap3A_848 = vector.shape_cast %and3A_844 : vector<16xi32> to vector<16xi32>
      tpu.vector_store %arg11[%swap3A_845], %swap3A_848 {strides = array<i32>} : memref<16384xi32, #tpu.memory_space<vmem>>, vector<16xi32>,
    }
    %scan3A_152 = arith.constant 32 : i32
    %slice3A_153 = vector.extract_strided_slice %get3A_23 {offsets = [8], sizes = [1], strides = [1]} : vector<16xi32> to vector<1xi32>
    %squeeze3A_154 = vector.extract %slice3A_153[0] : i32 from vector<1xi32>
    %broadcast_in_dim3A_155 = vector.broadcast %squeeze3A_154 : i32 to vector<16xi32>
    %add3A_156 = arith.constant 8 : i32
    %add3A_157 = arith.addi %mul3A_2, %add3A_156 : i32
    %shift_left3A_158 = arith.constant 7 : i32
    %shift_left3A_159 = arith.shli %add3A_157, %shift_left3A_158 : i32
    %broadcast_in_dim3A_160 = vector.broadcast %shift_left3A_159 : i32 to vector<16xi32>
    %scan3A_161 = arith.constant 0 : i32
    %scan3A_162 = arith.constant 0 : i32
    %scan3A_163 = arith.constant 32 : i32
    %scan3A_164 = arith.addi %scan3A_162, %scan3A_163 : i32
    %scan3A_165 = arith.constant 1 : i32
    scf.for %scan3A_817 = %scan3A_162 to %scan3A_164 step %scan3A_165  : i32 {
      %mul3A_818 = arith.constant 16 : i32
      %mul3A_819 = arith.muli %scan3A_817, %mul3A_818 : i32
      %get3A_820 = arith.constant 8 : i32
      %get3A_821 = arith.index_cast %get3A_820 : i32 to index
      %get3A_822 = arith.index_cast %mul3A_819 : i32 to index
      %get3A_823 = tpu.vector_load %arg8[%get3A_821, %get3A_822] {strides = array<i32>} : memref<32x512xi32, #tpu.memory_space<vmem>>, vector<1x16xi32>,
      %get3A_824 = vector.shape_cast %get3A_823 : vector<1x16xi32> to vector<16xi32>
      %ge3A = arith.cmpi sge, %get3A_824, %broadcast_in_dim3A_155 : vector<16xi32>
      %add3A_825 = arith.addi %get3A_824, %broadcast_in_dim3A_3 : vector<16xi32>
      %select_n3A = arith.select %ge3A, %add3A_825, %get3A_824 : vector<16xi1>, vector<16xi32>
      %mul3A_826 = arith.constant 16 : i32
      %mul3A_827 = arith.muli %scan3A_817, %mul3A_826 : i32
      %add3A_828 = arith.constant 4096 : i32
      %add3A_829 = arith.addi %add3A_828, %mul3A_827 : i32
      %and3A_830 = arith.andi %select_n3A, %broadcast_in_dim3A_19 : vector<16xi32>
      %shift_right_logical3A_831 = arith.shrui %select_n3A, %broadcast_in_dim3A_11 : vector<16xi32>
      %shift_left3A_832 = arith.shli %shift_right_logical3A_831, %broadcast_in_dim3A_5 : vector<16xi32>
      %shift_right_logical3A_833 = arith.shrui %and3A_830, %broadcast_in_dim3A_7 : vector<16xi32>
      %add3A_834 = arith.addi %shift_left3A_832, %shift_right_logical3A_833 : vector<16xi32>
      %shift_left3A_835 = arith.shli %add3A_834, %broadcast_in_dim3A_15 : vector<16xi32>
      %and3A_836 = arith.andi %and3A_830, %broadcast_in_dim3A_17 : vector<16xi32>
      %add3A_837 = arith.addi %shift_left3A_835, %and3A_836 : vector<16xi32>
      %add3A_838 = arith.addi %add3A_837, %broadcast_in_dim3A_160 : vector<16xi32>
      %swap3A_839 = arith.index_cast %add3A_829 : i32 to index
      %swap3A_840 = tpu.vector_load %arg10[%swap3A_839] {strides = array<i32>} : memref<16384xi32, #tpu.memory_space<vmem>>, vector<16xi32>,
      %swap3A_841 = vector.shape_cast %swap3A_840 : vector<16xi32> to vector<16xi32>
      %swap3A_842 = vector.shape_cast %add3A_838 : vector<16xi32> to vector<16xi32>
      tpu.vector_store %arg10[%swap3A_839], %swap3A_842 {strides = array<i32>} : memref<16384xi32, #tpu.memory_space<vmem>>, vector<16xi32>,
      %shift_right_logical3A_843 = arith.shrui %select_n3A, %broadcast_in_dim3A_9 : vector<16xi32>
      %and3A_844 = arith.andi %shift_right_logical3A_843, %broadcast_in_dim3A_3 : vector<16xi32>
      %swap3A_845 = arith.index_cast %add3A_829 : i32 to index
      %swap3A_846 = tpu.vector_load %arg11[%swap3A_845] {strides = array<i32>} : memref<16384xi32, #tpu.memory_space<vmem>>, vector<16xi32>,
      %swap3A_847 = vector.shape_cast %swap3A_846 : vector<16xi32> to vector<16xi32>
      %swap3A_848 = vector.shape_cast %and3A_844 : vector<16xi32> to vector<16xi32>
      tpu.vector_store %arg11[%swap3A_845], %swap3A_848 {strides = array<i32>} : memref<16384xi32, #tpu.memory_space<vmem>>, vector<16xi32>,
    }
    %scan3A_166 = arith.constant 32 : i32
    %slice3A_167 = vector.extract_strided_slice %get3A_23 {offsets = [9], sizes = [1], strides = [1]} : vector<16xi32> to vector<1xi32>
    %squeeze3A_168 = vector.extract %slice3A_167[0] : i32 from vector<1xi32>
    %broadcast_in_dim3A_169 = vector.broadcast %squeeze3A_168 : i32 to vector<16xi32>
    %add3A_170 = arith.constant 9 : i32
    %add3A_171 = arith.addi %mul3A_2, %add3A_170 : i32
    %shift_left3A_172 = arith.constant 7 : i32
    %shift_left3A_173 = arith.shli %add3A_171, %shift_left3A_172 : i32
    %broadcast_in_dim3A_174 = vector.broadcast %shift_left3A_173 : i32 to vector<16xi32>
    %scan3A_175 = arith.constant 0 : i32
    %scan3A_176 = arith.constant 0 : i32
    %scan3A_177 = arith.constant 32 : i32
    %scan3A_178 = arith.addi %scan3A_176, %scan3A_177 : i32
    %scan3A_179 = arith.constant 1 : i32
    scf.for %scan3A_817 = %scan3A_176 to %scan3A_178 step %scan3A_179  : i32 {
      %mul3A_818 = arith.constant 16 : i32
      %mul3A_819 = arith.muli %scan3A_817, %mul3A_818 : i32
      %get3A_820 = arith.constant 9 : i32
      %get3A_821 = arith.index_cast %get3A_820 : i32 to index
      %get3A_822 = arith.index_cast %mul3A_819 : i32 to index
      %get3A_823 = tpu.vector_load %arg8[%get3A_821, %get3A_822] {strides = array<i32>} : memref<32x512xi32, #tpu.memory_space<vmem>>, vector<1x16xi32>,
      %get3A_824 = vector.shape_cast %get3A_823 : vector<1x16xi32> to vector<16xi32>
      %ge3A = arith.cmpi sge, %get3A_824, %broadcast_in_dim3A_169 : vector<16xi32>
      %add3A_825 = arith.addi %get3A_824, %broadcast_in_dim3A_3 : vector<16xi32>
      %select_n3A = arith.select %ge3A, %add3A_825, %get3A_824 : vector<16xi1>, vector<16xi32>
      %mul3A_826 = arith.constant 16 : i32
      %mul3A_827 = arith.muli %scan3A_817, %mul3A_826 : i32
      %add3A_828 = arith.constant 4608 : i32
      %add3A_829 = arith.addi %add3A_828, %mul3A_827 : i32
      %and3A_830 = arith.andi %select_n3A, %broadcast_in_dim3A_19 : vector<16xi32>
      %shift_right_logical3A_831 = arith.shrui %select_n3A, %broadcast_in_dim3A_11 : vector<16xi32>
      %shift_left3A_832 = arith.shli %shift_right_logical3A_831, %broadcast_in_dim3A_5 : vector<16xi32>
      %shift_right_logical3A_833 = arith.shrui %and3A_830, %broadcast_in_dim3A_7 : vector<16xi32>
      %add3A_834 = arith.addi %shift_left3A_832, %shift_right_logical3A_833 : vector<16xi32>
      %shift_left3A_835 = arith.shli %add3A_834, %broadcast_in_dim3A_15 : vector<16xi32>
      %and3A_836 = arith.andi %and3A_830, %broadcast_in_dim3A_17 : vector<16xi32>
      %add3A_837 = arith.addi %shift_left3A_835, %and3A_836 : vector<16xi32>
      %add3A_838 = arith.addi %add3A_837, %broadcast_in_dim3A_174 : vector<16xi32>
      %swap3A_839 = arith.index_cast %add3A_829 : i32 to index
      %swap3A_840 = tpu.vector_load %arg10[%swap3A_839] {strides = array<i32>} : memref<16384xi32, #tpu.memory_space<vmem>>, vector<16xi32>,
      %swap3A_841 = vector.shape_cast %swap3A_840 : vector<16xi32> to vector<16xi32>
      %swap3A_842 = vector.shape_cast %add3A_838 : vector<16xi32> to vector<16xi32>
      tpu.vector_store %arg10[%swap3A_839], %swap3A_842 {strides = array<i32>} : memref<16384xi32, #tpu.memory_space<vmem>>, vector<16xi32>,
      %shift_right_logical3A_843 = arith.shrui %select_n3A, %broadcast_in_dim3A_9 : vector<16xi32>
      %and3A_844 = arith.andi %shift_right_logical3A_843, %broadcast_in_dim3A_3 : vector<16xi32>
      %swap3A_845 = arith.index_cast %add3A_829 : i32 to index
      %swap3A_846 = tpu.vector_load %arg11[%swap3A_845] {strides = array<i32>} : memref<16384xi32, #tpu.memory_space<vmem>>, vector<16xi32>,
      %swap3A_847 = vector.shape_cast %swap3A_846 : vector<16xi32> to vector<16xi32>
      %swap3A_848 = vector.shape_cast %and3A_844 : vector<16xi32> to vector<16xi32>
      tpu.vector_store %arg11[%swap3A_845], %swap3A_848 {strides = array<i32>} : memref<16384xi32, #tpu.memory_space<vmem>>, vector<16xi32>,
    }
    %scan3A_180 = arith.constant 32 : i32
    %slice3A_181 = vector.extract_strided_slice %get3A_23 {offsets = [10], sizes = [1], strides = [1]} : vector<16xi32> to vector<1xi32>
    %squeeze3A_182 = vector.extract %slice3A_181[0] : i32 from vector<1xi32>
    %broadcast_in_dim3A_183 = vector.broadcast %squeeze3A_182 : i32 to vector<16xi32>
    %add3A_184 = arith.constant 10 : i32
    %add3A_185 = arith.addi %mul3A_2, %add3A_184 : i32
    %shift_left3A_186 = arith.constant 7 : i32
    %shift_left3A_187 = arith.shli %add3A_185, %shift_left3A_186 : i32
    %broadcast_in_dim3A_188 = vector.broadcast %shift_left3A_187 : i32 to vector<16xi32>
    %scan3A_189 = arith.constant 0 : i32
    %scan3A_190 = arith.constant 0 : i32
    %scan3A_191 = arith.constant 32 : i32
    %scan3A_192 = arith.addi %scan3A_190, %scan3A_191 : i32
    %scan3A_193 = arith.constant 1 : i32
    scf.for %scan3A_817 = %scan3A_190 to %scan3A_192 step %scan3A_193  : i32 {
      %mul3A_818 = arith.constant 16 : i32
      %mul3A_819 = arith.muli %scan3A_817, %mul3A_818 : i32
      %get3A_820 = arith.constant 10 : i32
      %get3A_821 = arith.index_cast %get3A_820 : i32 to index
      %get3A_822 = arith.index_cast %mul3A_819 : i32 to index
      %get3A_823 = tpu.vector_load %arg8[%get3A_821, %get3A_822] {strides = array<i32>} : memref<32x512xi32, #tpu.memory_space<vmem>>, vector<1x16xi32>,
      %get3A_824 = vector.shape_cast %get3A_823 : vector<1x16xi32> to vector<16xi32>
      %ge3A = arith.cmpi sge, %get3A_824, %broadcast_in_dim3A_183 : vector<16xi32>
      %add3A_825 = arith.addi %get3A_824, %broadcast_in_dim3A_3 : vector<16xi32>
      %select_n3A = arith.select %ge3A, %add3A_825, %get3A_824 : vector<16xi1>, vector<16xi32>
      %mul3A_826 = arith.constant 16 : i32
      %mul3A_827 = arith.muli %scan3A_817, %mul3A_826 : i32
      %add3A_828 = arith.constant 5120 : i32
      %add3A_829 = arith.addi %add3A_828, %mul3A_827 : i32
      %and3A_830 = arith.andi %select_n3A, %broadcast_in_dim3A_19 : vector<16xi32>
      %shift_right_logical3A_831 = arith.shrui %select_n3A, %broadcast_in_dim3A_11 : vector<16xi32>
      %shift_left3A_832 = arith.shli %shift_right_logical3A_831, %broadcast_in_dim3A_5 : vector<16xi32>
      %shift_right_logical3A_833 = arith.shrui %and3A_830, %broadcast_in_dim3A_7 : vector<16xi32>
      %add3A_834 = arith.addi %shift_left3A_832, %shift_right_logical3A_833 : vector<16xi32>
      %shift_left3A_835 = arith.shli %add3A_834, %broadcast_in_dim3A_15 : vector<16xi32>
      %and3A_836 = arith.andi %and3A_830, %broadcast_in_dim3A_17 : vector<16xi32>
      %add3A_837 = arith.addi %shift_left3A_835, %and3A_836 : vector<16xi32>
      %add3A_838 = arith.addi %add3A_837, %broadcast_in_dim3A_188 : vector<16xi32>
      %swap3A_839 = arith.index_cast %add3A_829 : i32 to index
      %swap3A_840 = tpu.vector_load %arg10[%swap3A_839] {strides = array<i32>} : memref<16384xi32, #tpu.memory_space<vmem>>, vector<16xi32>,
      %swap3A_841 = vector.shape_cast %swap3A_840 : vector<16xi32> to vector<16xi32>
      %swap3A_842 = vector.shape_cast %add3A_838 : vector<16xi32> to vector<16xi32>
      tpu.vector_store %arg10[%swap3A_839], %swap3A_842 {strides = array<i32>} : memref<16384xi32, #tpu.memory_space<vmem>>, vector<16xi32>,
      %shift_right_logical3A_843 = arith.shrui %select_n3A, %broadcast_in_dim3A_9 : vector<16xi32>
      %and3A_844 = arith.andi %shift_right_logical3A_843, %broadcast_in_dim3A_3 : vector<16xi32>
      %swap3A_845 = arith.index_cast %add3A_829 : i32 to index
      %swap3A_846 = tpu.vector_load %arg11[%swap3A_845] {strides = array<i32>} : memref<16384xi32, #tpu.memory_space<vmem>>, vector<16xi32>,
      %swap3A_847 = vector.shape_cast %swap3A_846 : vector<16xi32> to vector<16xi32>
      %swap3A_848 = vector.shape_cast %and3A_844 : vector<16xi32> to vector<16xi32>
      tpu.vector_store %arg11[%swap3A_845], %swap3A_848 {strides = array<i32>} : memref<16384xi32, #tpu.memory_space<vmem>>, vector<16xi32>,
    }
    %scan3A_194 = arith.constant 32 : i32
    %slice3A_195 = vector.extract_strided_slice %get3A_23 {offsets = [11], sizes = [1], strides = [1]} : vector<16xi32> to vector<1xi32>
    %squeeze3A_196 = vector.extract %slice3A_195[0] : i32 from vector<1xi32>
    %broadcast_in_dim3A_197 = vector.broadcast %squeeze3A_196 : i32 to vector<16xi32>
    %add3A_198 = arith.constant 11 : i32
    %add3A_199 = arith.addi %mul3A_2, %add3A_198 : i32
    %shift_left3A_200 = arith.constant 7 : i32
    %shift_left3A_201 = arith.shli %add3A_199, %shift_left3A_200 : i32
    %broadcast_in_dim3A_202 = vector.broadcast %shift_left3A_201 : i32 to vector<16xi32>
    %scan3A_203 = arith.constant 0 : i32
    %scan3A_204 = arith.constant 0 : i32
    %scan3A_205 = arith.constant 32 : i32
    %scan3A_206 = arith.addi %scan3A_204, %scan3A_205 : i32
    %scan3A_207 = arith.constant 1 : i32
    scf.for %scan3A_817 = %scan3A_204 to %scan3A_206 step %scan3A_207  : i32 {
      %mul3A_818 = arith.constant 16 : i32
      %mul3A_819 = arith.muli %scan3A_817, %mul3A_818 : i32
      %get3A_820 = arith.constant 11 : i32
      %get3A_821 = arith.index_cast %get3A_820 : i32 to index
      %get3A_822 = arith.index_cast %mul3A_819 : i32 to index
      %get3A_823 = tpu.vector_load %arg8[%get3A_821, %get3A_822] {strides = array<i32>} : memref<32x512xi32, #tpu.memory_space<vmem>>, vector<1x16xi32>,
      %get3A_824 = vector.shape_cast %get3A_823 : vector<1x16xi32> to vector<16xi32>
      %ge3A = arith.cmpi sge, %get3A_824, %broadcast_in_dim3A_197 : vector<16xi32>
      %add3A_825 = arith.addi %get3A_824, %broadcast_in_dim3A_3 : vector<16xi32>
      %select_n3A = arith.select %ge3A, %add3A_825, %get3A_824 : vector<16xi1>, vector<16xi32>
      %mul3A_826 = arith.constant 16 : i32
      %mul3A_827 = arith.muli %scan3A_817, %mul3A_826 : i32
      %add3A_828 = arith.constant 5632 : i32
      %add3A_829 = arith.addi %add3A_828, %mul3A_827 : i32
      %and3A_830 = arith.andi %select_n3A, %broadcast_in_dim3A_19 : vector<16xi32>
      %shift_right_logical3A_831 = arith.shrui %select_n3A, %broadcast_in_dim3A_11 : vector<16xi32>
      %shift_left3A_832 = arith.shli %shift_right_logical3A_831, %broadcast_in_dim3A_5 : vector<16xi32>
      %shift_right_logical3A_833 = arith.shrui %and3A_830, %broadcast_in_dim3A_7 : vector<16xi32>
      %add3A_834 = arith.addi %shift_left3A_832, %shift_right_logical3A_833 : vector<16xi32>
      %shift_left3A_835 = arith.shli %add3A_834, %broadcast_in_dim3A_15 : vector<16xi32>
      %and3A_836 = arith.andi %and3A_830, %broadcast_in_dim3A_17 : vector<16xi32>
      %add3A_837 = arith.addi %shift_left3A_835, %and3A_836 : vector<16xi32>
      %add3A_838 = arith.addi %add3A_837, %broadcast_in_dim3A_202 : vector<16xi32>
      %swap3A_839 = arith.index_cast %add3A_829 : i32 to index
      %swap3A_840 = tpu.vector_load %arg10[%swap3A_839] {strides = array<i32>} : memref<16384xi32, #tpu.memory_space<vmem>>, vector<16xi32>,
      %swap3A_841 = vector.shape_cast %swap3A_840 : vector<16xi32> to vector<16xi32>
      %swap3A_842 = vector.shape_cast %add3A_838 : vector<16xi32> to vector<16xi32>
      tpu.vector_store %arg10[%swap3A_839], %swap3A_842 {strides = array<i32>} : memref<16384xi32, #tpu.memory_space<vmem>>, vector<16xi32>,
      %shift_right_logical3A_843 = arith.shrui %select_n3A, %broadcast_in_dim3A_9 : vector<16xi32>
      %and3A_844 = arith.andi %shift_right_logical3A_843, %broadcast_in_dim3A_3 : vector<16xi32>
      %swap3A_845 = arith.index_cast %add3A_829 : i32 to index
      %swap3A_846 = tpu.vector_load %arg11[%swap3A_845] {strides = array<i32>} : memref<16384xi32, #tpu.memory_space<vmem>>, vector<16xi32>,
      %swap3A_847 = vector.shape_cast %swap3A_846 : vector<16xi32> to vector<16xi32>
      %swap3A_848 = vector.shape_cast %and3A_844 : vector<16xi32> to vector<16xi32>
      tpu.vector_store %arg11[%swap3A_845], %swap3A_848 {strides = array<i32>} : memref<16384xi32, #tpu.memory_space<vmem>>, vector<16xi32>,
    }
    %scan3A_208 = arith.constant 32 : i32
    %slice3A_209 = vector.extract_strided_slice %get3A_23 {offsets = [12], sizes = [1], strides = [1]} : vector<16xi32> to vector<1xi32>
    %squeeze3A_210 = vector.extract %slice3A_209[0] : i32 from vector<1xi32>
    %broadcast_in_dim3A_211 = vector.broadcast %squeeze3A_210 : i32 to vector<16xi32>
    %add3A_212 = arith.constant 12 : i32
    %add3A_213 = arith.addi %mul3A_2, %add3A_212 : i32
    %shift_left3A_214 = arith.constant 7 : i32
    %shift_left3A_215 = arith.shli %add3A_213, %shift_left3A_214 : i32
    %broadcast_in_dim3A_216 = vector.broadcast %shift_left3A_215 : i32 to vector<16xi32>
    %scan3A_217 = arith.constant 0 : i32
    %scan3A_218 = arith.constant 0 : i32
    %scan3A_219 = arith.constant 32 : i32
    %scan3A_220 = arith.addi %scan3A_218, %scan3A_219 : i32
    %scan3A_221 = arith.constant 1 : i32
    scf.for %scan3A_817 = %scan3A_218 to %scan3A_220 step %scan3A_221  : i32 {
      %mul3A_818 = arith.constant 16 : i32
      %mul3A_819 = arith.muli %scan3A_817, %mul3A_818 : i32
      %get3A_820 = arith.constant 12 : i32
      %get3A_821 = arith.index_cast %get3A_820 : i32 to index
      %get3A_822 = arith.index_cast %mul3A_819 : i32 to index
      %get3A_823 = tpu.vector_load %arg8[%get3A_821, %get3A_822] {strides = array<i32>} : memref<32x512xi32, #tpu.memory_space<vmem>>, vector<1x16xi32>,
      %get3A_824 = vector.shape_cast %get3A_823 : vector<1x16xi32> to vector<16xi32>
      %ge3A = arith.cmpi sge, %get3A_824, %broadcast_in_dim3A_211 : vector<16xi32>
      %add3A_825 = arith.addi %get3A_824, %broadcast_in_dim3A_3 : vector<16xi32>
      %select_n3A = arith.select %ge3A, %add3A_825, %get3A_824 : vector<16xi1>, vector<16xi32>
      %mul3A_826 = arith.constant 16 : i32
      %mul3A_827 = arith.muli %scan3A_817, %mul3A_826 : i32
      %add3A_828 = arith.constant 6144 : i32
      %add3A_829 = arith.addi %add3A_828, %mul3A_827 : i32
      %and3A_830 = arith.andi %select_n3A, %broadcast_in_dim3A_19 : vector<16xi32>
      %shift_right_logical3A_831 = arith.shrui %select_n3A, %broadcast_in_dim3A_11 : vector<16xi32>
      %shift_left3A_832 = arith.shli %shift_right_logical3A_831, %broadcast_in_dim3A_5 : vector<16xi32>
      %shift_right_logical3A_833 = arith.shrui %and3A_830, %broadcast_in_dim3A_7 : vector<16xi32>
      %add3A_834 = arith.addi %shift_left3A_832, %shift_right_logical3A_833 : vector<16xi32>
      %shift_left3A_835 = arith.shli %add3A_834, %broadcast_in_dim3A_15 : vector<16xi32>
      %and3A_836 = arith.andi %and3A_830, %broadcast_in_dim3A_17 : vector<16xi32>
      %add3A_837 = arith.addi %shift_left3A_835, %and3A_836 : vector<16xi32>
      %add3A_838 = arith.addi %add3A_837, %broadcast_in_dim3A_216 : vector<16xi32>
      %swap3A_839 = arith.index_cast %add3A_829 : i32 to index
      %swap3A_840 = tpu.vector_load %arg10[%swap3A_839] {strides = array<i32>} : memref<16384xi32, #tpu.memory_space<vmem>>, vector<16xi32>,
      %swap3A_841 = vector.shape_cast %swap3A_840 : vector<16xi32> to vector<16xi32>
      %swap3A_842 = vector.shape_cast %add3A_838 : vector<16xi32> to vector<16xi32>
      tpu.vector_store %arg10[%swap3A_839], %swap3A_842 {strides = array<i32>} : memref<16384xi32, #tpu.memory_space<vmem>>, vector<16xi32>,
      %shift_right_logical3A_843 = arith.shrui %select_n3A, %broadcast_in_dim3A_9 : vector<16xi32>
      %and3A_844 = arith.andi %shift_right_logical3A_843, %broadcast_in_dim3A_3 : vector<16xi32>
      %swap3A_845 = arith.index_cast %add3A_829 : i32 to index
      %swap3A_846 = tpu.vector_load %arg11[%swap3A_845] {strides = array<i32>} : memref<16384xi32, #tpu.memory_space<vmem>>, vector<16xi32>,
      %swap3A_847 = vector.shape_cast %swap3A_846 : vector<16xi32> to vector<16xi32>
      %swap3A_848 = vector.shape_cast %and3A_844 : vector<16xi32> to vector<16xi32>
      tpu.vector_store %arg11[%swap3A_845], %swap3A_848 {strides = array<i32>} : memref<16384xi32, #tpu.memory_space<vmem>>, vector<16xi32>,
    }
    %scan3A_222 = arith.constant 32 : i32
    %slice3A_223 = vector.extract_strided_slice %get3A_23 {offsets = [13], sizes = [1], strides = [1]} : vector<16xi32> to vector<1xi32>
    %squeeze3A_224 = vector.extract %slice3A_223[0] : i32 from vector<1xi32>
    %broadcast_in_dim3A_225 = vector.broadcast %squeeze3A_224 : i32 to vector<16xi32>
    %add3A_226 = arith.constant 13 : i32
    %add3A_227 = arith.addi %mul3A_2, %add3A_226 : i32
    %shift_left3A_228 = arith.constant 7 : i32
    %shift_left3A_229 = arith.shli %add3A_227, %shift_left3A_228 : i32
    %broadcast_in_dim3A_230 = vector.broadcast %shift_left3A_229 : i32 to vector<16xi32>
    %scan3A_231 = arith.constant 0 : i32
    %scan3A_232 = arith.constant 0 : i32
    %scan3A_233 = arith.constant 32 : i32
    %scan3A_234 = arith.addi %scan3A_232, %scan3A_233 : i32
    %scan3A_235 = arith.constant 1 : i32
    scf.for %scan3A_817 = %scan3A_232 to %scan3A_234 step %scan3A_235  : i32 {
      %mul3A_818 = arith.constant 16 : i32
      %mul3A_819 = arith.muli %scan3A_817, %mul3A_818 : i32
      %get3A_820 = arith.constant 13 : i32
      %get3A_821 = arith.index_cast %get3A_820 : i32 to index
      %get3A_822 = arith.index_cast %mul3A_819 : i32 to index
      %get3A_823 = tpu.vector_load %arg8[%get3A_821, %get3A_822] {strides = array<i32>} : memref<32x512xi32, #tpu.memory_space<vmem>>, vector<1x16xi32>,
      %get3A_824 = vector.shape_cast %get3A_823 : vector<1x16xi32> to vector<16xi32>
      %ge3A = arith.cmpi sge, %get3A_824, %broadcast_in_dim3A_225 : vector<16xi32>
      %add3A_825 = arith.addi %get3A_824, %broadcast_in_dim3A_3 : vector<16xi32>
      %select_n3A = arith.select %ge3A, %add3A_825, %get3A_824 : vector<16xi1>, vector<16xi32>
      %mul3A_826 = arith.constant 16 : i32
      %mul3A_827 = arith.muli %scan3A_817, %mul3A_826 : i32
      %add3A_828 = arith.constant 6656 : i32
      %add3A_829 = arith.addi %add3A_828, %mul3A_827 : i32
      %and3A_830 = arith.andi %select_n3A, %broadcast_in_dim3A_19 : vector<16xi32>
      %shift_right_logical3A_831 = arith.shrui %select_n3A, %broadcast_in_dim3A_11 : vector<16xi32>
      %shift_left3A_832 = arith.shli %shift_right_logical3A_831, %broadcast_in_dim3A_5 : vector<16xi32>
      %shift_right_logical3A_833 = arith.shrui %and3A_830, %broadcast_in_dim3A_7 : vector<16xi32>
      %add3A_834 = arith.addi %shift_left3A_832, %shift_right_logical3A_833 : vector<16xi32>
      %shift_left3A_835 = arith.shli %add3A_834, %broadcast_in_dim3A_15 : vector<16xi32>
      %and3A_836 = arith.andi %and3A_830, %broadcast_in_dim3A_17 : vector<16xi32>
      %add3A_837 = arith.addi %shift_left3A_835, %and3A_836 : vector<16xi32>
      %add3A_838 = arith.addi %add3A_837, %broadcast_in_dim3A_230 : vector<16xi32>
      %swap3A_839 = arith.index_cast %add3A_829 : i32 to index
      %swap3A_840 = tpu.vector_load %arg10[%swap3A_839] {strides = array<i32>} : memref<16384xi32, #tpu.memory_space<vmem>>, vector<16xi32>,
      %swap3A_841 = vector.shape_cast %swap3A_840 : vector<16xi32> to vector<16xi32>
      %swap3A_842 = vector.shape_cast %add3A_838 : vector<16xi32> to vector<16xi32>
      tpu.vector_store %arg10[%swap3A_839], %swap3A_842 {strides = array<i32>} : memref<16384xi32, #tpu.memory_space<vmem>>, vector<16xi32>,
      %shift_right_logical3A_843 = arith.shrui %select_n3A, %broadcast_in_dim3A_9 : vector<16xi32>
      %and3A_844 = arith.andi %shift_right_logical3A_843, %broadcast_in_dim3A_3 : vector<16xi32>
      %swap3A_845 = arith.index_cast %add3A_829 : i32 to index
      %swap3A_846 = tpu.vector_load %arg11[%swap3A_845] {strides = array<i32>} : memref<16384xi32, #tpu.memory_space<vmem>>, vector<16xi32>,
      %swap3A_847 = vector.shape_cast %swap3A_846 : vector<16xi32> to vector<16xi32>
      %swap3A_848 = vector.shape_cast %and3A_844 : vector<16xi32> to vector<16xi32>
      tpu.vector_store %arg11[%swap3A_845], %swap3A_848 {strides = array<i32>} : memref<16384xi32, #tpu.memory_space<vmem>>, vector<16xi32>,
    }
    %scan3A_236 = arith.constant 32 : i32
    %slice3A_237 = vector.extract_strided_slice %get3A_23 {offsets = [14], sizes = [1], strides = [1]} : vector<16xi32> to vector<1xi32>
    %squeeze3A_238 = vector.extract %slice3A_237[0] : i32 from vector<1xi32>
    %broadcast_in_dim3A_239 = vector.broadcast %squeeze3A_238 : i32 to vector<16xi32>
    %add3A_240 = arith.constant 14 : i32
    %add3A_241 = arith.addi %mul3A_2, %add3A_240 : i32
    %shift_left3A_242 = arith.constant 7 : i32
    %shift_left3A_243 = arith.shli %add3A_241, %shift_left3A_242 : i32
    %broadcast_in_dim3A_244 = vector.broadcast %shift_left3A_243 : i32 to vector<16xi32>
    %scan3A_245 = arith.constant 0 : i32
    %scan3A_246 = arith.constant 0 : i32
    %scan3A_247 = arith.constant 32 : i32
    %scan3A_248 = arith.addi %scan3A_246, %scan3A_247 : i32
    %scan3A_249 = arith.constant 1 : i32
    scf.for %scan3A_817 = %scan3A_246 to %scan3A_248 step %scan3A_249  : i32 {
      %mul3A_818 = arith.constant 16 : i32
      %mul3A_819 = arith.muli %scan3A_817, %mul3A_818 : i32
      %get3A_820 = arith.constant 14 : i32
      %get3A_821 = arith.index_cast %get3A_820 : i32 to index
      %get3A_822 = arith.index_cast %mul3A_819 : i32 to index
      %get3A_823 = tpu.vector_load %arg8[%get3A_821, %get3A_822] {strides = array<i32>} : memref<32x512xi32, #tpu.memory_space<vmem>>, vector<1x16xi32>,
      %get3A_824 = vector.shape_cast %get3A_823 : vector<1x16xi32> to vector<16xi32>
      %ge3A = arith.cmpi sge, %get3A_824, %broadcast_in_dim3A_239 : vector<16xi32>
      %add3A_825 = arith.addi %get3A_824, %broadcast_in_dim3A_3 : vector<16xi32>
      %select_n3A = arith.select %ge3A, %add3A_825, %get3A_824 : vector<16xi1>, vector<16xi32>
      %mul3A_826 = arith.constant 16 : i32
      %mul3A_827 = arith.muli %scan3A_817, %mul3A_826 : i32
      %add3A_828 = arith.constant 7168 : i32
      %add3A_829 = arith.addi %add3A_828, %mul3A_827 : i32
      %and3A_830 = arith.andi %select_n3A, %broadcast_in_dim3A_19 : vector<16xi32>
      %shift_right_logical3A_831 = arith.shrui %select_n3A, %broadcast_in_dim3A_11 : vector<16xi32>
      %shift_left3A_832 = arith.shli %shift_right_logical3A_831, %broadcast_in_dim3A_5 : vector<16xi32>
      %shift_right_logical3A_833 = arith.shrui %and3A_830, %broadcast_in_dim3A_7 : vector<16xi32>
      %add3A_834 = arith.addi %shift_left3A_832, %shift_right_logical3A_833 : vector<16xi32>
      %shift_left3A_835 = arith.shli %add3A_834, %broadcast_in_dim3A_15 : vector<16xi32>
      %and3A_836 = arith.andi %and3A_830, %broadcast_in_dim3A_17 : vector<16xi32>
      %add3A_837 = arith.addi %shift_left3A_835, %and3A_836 : vector<16xi32>
      %add3A_838 = arith.addi %add3A_837, %broadcast_in_dim3A_244 : vector<16xi32>
      %swap3A_839 = arith.index_cast %add3A_829 : i32 to index
      %swap3A_840 = tpu.vector_load %arg10[%swap3A_839] {strides = array<i32>} : memref<16384xi32, #tpu.memory_space<vmem>>, vector<16xi32>,
      %swap3A_841 = vector.shape_cast %swap3A_840 : vector<16xi32> to vector<16xi32>
      %swap3A_842 = vector.shape_cast %add3A_838 : vector<16xi32> to vector<16xi32>
      tpu.vector_store %arg10[%swap3A_839], %swap3A_842 {strides = array<i32>} : memref<16384xi32, #tpu.memory_space<vmem>>, vector<16xi32>,
      %shift_right_logical3A_843 = arith.shrui %select_n3A, %broadcast_in_dim3A_9 : vector<16xi32>
      %and3A_844 = arith.andi %shift_right_logical3A_843, %broadcast_in_dim3A_3 : vector<16xi32>
      %swap3A_845 = arith.index_cast %add3A_829 : i32 to index
      %swap3A_846 = tpu.vector_load %arg11[%swap3A_845] {strides = array<i32>} : memref<16384xi32, #tpu.memory_space<vmem>>, vector<16xi32>,
      %swap3A_847 = vector.shape_cast %swap3A_846 : vector<16xi32> to vector<16xi32>
      %swap3A_848 = vector.shape_cast %and3A_844 : vector<16xi32> to vector<16xi32>
      tpu.vector_store %arg11[%swap3A_845], %swap3A_848 {strides = array<i32>} : memref<16384xi32, #tpu.memory_space<vmem>>, vector<16xi32>,
    }
    %scan3A_250 = arith.constant 32 : i32
    %slice3A_251 = vector.extract_strided_slice %get3A_23 {offsets = [15], sizes = [1], strides = [1]} : vector<16xi32> to vector<1xi32>
    %squeeze3A_252 = vector.extract %slice3A_251[0] : i32 from vector<1xi32>
    %broadcast_in_dim3A_253 = vector.broadcast %squeeze3A_252 : i32 to vector<16xi32>
    %add3A_254 = arith.constant 15 : i32
    %add3A_255 = arith.addi %mul3A_2, %add3A_254 : i32
    %shift_left3A_256 = arith.constant 7 : i32
    %shift_left3A_257 = arith.shli %add3A_255, %shift_left3A_256 : i32
    %broadcast_in_dim3A_258 = vector.broadcast %shift_left3A_257 : i32 to vector<16xi32>
    %scan3A_259 = arith.constant 0 : i32
    %scan3A_260 = arith.constant 0 : i32
    %scan3A_261 = arith.constant 32 : i32
    %scan3A_262 = arith.addi %scan3A_260, %scan3A_261 : i32
    %scan3A_263 = arith.constant 1 : i32
    scf.for %scan3A_817 = %scan3A_260 to %scan3A_262 step %scan3A_263  : i32 {
      %mul3A_818 = arith.constant 16 : i32
      %mul3A_819 = arith.muli %scan3A_817, %mul3A_818 : i32
      %get3A_820 = arith.constant 15 : i32
      %get3A_821 = arith.index_cast %get3A_820 : i32 to index
      %get3A_822 = arith.index_cast %mul3A_819 : i32 to index
      %get3A_823 = tpu.vector_load %arg8[%get3A_821, %get3A_822] {strides = array<i32>} : memref<32x512xi32, #tpu.memory_space<vmem>>, vector<1x16xi32>,
      %get3A_824 = vector.shape_cast %get3A_823 : vector<1x16xi32> to vector<16xi32>
      %ge3A = arith.cmpi sge, %get3A_824, %broadcast_in_dim3A_253 : vector<16xi32>
      %add3A_825 = arith.addi %get3A_824, %broadcast_in_dim3A_3 : vector<16xi32>
      %select_n3A = arith.select %ge3A, %add3A_825, %get3A_824 : vector<16xi1>, vector<16xi32>
      %mul3A_826 = arith.constant 16 : i32
      %mul3A_827 = arith.muli %scan3A_817, %mul3A_826 : i32
      %add3A_828 = arith.constant 7680 : i32
      %add3A_829 = arith.addi %add3A_828, %mul3A_827 : i32
      %and3A_830 = arith.andi %select_n3A, %broadcast_in_dim3A_19 : vector<16xi32>
      %shift_right_logical3A_831 = arith.shrui %select_n3A, %broadcast_in_dim3A_11 : vector<16xi32>
      %shift_left3A_832 = arith.shli %shift_right_logical3A_831, %broadcast_in_dim3A_5 : vector<16xi32>
      %shift_right_logical3A_833 = arith.shrui %and3A_830, %broadcast_in_dim3A_7 : vector<16xi32>
      %add3A_834 = arith.addi %shift_left3A_832, %shift_right_logical3A_833 : vector<16xi32>
      %shift_left3A_835 = arith.shli %add3A_834, %broadcast_in_dim3A_15 : vector<16xi32>
      %and3A_836 = arith.andi %and3A_830, %broadcast_in_dim3A_17 : vector<16xi32>
      %add3A_837 = arith.addi %shift_left3A_835, %and3A_836 : vector<16xi32>
      %add3A_838 = arith.addi %add3A_837, %broadcast_in_dim3A_258 : vector<16xi32>
      %swap3A_839 = arith.index_cast %add3A_829 : i32 to index
      %swap3A_840 = tpu.vector_load %arg10[%swap3A_839] {strides = array<i32>} : memref<16384xi32, #tpu.memory_space<vmem>>, vector<16xi32>,
      %swap3A_841 = vector.shape_cast %swap3A_840 : vector<16xi32> to vector<16xi32>
      %swap3A_842 = vector.shape_cast %add3A_838 : vector<16xi32> to vector<16xi32>
      tpu.vector_store %arg10[%swap3A_839], %swap3A_842 {strides = array<i32>} : memref<16384xi32, #tpu.memory_space<vmem>>, vector<16xi32>,
      %shift_right_logical3A_843 = arith.shrui %select_n3A, %broadcast_in_dim3A_9 : vector<16xi32>
      %and3A_844 = arith.andi %shift_right_logical3A_843, %broadcast_in_dim3A_3 : vector<16xi32>
      %swap3A_845 = arith.index_cast %add3A_829 : i32 to index
      %swap3A_846 = tpu.vector_load %arg11[%swap3A_845] {strides = array<i32>} : memref<16384xi32, #tpu.memory_space<vmem>>, vector<16xi32>,
      %swap3A_847 = vector.shape_cast %swap3A_846 : vector<16xi32> to vector<16xi32>
      %swap3A_848 = vector.shape_cast %and3A_844 : vector<16xi32> to vector<16xi32>
      tpu.vector_store %arg11[%swap3A_845], %swap3A_848 {strides = array<i32>} : memref<16384xi32, #tpu.memory_space<vmem>>, vector<16xi32>,
    }
    %scan3A_264 = arith.constant 32 : i32
    %get3A_265 = arith.constant 16 : index
    %get3A_266 = tpu.vector_load %arg9[%get3A_265] {strides = array<i32>} : memref<32xi32, #tpu.memory_space<vmem>>, vector<16xi32>,
    %get3A_267 = vector.shape_cast %get3A_266 : vector<16xi32> to vector<16xi32>
    %add3A_268 = arith.constant 16 : i32
    %add3A_269 = arith.addi %mul3A_2, %add3A_268 : i32
    %broadcast_in_dim3A_270 = vector.broadcast %add3A_269 : i32 to vector<16xi32>
    %iota3A_271 = tpu.iota {dimensions = array<i32: 0>} : vector<16xi32>
    %add3A_272 = arith.addi %broadcast_in_dim3A_270, %iota3A_271 : vector<16xi32>
    %shift_left3A_273 = arith.shli %add3A_272, %broadcast_in_dim3A_7 : vector<16xi32>
    %and3A_274 = arith.andi %get3A_267, %broadcast_in_dim3A_19 : vector<16xi32>
    %shift_right_logical3A_275 = arith.shrui %get3A_267, %broadcast_in_dim3A_11 : vector<16xi32>
    %shift_left3A_276 = arith.shli %shift_right_logical3A_275, %broadcast_in_dim3A_5 : vector<16xi32>
    %shift_right_logical3A_277 = arith.shrui %and3A_274, %broadcast_in_dim3A_7 : vector<16xi32>
    %add3A_278 = arith.addi %shift_left3A_276, %shift_right_logical3A_277 : vector<16xi32>
    %shift_left3A_279 = arith.shli %add3A_278, %broadcast_in_dim3A_15 : vector<16xi32>
    %and3A_280 = arith.andi %and3A_274, %broadcast_in_dim3A_17 : vector<16xi32>
    %add3A_281 = arith.addi %shift_left3A_279, %and3A_280 : vector<16xi32>
    %add3A_282 = arith.addi %add3A_281, %shift_left3A_273 : vector<16xi32>
    %swap3A_283 = arith.constant 16 : index
    %swap3A_284 = tpu.vector_load %arg12[%swap3A_283] {strides = array<i32>} : memref<32xi32, #tpu.memory_space<vmem>>, vector<16xi32>,
    %swap3A_285 = vector.shape_cast %swap3A_284 : vector<16xi32> to vector<16xi32>
    %swap3A_286 = vector.shape_cast %add3A_282 : vector<16xi32> to vector<16xi32>
    tpu.vector_store %arg12[%swap3A_283], %swap3A_286 {strides = array<i32>} : memref<32xi32, #tpu.memory_space<vmem>>, vector<16xi32>,
    %shift_right_logical3A_287 = arith.shrui %get3A_267, %broadcast_in_dim3A_9 : vector<16xi32>
    %and3A_288 = arith.andi %shift_right_logical3A_287, %broadcast_in_dim3A_3 : vector<16xi32>
    %swap3A_289 = arith.constant 16 : index
    %swap3A_290 = tpu.vector_load %arg13[%swap3A_289] {strides = array<i32>} : memref<32xi32, #tpu.memory_space<vmem>>, vector<16xi32>,
    %swap3A_291 = vector.shape_cast %swap3A_290 : vector<16xi32> to vector<16xi32>
    %swap3A_292 = vector.shape_cast %and3A_288 : vector<16xi32> to vector<16xi32>
    tpu.vector_store %arg13[%swap3A_289], %swap3A_292 {strides = array<i32>} : memref<32xi32, #tpu.memory_space<vmem>>, vector<16xi32>,
    %slice3A_293 = vector.extract_strided_slice %get3A_267 {offsets = [0], sizes = [1], strides = [1]} : vector<16xi32> to vector<1xi32>
    %squeeze3A_294 = vector.extract %slice3A_293[0] : i32 from vector<1xi32>
    %broadcast_in_dim3A_295 = vector.broadcast %squeeze3A_294 : i32 to vector<16xi32>
    %add3A_296 = arith.constant 16 : i32
    %add3A_297 = arith.addi %mul3A_2, %add3A_296 : i32
    %shift_left3A_298 = arith.constant 7 : i32
    %shift_left3A_299 = arith.shli %add3A_297, %shift_left3A_298 : i32
    %broadcast_in_dim3A_300 = vector.broadcast %shift_left3A_299 : i32 to vector<16xi32>
    %scan3A_301 = arith.constant 0 : i32
    %scan3A_302 = arith.constant 0 : i32
    %scan3A_303 = arith.constant 32 : i32
    %scan3A_304 = arith.addi %scan3A_302, %scan3A_303 : i32
    %scan3A_305 = arith.constant 1 : i32
    scf.for %scan3A_817 = %scan3A_302 to %scan3A_304 step %scan3A_305  : i32 {
      %mul3A_818 = arith.constant 16 : i32
      %mul3A_819 = arith.muli %scan3A_817, %mul3A_818 : i32
      %get3A_820 = arith.constant 16 : i32
      %get3A_821 = arith.index_cast %get3A_820 : i32 to index
      %get3A_822 = arith.index_cast %mul3A_819 : i32 to index
      %get3A_823 = tpu.vector_load %arg8[%get3A_821, %get3A_822] {strides = array<i32>} : memref<32x512xi32, #tpu.memory_space<vmem>>, vector<1x16xi32>,
      %get3A_824 = vector.shape_cast %get3A_823 : vector<1x16xi32> to vector<16xi32>
      %ge3A = arith.cmpi sge, %get3A_824, %broadcast_in_dim3A_295 : vector<16xi32>
      %add3A_825 = arith.addi %get3A_824, %broadcast_in_dim3A_3 : vector<16xi32>
      %select_n3A = arith.select %ge3A, %add3A_825, %get3A_824 : vector<16xi1>, vector<16xi32>
      %mul3A_826 = arith.constant 16 : i32
      %mul3A_827 = arith.muli %scan3A_817, %mul3A_826 : i32
      %add3A_828 = arith.constant 8192 : i32
      %add3A_829 = arith.addi %add3A_828, %mul3A_827 : i32
      %and3A_830 = arith.andi %select_n3A, %broadcast_in_dim3A_19 : vector<16xi32>
      %shift_right_logical3A_831 = arith.shrui %select_n3A, %broadcast_in_dim3A_11 : vector<16xi32>
      %shift_left3A_832 = arith.shli %shift_right_logical3A_831, %broadcast_in_dim3A_5 : vector<16xi32>
      %shift_right_logical3A_833 = arith.shrui %and3A_830, %broadcast_in_dim3A_7 : vector<16xi32>
      %add3A_834 = arith.addi %shift_left3A_832, %shift_right_logical3A_833 : vector<16xi32>
      %shift_left3A_835 = arith.shli %add3A_834, %broadcast_in_dim3A_15 : vector<16xi32>
      %and3A_836 = arith.andi %and3A_830, %broadcast_in_dim3A_17 : vector<16xi32>
      %add3A_837 = arith.addi %shift_left3A_835, %and3A_836 : vector<16xi32>
      %add3A_838 = arith.addi %add3A_837, %broadcast_in_dim3A_300 : vector<16xi32>
      %swap3A_839 = arith.index_cast %add3A_829 : i32 to index
      %swap3A_840 = tpu.vector_load %arg10[%swap3A_839] {strides = array<i32>} : memref<16384xi32, #tpu.memory_space<vmem>>, vector<16xi32>,
      %swap3A_841 = vector.shape_cast %swap3A_840 : vector<16xi32> to vector<16xi32>
      %swap3A_842 = vector.shape_cast %add3A_838 : vector<16xi32> to vector<16xi32>
      tpu.vector_store %arg10[%swap3A_839], %swap3A_842 {strides = array<i32>} : memref<16384xi32, #tpu.memory_space<vmem>>, vector<16xi32>,
      %shift_right_logical3A_843 = arith.shrui %select_n3A, %broadcast_in_dim3A_9 : vector<16xi32>
      %and3A_844 = arith.andi %shift_right_logical3A_843, %broadcast_in_dim3A_3 : vector<16xi32>
      %swap3A_845 = arith.index_cast %add3A_829 : i32 to index
      %swap3A_846 = tpu.vector_load %arg11[%swap3A_845] {strides = array<i32>} : memref<16384xi32, #tpu.memory_space<vmem>>, vector<16xi32>,
      %swap3A_847 = vector.shape_cast %swap3A_846 : vector<16xi32> to vector<16xi32>
      %swap3A_848 = vector.shape_cast %and3A_844 : vector<16xi32> to vector<16xi32>
      tpu.vector_store %arg11[%swap3A_845], %swap3A_848 {strides = array<i32>} : memref<16384xi32, #tpu.memory_space<vmem>>, vector<16xi32>,
    }
    %scan3A_306 = arith.constant 32 : i32
    %slice3A_307 = vector.extract_strided_slice %get3A_267 {offsets = [1], sizes = [1], strides = [1]} : vector<16xi32> to vector<1xi32>
    %squeeze3A_308 = vector.extract %slice3A_307[0] : i32 from vector<1xi32>
    %broadcast_in_dim3A_309 = vector.broadcast %squeeze3A_308 : i32 to vector<16xi32>
    %add3A_310 = arith.constant 17 : i32
    %add3A_311 = arith.addi %mul3A_2, %add3A_310 : i32
    %shift_left3A_312 = arith.constant 7 : i32
    %shift_left3A_313 = arith.shli %add3A_311, %shift_left3A_312 : i32
    %broadcast_in_dim3A_314 = vector.broadcast %shift_left3A_313 : i32 to vector<16xi32>
    %scan3A_315 = arith.constant 0 : i32
    %scan3A_316 = arith.constant 0 : i32
    %scan3A_317 = arith.constant 32 : i32
    %scan3A_318 = arith.addi %scan3A_316, %scan3A_317 : i32
    %scan3A_319 = arith.constant 1 : i32
    scf.for %scan3A_817 = %scan3A_316 to %scan3A_318 step %scan3A_319  : i32 {
      %mul3A_818 = arith.constant 16 : i32
      %mul3A_819 = arith.muli %scan3A_817, %mul3A_818 : i32
      %get3A_820 = arith.constant 17 : i32
      %get3A_821 = arith.index_cast %get3A_820 : i32 to index
      %get3A_822 = arith.index_cast %mul3A_819 : i32 to index
      %get3A_823 = tpu.vector_load %arg8[%get3A_821, %get3A_822] {strides = array<i32>} : memref<32x512xi32, #tpu.memory_space<vmem>>, vector<1x16xi32>,
      %get3A_824 = vector.shape_cast %get3A_823 : vector<1x16xi32> to vector<16xi32>
      %ge3A = arith.cmpi sge, %get3A_824, %broadcast_in_dim3A_309 : vector<16xi32>
      %add3A_825 = arith.addi %get3A_824, %broadcast_in_dim3A_3 : vector<16xi32>
      %select_n3A = arith.select %ge3A, %add3A_825, %get3A_824 : vector<16xi1>, vector<16xi32>
      %mul3A_826 = arith.constant 16 : i32
      %mul3A_827 = arith.muli %scan3A_817, %mul3A_826 : i32
      %add3A_828 = arith.constant 8704 : i32
      %add3A_829 = arith.addi %add3A_828, %mul3A_827 : i32
      %and3A_830 = arith.andi %select_n3A, %broadcast_in_dim3A_19 : vector<16xi32>
      %shift_right_logical3A_831 = arith.shrui %select_n3A, %broadcast_in_dim3A_11 : vector<16xi32>
      %shift_left3A_832 = arith.shli %shift_right_logical3A_831, %broadcast_in_dim3A_5 : vector<16xi32>
      %shift_right_logical3A_833 = arith.shrui %and3A_830, %broadcast_in_dim3A_7 : vector<16xi32>
      %add3A_834 = arith.addi %shift_left3A_832, %shift_right_logical3A_833 : vector<16xi32>
      %shift_left3A_835 = arith.shli %add3A_834, %broadcast_in_dim3A_15 : vector<16xi32>
      %and3A_836 = arith.andi %and3A_830, %broadcast_in_dim3A_17 : vector<16xi32>
      %add3A_837 = arith.addi %shift_left3A_835, %and3A_836 : vector<16xi32>
      %add3A_838 = arith.addi %add3A_837, %broadcast_in_dim3A_314 : vector<16xi32>
      %swap3A_839 = arith.index_cast %add3A_829 : i32 to index
      %swap3A_840 = tpu.vector_load %arg10[%swap3A_839] {strides = array<i32>} : memref<16384xi32, #tpu.memory_space<vmem>>, vector<16xi32>,
      %swap3A_841 = vector.shape_cast %swap3A_840 : vector<16xi32> to vector<16xi32>
      %swap3A_842 = vector.shape_cast %add3A_838 : vector<16xi32> to vector<16xi32>
      tpu.vector_store %arg10[%swap3A_839], %swap3A_842 {strides = array<i32>} : memref<16384xi32, #tpu.memory_space<vmem>>, vector<16xi32>,
      %shift_right_logical3A_843 = arith.shrui %select_n3A, %broadcast_in_dim3A_9 : vector<16xi32>
      %and3A_844 = arith.andi %shift_right_logical3A_843, %broadcast_in_dim3A_3 : vector<16xi32>
      %swap3A_845 = arith.index_cast %add3A_829 : i32 to index
      %swap3A_846 = tpu.vector_load %arg11[%swap3A_845] {strides = array<i32>} : memref<16384xi32, #tpu.memory_space<vmem>>, vector<16xi32>,
      %swap3A_847 = vector.shape_cast %swap3A_846 : vector<16xi32> to vector<16xi32>
      %swap3A_848 = vector.shape_cast %and3A_844 : vector<16xi32> to vector<16xi32>
      tpu.vector_store %arg11[%swap3A_845], %swap3A_848 {strides = array<i32>} : memref<16384xi32, #tpu.memory_space<vmem>>, vector<16xi32>,
    }
    %scan3A_320 = arith.constant 32 : i32
    %slice3A_321 = vector.extract_strided_slice %get3A_267 {offsets = [2], sizes = [1], strides = [1]} : vector<16xi32> to vector<1xi32>
    %squeeze3A_322 = vector.extract %slice3A_321[0] : i32 from vector<1xi32>
    %broadcast_in_dim3A_323 = vector.broadcast %squeeze3A_322 : i32 to vector<16xi32>
    %add3A_324 = arith.constant 18 : i32
    %add3A_325 = arith.addi %mul3A_2, %add3A_324 : i32
    %shift_left3A_326 = arith.constant 7 : i32
    %shift_left3A_327 = arith.shli %add3A_325, %shift_left3A_326 : i32
    %broadcast_in_dim3A_328 = vector.broadcast %shift_left3A_327 : i32 to vector<16xi32>
    %scan3A_329 = arith.constant 0 : i32
    %scan3A_330 = arith.constant 0 : i32
    %scan3A_331 = arith.constant 32 : i32
    %scan3A_332 = arith.addi %scan3A_330, %scan3A_331 : i32
    %scan3A_333 = arith.constant 1 : i32
    scf.for %scan3A_817 = %scan3A_330 to %scan3A_332 step %scan3A_333  : i32 {
      %mul3A_818 = arith.constant 16 : i32
      %mul3A_819 = arith.muli %scan3A_817, %mul3A_818 : i32
      %get3A_820 = arith.constant 18 : i32
      %get3A_821 = arith.index_cast %get3A_820 : i32 to index
      %get3A_822 = arith.index_cast %mul3A_819 : i32 to index
      %get3A_823 = tpu.vector_load %arg8[%get3A_821, %get3A_822] {strides = array<i32>} : memref<32x512xi32, #tpu.memory_space<vmem>>, vector<1x16xi32>,
      %get3A_824 = vector.shape_cast %get3A_823 : vector<1x16xi32> to vector<16xi32>
      %ge3A = arith.cmpi sge, %get3A_824, %broadcast_in_dim3A_323 : vector<16xi32>
      %add3A_825 = arith.addi %get3A_824, %broadcast_in_dim3A_3 : vector<16xi32>
      %select_n3A = arith.select %ge3A, %add3A_825, %get3A_824 : vector<16xi1>, vector<16xi32>
      %mul3A_826 = arith.constant 16 : i32
      %mul3A_827 = arith.muli %scan3A_817, %mul3A_826 : i32
      %add3A_828 = arith.constant 9216 : i32
      %add3A_829 = arith.addi %add3A_828, %mul3A_827 : i32
      %and3A_830 = arith.andi %select_n3A, %broadcast_in_dim3A_19 : vector<16xi32>
      %shift_right_logical3A_831 = arith.shrui %select_n3A, %broadcast_in_dim3A_11 : vector<16xi32>
      %shift_left3A_832 = arith.shli %shift_right_logical3A_831, %broadcast_in_dim3A_5 : vector<16xi32>
      %shift_right_logical3A_833 = arith.shrui %and3A_830, %broadcast_in_dim3A_7 : vector<16xi32>
      %add3A_834 = arith.addi %shift_left3A_832, %shift_right_logical3A_833 : vector<16xi32>
      %shift_left3A_835 = arith.shli %add3A_834, %broadcast_in_dim3A_15 : vector<16xi32>
      %and3A_836 = arith.andi %and3A_830, %broadcast_in_dim3A_17 : vector<16xi32>
      %add3A_837 = arith.addi %shift_left3A_835, %and3A_836 : vector<16xi32>
      %add3A_838 = arith.addi %add3A_837, %broadcast_in_dim3A_328 : vector<16xi32>
      %swap3A_839 = arith.index_cast %add3A_829 : i32 to index
      %swap3A_840 = tpu.vector_load %arg10[%swap3A_839] {strides = array<i32>} : memref<16384xi32, #tpu.memory_space<vmem>>, vector<16xi32>,
      %swap3A_841 = vector.shape_cast %swap3A_840 : vector<16xi32> to vector<16xi32>
      %swap3A_842 = vector.shape_cast %add3A_838 : vector<16xi32> to vector<16xi32>
      tpu.vector_store %arg10[%swap3A_839], %swap3A_842 {strides = array<i32>} : memref<16384xi32, #tpu.memory_space<vmem>>, vector<16xi32>,
      %shift_right_logical3A_843 = arith.shrui %select_n3A, %broadcast_in_dim3A_9 : vector<16xi32>
      %and3A_844 = arith.andi %shift_right_logical3A_843, %broadcast_in_dim3A_3 : vector<16xi32>
      %swap3A_845 = arith.index_cast %add3A_829 : i32 to index
      %swap3A_846 = tpu.vector_load %arg11[%swap3A_845] {strides = array<i32>} : memref<16384xi32, #tpu.memory_space<vmem>>, vector<16xi32>,
      %swap3A_847 = vector.shape_cast %swap3A_846 : vector<16xi32> to vector<16xi32>
      %swap3A_848 = vector.shape_cast %and3A_844 : vector<16xi32> to vector<16xi32>
      tpu.vector_store %arg11[%swap3A_845], %swap3A_848 {strides = array<i32>} : memref<16384xi32, #tpu.memory_space<vmem>>, vector<16xi32>,
    }
    %scan3A_334 = arith.constant 32 : i32
    %slice3A_335 = vector.extract_strided_slice %get3A_267 {offsets = [3], sizes = [1], strides = [1]} : vector<16xi32> to vector<1xi32>
    %squeeze3A_336 = vector.extract %slice3A_335[0] : i32 from vector<1xi32>
    %broadcast_in_dim3A_337 = vector.broadcast %squeeze3A_336 : i32 to vector<16xi32>
    %add3A_338 = arith.constant 19 : i32
    %add3A_339 = arith.addi %mul3A_2, %add3A_338 : i32
    %shift_left3A_340 = arith.constant 7 : i32
    %shift_left3A_341 = arith.shli %add3A_339, %shift_left3A_340 : i32
    %broadcast_in_dim3A_342 = vector.broadcast %shift_left3A_341 : i32 to vector<16xi32>
    %scan3A_343 = arith.constant 0 : i32
    %scan3A_344 = arith.constant 0 : i32
    %scan3A_345 = arith.constant 32 : i32
    %scan3A_346 = arith.addi %scan3A_344, %scan3A_345 : i32
    %scan3A_347 = arith.constant 1 : i32
    scf.for %scan3A_817 = %scan3A_344 to %scan3A_346 step %scan3A_347  : i32 {
      %mul3A_818 = arith.constant 16 : i32
      %mul3A_819 = arith.muli %scan3A_817, %mul3A_818 : i32
      %get3A_820 = arith.constant 19 : i32
      %get3A_821 = arith.index_cast %get3A_820 : i32 to index
      %get3A_822 = arith.index_cast %mul3A_819 : i32 to index
      %get3A_823 = tpu.vector_load %arg8[%get3A_821, %get3A_822] {strides = array<i32>} : memref<32x512xi32, #tpu.memory_space<vmem>>, vector<1x16xi32>,
      %get3A_824 = vector.shape_cast %get3A_823 : vector<1x16xi32> to vector<16xi32>
      %ge3A = arith.cmpi sge, %get3A_824, %broadcast_in_dim3A_337 : vector<16xi32>
      %add3A_825 = arith.addi %get3A_824, %broadcast_in_dim3A_3 : vector<16xi32>
      %select_n3A = arith.select %ge3A, %add3A_825, %get3A_824 : vector<16xi1>, vector<16xi32>
      %mul3A_826 = arith.constant 16 : i32
      %mul3A_827 = arith.muli %scan3A_817, %mul3A_826 : i32
      %add3A_828 = arith.constant 9728 : i32
      %add3A_829 = arith.addi %add3A_828, %mul3A_827 : i32
      %and3A_830 = arith.andi %select_n3A, %broadcast_in_dim3A_19 : vector<16xi32>
      %shift_right_logical3A_831 = arith.shrui %select_n3A, %broadcast_in_dim3A_11 : vector<16xi32>
      %shift_left3A_832 = arith.shli %shift_right_logical3A_831, %broadcast_in_dim3A_5 : vector<16xi32>
      %shift_right_logical3A_833 = arith.shrui %and3A_830, %broadcast_in_dim3A_7 : vector<16xi32>
      %add3A_834 = arith.addi %shift_left3A_832, %shift_right_logical3A_833 : vector<16xi32>
      %shift_left3A_835 = arith.shli %add3A_834, %broadcast_in_dim3A_15 : vector<16xi32>
      %and3A_836 = arith.andi %and3A_830, %broadcast_in_dim3A_17 : vector<16xi32>
      %add3A_837 = arith.addi %shift_left3A_835, %and3A_836 : vector<16xi32>
      %add3A_838 = arith.addi %add3A_837, %broadcast_in_dim3A_342 : vector<16xi32>
      %swap3A_839 = arith.index_cast %add3A_829 : i32 to index
      %swap3A_840 = tpu.vector_load %arg10[%swap3A_839] {strides = array<i32>} : memref<16384xi32, #tpu.memory_space<vmem>>, vector<16xi32>,
      %swap3A_841 = vector.shape_cast %swap3A_840 : vector<16xi32> to vector<16xi32>
      %swap3A_842 = vector.shape_cast %add3A_838 : vector<16xi32> to vector<16xi32>
      tpu.vector_store %arg10[%swap3A_839], %swap3A_842 {strides = array<i32>} : memref<16384xi32, #tpu.memory_space<vmem>>, vector<16xi32>,
      %shift_right_logical3A_843 = arith.shrui %select_n3A, %broadcast_in_dim3A_9 : vector<16xi32>
      %and3A_844 = arith.andi %shift_right_logical3A_843, %broadcast_in_dim3A_3 : vector<16xi32>
      %swap3A_845 = arith.index_cast %add3A_829 : i32 to index
      %swap3A_846 = tpu.vector_load %arg11[%swap3A_845] {strides = array<i32>} : memref<16384xi32, #tpu.memory_space<vmem>>, vector<16xi32>,
      %swap3A_847 = vector.shape_cast %swap3A_846 : vector<16xi32> to vector<16xi32>
      %swap3A_848 = vector.shape_cast %and3A_844 : vector<16xi32> to vector<16xi32>
      tpu.vector_store %arg11[%swap3A_845], %swap3A_848 {strides = array<i32>} : memref<16384xi32, #tpu.memory_space<vmem>>, vector<16xi32>,
    }
    %scan3A_348 = arith.constant 32 : i32
    %slice3A_349 = vector.extract_strided_slice %get3A_267 {offsets = [4], sizes = [1], strides = [1]} : vector<16xi32> to vector<1xi32>
    %squeeze3A_350 = vector.extract %slice3A_349[0] : i32 from vector<1xi32>
    %broadcast_in_dim3A_351 = vector.broadcast %squeeze3A_350 : i32 to vector<16xi32>
    %add3A_352 = arith.constant 20 : i32
    %add3A_353 = arith.addi %mul3A_2, %add3A_352 : i32
    %shift_left3A_354 = arith.constant 7 : i32
    %shift_left3A_355 = arith.shli %add3A_353, %shift_left3A_354 : i32
    %broadcast_in_dim3A_356 = vector.broadcast %shift_left3A_355 : i32 to vector<16xi32>
    %scan3A_357 = arith.constant 0 : i32
    %scan3A_358 = arith.constant 0 : i32
    %scan3A_359 = arith.constant 32 : i32
    %scan3A_360 = arith.addi %scan3A_358, %scan3A_359 : i32
    %scan3A_361 = arith.constant 1 : i32
    scf.for %scan3A_817 = %scan3A_358 to %scan3A_360 step %scan3A_361  : i32 {
      %mul3A_818 = arith.constant 16 : i32
      %mul3A_819 = arith.muli %scan3A_817, %mul3A_818 : i32
      %get3A_820 = arith.constant 20 : i32
      %get3A_821 = arith.index_cast %get3A_820 : i32 to index
      %get3A_822 = arith.index_cast %mul3A_819 : i32 to index
      %get3A_823 = tpu.vector_load %arg8[%get3A_821, %get3A_822] {strides = array<i32>} : memref<32x512xi32, #tpu.memory_space<vmem>>, vector<1x16xi32>,
      %get3A_824 = vector.shape_cast %get3A_823 : vector<1x16xi32> to vector<16xi32>
      %ge3A = arith.cmpi sge, %get3A_824, %broadcast_in_dim3A_351 : vector<16xi32>
      %add3A_825 = arith.addi %get3A_824, %broadcast_in_dim3A_3 : vector<16xi32>
      %select_n3A = arith.select %ge3A, %add3A_825, %get3A_824 : vector<16xi1>, vector<16xi32>
      %mul3A_826 = arith.constant 16 : i32
      %mul3A_827 = arith.muli %scan3A_817, %mul3A_826 : i32
      %add3A_828 = arith.constant 10240 : i32
      %add3A_829 = arith.addi %add3A_828, %mul3A_827 : i32
      %and3A_830 = arith.andi %select_n3A, %broadcast_in_dim3A_19 : vector<16xi32>
      %shift_right_logical3A_831 = arith.shrui %select_n3A, %broadcast_in_dim3A_11 : vector<16xi32>
      %shift_left3A_832 = arith.shli %shift_right_logical3A_831, %broadcast_in_dim3A_5 : vector<16xi32>
      %shift_right_logical3A_833 = arith.shrui %and3A_830, %broadcast_in_dim3A_7 : vector<16xi32>
      %add3A_834 = arith.addi %shift_left3A_832, %shift_right_logical3A_833 : vector<16xi32>
      %shift_left3A_835 = arith.shli %add3A_834, %broadcast_in_dim3A_15 : vector<16xi32>
      %and3A_836 = arith.andi %and3A_830, %broadcast_in_dim3A_17 : vector<16xi32>
      %add3A_837 = arith.addi %shift_left3A_835, %and3A_836 : vector<16xi32>
      %add3A_838 = arith.addi %add3A_837, %broadcast_in_dim3A_356 : vector<16xi32>
      %swap3A_839 = arith.index_cast %add3A_829 : i32 to index
      %swap3A_840 = tpu.vector_load %arg10[%swap3A_839] {strides = array<i32>} : memref<16384xi32, #tpu.memory_space<vmem>>, vector<16xi32>,
      %swap3A_841 = vector.shape_cast %swap3A_840 : vector<16xi32> to vector<16xi32>
      %swap3A_842 = vector.shape_cast %add3A_838 : vector<16xi32> to vector<16xi32>
      tpu.vector_store %arg10[%swap3A_839], %swap3A_842 {strides = array<i32>} : memref<16384xi32, #tpu.memory_space<vmem>>, vector<16xi32>,
      %shift_right_logical3A_843 = arith.shrui %select_n3A, %broadcast_in_dim3A_9 : vector<16xi32>
      %and3A_844 = arith.andi %shift_right_logical3A_843, %broadcast_in_dim3A_3 : vector<16xi32>
      %swap3A_845 = arith.index_cast %add3A_829 : i32 to index
      %swap3A_846 = tpu.vector_load %arg11[%swap3A_845] {strides = array<i32>} : memref<16384xi32, #tpu.memory_space<vmem>>, vector<16xi32>,
      %swap3A_847 = vector.shape_cast %swap3A_846 : vector<16xi32> to vector<16xi32>
      %swap3A_848 = vector.shape_cast %and3A_844 : vector<16xi32> to vector<16xi32>
      tpu.vector_store %arg11[%swap3A_845], %swap3A_848 {strides = array<i32>} : memref<16384xi32, #tpu.memory_space<vmem>>, vector<16xi32>,
    }
    %scan3A_362 = arith.constant 32 : i32
    %slice3A_363 = vector.extract_strided_slice %get3A_267 {offsets = [5], sizes = [1], strides = [1]} : vector<16xi32> to vector<1xi32>
    %squeeze3A_364 = vector.extract %slice3A_363[0] : i32 from vector<1xi32>
    %broadcast_in_dim3A_365 = vector.broadcast %squeeze3A_364 : i32 to vector<16xi32>
    %add3A_366 = arith.constant 21 : i32
    %add3A_367 = arith.addi %mul3A_2, %add3A_366 : i32
    %shift_left3A_368 = arith.constant 7 : i32
    %shift_left3A_369 = arith.shli %add3A_367, %shift_left3A_368 : i32
    %broadcast_in_dim3A_370 = vector.broadcast %shift_left3A_369 : i32 to vector<16xi32>
    %scan3A_371 = arith.constant 0 : i32
    %scan3A_372 = arith.constant 0 : i32
    %scan3A_373 = arith.constant 32 : i32
    %scan3A_374 = arith.addi %scan3A_372, %scan3A_373 : i32
    %scan3A_375 = arith.constant 1 : i32
    scf.for %scan3A_817 = %scan3A_372 to %scan3A_374 step %scan3A_375  : i32 {
      %mul3A_818 = arith.constant 16 : i32
      %mul3A_819 = arith.muli %scan3A_817, %mul3A_818 : i32
      %get3A_820 = arith.constant 21 : i32
      %get3A_821 = arith.index_cast %get3A_820 : i32 to index
      %get3A_822 = arith.index_cast %mul3A_819 : i32 to index
      %get3A_823 = tpu.vector_load %arg8[%get3A_821, %get3A_822] {strides = array<i32>} : memref<32x512xi32, #tpu.memory_space<vmem>>, vector<1x16xi32>,
      %get3A_824 = vector.shape_cast %get3A_823 : vector<1x16xi32> to vector<16xi32>
      %ge3A = arith.cmpi sge, %get3A_824, %broadcast_in_dim3A_365 : vector<16xi32>
      %add3A_825 = arith.addi %get3A_824, %broadcast_in_dim3A_3 : vector<16xi32>
      %select_n3A = arith.select %ge3A, %add3A_825, %get3A_824 : vector<16xi1>, vector<16xi32>
      %mul3A_826 = arith.constant 16 : i32
      %mul3A_827 = arith.muli %scan3A_817, %mul3A_826 : i32
      %add3A_828 = arith.constant 10752 : i32
      %add3A_829 = arith.addi %add3A_828, %mul3A_827 : i32
      %and3A_830 = arith.andi %select_n3A, %broadcast_in_dim3A_19 : vector<16xi32>
      %shift_right_logical3A_831 = arith.shrui %select_n3A, %broadcast_in_dim3A_11 : vector<16xi32>
      %shift_left3A_832 = arith.shli %shift_right_logical3A_831, %broadcast_in_dim3A_5 : vector<16xi32>
      %shift_right_logical3A_833 = arith.shrui %and3A_830, %broadcast_in_dim3A_7 : vector<16xi32>
      %add3A_834 = arith.addi %shift_left3A_832, %shift_right_logical3A_833 : vector<16xi32>
      %shift_left3A_835 = arith.shli %add3A_834, %broadcast_in_dim3A_15 : vector<16xi32>
      %and3A_836 = arith.andi %and3A_830, %broadcast_in_dim3A_17 : vector<16xi32>
      %add3A_837 = arith.addi %shift_left3A_835, %and3A_836 : vector<16xi32>
      %add3A_838 = arith.addi %add3A_837, %broadcast_in_dim3A_370 : vector<16xi32>
      %swap3A_839 = arith.index_cast %add3A_829 : i32 to index
      %swap3A_840 = tpu.vector_load %arg10[%swap3A_839] {strides = array<i32>} : memref<16384xi32, #tpu.memory_space<vmem>>, vector<16xi32>,
      %swap3A_841 = vector.shape_cast %swap3A_840 : vector<16xi32> to vector<16xi32>
      %swap3A_842 = vector.shape_cast %add3A_838 : vector<16xi32> to vector<16xi32>
      tpu.vector_store %arg10[%swap3A_839], %swap3A_842 {strides = array<i32>} : memref<16384xi32, #tpu.memory_space<vmem>>, vector<16xi32>,
      %shift_right_logical3A_843 = arith.shrui %select_n3A, %broadcast_in_dim3A_9 : vector<16xi32>
      %and3A_844 = arith.andi %shift_right_logical3A_843, %broadcast_in_dim3A_3 : vector<16xi32>
      %swap3A_845 = arith.index_cast %add3A_829 : i32 to index
      %swap3A_846 = tpu.vector_load %arg11[%swap3A_845] {strides = array<i32>} : memref<16384xi32, #tpu.memory_space<vmem>>, vector<16xi32>,
      %swap3A_847 = vector.shape_cast %swap3A_846 : vector<16xi32> to vector<16xi32>
      %swap3A_848 = vector.shape_cast %and3A_844 : vector<16xi32> to vector<16xi32>
      tpu.vector_store %arg11[%swap3A_845], %swap3A_848 {strides = array<i32>} : memref<16384xi32, #tpu.memory_space<vmem>>, vector<16xi32>,
    }
    %scan3A_376 = arith.constant 32 : i32
    %slice3A_377 = vector.extract_strided_slice %get3A_267 {offsets = [6], sizes = [1], strides = [1]} : vector<16xi32> to vector<1xi32>
    %squeeze3A_378 = vector.extract %slice3A_377[0] : i32 from vector<1xi32>
    %broadcast_in_dim3A_379 = vector.broadcast %squeeze3A_378 : i32 to vector<16xi32>
    %add3A_380 = arith.constant 22 : i32
    %add3A_381 = arith.addi %mul3A_2, %add3A_380 : i32
    %shift_left3A_382 = arith.constant 7 : i32
    %shift_left3A_383 = arith.shli %add3A_381, %shift_left3A_382 : i32
    %broadcast_in_dim3A_384 = vector.broadcast %shift_left3A_383 : i32 to vector<16xi32>
    %scan3A_385 = arith.constant 0 : i32
    %scan3A_386 = arith.constant 0 : i32
    %scan3A_387 = arith.constant 32 : i32
    %scan3A_388 = arith.addi %scan3A_386, %scan3A_387 : i32
    %scan3A_389 = arith.constant 1 : i32
    scf.for %scan3A_817 = %scan3A_386 to %scan3A_388 step %scan3A_389  : i32 {
      %mul3A_818 = arith.constant 16 : i32
      %mul3A_819 = arith.muli %scan3A_817, %mul3A_818 : i32
      %get3A_820 = arith.constant 22 : i32
      %get3A_821 = arith.index_cast %get3A_820 : i32 to index
      %get3A_822 = arith.index_cast %mul3A_819 : i32 to index
      %get3A_823 = tpu.vector_load %arg8[%get3A_821, %get3A_822] {strides = array<i32>} : memref<32x512xi32, #tpu.memory_space<vmem>>, vector<1x16xi32>,
      %get3A_824 = vector.shape_cast %get3A_823 : vector<1x16xi32> to vector<16xi32>
      %ge3A = arith.cmpi sge, %get3A_824, %broadcast_in_dim3A_379 : vector<16xi32>
      %add3A_825 = arith.addi %get3A_824, %broadcast_in_dim3A_3 : vector<16xi32>
      %select_n3A = arith.select %ge3A, %add3A_825, %get3A_824 : vector<16xi1>, vector<16xi32>
      %mul3A_826 = arith.constant 16 : i32
      %mul3A_827 = arith.muli %scan3A_817, %mul3A_826 : i32
      %add3A_828 = arith.constant 11264 : i32
      %add3A_829 = arith.addi %add3A_828, %mul3A_827 : i32
      %and3A_830 = arith.andi %select_n3A, %broadcast_in_dim3A_19 : vector<16xi32>
      %shift_right_logical3A_831 = arith.shrui %select_n3A, %broadcast_in_dim3A_11 : vector<16xi32>
      %shift_left3A_832 = arith.shli %shift_right_logical3A_831, %broadcast_in_dim3A_5 : vector<16xi32>
      %shift_right_logical3A_833 = arith.shrui %and3A_830, %broadcast_in_dim3A_7 : vector<16xi32>
      %add3A_834 = arith.addi %shift_left3A_832, %shift_right_logical3A_833 : vector<16xi32>
      %shift_left3A_835 = arith.shli %add3A_834, %broadcast_in_dim3A_15 : vector<16xi32>
      %and3A_836 = arith.andi %and3A_830, %broadcast_in_dim3A_17 : vector<16xi32>
      %add3A_837 = arith.addi %shift_left3A_835, %and3A_836 : vector<16xi32>
      %add3A_838 = arith.addi %add3A_837, %broadcast_in_dim3A_384 : vector<16xi32>
      %swap3A_839 = arith.index_cast %add3A_829 : i32 to index
      %swap3A_840 = tpu.vector_load %arg10[%swap3A_839] {strides = array<i32>} : memref<16384xi32, #tpu.memory_space<vmem>>, vector<16xi32>,
      %swap3A_841 = vector.shape_cast %swap3A_840 : vector<16xi32> to vector<16xi32>
      %swap3A_842 = vector.shape_cast %add3A_838 : vector<16xi32> to vector<16xi32>
      tpu.vector_store %arg10[%swap3A_839], %swap3A_842 {strides = array<i32>} : memref<16384xi32, #tpu.memory_space<vmem>>, vector<16xi32>,
      %shift_right_logical3A_843 = arith.shrui %select_n3A, %broadcast_in_dim3A_9 : vector<16xi32>
      %and3A_844 = arith.andi %shift_right_logical3A_843, %broadcast_in_dim3A_3 : vector<16xi32>
      %swap3A_845 = arith.index_cast %add3A_829 : i32 to index
      %swap3A_846 = tpu.vector_load %arg11[%swap3A_845] {strides = array<i32>} : memref<16384xi32, #tpu.memory_space<vmem>>, vector<16xi32>,
      %swap3A_847 = vector.shape_cast %swap3A_846 : vector<16xi32> to vector<16xi32>
      %swap3A_848 = vector.shape_cast %and3A_844 : vector<16xi32> to vector<16xi32>
      tpu.vector_store %arg11[%swap3A_845], %swap3A_848 {strides = array<i32>} : memref<16384xi32, #tpu.memory_space<vmem>>, vector<16xi32>,
    }
    %scan3A_390 = arith.constant 32 : i32
    %slice3A_391 = vector.extract_strided_slice %get3A_267 {offsets = [7], sizes = [1], strides = [1]} : vector<16xi32> to vector<1xi32>
    %squeeze3A_392 = vector.extract %slice3A_391[0] : i32 from vector<1xi32>
    %broadcast_in_dim3A_393 = vector.broadcast %squeeze3A_392 : i32 to vector<16xi32>
    %add3A_394 = arith.constant 23 : i32
    %add3A_395 = arith.addi %mul3A_2, %add3A_394 : i32
    %shift_left3A_396 = arith.constant 7 : i32
    %shift_left3A_397 = arith.shli %add3A_395, %shift_left3A_396 : i32
    %broadcast_in_dim3A_398 = vector.broadcast %shift_left3A_397 : i32 to vector<16xi32>
    %scan3A_399 = arith.constant 0 : i32
    %scan3A_400 = arith.constant 0 : i32
    %scan3A_401 = arith.constant 32 : i32
    %scan3A_402 = arith.addi %scan3A_400, %scan3A_401 : i32
    %scan3A_403 = arith.constant 1 : i32
    scf.for %scan3A_817 = %scan3A_400 to %scan3A_402 step %scan3A_403  : i32 {
      %mul3A_818 = arith.constant 16 : i32
      %mul3A_819 = arith.muli %scan3A_817, %mul3A_818 : i32
      %get3A_820 = arith.constant 23 : i32
      %get3A_821 = arith.index_cast %get3A_820 : i32 to index
      %get3A_822 = arith.index_cast %mul3A_819 : i32 to index
      %get3A_823 = tpu.vector_load %arg8[%get3A_821, %get3A_822] {strides = array<i32>} : memref<32x512xi32, #tpu.memory_space<vmem>>, vector<1x16xi32>,
      %get3A_824 = vector.shape_cast %get3A_823 : vector<1x16xi32> to vector<16xi32>
      %ge3A = arith.cmpi sge, %get3A_824, %broadcast_in_dim3A_393 : vector<16xi32>
      %add3A_825 = arith.addi %get3A_824, %broadcast_in_dim3A_3 : vector<16xi32>
      %select_n3A = arith.select %ge3A, %add3A_825, %get3A_824 : vector<16xi1>, vector<16xi32>
      %mul3A_826 = arith.constant 16 : i32
      %mul3A_827 = arith.muli %scan3A_817, %mul3A_826 : i32
      %add3A_828 = arith.constant 11776 : i32
      %add3A_829 = arith.addi %add3A_828, %mul3A_827 : i32
      %and3A_830 = arith.andi %select_n3A, %broadcast_in_dim3A_19 : vector<16xi32>
      %shift_right_logical3A_831 = arith.shrui %select_n3A, %broadcast_in_dim3A_11 : vector<16xi32>
      %shift_left3A_832 = arith.shli %shift_right_logical3A_831, %broadcast_in_dim3A_5 : vector<16xi32>
      %shift_right_logical3A_833 = arith.shrui %and3A_830, %broadcast_in_dim3A_7 : vector<16xi32>
      %add3A_834 = arith.addi %shift_left3A_832, %shift_right_logical3A_833 : vector<16xi32>
      %shift_left3A_835 = arith.shli %add3A_834, %broadcast_in_dim3A_15 : vector<16xi32>
      %and3A_836 = arith.andi %and3A_830, %broadcast_in_dim3A_17 : vector<16xi32>
      %add3A_837 = arith.addi %shift_left3A_835, %and3A_836 : vector<16xi32>
      %add3A_838 = arith.addi %add3A_837, %broadcast_in_dim3A_398 : vector<16xi32>
      %swap3A_839 = arith.index_cast %add3A_829 : i32 to index
      %swap3A_840 = tpu.vector_load %arg10[%swap3A_839] {strides = array<i32>} : memref<16384xi32, #tpu.memory_space<vmem>>, vector<16xi32>,
      %swap3A_841 = vector.shape_cast %swap3A_840 : vector<16xi32> to vector<16xi32>
      %swap3A_842 = vector.shape_cast %add3A_838 : vector<16xi32> to vector<16xi32>
      tpu.vector_store %arg10[%swap3A_839], %swap3A_842 {strides = array<i32>} : memref<16384xi32, #tpu.memory_space<vmem>>, vector<16xi32>,
      %shift_right_logical3A_843 = arith.shrui %select_n3A, %broadcast_in_dim3A_9 : vector<16xi32>
      %and3A_844 = arith.andi %shift_right_logical3A_843, %broadcast_in_dim3A_3 : vector<16xi32>
      %swap3A_845 = arith.index_cast %add3A_829 : i32 to index
      %swap3A_846 = tpu.vector_load %arg11[%swap3A_845] {strides = array<i32>} : memref<16384xi32, #tpu.memory_space<vmem>>, vector<16xi32>,
      %swap3A_847 = vector.shape_cast %swap3A_846 : vector<16xi32> to vector<16xi32>
      %swap3A_848 = vector.shape_cast %and3A_844 : vector<16xi32> to vector<16xi32>
      tpu.vector_store %arg11[%swap3A_845], %swap3A_848 {strides = array<i32>} : memref<16384xi32, #tpu.memory_space<vmem>>, vector<16xi32>,
    }
    %scan3A_404 = arith.constant 32 : i32
    %slice3A_405 = vector.extract_strided_slice %get3A_267 {offsets = [8], sizes = [1], strides = [1]} : vector<16xi32> to vector<1xi32>
    %squeeze3A_406 = vector.extract %slice3A_405[0] : i32 from vector<1xi32>
    %broadcast_in_dim3A_407 = vector.broadcast %squeeze3A_406 : i32 to vector<16xi32>
    %add3A_408 = arith.constant 24 : i32
    %add3A_409 = arith.addi %mul3A_2, %add3A_408 : i32
    %shift_left3A_410 = arith.constant 7 : i32
    %shift_left3A_411 = arith.shli %add3A_409, %shift_left3A_410 : i32
    %broadcast_in_dim3A_412 = vector.broadcast %shift_left3A_411 : i32 to vector<16xi32>
    %scan3A_413 = arith.constant 0 : i32
    %scan3A_414 = arith.constant 0 : i32
    %scan3A_415 = arith.constant 32 : i32
    %scan3A_416 = arith.addi %scan3A_414, %scan3A_415 : i32
    %scan3A_417 = arith.constant 1 : i32
    scf.for %scan3A_817 = %scan3A_414 to %scan3A_416 step %scan3A_417  : i32 {
      %mul3A_818 = arith.constant 16 : i32
      %mul3A_819 = arith.muli %scan3A_817, %mul3A_818 : i32
      %get3A_820 = arith.constant 24 : i32
      %get3A_821 = arith.index_cast %get3A_820 : i32 to index
      %get3A_822 = arith.index_cast %mul3A_819 : i32 to index
      %get3A_823 = tpu.vector_load %arg8[%get3A_821, %get3A_822] {strides = array<i32>} : memref<32x512xi32, #tpu.memory_space<vmem>>, vector<1x16xi32>,
      %get3A_824 = vector.shape_cast %get3A_823 : vector<1x16xi32> to vector<16xi32>
      %ge3A = arith.cmpi sge, %get3A_824, %broadcast_in_dim3A_407 : vector<16xi32>
      %add3A_825 = arith.addi %get3A_824, %broadcast_in_dim3A_3 : vector<16xi32>
      %select_n3A = arith.select %ge3A, %add3A_825, %get3A_824 : vector<16xi1>, vector<16xi32>
      %mul3A_826 = arith.constant 16 : i32
      %mul3A_827 = arith.muli %scan3A_817, %mul3A_826 : i32
      %add3A_828 = arith.constant 12288 : i32
      %add3A_829 = arith.addi %add3A_828, %mul3A_827 : i32
      %and3A_830 = arith.andi %select_n3A, %broadcast_in_dim3A_19 : vector<16xi32>
      %shift_right_logical3A_831 = arith.shrui %select_n3A, %broadcast_in_dim3A_11 : vector<16xi32>
      %shift_left3A_832 = arith.shli %shift_right_logical3A_831, %broadcast_in_dim3A_5 : vector<16xi32>
      %shift_right_logical3A_833 = arith.shrui %and3A_830, %broadcast_in_dim3A_7 : vector<16xi32>
      %add3A_834 = arith.addi %shift_left3A_832, %shift_right_logical3A_833 : vector<16xi32>
      %shift_left3A_835 = arith.shli %add3A_834, %broadcast_in_dim3A_15 : vector<16xi32>
      %and3A_836 = arith.andi %and3A_830, %broadcast_in_dim3A_17 : vector<16xi32>
      %add3A_837 = arith.addi %shift_left3A_835, %and3A_836 : vector<16xi32>
      %add3A_838 = arith.addi %add3A_837, %broadcast_in_dim3A_412 : vector<16xi32>
      %swap3A_839 = arith.index_cast %add3A_829 : i32 to index
      %swap3A_840 = tpu.vector_load %arg10[%swap3A_839] {strides = array<i32>} : memref<16384xi32, #tpu.memory_space<vmem>>, vector<16xi32>,
      %swap3A_841 = vector.shape_cast %swap3A_840 : vector<16xi32> to vector<16xi32>
      %swap3A_842 = vector.shape_cast %add3A_838 : vector<16xi32> to vector<16xi32>
      tpu.vector_store %arg10[%swap3A_839], %swap3A_842 {strides = array<i32>} : memref<16384xi32, #tpu.memory_space<vmem>>, vector<16xi32>,
      %shift_right_logical3A_843 = arith.shrui %select_n3A, %broadcast_in_dim3A_9 : vector<16xi32>
      %and3A_844 = arith.andi %shift_right_logical3A_843, %broadcast_in_dim3A_3 : vector<16xi32>
      %swap3A_845 = arith.index_cast %add3A_829 : i32 to index
      %swap3A_846 = tpu.vector_load %arg11[%swap3A_845] {strides = array<i32>} : memref<16384xi32, #tpu.memory_space<vmem>>, vector<16xi32>,
      %swap3A_847 = vector.shape_cast %swap3A_846 : vector<16xi32> to vector<16xi32>
      %swap3A_848 = vector.shape_cast %and3A_844 : vector<16xi32> to vector<16xi32>
      tpu.vector_store %arg11[%swap3A_845], %swap3A_848 {strides = array<i32>} : memref<16384xi32, #tpu.memory_space<vmem>>, vector<16xi32>,
    }
    %scan3A_418 = arith.constant 32 : i32
    %slice3A_419 = vector.extract_strided_slice %get3A_267 {offsets = [9], sizes = [1], strides = [1]} : vector<16xi32> to vector<1xi32>
    %squeeze3A_420 = vector.extract %slice3A_419[0] : i32 from vector<1xi32>
    %broadcast_in_dim3A_421 = vector.broadcast %squeeze3A_420 : i32 to vector<16xi32>
    %add3A_422 = arith.constant 25 : i32
    %add3A_423 = arith.addi %mul3A_2, %add3A_422 : i32
    %shift_left3A_424 = arith.constant 7 : i32
    %shift_left3A_425 = arith.shli %add3A_423, %shift_left3A_424 : i32
    %broadcast_in_dim3A_426 = vector.broadcast %shift_left3A_425 : i32 to vector<16xi32>
    %scan3A_427 = arith.constant 0 : i32
    %scan3A_428 = arith.constant 0 : i32
    %scan3A_429 = arith.constant 32 : i32
    %scan3A_430 = arith.addi %scan3A_428, %scan3A_429 : i32
    %scan3A_431 = arith.constant 1 : i32
    scf.for %scan3A_817 = %scan3A_428 to %scan3A_430 step %scan3A_431  : i32 {
      %mul3A_818 = arith.constant 16 : i32
      %mul3A_819 = arith.muli %scan3A_817, %mul3A_818 : i32
      %get3A_820 = arith.constant 25 : i32
      %get3A_821 = arith.index_cast %get3A_820 : i32 to index
      %get3A_822 = arith.index_cast %mul3A_819 : i32 to index
      %get3A_823 = tpu.vector_load %arg8[%get3A_821, %get3A_822] {strides = array<i32>} : memref<32x512xi32, #tpu.memory_space<vmem>>, vector<1x16xi32>,
      %get3A_824 = vector.shape_cast %get3A_823 : vector<1x16xi32> to vector<16xi32>
      %ge3A = arith.cmpi sge, %get3A_824, %broadcast_in_dim3A_421 : vector<16xi32>
      %add3A_825 = arith.addi %get3A_824, %broadcast_in_dim3A_3 : vector<16xi32>
      %select_n3A = arith.select %ge3A, %add3A_825, %get3A_824 : vector<16xi1>, vector<16xi32>
      %mul3A_826 = arith.constant 16 : i32
      %mul3A_827 = arith.muli %scan3A_817, %mul3A_826 : i32
      %add3A_828 = arith.constant 12800 : i32
      %add3A_829 = arith.addi %add3A_828, %mul3A_827 : i32
      %and3A_830 = arith.andi %select_n3A, %broadcast_in_dim3A_19 : vector<16xi32>
      %shift_right_logical3A_831 = arith.shrui %select_n3A, %broadcast_in_dim3A_11 : vector<16xi32>
      %shift_left3A_832 = arith.shli %shift_right_logical3A_831, %broadcast_in_dim3A_5 : vector<16xi32>
      %shift_right_logical3A_833 = arith.shrui %and3A_830, %broadcast_in_dim3A_7 : vector<16xi32>
      %add3A_834 = arith.addi %shift_left3A_832, %shift_right_logical3A_833 : vector<16xi32>
      %shift_left3A_835 = arith.shli %add3A_834, %broadcast_in_dim3A_15 : vector<16xi32>
      %and3A_836 = arith.andi %and3A_830, %broadcast_in_dim3A_17 : vector<16xi32>
      %add3A_837 = arith.addi %shift_left3A_835, %and3A_836 : vector<16xi32>
      %add3A_838 = arith.addi %add3A_837, %broadcast_in_dim3A_426 : vector<16xi32>
      %swap3A_839 = arith.index_cast %add3A_829 : i32 to index
      %swap3A_840 = tpu.vector_load %arg10[%swap3A_839] {strides = array<i32>} : memref<16384xi32, #tpu.memory_space<vmem>>, vector<16xi32>,
      %swap3A_841 = vector.shape_cast %swap3A_840 : vector<16xi32> to vector<16xi32>
      %swap3A_842 = vector.shape_cast %add3A_838 : vector<16xi32> to vector<16xi32>
      tpu.vector_store %arg10[%swap3A_839], %swap3A_842 {strides = array<i32>} : memref<16384xi32, #tpu.memory_space<vmem>>, vector<16xi32>,
      %shift_right_logical3A_843 = arith.shrui %select_n3A, %broadcast_in_dim3A_9 : vector<16xi32>
      %and3A_844 = arith.andi %shift_right_logical3A_843, %broadcast_in_dim3A_3 : vector<16xi32>
      %swap3A_845 = arith.index_cast %add3A_829 : i32 to index
      %swap3A_846 = tpu.vector_load %arg11[%swap3A_845] {strides = array<i32>} : memref<16384xi32, #tpu.memory_space<vmem>>, vector<16xi32>,
      %swap3A_847 = vector.shape_cast %swap3A_846 : vector<16xi32> to vector<16xi32>
      %swap3A_848 = vector.shape_cast %and3A_844 : vector<16xi32> to vector<16xi32>
      tpu.vector_store %arg11[%swap3A_845], %swap3A_848 {strides = array<i32>} : memref<16384xi32, #tpu.memory_space<vmem>>, vector<16xi32>,
    }
    %scan3A_432 = arith.constant 32 : i32
    %slice3A_433 = vector.extract_strided_slice %get3A_267 {offsets = [10], sizes = [1], strides = [1]} : vector<16xi32> to vector<1xi32>
    %squeeze3A_434 = vector.extract %slice3A_433[0] : i32 from vector<1xi32>
    %broadcast_in_dim3A_435 = vector.broadcast %squeeze3A_434 : i32 to vector<16xi32>
    %add3A_436 = arith.constant 26 : i32
    %add3A_437 = arith.addi %mul3A_2, %add3A_436 : i32
    %shift_left3A_438 = arith.constant 7 : i32
    %shift_left3A_439 = arith.shli %add3A_437, %shift_left3A_438 : i32
    %broadcast_in_dim3A_440 = vector.broadcast %shift_left3A_439 : i32 to vector<16xi32>
    %scan3A_441 = arith.constant 0 : i32
    %scan3A_442 = arith.constant 0 : i32
    %scan3A_443 = arith.constant 32 : i32
    %scan3A_444 = arith.addi %scan3A_442, %scan3A_443 : i32
    %scan3A_445 = arith.constant 1 : i32
    scf.for %scan3A_817 = %scan3A_442 to %scan3A_444 step %scan3A_445  : i32 {
      %mul3A_818 = arith.constant 16 : i32
      %mul3A_819 = arith.muli %scan3A_817, %mul3A_818 : i32
      %get3A_820 = arith.constant 26 : i32
      %get3A_821 = arith.index_cast %get3A_820 : i32 to index
      %get3A_822 = arith.index_cast %mul3A_819 : i32 to index
      %get3A_823 = tpu.vector_load %arg8[%get3A_821, %get3A_822] {strides = array<i32>} : memref<32x512xi32, #tpu.memory_space<vmem>>, vector<1x16xi32>,
      %get3A_824 = vector.shape_cast %get3A_823 : vector<1x16xi32> to vector<16xi32>
      %ge3A = arith.cmpi sge, %get3A_824, %broadcast_in_dim3A_435 : vector<16xi32>
      %add3A_825 = arith.addi %get3A_824, %broadcast_in_dim3A_3 : vector<16xi32>
      %select_n3A = arith.select %ge3A, %add3A_825, %get3A_824 : vector<16xi1>, vector<16xi32>
      %mul3A_826 = arith.constant 16 : i32
      %mul3A_827 = arith.muli %scan3A_817, %mul3A_826 : i32
      %add3A_828 = arith.constant 13312 : i32
      %add3A_829 = arith.addi %add3A_828, %mul3A_827 : i32
      %and3A_830 = arith.andi %select_n3A, %broadcast_in_dim3A_19 : vector<16xi32>
      %shift_right_logical3A_831 = arith.shrui %select_n3A, %broadcast_in_dim3A_11 : vector<16xi32>
      %shift_left3A_832 = arith.shli %shift_right_logical3A_831, %broadcast_in_dim3A_5 : vector<16xi32>
      %shift_right_logical3A_833 = arith.shrui %and3A_830, %broadcast_in_dim3A_7 : vector<16xi32>
      %add3A_834 = arith.addi %shift_left3A_832, %shift_right_logical3A_833 : vector<16xi32>
      %shift_left3A_835 = arith.shli %add3A_834, %broadcast_in_dim3A_15 : vector<16xi32>
      %and3A_836 = arith.andi %and3A_830, %broadcast_in_dim3A_17 : vector<16xi32>
      %add3A_837 = arith.addi %shift_left3A_835, %and3A_836 : vector<16xi32>
      %add3A_838 = arith.addi %add3A_837, %broadcast_in_dim3A_440 : vector<16xi32>
      %swap3A_839 = arith.index_cast %add3A_829 : i32 to index
      %swap3A_840 = tpu.vector_load %arg10[%swap3A_839] {strides = array<i32>} : memref<16384xi32, #tpu.memory_space<vmem>>, vector<16xi32>,
      %swap3A_841 = vector.shape_cast %swap3A_840 : vector<16xi32> to vector<16xi32>
      %swap3A_842 = vector.shape_cast %add3A_838 : vector<16xi32> to vector<16xi32>
      tpu.vector_store %arg10[%swap3A_839], %swap3A_842 {strides = array<i32>} : memref<16384xi32, #tpu.memory_space<vmem>>, vector<16xi32>,
      %shift_right_logical3A_843 = arith.shrui %select_n3A, %broadcast_in_dim3A_9 : vector<16xi32>
      %and3A_844 = arith.andi %shift_right_logical3A_843, %broadcast_in_dim3A_3 : vector<16xi32>
      %swap3A_845 = arith.index_cast %add3A_829 : i32 to index
      %swap3A_846 = tpu.vector_load %arg11[%swap3A_845] {strides = array<i32>} : memref<16384xi32, #tpu.memory_space<vmem>>, vector<16xi32>,
      %swap3A_847 = vector.shape_cast %swap3A_846 : vector<16xi32> to vector<16xi32>
      %swap3A_848 = vector.shape_cast %and3A_844 : vector<16xi32> to vector<16xi32>
      tpu.vector_store %arg11[%swap3A_845], %swap3A_848 {strides = array<i32>} : memref<16384xi32, #tpu.memory_space<vmem>>, vector<16xi32>,
    }
    %scan3A_446 = arith.constant 32 : i32
    %slice3A_447 = vector.extract_strided_slice %get3A_267 {offsets = [11], sizes = [1], strides = [1]} : vector<16xi32> to vector<1xi32>
    %squeeze3A_448 = vector.extract %slice3A_447[0] : i32 from vector<1xi32>
    %broadcast_in_dim3A_449 = vector.broadcast %squeeze3A_448 : i32 to vector<16xi32>
    %add3A_450 = arith.constant 27 : i32
    %add3A_451 = arith.addi %mul3A_2, %add3A_450 : i32
    %shift_left3A_452 = arith.constant 7 : i32
    %shift_left3A_453 = arith.shli %add3A_451, %shift_left3A_452 : i32
    %broadcast_in_dim3A_454 = vector.broadcast %shift_left3A_453 : i32 to vector<16xi32>
    %scan3A_455 = arith.constant 0 : i32
    %scan3A_456 = arith.constant 0 : i32
    %scan3A_457 = arith.constant 32 : i32
    %scan3A_458 = arith.addi %scan3A_456, %scan3A_457 : i32
    %scan3A_459 = arith.constant 1 : i32
    scf.for %scan3A_817 = %scan3A_456 to %scan3A_458 step %scan3A_459  : i32 {
      %mul3A_818 = arith.constant 16 : i32
      %mul3A_819 = arith.muli %scan3A_817, %mul3A_818 : i32
      %get3A_820 = arith.constant 27 : i32
      %get3A_821 = arith.index_cast %get3A_820 : i32 to index
      %get3A_822 = arith.index_cast %mul3A_819 : i32 to index
      %get3A_823 = tpu.vector_load %arg8[%get3A_821, %get3A_822] {strides = array<i32>} : memref<32x512xi32, #tpu.memory_space<vmem>>, vector<1x16xi32>,
      %get3A_824 = vector.shape_cast %get3A_823 : vector<1x16xi32> to vector<16xi32>
      %ge3A = arith.cmpi sge, %get3A_824, %broadcast_in_dim3A_449 : vector<16xi32>
      %add3A_825 = arith.addi %get3A_824, %broadcast_in_dim3A_3 : vector<16xi32>
      %select_n3A = arith.select %ge3A, %add3A_825, %get3A_824 : vector<16xi1>, vector<16xi32>
      %mul3A_826 = arith.constant 16 : i32
      %mul3A_827 = arith.muli %scan3A_817, %mul3A_826 : i32
      %add3A_828 = arith.constant 13824 : i32
      %add3A_829 = arith.addi %add3A_828, %mul3A_827 : i32
      %and3A_830 = arith.andi %select_n3A, %broadcast_in_dim3A_19 : vector<16xi32>
      %shift_right_logical3A_831 = arith.shrui %select_n3A, %broadcast_in_dim3A_11 : vector<16xi32>
      %shift_left3A_832 = arith.shli %shift_right_logical3A_831, %broadcast_in_dim3A_5 : vector<16xi32>
      %shift_right_logical3A_833 = arith.shrui %and3A_830, %broadcast_in_dim3A_7 : vector<16xi32>
      %add3A_834 = arith.addi %shift_left3A_832, %shift_right_logical3A_833 : vector<16xi32>
      %shift_left3A_835 = arith.shli %add3A_834, %broadcast_in_dim3A_15 : vector<16xi32>
      %and3A_836 = arith.andi %and3A_830, %broadcast_in_dim3A_17 : vector<16xi32>
      %add3A_837 = arith.addi %shift_left3A_835, %and3A_836 : vector<16xi32>
      %add3A_838 = arith.addi %add3A_837, %broadcast_in_dim3A_454 : vector<16xi32>
      %swap3A_839 = arith.index_cast %add3A_829 : i32 to index
      %swap3A_840 = tpu.vector_load %arg10[%swap3A_839] {strides = array<i32>} : memref<16384xi32, #tpu.memory_space<vmem>>, vector<16xi32>,
      %swap3A_841 = vector.shape_cast %swap3A_840 : vector<16xi32> to vector<16xi32>
      %swap3A_842 = vector.shape_cast %add3A_838 : vector<16xi32> to vector<16xi32>
      tpu.vector_store %arg10[%swap3A_839], %swap3A_842 {strides = array<i32>} : memref<16384xi32, #tpu.memory_space<vmem>>, vector<16xi32>,
      %shift_right_logical3A_843 = arith.shrui %select_n3A, %broadcast_in_dim3A_9 : vector<16xi32>
      %and3A_844 = arith.andi %shift_right_logical3A_843, %broadcast_in_dim3A_3 : vector<16xi32>
      %swap3A_845 = arith.index_cast %add3A_829 : i32 to index
      %swap3A_846 = tpu.vector_load %arg11[%swap3A_845] {strides = array<i32>} : memref<16384xi32, #tpu.memory_space<vmem>>, vector<16xi32>,
      %swap3A_847 = vector.shape_cast %swap3A_846 : vector<16xi32> to vector<16xi32>
      %swap3A_848 = vector.shape_cast %and3A_844 : vector<16xi32> to vector<16xi32>
      tpu.vector_store %arg11[%swap3A_845], %swap3A_848 {strides = array<i32>} : memref<16384xi32, #tpu.memory_space<vmem>>, vector<16xi32>,
    }
    %scan3A_460 = arith.constant 32 : i32
    %slice3A_461 = vector.extract_strided_slice %get3A_267 {offsets = [12], sizes = [1], strides = [1]} : vector<16xi32> to vector<1xi32>
    %squeeze3A_462 = vector.extract %slice3A_461[0] : i32 from vector<1xi32>
    %broadcast_in_dim3A_463 = vector.broadcast %squeeze3A_462 : i32 to vector<16xi32>
    %add3A_464 = arith.constant 28 : i32
    %add3A_465 = arith.addi %mul3A_2, %add3A_464 : i32
    %shift_left3A_466 = arith.constant 7 : i32
    %shift_left3A_467 = arith.shli %add3A_465, %shift_left3A_466 : i32
    %broadcast_in_dim3A_468 = vector.broadcast %shift_left3A_467 : i32 to vector<16xi32>
    %scan3A_469 = arith.constant 0 : i32
    %scan3A_470 = arith.constant 0 : i32
    %scan3A_471 = arith.constant 32 : i32
    %scan3A_472 = arith.addi %scan3A_470, %scan3A_471 : i32
    %scan3A_473 = arith.constant 1 : i32
    scf.for %scan3A_817 = %scan3A_470 to %scan3A_472 step %scan3A_473  : i32 {
      %mul3A_818 = arith.constant 16 : i32
      %mul3A_819 = arith.muli %scan3A_817, %mul3A_818 : i32
      %get3A_820 = arith.constant 28 : i32
      %get3A_821 = arith.index_cast %get3A_820 : i32 to index
      %get3A_822 = arith.index_cast %mul3A_819 : i32 to index
      %get3A_823 = tpu.vector_load %arg8[%get3A_821, %get3A_822] {strides = array<i32>} : memref<32x512xi32, #tpu.memory_space<vmem>>, vector<1x16xi32>,
      %get3A_824 = vector.shape_cast %get3A_823 : vector<1x16xi32> to vector<16xi32>
      %ge3A = arith.cmpi sge, %get3A_824, %broadcast_in_dim3A_463 : vector<16xi32>
      %add3A_825 = arith.addi %get3A_824, %broadcast_in_dim3A_3 : vector<16xi32>
      %select_n3A = arith.select %ge3A, %add3A_825, %get3A_824 : vector<16xi1>, vector<16xi32>
      %mul3A_826 = arith.constant 16 : i32
      %mul3A_827 = arith.muli %scan3A_817, %mul3A_826 : i32
      %add3A_828 = arith.constant 14336 : i32
      %add3A_829 = arith.addi %add3A_828, %mul3A_827 : i32
      %and3A_830 = arith.andi %select_n3A, %broadcast_in_dim3A_19 : vector<16xi32>
      %shift_right_logical3A_831 = arith.shrui %select_n3A, %broadcast_in_dim3A_11 : vector<16xi32>
      %shift_left3A_832 = arith.shli %shift_right_logical3A_831, %broadcast_in_dim3A_5 : vector<16xi32>
      %shift_right_logical3A_833 = arith.shrui %and3A_830, %broadcast_in_dim3A_7 : vector<16xi32>
      %add3A_834 = arith.addi %shift_left3A_832, %shift_right_logical3A_833 : vector<16xi32>
      %shift_left3A_835 = arith.shli %add3A_834, %broadcast_in_dim3A_15 : vector<16xi32>
      %and3A_836 = arith.andi %and3A_830, %broadcast_in_dim3A_17 : vector<16xi32>
      %add3A_837 = arith.addi %shift_left3A_835, %and3A_836 : vector<16xi32>
      %add3A_838 = arith.addi %add3A_837, %broadcast_in_dim3A_468 : vector<16xi32>
      %swap3A_839 = arith.index_cast %add3A_829 : i32 to index
      %swap3A_840 = tpu.vector_load %arg10[%swap3A_839] {strides = array<i32>} : memref<16384xi32, #tpu.memory_space<vmem>>, vector<16xi32>,
      %swap3A_841 = vector.shape_cast %swap3A_840 : vector<16xi32> to vector<16xi32>
      %swap3A_842 = vector.shape_cast %add3A_838 : vector<16xi32> to vector<16xi32>
      tpu.vector_store %arg10[%swap3A_839], %swap3A_842 {strides = array<i32>} : memref<16384xi32, #tpu.memory_space<vmem>>, vector<16xi32>,
      %shift_right_logical3A_843 = arith.shrui %select_n3A, %broadcast_in_dim3A_9 : vector<16xi32>
      %and3A_844 = arith.andi %shift_right_logical3A_843, %broadcast_in_dim3A_3 : vector<16xi32>
      %swap3A_845 = arith.index_cast %add3A_829 : i32 to index
      %swap3A_846 = tpu.vector_load %arg11[%swap3A_845] {strides = array<i32>} : memref<16384xi32, #tpu.memory_space<vmem>>, vector<16xi32>,
      %swap3A_847 = vector.shape_cast %swap3A_846 : vector<16xi32> to vector<16xi32>
      %swap3A_848 = vector.shape_cast %and3A_844 : vector<16xi32> to vector<16xi32>
      tpu.vector_store %arg11[%swap3A_845], %swap3A_848 {strides = array<i32>} : memref<16384xi32, #tpu.memory_space<vmem>>, vector<16xi32>,
    }
    %scan3A_474 = arith.constant 32 : i32
    %slice3A_475 = vector.extract_strided_slice %get3A_267 {offsets = [13], sizes = [1], strides = [1]} : vector<16xi32> to vector<1xi32>
    %squeeze3A_476 = vector.extract %slice3A_475[0] : i32 from vector<1xi32>
    %broadcast_in_dim3A_477 = vector.broadcast %squeeze3A_476 : i32 to vector<16xi32>
    %add3A_478 = arith.constant 29 : i32
    %add3A_479 = arith.addi %mul3A_2, %add3A_478 : i32
    %shift_left3A_480 = arith.constant 7 : i32
    %shift_left3A_481 = arith.shli %add3A_479, %shift_left3A_480 : i32
    %broadcast_in_dim3A_482 = vector.broadcast %shift_left3A_481 : i32 to vector<16xi32>
    %scan3A_483 = arith.constant 0 : i32
    %scan3A_484 = arith.constant 0 : i32
    %scan3A_485 = arith.constant 32 : i32
    %scan3A_486 = arith.addi %scan3A_484, %scan3A_485 : i32
    %scan3A_487 = arith.constant 1 : i32
    scf.for %scan3A_817 = %scan3A_484 to %scan3A_486 step %scan3A_487  : i32 {
      %mul3A_818 = arith.constant 16 : i32
      %mul3A_819 = arith.muli %scan3A_817, %mul3A_818 : i32
      %get3A_820 = arith.constant 29 : i32
      %get3A_821 = arith.index_cast %get3A_820 : i32 to index
      %get3A_822 = arith.index_cast %mul3A_819 : i32 to index
      %get3A_823 = tpu.vector_load %arg8[%get3A_821, %get3A_822] {strides = array<i32>} : memref<32x512xi32, #tpu.memory_space<vmem>>, vector<1x16xi32>,
      %get3A_824 = vector.shape_cast %get3A_823 : vector<1x16xi32> to vector<16xi32>
      %ge3A = arith.cmpi sge, %get3A_824, %broadcast_in_dim3A_477 : vector<16xi32>
      %add3A_825 = arith.addi %get3A_824, %broadcast_in_dim3A_3 : vector<16xi32>
      %select_n3A = arith.select %ge3A, %add3A_825, %get3A_824 : vector<16xi1>, vector<16xi32>
      %mul3A_826 = arith.constant 16 : i32
      %mul3A_827 = arith.muli %scan3A_817, %mul3A_826 : i32
      %add3A_828 = arith.constant 14848 : i32
      %add3A_829 = arith.addi %add3A_828, %mul3A_827 : i32
      %and3A_830 = arith.andi %select_n3A, %broadcast_in_dim3A_19 : vector<16xi32>
      %shift_right_logical3A_831 = arith.shrui %select_n3A, %broadcast_in_dim3A_11 : vector<16xi32>
      %shift_left3A_832 = arith.shli %shift_right_logical3A_831, %broadcast_in_dim3A_5 : vector<16xi32>
      %shift_right_logical3A_833 = arith.shrui %and3A_830, %broadcast_in_dim3A_7 : vector<16xi32>
      %add3A_834 = arith.addi %shift_left3A_832, %shift_right_logical3A_833 : vector<16xi32>
      %shift_left3A_835 = arith.shli %add3A_834, %broadcast_in_dim3A_15 : vector<16xi32>
      %and3A_836 = arith.andi %and3A_830, %broadcast_in_dim3A_17 : vector<16xi32>
      %add3A_837 = arith.addi %shift_left3A_835, %and3A_836 : vector<16xi32>
      %add3A_838 = arith.addi %add3A_837, %broadcast_in_dim3A_482 : vector<16xi32>
      %swap3A_839 = arith.index_cast %add3A_829 : i32 to index
      %swap3A_840 = tpu.vector_load %arg10[%swap3A_839] {strides = array<i32>} : memref<16384xi32, #tpu.memory_space<vmem>>, vector<16xi32>,
      %swap3A_841 = vector.shape_cast %swap3A_840 : vector<16xi32> to vector<16xi32>
      %swap3A_842 = vector.shape_cast %add3A_838 : vector<16xi32> to vector<16xi32>
      tpu.vector_store %arg10[%swap3A_839], %swap3A_842 {strides = array<i32>} : memref<16384xi32, #tpu.memory_space<vmem>>, vector<16xi32>,
      %shift_right_logical3A_843 = arith.shrui %select_n3A, %broadcast_in_dim3A_9 : vector<16xi32>
      %and3A_844 = arith.andi %shift_right_logical3A_843, %broadcast_in_dim3A_3 : vector<16xi32>
      %swap3A_845 = arith.index_cast %add3A_829 : i32 to index
      %swap3A_846 = tpu.vector_load %arg11[%swap3A_845] {strides = array<i32>} : memref<16384xi32, #tpu.memory_space<vmem>>, vector<16xi32>,
      %swap3A_847 = vector.shape_cast %swap3A_846 : vector<16xi32> to vector<16xi32>
      %swap3A_848 = vector.shape_cast %and3A_844 : vector<16xi32> to vector<16xi32>
      tpu.vector_store %arg11[%swap3A_845], %swap3A_848 {strides = array<i32>} : memref<16384xi32, #tpu.memory_space<vmem>>, vector<16xi32>,
    }
    %scan3A_488 = arith.constant 32 : i32
    %slice3A_489 = vector.extract_strided_slice %get3A_267 {offsets = [14], sizes = [1], strides = [1]} : vector<16xi32> to vector<1xi32>
    %squeeze3A_490 = vector.extract %slice3A_489[0] : i32 from vector<1xi32>
    %broadcast_in_dim3A_491 = vector.broadcast %squeeze3A_490 : i32 to vector<16xi32>
    %add3A_492 = arith.constant 30 : i32
    %add3A_493 = arith.addi %mul3A_2, %add3A_492 : i32
    %shift_left3A_494 = arith.constant 7 : i32
    %shift_left3A_495 = arith.shli %add3A_493, %shift_left3A_494 : i32
    %broadcast_in_dim3A_496 = vector.broadcast %shift_left3A_495 : i32 to vector<16xi32>
    %scan3A_497 = arith.constant 0 : i32
    %scan3A_498 = arith.constant 0 : i32
    %scan3A_499 = arith.constant 32 : i32
    %scan3A_500 = arith.addi %scan3A_498, %scan3A_499 : i32
    %scan3A_501 = arith.constant 1 : i32
    scf.for %scan3A_817 = %scan3A_498 to %scan3A_500 step %scan3A_501  : i32 {
      %mul3A_818 = arith.constant 16 : i32
      %mul3A_819 = arith.muli %scan3A_817, %mul3A_818 : i32
      %get3A_820 = arith.constant 30 : i32
      %get3A_821 = arith.index_cast %get3A_820 : i32 to index
      %get3A_822 = arith.index_cast %mul3A_819 : i32 to index
      %get3A_823 = tpu.vector_load %arg8[%get3A_821, %get3A_822] {strides = array<i32>} : memref<32x512xi32, #tpu.memory_space<vmem>>, vector<1x16xi32>,
      %get3A_824 = vector.shape_cast %get3A_823 : vector<1x16xi32> to vector<16xi32>
      %ge3A = arith.cmpi sge, %get3A_824, %broadcast_in_dim3A_491 : vector<16xi32>
      %add3A_825 = arith.addi %get3A_824, %broadcast_in_dim3A_3 : vector<16xi32>
      %select_n3A = arith.select %ge3A, %add3A_825, %get3A_824 : vector<16xi1>, vector<16xi32>
      %mul3A_826 = arith.constant 16 : i32
      %mul3A_827 = arith.muli %scan3A_817, %mul3A_826 : i32
      %add3A_828 = arith.constant 15360 : i32
      %add3A_829 = arith.addi %add3A_828, %mul3A_827 : i32
      %and3A_830 = arith.andi %select_n3A, %broadcast_in_dim3A_19 : vector<16xi32>
      %shift_right_logical3A_831 = arith.shrui %select_n3A, %broadcast_in_dim3A_11 : vector<16xi32>
      %shift_left3A_832 = arith.shli %shift_right_logical3A_831, %broadcast_in_dim3A_5 : vector<16xi32>
      %shift_right_logical3A_833 = arith.shrui %and3A_830, %broadcast_in_dim3A_7 : vector<16xi32>
      %add3A_834 = arith.addi %shift_left3A_832, %shift_right_logical3A_833 : vector<16xi32>
      %shift_left3A_835 = arith.shli %add3A_834, %broadcast_in_dim3A_15 : vector<16xi32>
      %and3A_836 = arith.andi %and3A_830, %broadcast_in_dim3A_17 : vector<16xi32>
      %add3A_837 = arith.addi %shift_left3A_835, %and3A_836 : vector<16xi32>
      %add3A_838 = arith.addi %add3A_837, %broadcast_in_dim3A_496 : vector<16xi32>
      %swap3A_839 = arith.index_cast %add3A_829 : i32 to index
      %swap3A_840 = tpu.vector_load %arg10[%swap3A_839] {strides = array<i32>} : memref<16384xi32, #tpu.memory_space<vmem>>, vector<16xi32>,
      %swap3A_841 = vector.shape_cast %swap3A_840 : vector<16xi32> to vector<16xi32>
      %swap3A_842 = vector.shape_cast %add3A_838 : vector<16xi32> to vector<16xi32>
      tpu.vector_store %arg10[%swap3A_839], %swap3A_842 {strides = array<i32>} : memref<16384xi32, #tpu.memory_space<vmem>>, vector<16xi32>,
      %shift_right_logical3A_843 = arith.shrui %select_n3A, %broadcast_in_dim3A_9 : vector<16xi32>
      %and3A_844 = arith.andi %shift_right_logical3A_843, %broadcast_in_dim3A_3 : vector<16xi32>
      %swap3A_845 = arith.index_cast %add3A_829 : i32 to index
      %swap3A_846 = tpu.vector_load %arg11[%swap3A_845] {strides = array<i32>} : memref<16384xi32, #tpu.memory_space<vmem>>, vector<16xi32>,
      %swap3A_847 = vector.shape_cast %swap3A_846 : vector<16xi32> to vector<16xi32>
      %swap3A_848 = vector.shape_cast %and3A_844 : vector<16xi32> to vector<16xi32>
      tpu.vector_store %arg11[%swap3A_845], %swap3A_848 {strides = array<i32>} : memref<16384xi32, #tpu.memory_space<vmem>>, vector<16xi32>,
    }
    %scan3A_502 = arith.constant 32 : i32
    %slice3A_503 = vector.extract_strided_slice %get3A_267 {offsets = [15], sizes = [1], strides = [1]} : vector<16xi32> to vector<1xi32>
    %squeeze3A_504 = vector.extract %slice3A_503[0] : i32 from vector<1xi32>
    %broadcast_in_dim3A_505 = vector.broadcast %squeeze3A_504 : i32 to vector<16xi32>
    %add3A_506 = arith.constant 31 : i32
    %add3A_507 = arith.addi %mul3A_2, %add3A_506 : i32
    %shift_left3A_508 = arith.constant 7 : i32
    %shift_left3A_509 = arith.shli %add3A_507, %shift_left3A_508 : i32
    %broadcast_in_dim3A_510 = vector.broadcast %shift_left3A_509 : i32 to vector<16xi32>
    %scan3A_511 = arith.constant 0 : i32
    %scan3A_512 = arith.constant 0 : i32
    %scan3A_513 = arith.constant 32 : i32
    %scan3A_514 = arith.addi %scan3A_512, %scan3A_513 : i32
    %scan3A_515 = arith.constant 1 : i32
    scf.for %scan3A_817 = %scan3A_512 to %scan3A_514 step %scan3A_515  : i32 {
      %mul3A_818 = arith.constant 16 : i32
      %mul3A_819 = arith.muli %scan3A_817, %mul3A_818 : i32
      %get3A_820 = arith.constant 31 : i32
      %get3A_821 = arith.index_cast %get3A_820 : i32 to index
      %get3A_822 = arith.index_cast %mul3A_819 : i32 to index
      %get3A_823 = tpu.vector_load %arg8[%get3A_821, %get3A_822] {strides = array<i32>} : memref<32x512xi32, #tpu.memory_space<vmem>>, vector<1x16xi32>,
      %get3A_824 = vector.shape_cast %get3A_823 : vector<1x16xi32> to vector<16xi32>
      %ge3A = arith.cmpi sge, %get3A_824, %broadcast_in_dim3A_505 : vector<16xi32>
      %add3A_825 = arith.addi %get3A_824, %broadcast_in_dim3A_3 : vector<16xi32>
      %select_n3A = arith.select %ge3A, %add3A_825, %get3A_824 : vector<16xi1>, vector<16xi32>
      %mul3A_826 = arith.constant 16 : i32
      %mul3A_827 = arith.muli %scan3A_817, %mul3A_826 : i32
      %add3A_828 = arith.constant 15872 : i32
      %add3A_829 = arith.addi %add3A_828, %mul3A_827 : i32
      %and3A_830 = arith.andi %select_n3A, %broadcast_in_dim3A_19 : vector<16xi32>
      %shift_right_logical3A_831 = arith.shrui %select_n3A, %broadcast_in_dim3A_11 : vector<16xi32>
      %shift_left3A_832 = arith.shli %shift_right_logical3A_831, %broadcast_in_dim3A_5 : vector<16xi32>
      %shift_right_logical3A_833 = arith.shrui %and3A_830, %broadcast_in_dim3A_7 : vector<16xi32>
      %add3A_834 = arith.addi %shift_left3A_832, %shift_right_logical3A_833 : vector<16xi32>
      %shift_left3A_835 = arith.shli %add3A_834, %broadcast_in_dim3A_15 : vector<16xi32>
      %and3A_836 = arith.andi %and3A_830, %broadcast_in_dim3A_17 : vector<16xi32>
      %add3A_837 = arith.addi %shift_left3A_835, %and3A_836 : vector<16xi32>
      %add3A_838 = arith.addi %add3A_837, %broadcast_in_dim3A_510 : vector<16xi32>
      %swap3A_839 = arith.index_cast %add3A_829 : i32 to index
      %swap3A_840 = tpu.vector_load %arg10[%swap3A_839] {strides = array<i32>} : memref<16384xi32, #tpu.memory_space<vmem>>, vector<16xi32>,
      %swap3A_841 = vector.shape_cast %swap3A_840 : vector<16xi32> to vector<16xi32>
      %swap3A_842 = vector.shape_cast %add3A_838 : vector<16xi32> to vector<16xi32>
      tpu.vector_store %arg10[%swap3A_839], %swap3A_842 {strides = array<i32>} : memref<16384xi32, #tpu.memory_space<vmem>>, vector<16xi32>,
      %shift_right_logical3A_843 = arith.shrui %select_n3A, %broadcast_in_dim3A_9 : vector<16xi32>
      %and3A_844 = arith.andi %shift_right_logical3A_843, %broadcast_in_dim3A_3 : vector<16xi32>
      %swap3A_845 = arith.index_cast %add3A_829 : i32 to index
      %swap3A_846 = tpu.vector_load %arg11[%swap3A_845] {strides = array<i32>} : memref<16384xi32, #tpu.memory_space<vmem>>, vector<16xi32>,
      %swap3A_847 = vector.shape_cast %swap3A_846 : vector<16xi32> to vector<16xi32>
      %swap3A_848 = vector.shape_cast %and3A_844 : vector<16xi32> to vector<16xi32>
      tpu.vector_store %arg11[%swap3A_845], %swap3A_848 {strides = array<i32>} : memref<16384xi32, #tpu.memory_space<vmem>>, vector<16xi32>,
    }
    %scan3A_516 = arith.constant 32 : i32
    %scan3A_517 = arith.constant 0 : i32
    %scan3A_518 = arith.constant 0 : i32
    %scan3A_519 = arith.constant 128 : i32
    %scan3A_520 = arith.addi %scan3A_518, %scan3A_519 : i32
    %scan3A_521 = arith.constant 1 : i32
    scf.for %scan3A_817 = %scan3A_518 to %scan3A_520 step %scan3A_521  : i32 {
      %mul3A_818 = arith.constant 128 : i32
      %mul3A_819 = arith.muli %scan3A_817, %mul3A_818 : i32
      %mul3A_820 = arith.constant 128 : i32
      %mul3A_821 = arith.muli %scan3A_817, %mul3A_820 : i32
      %dma_start3A_822 = tpu.memref_slice %arg14[%mul3A_821] : memref<16384xi32, #tpu.memory_space<vmem>> -> memref<128xi32, #tpu.memory_space<vmem>>
      %dma_start3A_823 = tpu.memref_slice %arg10[%mul3A_819] : memref<16384xi32, #tpu.memory_space<vmem>> -> memref<128xi32, #tpu.memory_space<vmem>>
      %dma_start3A_824 = arith.constant 0 : i32
      %dma_start3A_825 = tpu.memref_slice %arg2[%dma_start3A_824] : memref<51380224xi32, #tpu.memory_space<hbm>> -> memref<51380224xi32, #tpu.memory_space<hbm>>
      tpu.enqueue_indirect_dma source(%dma_start3A_825 : memref<51380224xi32, #tpu.memory_space<hbm>>) target(%dma_start3A_822 : memref<128xi32, #tpu.memory_space<vmem>>) offsets(%dma_start3A_823 : memref<128xi32, #tpu.memory_space<vmem>>) semaphore(%arg18 : memref<!tpu.dma_semaphore, #tpu.memory_space<semaphore_mem>>)
      %ge3A = arith.constant 16 : i32
      %ge3A_826 = arith.cmpi sge, %scan3A_817, %ge3A : i32
      %convert_element_type3A = arith.extui %ge3A_826 : i1 to i32
      %cond3A = arith.constant 0 : i32
      %cond3A_827 = arith.cmpi ne, %convert_element_type3A, %cond3A : i32
      scf.if %cond3A_827 {
        %sub3A = arith.constant 16 : i32
        %sub3A_828 = arith.subi %scan3A_817, %sub3A : i32
        %mul3A_829 = arith.constant 128 : i32
        %mul3A_830 = arith.muli %sub3A_828, %mul3A_829 : i32
        %mul3A_831 = arith.constant 128 : i32
        %mul3A_832 = arith.muli %sub3A_828, %mul3A_831 : i32
        %dma_wait3A_833 = tpu.memref_slice %arg14[%mul3A_832] : memref<16384xi32, #tpu.memory_space<vmem>> -> memref<128xi32, #tpu.memory_space<vmem>>
        %dma_wait3A_834 = tpu.memref_slice %arg10[%mul3A_830] : memref<16384xi32, #tpu.memory_space<vmem>> -> memref<128xi32, #tpu.memory_space<vmem>>
        %dma_wait3A_835 = arith.constant 0 : i32
        %dma_wait3A_836 = tpu.memref_slice %arg2[%dma_wait3A_835] : memref<51380224xi32, #tpu.memory_space<hbm>> -> memref<51380224xi32, #tpu.memory_space<hbm>>
        tpu.wait_indirect_dma semaphore(%arg18 : memref<!tpu.dma_semaphore, #tpu.memory_space<semaphore_mem>>) src(%dma_wait3A_836 : memref<51380224xi32, #tpu.memory_space<hbm>>) dst(%dma_wait3A_833 : memref<128xi32, #tpu.memory_space<vmem>>)
      } else {
      }
    }
    %scan3A_522 = arith.constant 128 : i32
    %dma_wait3A = arith.constant 14336 : i32
    %dma_wait3A_523 = tpu.memref_slice %arg14[%dma_wait3A] : memref<16384xi32, #tpu.memory_space<vmem>> -> memref<128xi32, #tpu.memory_space<vmem>>
    %dma_wait3A_524 = arith.constant 14336 : i32
    %dma_wait3A_525 = tpu.memref_slice %arg10[%dma_wait3A_524] : memref<16384xi32, #tpu.memory_space<vmem>> -> memref<128xi32, #tpu.memory_space<vmem>>
    %dma_wait3A_526 = arith.constant 0 : i32
    %dma_wait3A_527 = tpu.memref_slice %arg2[%dma_wait3A_526] : memref<51380224xi32, #tpu.memory_space<hbm>> -> memref<51380224xi32, #tpu.memory_space<hbm>>
    tpu.wait_indirect_dma semaphore(%arg18 : memref<!tpu.dma_semaphore, #tpu.memory_space<semaphore_mem>>) src(%dma_wait3A_527 : memref<51380224xi32, #tpu.memory_space<hbm>>) dst(%dma_wait3A_523 : memref<128xi32, #tpu.memory_space<vmem>>)
    %dma_wait3A_528 = arith.constant 14464 : i32
    %dma_wait3A_529 = tpu.memref_slice %arg14[%dma_wait3A_528] : memref<16384xi32, #tpu.memory_space<vmem>> -> memref<128xi32, #tpu.memory_space<vmem>>
    %dma_wait3A_530 = arith.constant 14464 : i32
    %dma_wait3A_531 = tpu.memref_slice %arg10[%dma_wait3A_530] : memref<16384xi32, #tpu.memory_space<vmem>> -> memref<128xi32, #tpu.memory_space<vmem>>
    %dma_wait3A_532 = arith.constant 0 : i32
    %dma_wait3A_533 = tpu.memref_slice %arg2[%dma_wait3A_532] : memref<51380224xi32, #tpu.memory_space<hbm>> -> memref<51380224xi32, #tpu.memory_space<hbm>>
    tpu.wait_indirect_dma semaphore(%arg18 : memref<!tpu.dma_semaphore, #tpu.memory_space<semaphore_mem>>) src(%dma_wait3A_533 : memref<51380224xi32, #tpu.memory_space<hbm>>) dst(%dma_wait3A_529 : memref<128xi32, #tpu.memory_space<vmem>>)
    %dma_wait3A_534 = arith.constant 14592 : i32
    %dma_wait3A_535 = tpu.memref_slice %arg14[%dma_wait3A_534] : memref<16384xi32, #tpu.memory_space<vmem>> -> memref<128xi32, #tpu.memory_space<vmem>>
    %dma_wait3A_536 = arith.constant 14592 : i32
    %dma_wait3A_537 = tpu.memref_slice %arg10[%dma_wait3A_536] : memref<16384xi32, #tpu.memory_space<vmem>> -> memref<128xi32, #tpu.memory_space<vmem>>
    %dma_wait3A_538 = arith.constant 0 : i32
    %dma_wait3A_539 = tpu.memref_slice %arg2[%dma_wait3A_538] : memref<51380224xi32, #tpu.memory_space<hbm>> -> memref<51380224xi32, #tpu.memory_space<hbm>>
    tpu.wait_indirect_dma semaphore(%arg18 : memref<!tpu.dma_semaphore, #tpu.memory_space<semaphore_mem>>) src(%dma_wait3A_539 : memref<51380224xi32, #tpu.memory_space<hbm>>) dst(%dma_wait3A_535 : memref<128xi32, #tpu.memory_space<vmem>>)
    %dma_wait3A_540 = arith.constant 14720 : i32
    %dma_wait3A_541 = tpu.memref_slice %arg14[%dma_wait3A_540] : memref<16384xi32, #tpu.memory_space<vmem>> -> memref<128xi32, #tpu.memory_space<vmem>>
    %dma_wait3A_542 = arith.constant 14720 : i32
    %dma_wait3A_543 = tpu.memref_slice %arg10[%dma_wait3A_542] : memref<16384xi32, #tpu.memory_space<vmem>> -> memref<128xi32, #tpu.memory_space<vmem>>
    %dma_wait3A_544 = arith.constant 0 : i32
    %dma_wait3A_545 = tpu.memref_slice %arg2[%dma_wait3A_544] : memref<51380224xi32, #tpu.memory_space<hbm>> -> memref<51380224xi32, #tpu.memory_space<hbm>>
    tpu.wait_indirect_dma semaphore(%arg18 : memref<!tpu.dma_semaphore, #tpu.memory_space<semaphore_mem>>) src(%dma_wait3A_545 : memref<51380224xi32, #tpu.memory_space<hbm>>) dst(%dma_wait3A_541 : memref<128xi32, #tpu.memory_space<vmem>>)
    %dma_wait3A_546 = arith.constant 14848 : i32
    %dma_wait3A_547 = tpu.memref_slice %arg14[%dma_wait3A_546] : memref<16384xi32, #tpu.memory_space<vmem>> -> memref<128xi32, #tpu.memory_space<vmem>>
    %dma_wait3A_548 = arith.constant 14848 : i32
    %dma_wait3A_549 = tpu.memref_slice %arg10[%dma_wait3A_548] : memref<16384xi32, #tpu.memory_space<vmem>> -> memref<128xi32, #tpu.memory_space<vmem>>
    %dma_wait3A_550 = arith.constant 0 : i32
    %dma_wait3A_551 = tpu.memref_slice %arg2[%dma_wait3A_550] : memref<51380224xi32, #tpu.memory_space<hbm>> -> memref<51380224xi32, #tpu.memory_space<hbm>>
    tpu.wait_indirect_dma semaphore(%arg18 : memref<!tpu.dma_semaphore, #tpu.memory_space<semaphore_mem>>) src(%dma_wait3A_551 : memref<51380224xi32, #tpu.memory_space<hbm>>) dst(%dma_wait3A_547 : memref<128xi32, #tpu.memory_space<vmem>>)
    %dma_wait3A_552 = arith.constant 14976 : i32
    %dma_wait3A_553 = tpu.memref_slice %arg14[%dma_wait3A_552] : memref<16384xi32, #tpu.memory_space<vmem>> -> memref<128xi32, #tpu.memory_space<vmem>>
    %dma_wait3A_554 = arith.constant 14976 : i32
    %dma_wait3A_555 = tpu.memref_slice %arg10[%dma_wait3A_554] : memref<16384xi32, #tpu.memory_space<vmem>> -> memref<128xi32, #tpu.memory_space<vmem>>
    %dma_wait3A_556 = arith.constant 0 : i32
    %dma_wait3A_557 = tpu.memref_slice %arg2[%dma_wait3A_556] : memref<51380224xi32, #tpu.memory_space<hbm>> -> memref<51380224xi32, #tpu.memory_space<hbm>>
    tpu.wait_indirect_dma semaphore(%arg18 : memref<!tpu.dma_semaphore, #tpu.memory_space<semaphore_mem>>) src(%dma_wait3A_557 : memref<51380224xi32, #tpu.memory_space<hbm>>) dst(%dma_wait3A_553 : memref<128xi32, #tpu.memory_space<vmem>>)
    %dma_wait3A_558 = arith.constant 15104 : i32
    %dma_wait3A_559 = tpu.memref_slice %arg14[%dma_wait3A_558] : memref<16384xi32, #tpu.memory_space<vmem>> -> memref<128xi32, #tpu.memory_space<vmem>>
    %dma_wait3A_560 = arith.constant 15104 : i32
    %dma_wait3A_561 = tpu.memref_slice %arg10[%dma_wait3A_560] : memref<16384xi32, #tpu.memory_space<vmem>> -> memref<128xi32, #tpu.memory_space<vmem>>
    %dma_wait3A_562 = arith.constant 0 : i32
    %dma_wait3A_563 = tpu.memref_slice %arg2[%dma_wait3A_562] : memref<51380224xi32, #tpu.memory_space<hbm>> -> memref<51380224xi32, #tpu.memory_space<hbm>>
    tpu.wait_indirect_dma semaphore(%arg18 : memref<!tpu.dma_semaphore, #tpu.memory_space<semaphore_mem>>) src(%dma_wait3A_563 : memref<51380224xi32, #tpu.memory_space<hbm>>) dst(%dma_wait3A_559 : memref<128xi32, #tpu.memory_space<vmem>>)
    %dma_wait3A_564 = arith.constant 15232 : i32
    %dma_wait3A_565 = tpu.memref_slice %arg14[%dma_wait3A_564] : memref<16384xi32, #tpu.memory_space<vmem>> -> memref<128xi32, #tpu.memory_space<vmem>>
    %dma_wait3A_566 = arith.constant 15232 : i32
    %dma_wait3A_567 = tpu.memref_slice %arg10[%dma_wait3A_566] : memref<16384xi32, #tpu.memory_space<vmem>> -> memref<128xi32, #tpu.memory_space<vmem>>
    %dma_wait3A_568 = arith.constant 0 : i32
    %dma_wait3A_569 = tpu.memref_slice %arg2[%dma_wait3A_568] : memref<51380224xi32, #tpu.memory_space<hbm>> -> memref<51380224xi32, #tpu.memory_space<hbm>>
    tpu.wait_indirect_dma semaphore(%arg18 : memref<!tpu.dma_semaphore, #tpu.memory_space<semaphore_mem>>) src(%dma_wait3A_569 : memref<51380224xi32, #tpu.memory_space<hbm>>) dst(%dma_wait3A_565 : memref<128xi32, #tpu.memory_space<vmem>>)
    %dma_wait3A_570 = arith.constant 15360 : i32
    %dma_wait3A_571 = tpu.memref_slice %arg14[%dma_wait3A_570] : memref<16384xi32, #tpu.memory_space<vmem>> -> memref<128xi32, #tpu.memory_space<vmem>>
    %dma_wait3A_572 = arith.constant 15360 : i32
    %dma_wait3A_573 = tpu.memref_slice %arg10[%dma_wait3A_572] : memref<16384xi32, #tpu.memory_space<vmem>> -> memref<128xi32, #tpu.memory_space<vmem>>
    %dma_wait3A_574 = arith.constant 0 : i32
    %dma_wait3A_575 = tpu.memref_slice %arg2[%dma_wait3A_574] : memref<51380224xi32, #tpu.memory_space<hbm>> -> memref<51380224xi32, #tpu.memory_space<hbm>>
    tpu.wait_indirect_dma semaphore(%arg18 : memref<!tpu.dma_semaphore, #tpu.memory_space<semaphore_mem>>) src(%dma_wait3A_575 : memref<51380224xi32, #tpu.memory_space<hbm>>) dst(%dma_wait3A_571 : memref<128xi32, #tpu.memory_space<vmem>>)
    %dma_wait3A_576 = arith.constant 15488 : i32
    %dma_wait3A_577 = tpu.memref_slice %arg14[%dma_wait3A_576] : memref<16384xi32, #tpu.memory_space<vmem>> -> memref<128xi32, #tpu.memory_space<vmem>>
    %dma_wait3A_578 = arith.constant 15488 : i32
    %dma_wait3A_579 = tpu.memref_slice %arg10[%dma_wait3A_578] : memref<16384xi32, #tpu.memory_space<vmem>> -> memref<128xi32, #tpu.memory_space<vmem>>
    %dma_wait3A_580 = arith.constant 0 : i32
    %dma_wait3A_581 = tpu.memref_slice %arg2[%dma_wait3A_580] : memref<51380224xi32, #tpu.memory_space<hbm>> -> memref<51380224xi32, #tpu.memory_space<hbm>>
    tpu.wait_indirect_dma semaphore(%arg18 : memref<!tpu.dma_semaphore, #tpu.memory_space<semaphore_mem>>) src(%dma_wait3A_581 : memref<51380224xi32, #tpu.memory_space<hbm>>) dst(%dma_wait3A_577 : memref<128xi32, #tpu.memory_space<vmem>>)
    %dma_wait3A_582 = arith.constant 15616 : i32
    %dma_wait3A_583 = tpu.memref_slice %arg14[%dma_wait3A_582] : memref<16384xi32, #tpu.memory_space<vmem>> -> memref<128xi32, #tpu.memory_space<vmem>>
    %dma_wait3A_584 = arith.constant 15616 : i32
    %dma_wait3A_585 = tpu.memref_slice %arg10[%dma_wait3A_584] : memref<16384xi32, #tpu.memory_space<vmem>> -> memref<128xi32, #tpu.memory_space<vmem>>
    %dma_wait3A_586 = arith.constant 0 : i32
    %dma_wait3A_587 = tpu.memref_slice %arg2[%dma_wait3A_586] : memref<51380224xi32, #tpu.memory_space<hbm>> -> memref<51380224xi32, #tpu.memory_space<hbm>>
    tpu.wait_indirect_dma semaphore(%arg18 : memref<!tpu.dma_semaphore, #tpu.memory_space<semaphore_mem>>) src(%dma_wait3A_587 : memref<51380224xi32, #tpu.memory_space<hbm>>) dst(%dma_wait3A_583 : memref<128xi32, #tpu.memory_space<vmem>>)
    %dma_wait3A_588 = arith.constant 15744 : i32
    %dma_wait3A_589 = tpu.memref_slice %arg14[%dma_wait3A_588] : memref<16384xi32, #tpu.memory_space<vmem>> -> memref<128xi32, #tpu.memory_space<vmem>>
    %dma_wait3A_590 = arith.constant 15744 : i32
    %dma_wait3A_591 = tpu.memref_slice %arg10[%dma_wait3A_590] : memref<16384xi32, #tpu.memory_space<vmem>> -> memref<128xi32, #tpu.memory_space<vmem>>
    %dma_wait3A_592 = arith.constant 0 : i32
    %dma_wait3A_593 = tpu.memref_slice %arg2[%dma_wait3A_592] : memref<51380224xi32, #tpu.memory_space<hbm>> -> memref<51380224xi32, #tpu.memory_space<hbm>>
    tpu.wait_indirect_dma semaphore(%arg18 : memref<!tpu.dma_semaphore, #tpu.memory_space<semaphore_mem>>) src(%dma_wait3A_593 : memref<51380224xi32, #tpu.memory_space<hbm>>) dst(%dma_wait3A_589 : memref<128xi32, #tpu.memory_space<vmem>>)
    %dma_wait3A_594 = arith.constant 15872 : i32
    %dma_wait3A_595 = tpu.memref_slice %arg14[%dma_wait3A_594] : memref<16384xi32, #tpu.memory_space<vmem>> -> memref<128xi32, #tpu.memory_space<vmem>>
    %dma_wait3A_596 = arith.constant 15872 : i32
    %dma_wait3A_597 = tpu.memref_slice %arg10[%dma_wait3A_596] : memref<16384xi32, #tpu.memory_space<vmem>> -> memref<128xi32, #tpu.memory_space<vmem>>
    %dma_wait3A_598 = arith.constant 0 : i32
    %dma_wait3A_599 = tpu.memref_slice %arg2[%dma_wait3A_598] : memref<51380224xi32, #tpu.memory_space<hbm>> -> memref<51380224xi32, #tpu.memory_space<hbm>>
    tpu.wait_indirect_dma semaphore(%arg18 : memref<!tpu.dma_semaphore, #tpu.memory_space<semaphore_mem>>) src(%dma_wait3A_599 : memref<51380224xi32, #tpu.memory_space<hbm>>) dst(%dma_wait3A_595 : memref<128xi32, #tpu.memory_space<vmem>>)
    %dma_wait3A_600 = arith.constant 16000 : i32
    %dma_wait3A_601 = tpu.memref_slice %arg14[%dma_wait3A_600] : memref<16384xi32, #tpu.memory_space<vmem>> -> memref<128xi32, #tpu.memory_space<vmem>>
    %dma_wait3A_602 = arith.constant 16000 : i32
    %dma_wait3A_603 = tpu.memref_slice %arg10[%dma_wait3A_602] : memref<16384xi32, #tpu.memory_space<vmem>> -> memref<128xi32, #tpu.memory_space<vmem>>
    %dma_wait3A_604 = arith.constant 0 : i32
    %dma_wait3A_605 = tpu.memref_slice %arg2[%dma_wait3A_604] : memref<51380224xi32, #tpu.memory_space<hbm>> -> memref<51380224xi32, #tpu.memory_space<hbm>>
    tpu.wait_indirect_dma semaphore(%arg18 : memref<!tpu.dma_semaphore, #tpu.memory_space<semaphore_mem>>) src(%dma_wait3A_605 : memref<51380224xi32, #tpu.memory_space<hbm>>) dst(%dma_wait3A_601 : memref<128xi32, #tpu.memory_space<vmem>>)
    %dma_wait3A_606 = arith.constant 16128 : i32
    %dma_wait3A_607 = tpu.memref_slice %arg14[%dma_wait3A_606] : memref<16384xi32, #tpu.memory_space<vmem>> -> memref<128xi32, #tpu.memory_space<vmem>>
    %dma_wait3A_608 = arith.constant 16128 : i32
    %dma_wait3A_609 = tpu.memref_slice %arg10[%dma_wait3A_608] : memref<16384xi32, #tpu.memory_space<vmem>> -> memref<128xi32, #tpu.memory_space<vmem>>
    %dma_wait3A_610 = arith.constant 0 : i32
    %dma_wait3A_611 = tpu.memref_slice %arg2[%dma_wait3A_610] : memref<51380224xi32, #tpu.memory_space<hbm>> -> memref<51380224xi32, #tpu.memory_space<hbm>>
    tpu.wait_indirect_dma semaphore(%arg18 : memref<!tpu.dma_semaphore, #tpu.memory_space<semaphore_mem>>) src(%dma_wait3A_611 : memref<51380224xi32, #tpu.memory_space<hbm>>) dst(%dma_wait3A_607 : memref<128xi32, #tpu.memory_space<vmem>>)
    %dma_wait3A_612 = arith.constant 16256 : i32
    %dma_wait3A_613 = tpu.memref_slice %arg14[%dma_wait3A_612] : memref<16384xi32, #tpu.memory_space<vmem>> -> memref<128xi32, #tpu.memory_space<vmem>>
    %dma_wait3A_614 = arith.constant 16256 : i32
    %dma_wait3A_615 = tpu.memref_slice %arg10[%dma_wait3A_614] : memref<16384xi32, #tpu.memory_space<vmem>> -> memref<128xi32, #tpu.memory_space<vmem>>
    %dma_wait3A_616 = arith.constant 0 : i32
    %dma_wait3A_617 = tpu.memref_slice %arg2[%dma_wait3A_616] : memref<51380224xi32, #tpu.memory_space<hbm>> -> memref<51380224xi32, #tpu.memory_space<hbm>>
    tpu.wait_indirect_dma semaphore(%arg18 : memref<!tpu.dma_semaphore, #tpu.memory_space<semaphore_mem>>) src(%dma_wait3A_617 : memref<51380224xi32, #tpu.memory_space<hbm>>) dst(%dma_wait3A_613 : memref<128xi32, #tpu.memory_space<vmem>>)
    %dma_start3A = arith.constant 0 : i32
    %dma_start3A_618 = tpu.memref_slice %arg2[%dma_start3A] : memref<51380224xi32, #tpu.memory_space<hbm>> -> memref<51380224xi32, #tpu.memory_space<hbm>>
    tpu.enqueue_indirect_dma source(%dma_start3A_618 : memref<51380224xi32, #tpu.memory_space<hbm>>) target(%arg16 : memref<32xi32, #tpu.memory_space<vmem>>) offsets(%arg12 : memref<32xi32, #tpu.memory_space<vmem>>) semaphore(%arg18 : memref<!tpu.dma_semaphore, #tpu.memory_space<semaphore_mem>>)
    %dma_wait3A_619 = arith.constant 0 : i32
    %dma_wait3A_620 = tpu.memref_slice %arg2[%dma_wait3A_619] : memref<51380224xi32, #tpu.memory_space<hbm>> -> memref<51380224xi32, #tpu.memory_space<hbm>>
    tpu.wait_indirect_dma semaphore(%arg18 : memref<!tpu.dma_semaphore, #tpu.memory_space<semaphore_mem>>) src(%dma_wait3A_620 : memref<51380224xi32, #tpu.memory_space<hbm>>) dst(%arg16 : memref<32xi32, #tpu.memory_space<vmem>>)
    %scan3A_621 = arith.constant 0 : i32
    %scan3A_622 = arith.constant 0 : i32
    %scan3A_623 = arith.constant 1024 : i32
    %scan3A_624 = arith.addi %scan3A_622, %scan3A_623 : i32
    %scan3A_625 = arith.constant 1 : i32
    scf.for %scan3A_817 = %scan3A_622 to %scan3A_624 step %scan3A_625  : i32 {
      %mul3A_818 = arith.constant 16 : i32
      %mul3A_819 = arith.muli %scan3A_817, %mul3A_818 : i32
      %get3A_820 = arith.index_cast %mul3A_819 : i32 to index
      %get3A_821 = tpu.vector_load %arg14[%get3A_820] {strides = array<i32>} : memref<16384xi32, #tpu.memory_space<vmem>>, vector<16xi32>,
      %get3A_822 = vector.shape_cast %get3A_821 : vector<16xi32> to vector<16xi32>
      %mul3A_823 = arith.constant 16 : i32
      %mul3A_824 = arith.muli %scan3A_817, %mul3A_823 : i32
      %get3A_825 = arith.index_cast %mul3A_824 : i32 to index
      %get3A_826 = tpu.vector_load %arg11[%get3A_825] {strides = array<i32>} : memref<16384xi32, #tpu.memory_space<vmem>>, vector<16xi32>,
      %get3A_827 = vector.shape_cast %get3A_826 : vector<16xi32> to vector<16xi32>
      %broadcast_in_dim3A_828 = arith.constant 4 : i32
      %broadcast_in_dim3A_829 = vector.broadcast %broadcast_in_dim3A_828 : i32 to vector<16xi32>
      %shift_left3A_830 = arith.shli %get3A_827, %broadcast_in_dim3A_829 : vector<16xi32>
      %shift_right_logical3A_831 = arith.shrui %get3A_822, %shift_left3A_830 : vector<16xi32>
      %and3A_832 = arith.andi %shift_right_logical3A_831, %broadcast_in_dim3A_21 : vector<16xi32>
      %shift_left3A_833 = arith.shli %and3A_832, %broadcast_in_dim3A_13 : vector<16xi32>
      %bitcast_convert_type3A_834 = tpu.bitcast %shift_left3A_833 : vector<16xi32> -> vector<16xf32>
      %mul3A_835 = arith.constant 16 : i32
      %mul3A_836 = arith.muli %scan3A_817, %mul3A_835 : i32
      %swap3A_837 = arith.index_cast %mul3A_836 : i32 to index
      %swap3A_838 = tpu.vector_load %arg15[%swap3A_837] {strides = array<i32>} : memref<16384xf32, #tpu.memory_space<vmem>>, vector<16xf32>,
      %swap3A_839 = vector.shape_cast %swap3A_838 : vector<16xf32> to vector<16xf32>
      %swap3A_840 = vector.shape_cast %bitcast_convert_type3A_834 : vector<16xf32> to vector<16xf32>
      tpu.vector_store %arg15[%swap3A_837], %swap3A_840 {strides = array<i32>} : memref<16384xf32, #tpu.memory_space<vmem>>, vector<16xf32>,
    }
    %scan3A_626 = arith.constant 1024 : i32
    %get3A_627 = arith.constant 0 : index
    %get3A_628 = tpu.vector_load %arg16[%get3A_627] {strides = array<i32>} : memref<32xi32, #tpu.memory_space<vmem>>, vector<16xi32>,
    %get3A_629 = vector.shape_cast %get3A_628 : vector<16xi32> to vector<16xi32>
    %get3A_630 = arith.constant 0 : index
    %get3A_631 = tpu.vector_load %arg13[%get3A_630] {strides = array<i32>} : memref<32xi32, #tpu.memory_space<vmem>>, vector<16xi32>,
    %get3A_632 = vector.shape_cast %get3A_631 : vector<16xi32> to vector<16xi32>
    %broadcast_in_dim3A_633 = arith.constant 4 : i32
    %broadcast_in_dim3A_634 = vector.broadcast %broadcast_in_dim3A_633 : i32 to vector<16xi32>
    %shift_left3A_635 = arith.shli %get3A_632, %broadcast_in_dim3A_634 : vector<16xi32>
    %shift_right_logical3A_636 = arith.shrui %get3A_629, %shift_left3A_635 : vector<16xi32>
    %and3A_637 = arith.andi %shift_right_logical3A_636, %broadcast_in_dim3A_21 : vector<16xi32>
    %shift_left3A_638 = arith.shli %and3A_637, %broadcast_in_dim3A_13 : vector<16xi32>
    %bitcast_convert_type3A = tpu.bitcast %shift_left3A_638 : vector<16xi32> -> vector<16xf32>
    %swap3A_639 = arith.constant 0 : index
    %swap3A_640 = tpu.vector_load %arg17[%swap3A_639] {strides = array<i32>} : memref<32xf32, #tpu.memory_space<vmem>>, vector<16xf32>,
    %swap3A_641 = vector.shape_cast %swap3A_640 : vector<16xf32> to vector<16xf32>
    %swap3A_642 = vector.shape_cast %bitcast_convert_type3A : vector<16xf32> to vector<16xf32>
    tpu.vector_store %arg17[%swap3A_639], %swap3A_642 {strides = array<i32>} : memref<32xf32, #tpu.memory_space<vmem>>, vector<16xf32>,
    %get3A_643 = arith.constant 16 : index
    %get3A_644 = tpu.vector_load %arg16[%get3A_643] {strides = array<i32>} : memref<32xi32, #tpu.memory_space<vmem>>, vector<16xi32>,
    %get3A_645 = vector.shape_cast %get3A_644 : vector<16xi32> to vector<16xi32>
    %get3A_646 = arith.constant 16 : index
    %get3A_647 = tpu.vector_load %arg13[%get3A_646] {strides = array<i32>} : memref<32xi32, #tpu.memory_space<vmem>>, vector<16xi32>,
    %get3A_648 = vector.shape_cast %get3A_647 : vector<16xi32> to vector<16xi32>
    %broadcast_in_dim3A_649 = arith.constant 4 : i32
    %broadcast_in_dim3A_650 = vector.broadcast %broadcast_in_dim3A_649 : i32 to vector<16xi32>
    %shift_left3A_651 = arith.shli %get3A_648, %broadcast_in_dim3A_650 : vector<16xi32>
    %shift_right_logical3A_652 = arith.shrui %get3A_645, %shift_left3A_651 : vector<16xi32>
    %and3A_653 = arith.andi %shift_right_logical3A_652, %broadcast_in_dim3A_21 : vector<16xi32>
    %shift_left3A_654 = arith.shli %and3A_653, %broadcast_in_dim3A_13 : vector<16xi32>
    %bitcast_convert_type3A_655 = tpu.bitcast %shift_left3A_654 : vector<16xi32> -> vector<16xf32>
    %swap3A_656 = arith.constant 16 : index
    %swap3A_657 = tpu.vector_load %arg17[%swap3A_656] {strides = array<i32>} : memref<32xf32, #tpu.memory_space<vmem>>, vector<16xf32>,
    %swap3A_658 = vector.shape_cast %swap3A_657 : vector<16xf32> to vector<16xf32>
    %swap3A_659 = vector.shape_cast %bitcast_convert_type3A_655 : vector<16xf32> to vector<16xf32>
    tpu.vector_store %arg17[%swap3A_656], %swap3A_659 {strides = array<i32>} : memref<32xf32, #tpu.memory_space<vmem>>, vector<16xf32>,
    %mul3A_660 = arith.constant 16384 : i32
    %mul3A_661 = arith.muli %add3A, %mul3A_660 : i32
    %run_scoped3A = arith.constant 0 : i32
    "tpu.region"() ({
      %run_scoped3A_817 = tpu.sem_alloc : memref<!tpu.dma_semaphore, #tpu.memory_space<semaphore_mem>>
      %dma_start3A_818 = tpu.memref_slice %arg6[%run_scoped3A, %mul3A_661] : memref<2x524288xf32, #tpu.memory_space<hbm>> -> memref<1x16384xf32, #tpu.memory_space<hbm>>
      %dma_start3A_819 = tpu.memref_squeeze %dma_start3A_818 : memref<1x16384xf32, #tpu.memory_space<hbm>> -> memref<16384xf32, #tpu.memory_space<hbm>>
      %dma_start3A_820 = tpu.memref_slice %arg6[%run_scoped3A, %mul3A_661] : memref<2x524288xf32, #tpu.memory_space<hbm>> -> memref<1x16384xf32, #tpu.memory_space<hbm>>
      %dma_start3A_821 = tpu.memref_squeeze %dma_start3A_820 : memref<1x16384xf32, #tpu.memory_space<hbm>> -> memref<16384xf32, #tpu.memory_space<hbm>>
      tpu.enqueue_dma source(%arg15 : memref<16384xf32, #tpu.memory_space<vmem>>) target(%dma_start3A_821 : memref<16384xf32, #tpu.memory_space<hbm>>) target_semaphore(%run_scoped3A_817 : memref<!tpu.dma_semaphore, #tpu.memory_space<semaphore_mem>>)
      %dma_wait3A_822 = tpu.memref_slice %arg6[%run_scoped3A, %mul3A_661] : memref<2x524288xf32, #tpu.memory_space<hbm>> -> memref<1x16384xf32, #tpu.memory_space<hbm>>
      %dma_wait3A_823 = tpu.memref_squeeze %dma_wait3A_822 : memref<1x16384xf32, #tpu.memory_space<hbm>> -> memref<16384xf32, #tpu.memory_space<hbm>>
      %dma_wait3A_824 = tpu.memref_slice %arg6[%run_scoped3A, %mul3A_661] : memref<2x524288xf32, #tpu.memory_space<hbm>> -> memref<1x16384xf32, #tpu.memory_space<hbm>>
      %dma_wait3A_825 = tpu.memref_squeeze %dma_wait3A_824 : memref<1x16384xf32, #tpu.memory_space<hbm>> -> memref<16384xf32, #tpu.memory_space<hbm>>
      tpu.wait_dma2 semaphore(%run_scoped3A_817 : memref<!tpu.dma_semaphore, #tpu.memory_space<semaphore_mem>>) src(%arg15 : memref<16384xf32, #tpu.memory_space<vmem>>) dst(%dma_wait3A_825 : memref<16384xf32, #tpu.memory_space<hbm>>)
      tpu.yield
    }) : () -> ()
    %mul3A_662 = arith.constant 32 : i32
    %mul3A_663 = arith.muli %add3A, %mul3A_662 : i32
    %run_scoped3A_664 = arith.constant 0 : i32
    "tpu.region"() ({
      %run_scoped3A_817 = tpu.sem_alloc : memref<!tpu.dma_semaphore, #tpu.memory_space<semaphore_mem>>
      %dma_start3A_818 = tpu.memref_slice %arg7[%run_scoped3A_664, %mul3A_663] : memref<2x1024xf32, #tpu.memory_space<hbm>> -> memref<1x32xf32, #tpu.memory_space<hbm>>
      %dma_start3A_819 = tpu.memref_squeeze %dma_start3A_818 : memref<1x32xf32, #tpu.memory_space<hbm>> -> memref<32xf32, #tpu.memory_space<hbm>>
      %dma_start3A_820 = tpu.memref_slice %arg7[%run_scoped3A_664, %mul3A_663] : memref<2x1024xf32, #tpu.memory_space<hbm>> -> memref<1x32xf32, #tpu.memory_space<hbm>>
      %dma_start3A_821 = tpu.memref_squeeze %dma_start3A_820 : memref<1x32xf32, #tpu.memory_space<hbm>> -> memref<32xf32, #tpu.memory_space<hbm>>
      tpu.enqueue_dma source(%arg17 : memref<32xf32, #tpu.memory_space<vmem>>) target(%dma_start3A_821 : memref<32xf32, #tpu.memory_space<hbm>>) target_semaphore(%run_scoped3A_817 : memref<!tpu.dma_semaphore, #tpu.memory_space<semaphore_mem>>)
      %dma_wait3A_822 = tpu.memref_slice %arg7[%run_scoped3A_664, %mul3A_663] : memref<2x1024xf32, #tpu.memory_space<hbm>> -> memref<1x32xf32, #tpu.memory_space<hbm>>
      %dma_wait3A_823 = tpu.memref_squeeze %dma_wait3A_822 : memref<1x32xf32, #tpu.memory_space<hbm>> -> memref<32xf32, #tpu.memory_space<hbm>>
      %dma_wait3A_824 = tpu.memref_slice %arg7[%run_scoped3A_664, %mul3A_663] : memref<2x1024xf32, #tpu.memory_space<hbm>> -> memref<1x32xf32, #tpu.memory_space<hbm>>
      %dma_wait3A_825 = tpu.memref_squeeze %dma_wait3A_824 : memref<1x32xf32, #tpu.memory_space<hbm>> -> memref<32xf32, #tpu.memory_space<hbm>>
      tpu.wait_dma2 semaphore(%run_scoped3A_817 : memref<!tpu.dma_semaphore, #tpu.memory_space<semaphore_mem>>) src(%arg17 : memref<32xf32, #tpu.memory_space<vmem>>) dst(%dma_wait3A_825 : memref<32xf32, #tpu.memory_space<hbm>>)
      tpu.yield
    }) : () -> ()
    %scan3A_665 = arith.constant 0 : i32
    %scan3A_666 = arith.constant 0 : i32
    %scan3A_667 = arith.constant 128 : i32
    %scan3A_668 = arith.addi %scan3A_666, %scan3A_667 : i32
    %scan3A_669 = arith.constant 1 : i32
    scf.for %scan3A_817 = %scan3A_666 to %scan3A_668 step %scan3A_669  : i32 {
      %mul3A_818 = arith.constant 128 : i32
      %mul3A_819 = arith.muli %scan3A_817, %mul3A_818 : i32
      %mul3A_820 = arith.constant 128 : i32
      %mul3A_821 = arith.muli %scan3A_817, %mul3A_820 : i32
      %dma_start3A_822 = tpu.memref_slice %arg14[%mul3A_821] : memref<16384xi32, #tpu.memory_space<vmem>> -> memref<128xi32, #tpu.memory_space<vmem>>
      %dma_start3A_823 = tpu.memref_slice %arg10[%mul3A_819] : memref<16384xi32, #tpu.memory_space<vmem>> -> memref<128xi32, #tpu.memory_space<vmem>>
      %dma_start3A_824 = arith.constant 0 : i32
      %dma_start3A_825 = tpu.memref_slice %arg3[%dma_start3A_824] : memref<51380224xi32, #tpu.memory_space<hbm>> -> memref<51380224xi32, #tpu.memory_space<hbm>>
      tpu.enqueue_indirect_dma source(%dma_start3A_825 : memref<51380224xi32, #tpu.memory_space<hbm>>) target(%dma_start3A_822 : memref<128xi32, #tpu.memory_space<vmem>>) offsets(%dma_start3A_823 : memref<128xi32, #tpu.memory_space<vmem>>) semaphore(%arg18 : memref<!tpu.dma_semaphore, #tpu.memory_space<semaphore_mem>>)
      %ge3A = arith.constant 16 : i32
      %ge3A_826 = arith.cmpi sge, %scan3A_817, %ge3A : i32
      %convert_element_type3A = arith.extui %ge3A_826 : i1 to i32
      %cond3A = arith.constant 0 : i32
      %cond3A_827 = arith.cmpi ne, %convert_element_type3A, %cond3A : i32
      scf.if %cond3A_827 {
        %sub3A = arith.constant 16 : i32
        %sub3A_828 = arith.subi %scan3A_817, %sub3A : i32
        %mul3A_829 = arith.constant 128 : i32
        %mul3A_830 = arith.muli %sub3A_828, %mul3A_829 : i32
        %mul3A_831 = arith.constant 128 : i32
        %mul3A_832 = arith.muli %sub3A_828, %mul3A_831 : i32
        %dma_wait3A_833 = tpu.memref_slice %arg14[%mul3A_832] : memref<16384xi32, #tpu.memory_space<vmem>> -> memref<128xi32, #tpu.memory_space<vmem>>
        %dma_wait3A_834 = tpu.memref_slice %arg10[%mul3A_830] : memref<16384xi32, #tpu.memory_space<vmem>> -> memref<128xi32, #tpu.memory_space<vmem>>
        %dma_wait3A_835 = arith.constant 0 : i32
        %dma_wait3A_836 = tpu.memref_slice %arg3[%dma_wait3A_835] : memref<51380224xi32, #tpu.memory_space<hbm>> -> memref<51380224xi32, #tpu.memory_space<hbm>>
        tpu.wait_indirect_dma semaphore(%arg18 : memref<!tpu.dma_semaphore, #tpu.memory_space<semaphore_mem>>) src(%dma_wait3A_836 : memref<51380224xi32, #tpu.memory_space<hbm>>) dst(%dma_wait3A_833 : memref<128xi32, #tpu.memory_space<vmem>>)
      } else {
      }
    }
    %scan3A_670 = arith.constant 128 : i32
    %dma_wait3A_671 = arith.constant 14336 : i32
    %dma_wait3A_672 = tpu.memref_slice %arg14[%dma_wait3A_671] : memref<16384xi32, #tpu.memory_space<vmem>> -> memref<128xi32, #tpu.memory_space<vmem>>
    %dma_wait3A_673 = arith.constant 14336 : i32
    %dma_wait3A_674 = tpu.memref_slice %arg10[%dma_wait3A_673] : memref<16384xi32, #tpu.memory_space<vmem>> -> memref<128xi32, #tpu.memory_space<vmem>>
    %dma_wait3A_675 = arith.constant 0 : i32
    %dma_wait3A_676 = tpu.memref_slice %arg3[%dma_wait3A_675] : memref<51380224xi32, #tpu.memory_space<hbm>> -> memref<51380224xi32, #tpu.memory_space<hbm>>
    tpu.wait_indirect_dma semaphore(%arg18 : memref<!tpu.dma_semaphore, #tpu.memory_space<semaphore_mem>>) src(%dma_wait3A_676 : memref<51380224xi32, #tpu.memory_space<hbm>>) dst(%dma_wait3A_672 : memref<128xi32, #tpu.memory_space<vmem>>)
    %dma_wait3A_677 = arith.constant 14464 : i32
    %dma_wait3A_678 = tpu.memref_slice %arg14[%dma_wait3A_677] : memref<16384xi32, #tpu.memory_space<vmem>> -> memref<128xi32, #tpu.memory_space<vmem>>
    %dma_wait3A_679 = arith.constant 14464 : i32
    %dma_wait3A_680 = tpu.memref_slice %arg10[%dma_wait3A_679] : memref<16384xi32, #tpu.memory_space<vmem>> -> memref<128xi32, #tpu.memory_space<vmem>>
    %dma_wait3A_681 = arith.constant 0 : i32
    %dma_wait3A_682 = tpu.memref_slice %arg3[%dma_wait3A_681] : memref<51380224xi32, #tpu.memory_space<hbm>> -> memref<51380224xi32, #tpu.memory_space<hbm>>
    tpu.wait_indirect_dma semaphore(%arg18 : memref<!tpu.dma_semaphore, #tpu.memory_space<semaphore_mem>>) src(%dma_wait3A_682 : memref<51380224xi32, #tpu.memory_space<hbm>>) dst(%dma_wait3A_678 : memref<128xi32, #tpu.memory_space<vmem>>)
    %dma_wait3A_683 = arith.constant 14592 : i32
    %dma_wait3A_684 = tpu.memref_slice %arg14[%dma_wait3A_683] : memref<16384xi32, #tpu.memory_space<vmem>> -> memref<128xi32, #tpu.memory_space<vmem>>
    %dma_wait3A_685 = arith.constant 14592 : i32
    %dma_wait3A_686 = tpu.memref_slice %arg10[%dma_wait3A_685] : memref<16384xi32, #tpu.memory_space<vmem>> -> memref<128xi32, #tpu.memory_space<vmem>>
    %dma_wait3A_687 = arith.constant 0 : i32
    %dma_wait3A_688 = tpu.memref_slice %arg3[%dma_wait3A_687] : memref<51380224xi32, #tpu.memory_space<hbm>> -> memref<51380224xi32, #tpu.memory_space<hbm>>
    tpu.wait_indirect_dma semaphore(%arg18 : memref<!tpu.dma_semaphore, #tpu.memory_space<semaphore_mem>>) src(%dma_wait3A_688 : memref<51380224xi32, #tpu.memory_space<hbm>>) dst(%dma_wait3A_684 : memref<128xi32, #tpu.memory_space<vmem>>)
    %dma_wait3A_689 = arith.constant 14720 : i32
    %dma_wait3A_690 = tpu.memref_slice %arg14[%dma_wait3A_689] : memref<16384xi32, #tpu.memory_space<vmem>> -> memref<128xi32, #tpu.memory_space<vmem>>
    %dma_wait3A_691 = arith.constant 14720 : i32
    %dma_wait3A_692 = tpu.memref_slice %arg10[%dma_wait3A_691] : memref<16384xi32, #tpu.memory_space<vmem>> -> memref<128xi32, #tpu.memory_space<vmem>>
    %dma_wait3A_693 = arith.constant 0 : i32
    %dma_wait3A_694 = tpu.memref_slice %arg3[%dma_wait3A_693] : memref<51380224xi32, #tpu.memory_space<hbm>> -> memref<51380224xi32, #tpu.memory_space<hbm>>
    tpu.wait_indirect_dma semaphore(%arg18 : memref<!tpu.dma_semaphore, #tpu.memory_space<semaphore_mem>>) src(%dma_wait3A_694 : memref<51380224xi32, #tpu.memory_space<hbm>>) dst(%dma_wait3A_690 : memref<128xi32, #tpu.memory_space<vmem>>)
    %dma_wait3A_695 = arith.constant 14848 : i32
    %dma_wait3A_696 = tpu.memref_slice %arg14[%dma_wait3A_695] : memref<16384xi32, #tpu.memory_space<vmem>> -> memref<128xi32, #tpu.memory_space<vmem>>
    %dma_wait3A_697 = arith.constant 14848 : i32
    %dma_wait3A_698 = tpu.memref_slice %arg10[%dma_wait3A_697] : memref<16384xi32, #tpu.memory_space<vmem>> -> memref<128xi32, #tpu.memory_space<vmem>>
    %dma_wait3A_699 = arith.constant 0 : i32
    %dma_wait3A_700 = tpu.memref_slice %arg3[%dma_wait3A_699] : memref<51380224xi32, #tpu.memory_space<hbm>> -> memref<51380224xi32, #tpu.memory_space<hbm>>
    tpu.wait_indirect_dma semaphore(%arg18 : memref<!tpu.dma_semaphore, #tpu.memory_space<semaphore_mem>>) src(%dma_wait3A_700 : memref<51380224xi32, #tpu.memory_space<hbm>>) dst(%dma_wait3A_696 : memref<128xi32, #tpu.memory_space<vmem>>)
    %dma_wait3A_701 = arith.constant 14976 : i32
    %dma_wait3A_702 = tpu.memref_slice %arg14[%dma_wait3A_701] : memref<16384xi32, #tpu.memory_space<vmem>> -> memref<128xi32, #tpu.memory_space<vmem>>
    %dma_wait3A_703 = arith.constant 14976 : i32
    %dma_wait3A_704 = tpu.memref_slice %arg10[%dma_wait3A_703] : memref<16384xi32, #tpu.memory_space<vmem>> -> memref<128xi32, #tpu.memory_space<vmem>>
    %dma_wait3A_705 = arith.constant 0 : i32
    %dma_wait3A_706 = tpu.memref_slice %arg3[%dma_wait3A_705] : memref<51380224xi32, #tpu.memory_space<hbm>> -> memref<51380224xi32, #tpu.memory_space<hbm>>
    tpu.wait_indirect_dma semaphore(%arg18 : memref<!tpu.dma_semaphore, #tpu.memory_space<semaphore_mem>>) src(%dma_wait3A_706 : memref<51380224xi32, #tpu.memory_space<hbm>>) dst(%dma_wait3A_702 : memref<128xi32, #tpu.memory_space<vmem>>)
    %dma_wait3A_707 = arith.constant 15104 : i32
    %dma_wait3A_708 = tpu.memref_slice %arg14[%dma_wait3A_707] : memref<16384xi32, #tpu.memory_space<vmem>> -> memref<128xi32, #tpu.memory_space<vmem>>
    %dma_wait3A_709 = arith.constant 15104 : i32
    %dma_wait3A_710 = tpu.memref_slice %arg10[%dma_wait3A_709] : memref<16384xi32, #tpu.memory_space<vmem>> -> memref<128xi32, #tpu.memory_space<vmem>>
    %dma_wait3A_711 = arith.constant 0 : i32
    %dma_wait3A_712 = tpu.memref_slice %arg3[%dma_wait3A_711] : memref<51380224xi32, #tpu.memory_space<hbm>> -> memref<51380224xi32, #tpu.memory_space<hbm>>
    tpu.wait_indirect_dma semaphore(%arg18 : memref<!tpu.dma_semaphore, #tpu.memory_space<semaphore_mem>>) src(%dma_wait3A_712 : memref<51380224xi32, #tpu.memory_space<hbm>>) dst(%dma_wait3A_708 : memref<128xi32, #tpu.memory_space<vmem>>)
    %dma_wait3A_713 = arith.constant 15232 : i32
    %dma_wait3A_714 = tpu.memref_slice %arg14[%dma_wait3A_713] : memref<16384xi32, #tpu.memory_space<vmem>> -> memref<128xi32, #tpu.memory_space<vmem>>
    %dma_wait3A_715 = arith.constant 15232 : i32
    %dma_wait3A_716 = tpu.memref_slice %arg10[%dma_wait3A_715] : memref<16384xi32, #tpu.memory_space<vmem>> -> memref<128xi32, #tpu.memory_space<vmem>>
    %dma_wait3A_717 = arith.constant 0 : i32
    %dma_wait3A_718 = tpu.memref_slice %arg3[%dma_wait3A_717] : memref<51380224xi32, #tpu.memory_space<hbm>> -> memref<51380224xi32, #tpu.memory_space<hbm>>
    tpu.wait_indirect_dma semaphore(%arg18 : memref<!tpu.dma_semaphore, #tpu.memory_space<semaphore_mem>>) src(%dma_wait3A_718 : memref<51380224xi32, #tpu.memory_space<hbm>>) dst(%dma_wait3A_714 : memref<128xi32, #tpu.memory_space<vmem>>)
    %dma_wait3A_719 = arith.constant 15360 : i32
    %dma_wait3A_720 = tpu.memref_slice %arg14[%dma_wait3A_719] : memref<16384xi32, #tpu.memory_space<vmem>> -> memref<128xi32, #tpu.memory_space<vmem>>
    %dma_wait3A_721 = arith.constant 15360 : i32
    %dma_wait3A_722 = tpu.memref_slice %arg10[%dma_wait3A_721] : memref<16384xi32, #tpu.memory_space<vmem>> -> memref<128xi32, #tpu.memory_space<vmem>>
    %dma_wait3A_723 = arith.constant 0 : i32
    %dma_wait3A_724 = tpu.memref_slice %arg3[%dma_wait3A_723] : memref<51380224xi32, #tpu.memory_space<hbm>> -> memref<51380224xi32, #tpu.memory_space<hbm>>
    tpu.wait_indirect_dma semaphore(%arg18 : memref<!tpu.dma_semaphore, #tpu.memory_space<semaphore_mem>>) src(%dma_wait3A_724 : memref<51380224xi32, #tpu.memory_space<hbm>>) dst(%dma_wait3A_720 : memref<128xi32, #tpu.memory_space<vmem>>)
    %dma_wait3A_725 = arith.constant 15488 : i32
    %dma_wait3A_726 = tpu.memref_slice %arg14[%dma_wait3A_725] : memref<16384xi32, #tpu.memory_space<vmem>> -> memref<128xi32, #tpu.memory_space<vmem>>
    %dma_wait3A_727 = arith.constant 15488 : i32
    %dma_wait3A_728 = tpu.memref_slice %arg10[%dma_wait3A_727] : memref<16384xi32, #tpu.memory_space<vmem>> -> memref<128xi32, #tpu.memory_space<vmem>>
    %dma_wait3A_729 = arith.constant 0 : i32
    %dma_wait3A_730 = tpu.memref_slice %arg3[%dma_wait3A_729] : memref<51380224xi32, #tpu.memory_space<hbm>> -> memref<51380224xi32, #tpu.memory_space<hbm>>
    tpu.wait_indirect_dma semaphore(%arg18 : memref<!tpu.dma_semaphore, #tpu.memory_space<semaphore_mem>>) src(%dma_wait3A_730 : memref<51380224xi32, #tpu.memory_space<hbm>>) dst(%dma_wait3A_726 : memref<128xi32, #tpu.memory_space<vmem>>)
    %dma_wait3A_731 = arith.constant 15616 : i32
    %dma_wait3A_732 = tpu.memref_slice %arg14[%dma_wait3A_731] : memref<16384xi32, #tpu.memory_space<vmem>> -> memref<128xi32, #tpu.memory_space<vmem>>
    %dma_wait3A_733 = arith.constant 15616 : i32
    %dma_wait3A_734 = tpu.memref_slice %arg10[%dma_wait3A_733] : memref<16384xi32, #tpu.memory_space<vmem>> -> memref<128xi32, #tpu.memory_space<vmem>>
    %dma_wait3A_735 = arith.constant 0 : i32
    %dma_wait3A_736 = tpu.memref_slice %arg3[%dma_wait3A_735] : memref<51380224xi32, #tpu.memory_space<hbm>> -> memref<51380224xi32, #tpu.memory_space<hbm>>
    tpu.wait_indirect_dma semaphore(%arg18 : memref<!tpu.dma_semaphore, #tpu.memory_space<semaphore_mem>>) src(%dma_wait3A_736 : memref<51380224xi32, #tpu.memory_space<hbm>>) dst(%dma_wait3A_732 : memref<128xi32, #tpu.memory_space<vmem>>)
    %dma_wait3A_737 = arith.constant 15744 : i32
    %dma_wait3A_738 = tpu.memref_slice %arg14[%dma_wait3A_737] : memref<16384xi32, #tpu.memory_space<vmem>> -> memref<128xi32, #tpu.memory_space<vmem>>
    %dma_wait3A_739 = arith.constant 15744 : i32
    %dma_wait3A_740 = tpu.memref_slice %arg10[%dma_wait3A_739] : memref<16384xi32, #tpu.memory_space<vmem>> -> memref<128xi32, #tpu.memory_space<vmem>>
    %dma_wait3A_741 = arith.constant 0 : i32
    %dma_wait3A_742 = tpu.memref_slice %arg3[%dma_wait3A_741] : memref<51380224xi32, #tpu.memory_space<hbm>> -> memref<51380224xi32, #tpu.memory_space<hbm>>
    tpu.wait_indirect_dma semaphore(%arg18 : memref<!tpu.dma_semaphore, #tpu.memory_space<semaphore_mem>>) src(%dma_wait3A_742 : memref<51380224xi32, #tpu.memory_space<hbm>>) dst(%dma_wait3A_738 : memref<128xi32, #tpu.memory_space<vmem>>)
    %dma_wait3A_743 = arith.constant 15872 : i32
    %dma_wait3A_744 = tpu.memref_slice %arg14[%dma_wait3A_743] : memref<16384xi32, #tpu.memory_space<vmem>> -> memref<128xi32, #tpu.memory_space<vmem>>
    %dma_wait3A_745 = arith.constant 15872 : i32
    %dma_wait3A_746 = tpu.memref_slice %arg10[%dma_wait3A_745] : memref<16384xi32, #tpu.memory_space<vmem>> -> memref<128xi32, #tpu.memory_space<vmem>>
    %dma_wait3A_747 = arith.constant 0 : i32
    %dma_wait3A_748 = tpu.memref_slice %arg3[%dma_wait3A_747] : memref<51380224xi32, #tpu.memory_space<hbm>> -> memref<51380224xi32, #tpu.memory_space<hbm>>
    tpu.wait_indirect_dma semaphore(%arg18 : memref<!tpu.dma_semaphore, #tpu.memory_space<semaphore_mem>>) src(%dma_wait3A_748 : memref<51380224xi32, #tpu.memory_space<hbm>>) dst(%dma_wait3A_744 : memref<128xi32, #tpu.memory_space<vmem>>)
    %dma_wait3A_749 = arith.constant 16000 : i32
    %dma_wait3A_750 = tpu.memref_slice %arg14[%dma_wait3A_749] : memref<16384xi32, #tpu.memory_space<vmem>> -> memref<128xi32, #tpu.memory_space<vmem>>
    %dma_wait3A_751 = arith.constant 16000 : i32
    %dma_wait3A_752 = tpu.memref_slice %arg10[%dma_wait3A_751] : memref<16384xi32, #tpu.memory_space<vmem>> -> memref<128xi32, #tpu.memory_space<vmem>>
    %dma_wait3A_753 = arith.constant 0 : i32
    %dma_wait3A_754 = tpu.memref_slice %arg3[%dma_wait3A_753] : memref<51380224xi32, #tpu.memory_space<hbm>> -> memref<51380224xi32, #tpu.memory_space<hbm>>
    tpu.wait_indirect_dma semaphore(%arg18 : memref<!tpu.dma_semaphore, #tpu.memory_space<semaphore_mem>>) src(%dma_wait3A_754 : memref<51380224xi32, #tpu.memory_space<hbm>>) dst(%dma_wait3A_750 : memref<128xi32, #tpu.memory_space<vmem>>)
    %dma_wait3A_755 = arith.constant 16128 : i32
    %dma_wait3A_756 = tpu.memref_slice %arg14[%dma_wait3A_755] : memref<16384xi32, #tpu.memory_space<vmem>> -> memref<128xi32, #tpu.memory_space<vmem>>
    %dma_wait3A_757 = arith.constant 16128 : i32
    %dma_wait3A_758 = tpu.memref_slice %arg10[%dma_wait3A_757] : memref<16384xi32, #tpu.memory_space<vmem>> -> memref<128xi32, #tpu.memory_space<vmem>>
    %dma_wait3A_759 = arith.constant 0 : i32
    %dma_wait3A_760 = tpu.memref_slice %arg3[%dma_wait3A_759] : memref<51380224xi32, #tpu.memory_space<hbm>> -> memref<51380224xi32, #tpu.memory_space<hbm>>
    tpu.wait_indirect_dma semaphore(%arg18 : memref<!tpu.dma_semaphore, #tpu.memory_space<semaphore_mem>>) src(%dma_wait3A_760 : memref<51380224xi32, #tpu.memory_space<hbm>>) dst(%dma_wait3A_756 : memref<128xi32, #tpu.memory_space<vmem>>)
    %dma_wait3A_761 = arith.constant 16256 : i32
    %dma_wait3A_762 = tpu.memref_slice %arg14[%dma_wait3A_761] : memref<16384xi32, #tpu.memory_space<vmem>> -> memref<128xi32, #tpu.memory_space<vmem>>
    %dma_wait3A_763 = arith.constant 16256 : i32
    %dma_wait3A_764 = tpu.memref_slice %arg10[%dma_wait3A_763] : memref<16384xi32, #tpu.memory_space<vmem>> -> memref<128xi32, #tpu.memory_space<vmem>>
    %dma_wait3A_765 = arith.constant 0 : i32
    %dma_wait3A_766 = tpu.memref_slice %arg3[%dma_wait3A_765] : memref<51380224xi32, #tpu.memory_space<hbm>> -> memref<51380224xi32, #tpu.memory_space<hbm>>
    tpu.wait_indirect_dma semaphore(%arg18 : memref<!tpu.dma_semaphore, #tpu.memory_space<semaphore_mem>>) src(%dma_wait3A_766 : memref<51380224xi32, #tpu.memory_space<hbm>>) dst(%dma_wait3A_762 : memref<128xi32, #tpu.memory_space<vmem>>)
    %dma_start3A_767 = arith.constant 0 : i32
    %dma_start3A_768 = tpu.memref_slice %arg3[%dma_start3A_767] : memref<51380224xi32, #tpu.memory_space<hbm>> -> memref<51380224xi32, #tpu.memory_space<hbm>>
    tpu.enqueue_indirect_dma source(%dma_start3A_768 : memref<51380224xi32, #tpu.memory_space<hbm>>) target(%arg16 : memref<32xi32, #tpu.memory_space<vmem>>) offsets(%arg12 : memref<32xi32, #tpu.memory_space<vmem>>) semaphore(%arg18 : memref<!tpu.dma_semaphore, #tpu.memory_space<semaphore_mem>>)
    %dma_wait3A_769 = arith.constant 0 : i32
    %dma_wait3A_770 = tpu.memref_slice %arg3[%dma_wait3A_769] : memref<51380224xi32, #tpu.memory_space<hbm>> -> memref<51380224xi32, #tpu.memory_space<hbm>>
    tpu.wait_indirect_dma semaphore(%arg18 : memref<!tpu.dma_semaphore, #tpu.memory_space<semaphore_mem>>) src(%dma_wait3A_770 : memref<51380224xi32, #tpu.memory_space<hbm>>) dst(%arg16 : memref<32xi32, #tpu.memory_space<vmem>>)
    %scan3A_771 = arith.constant 0 : i32
    %scan3A_772 = arith.constant 0 : i32
    %scan3A_773 = arith.constant 1024 : i32
    %scan3A_774 = arith.addi %scan3A_772, %scan3A_773 : i32
    %scan3A_775 = arith.constant 1 : i32
    scf.for %scan3A_817 = %scan3A_772 to %scan3A_774 step %scan3A_775  : i32 {
      %mul3A_818 = arith.constant 16 : i32
      %mul3A_819 = arith.muli %scan3A_817, %mul3A_818 : i32
      %get3A_820 = arith.index_cast %mul3A_819 : i32 to index
      %get3A_821 = tpu.vector_load %arg14[%get3A_820] {strides = array<i32>} : memref<16384xi32, #tpu.memory_space<vmem>>, vector<16xi32>,
      %get3A_822 = vector.shape_cast %get3A_821 : vector<16xi32> to vector<16xi32>
      %mul3A_823 = arith.constant 16 : i32
      %mul3A_824 = arith.muli %scan3A_817, %mul3A_823 : i32
      %get3A_825 = arith.index_cast %mul3A_824 : i32 to index
      %get3A_826 = tpu.vector_load %arg11[%get3A_825] {strides = array<i32>} : memref<16384xi32, #tpu.memory_space<vmem>>, vector<16xi32>,
      %get3A_827 = vector.shape_cast %get3A_826 : vector<16xi32> to vector<16xi32>
      %broadcast_in_dim3A_828 = arith.constant 4 : i32
      %broadcast_in_dim3A_829 = vector.broadcast %broadcast_in_dim3A_828 : i32 to vector<16xi32>
      %shift_left3A_830 = arith.shli %get3A_827, %broadcast_in_dim3A_829 : vector<16xi32>
      %shift_right_logical3A_831 = arith.shrui %get3A_822, %shift_left3A_830 : vector<16xi32>
      %and3A_832 = arith.andi %shift_right_logical3A_831, %broadcast_in_dim3A_21 : vector<16xi32>
      %shift_left3A_833 = arith.shli %and3A_832, %broadcast_in_dim3A_13 : vector<16xi32>
      %bitcast_convert_type3A_834 = tpu.bitcast %shift_left3A_833 : vector<16xi32> -> vector<16xf32>
      %mul3A_835 = arith.constant 16 : i32
      %mul3A_836 = arith.muli %scan3A_817, %mul3A_835 : i32
      %swap3A_837 = arith.index_cast %mul3A_836 : i32 to index
      %swap3A_838 = tpu.vector_load %arg15[%swap3A_837] {strides = array<i32>} : memref<16384xf32, #tpu.memory_space<vmem>>, vector<16xf32>,
      %swap3A_839 = vector.shape_cast %swap3A_838 : vector<16xf32> to vector<16xf32>
      %swap3A_840 = vector.shape_cast %bitcast_convert_type3A_834 : vector<16xf32> to vector<16xf32>
      tpu.vector_store %arg15[%swap3A_837], %swap3A_840 {strides = array<i32>} : memref<16384xf32, #tpu.memory_space<vmem>>, vector<16xf32>,
    }
    %scan3A_776 = arith.constant 1024 : i32
    %get3A_777 = arith.constant 0 : index
    %get3A_778 = tpu.vector_load %arg16[%get3A_777] {strides = array<i32>} : memref<32xi32, #tpu.memory_space<vmem>>, vector<16xi32>,
    %get3A_779 = vector.shape_cast %get3A_778 : vector<16xi32> to vector<16xi32>
    %get3A_780 = arith.constant 0 : index
    %get3A_781 = tpu.vector_load %arg13[%get3A_780] {strides = array<i32>} : memref<32xi32, #tpu.memory_space<vmem>>, vector<16xi32>,
    %get3A_782 = vector.shape_cast %get3A_781 : vector<16xi32> to vector<16xi32>
    %broadcast_in_dim3A_783 = arith.constant 4 : i32
    %broadcast_in_dim3A_784 = vector.broadcast %broadcast_in_dim3A_783 : i32 to vector<16xi32>
    %shift_left3A_785 = arith.shli %get3A_782, %broadcast_in_dim3A_784 : vector<16xi32>
    %shift_right_logical3A_786 = arith.shrui %get3A_779, %shift_left3A_785 : vector<16xi32>
    %and3A_787 = arith.andi %shift_right_logical3A_786, %broadcast_in_dim3A_21 : vector<16xi32>
    %shift_left3A_788 = arith.shli %and3A_787, %broadcast_in_dim3A_13 : vector<16xi32>
    %bitcast_convert_type3A_789 = tpu.bitcast %shift_left3A_788 : vector<16xi32> -> vector<16xf32>
    %swap3A_790 = arith.constant 0 : index
    %swap3A_791 = tpu.vector_load %arg17[%swap3A_790] {strides = array<i32>} : memref<32xf32, #tpu.memory_space<vmem>>, vector<16xf32>,
    %swap3A_792 = vector.shape_cast %swap3A_791 : vector<16xf32> to vector<16xf32>
    %swap3A_793 = vector.shape_cast %bitcast_convert_type3A_789 : vector<16xf32> to vector<16xf32>
    tpu.vector_store %arg17[%swap3A_790], %swap3A_793 {strides = array<i32>} : memref<32xf32, #tpu.memory_space<vmem>>, vector<16xf32>,
    %get3A_794 = arith.constant 16 : index
    %get3A_795 = tpu.vector_load %arg16[%get3A_794] {strides = array<i32>} : memref<32xi32, #tpu.memory_space<vmem>>, vector<16xi32>,
    %get3A_796 = vector.shape_cast %get3A_795 : vector<16xi32> to vector<16xi32>
    %get3A_797 = arith.constant 16 : index
    %get3A_798 = tpu.vector_load %arg13[%get3A_797] {strides = array<i32>} : memref<32xi32, #tpu.memory_space<vmem>>, vector<16xi32>,
    %get3A_799 = vector.shape_cast %get3A_798 : vector<16xi32> to vector<16xi32>
    %broadcast_in_dim3A_800 = arith.constant 4 : i32
    %broadcast_in_dim3A_801 = vector.broadcast %broadcast_in_dim3A_800 : i32 to vector<16xi32>
    %shift_left3A_802 = arith.shli %get3A_799, %broadcast_in_dim3A_801 : vector<16xi32>
    %shift_right_logical3A_803 = arith.shrui %get3A_796, %shift_left3A_802 : vector<16xi32>
    %and3A_804 = arith.andi %shift_right_logical3A_803, %broadcast_in_dim3A_21 : vector<16xi32>
    %shift_left3A_805 = arith.shli %and3A_804, %broadcast_in_dim3A_13 : vector<16xi32>
    %bitcast_convert_type3A_806 = tpu.bitcast %shift_left3A_805 : vector<16xi32> -> vector<16xf32>
    %swap3A_807 = arith.constant 16 : index
    %swap3A_808 = tpu.vector_load %arg17[%swap3A_807] {strides = array<i32>} : memref<32xf32, #tpu.memory_space<vmem>>, vector<16xf32>,
    %swap3A_809 = vector.shape_cast %swap3A_808 : vector<16xf32> to vector<16xf32>
    %swap3A_810 = vector.shape_cast %bitcast_convert_type3A_806 : vector<16xf32> to vector<16xf32>
    tpu.vector_store %arg17[%swap3A_807], %swap3A_810 {strides = array<i32>} : memref<32xf32, #tpu.memory_space<vmem>>, vector<16xf32>,
    %mul3A_811 = arith.constant 16384 : i32
    %mul3A_812 = arith.muli %add3A, %mul3A_811 : i32
    %run_scoped3A_813 = arith.constant 1 : i32
    "tpu.region"() ({
      %run_scoped3A_817 = tpu.sem_alloc : memref<!tpu.dma_semaphore, #tpu.memory_space<semaphore_mem>>
      %dma_start3A_818 = tpu.memref_slice %arg6[%run_scoped3A_813, %mul3A_812] : memref<2x524288xf32, #tpu.memory_space<hbm>> -> memref<1x16384xf32, #tpu.memory_space<hbm>>
      %dma_start3A_819 = tpu.memref_squeeze %dma_start3A_818 : memref<1x16384xf32, #tpu.memory_space<hbm>> -> memref<16384xf32, #tpu.memory_space<hbm>>
      %dma_start3A_820 = tpu.memref_slice %arg6[%run_scoped3A_813, %mul3A_812] : memref<2x524288xf32, #tpu.memory_space<hbm>> -> memref<1x16384xf32, #tpu.memory_space<hbm>>
      %dma_start3A_821 = tpu.memref_squeeze %dma_start3A_820 : memref<1x16384xf32, #tpu.memory_space<hbm>> -> memref<16384xf32, #tpu.memory_space<hbm>>
      tpu.enqueue_dma source(%arg15 : memref<16384xf32, #tpu.memory_space<vmem>>) target(%dma_start3A_821 : memref<16384xf32, #tpu.memory_space<hbm>>) target_semaphore(%run_scoped3A_817 : memref<!tpu.dma_semaphore, #tpu.memory_space<semaphore_mem>>)
      %dma_wait3A_822 = tpu.memref_slice %arg6[%run_scoped3A_813, %mul3A_812] : memref<2x524288xf32, #tpu.memory_space<hbm>> -> memref<1x16384xf32, #tpu.memory_space<hbm>>
      %dma_wait3A_823 = tpu.memref_squeeze %dma_wait3A_822 : memref<1x16384xf32, #tpu.memory_space<hbm>> -> memref<16384xf32, #tpu.memory_space<hbm>>
      %dma_wait3A_824 = tpu.memref_slice %arg6[%run_scoped3A_813, %mul3A_812] : memref<2x524288xf32, #tpu.memory_space<hbm>> -> memref<1x16384xf32, #tpu.memory_space<hbm>>
      %dma_wait3A_825 = tpu.memref_squeeze %dma_wait3A_824 : memref<1x16384xf32, #tpu.memory_space<hbm>> -> memref<16384xf32, #tpu.memory_space<hbm>>
      tpu.wait_dma2 semaphore(%run_scoped3A_817 : memref<!tpu.dma_semaphore, #tpu.memory_space<semaphore_mem>>) src(%arg15 : memref<16384xf32, #tpu.memory_space<vmem>>) dst(%dma_wait3A_825 : memref<16384xf32, #tpu.memory_space<hbm>>)
      tpu.yield
    }) : () -> ()
    %mul3A_814 = arith.constant 32 : i32
    %mul3A_815 = arith.muli %add3A, %mul3A_814 : i32
    %run_scoped3A_816 = arith.constant 1 : i32
    "tpu.region"() ({
      %run_scoped3A_817 = tpu.sem_alloc : memref<!tpu.dma_semaphore, #tpu.memory_space<semaphore_mem>>
      %dma_start3A_818 = tpu.memref_slice %arg7[%run_scoped3A_816, %mul3A_815] : memref<2x1024xf32, #tpu.memory_space<hbm>> -> memref<1x32xf32, #tpu.memory_space<hbm>>
      %dma_start3A_819 = tpu.memref_squeeze %dma_start3A_818 : memref<1x32xf32, #tpu.memory_space<hbm>> -> memref<32xf32, #tpu.memory_space<hbm>>
      %dma_start3A_820 = tpu.memref_slice %arg7[%run_scoped3A_816, %mul3A_815] : memref<2x1024xf32, #tpu.memory_space<hbm>> -> memref<1x32xf32, #tpu.memory_space<hbm>>
      %dma_start3A_821 = tpu.memref_squeeze %dma_start3A_820 : memref<1x32xf32, #tpu.memory_space<hbm>> -> memref<32xf32, #tpu.memory_space<hbm>>
      tpu.enqueue_dma source(%arg17 : memref<32xf32, #tpu.memory_space<vmem>>) target(%dma_start3A_821 : memref<32xf32, #tpu.memory_space<hbm>>) target_semaphore(%run_scoped3A_817 : memref<!tpu.dma_semaphore, #tpu.memory_space<semaphore_mem>>)
      %dma_wait3A_822 = tpu.memref_slice %arg7[%run_scoped3A_816, %mul3A_815] : memref<2x1024xf32, #tpu.memory_space<hbm>> -> memref<1x32xf32, #tpu.memory_space<hbm>>
      %dma_wait3A_823 = tpu.memref_squeeze %dma_wait3A_822 : memref<1x32xf32, #tpu.memory_space<hbm>> -> memref<32xf32, #tpu.memory_space<hbm>>
      %dma_wait3A_824 = tpu.memref_slice %arg7[%run_scoped3A_816, %mul3A_815] : memref<2x1024xf32, #tpu.memory_space<hbm>> -> memref<1x32xf32, #tpu.memory_space<hbm>>
      %dma_wait3A_825 = tpu.memref_squeeze %dma_wait3A_824 : memref<1x32xf32, #tpu.memory_space<hbm>> -> memref<32xf32, #tpu.memory_space<hbm>>
      tpu.wait_dma2 semaphore(%run_scoped3A_817 : memref<!tpu.dma_semaphore, #tpu.memory_space<semaphore_mem>>) src(%arg17 : memref<32xf32, #tpu.memory_space<vmem>>) dst(%dma_wait3A_825 : memref<32xf32, #tpu.memory_space<hbm>>)
      tpu.yield
    }) : () -> ()
    return
  }
}

module attributes {stable_mosaic.version = 14 : i64} {
  func.func @_tc_body(%arg0: i32, %arg1: memref<1024xi32, #tpu.memory_space<smem>>, %arg2: memref<1024xi32, #tpu.memory_space<smem>>, %arg3: memref<50xi32, #tpu.memory_space<smem>>, %arg4: memref<1024x128xf32, #tpu.memory_space<vmem>>, %arg5: memref<1024x128xf32, #tpu.memory_space<vmem>>, %arg6: memref<2048x128xf32, #tpu.memory_space<vmem>>, %arg7: memref<2048x128xf32, #tpu.memory_space<vmem>>, %arg8: memref<8192x128xi32, #tpu.memory_space<vmem>>, %arg9: memref<8192x128xi32, #tpu.memory_space<vmem>>, %arg10: memref<2048x128xf32, #tpu.memory_space<vmem>>, %arg11: memref<2048x128xf32, #tpu.memory_space<vmem>>, %arg12: memref<1024x128xf32, #tpu.memory_space<vmem>>, %arg13: memref<1024x128xf32, #tpu.memory_space<vmem>>, %arg14: memref<1024x128xbf16, #tpu.memory_space<vmem>>, %arg15: memref<1024x128xbf16, #tpu.memory_space<vmem>>) attributes {dimension_semantics = [#tpu.dimension_semantics<arbitrary>], iteration_bounds = array<i64: 49>, scalar_prefetch = 3 : i64, scratch_operands = 4 : i64, tpu.core_type = #tpu.core_type<tc>, window_params = [{pipeline_mode = #tpu.pipeline_mode<synchronous>, transform_indices = @transform_0, window_bounds = array<i64: 1024, 128>}, {pipeline_mode = #tpu.pipeline_mode<synchronous>, transform_indices = @transform_1, window_bounds = array<i64: 1024, 128>}, {transform_indices = @transform_2, window_bounds = array<i64: 2048, 128>}, {transform_indices = @transform_3, window_bounds = array<i64: 2048, 128>}, {transform_indices = @transform_4, window_bounds = array<i64: 8192, 128>}, {transform_indices = @transform_5, window_bounds = array<i64: 8192, 128>}, {transform_indices = @transform_6, window_bounds = array<i64: 2048, 128>}, {transform_indices = @transform_7, window_bounds = array<i64: 2048, 128>}]} {
    %eq3A = arith.constant 0 : i32
    %eq3A_0 = arith.cmpi eq, %arg0, %eq3A : i32
    %convert_element_type3A = arith.extui %eq3A_0 : i1 to i32
    %cond3A = arith.constant 0 : i32
    %cond3A_1 = arith.cmpi ne, %convert_element_type3A, %cond3A : i32
    scf.if %cond3A_1 {
      %get3A_580 = arith.constant 0 : index
      %get3A_581 = arith.constant 0 : index
      %get3A_582 = vector.load %arg4[%get3A_580, %get3A_581] : memref<1024x128xf32, #tpu.memory_space<vmem>>, vector<1024x128xf32>
      %mul3A_583 = arith.mulf %get3A_582, %get3A_582 : vector<1024x128xf32>
      %reduce_sum3A = arith.constant dense<0.000000e+00> : vector<1024xf32>
      %reduce_sum3A_584 = vector.multi_reduction <add>, %mul3A_583, %reduce_sum3A [1] : vector<1024x128xf32> to vector<1024xf32>
      %broadcast_in_dim3A = vector.shape_cast %reduce_sum3A_584 : vector<1024xf32> to vector<1024x1xf32>
      %sqrt3A = math.sqrt %broadcast_in_dim3A : vector<1024x1xf32>
      %max3A = arith.constant 9.99999996E-13 : f32
      %max3A_585 = vector.broadcast %max3A : f32 to vector<1024x1xf32>
      %max3A_586 = arith.maximumf %sqrt3A, %max3A_585 : vector<1024x1xf32>
      %div3A = vector.broadcast %max3A_586 : vector<1024x1xf32> to vector<1024x128xf32>
      %div3A_587 = arith.divf %get3A_582, %div3A : vector<1024x128xf32>
      %swap3A_588 = arith.constant 0 : index
      %swap3A_589 = arith.constant 0 : index
      %swap3A_590 = vector.load %arg12[%swap3A_588, %swap3A_589] : memref<1024x128xf32, #tpu.memory_space<vmem>>, vector<1024x128xf32>
      tpu.vector_store %arg12[%swap3A_588, %swap3A_589], %div3A_587 {strides = array<i32>} : memref<1024x128xf32, #tpu.memory_space<vmem>>, vector<1024x128xf32>,
      %mul3A_591 = arith.constant 14.2857141 : f32
      %mul3A_592 = vector.broadcast %mul3A_591 : f32 to vector<1024x128xf32>
      %mul3A_593 = arith.mulf %div3A_587, %mul3A_592 : vector<1024x128xf32>
      %convert_element_type3A_594 = arith.truncf %mul3A_593 : vector<1024x128xf32> to vector<1024x128xbf16>
      %swap3A_595 = arith.constant 0 : index
      %swap3A_596 = arith.constant 0 : index
      %swap3A_597 = vector.load %arg14[%swap3A_595, %swap3A_596] : memref<1024x128xbf16, #tpu.memory_space<vmem>>, vector<1024x128xbf16>
      tpu.vector_store %arg14[%swap3A_595, %swap3A_596], %convert_element_type3A_594 {strides = array<i32>} : memref<1024x128xbf16, #tpu.memory_space<vmem>>, vector<1024x128xbf16>,
      %get3A_598 = arith.constant 0 : index
      %get3A_599 = arith.constant 0 : index
      %get3A_600 = vector.load %arg5[%get3A_598, %get3A_599] : memref<1024x128xf32, #tpu.memory_space<vmem>>, vector<1024x128xf32>
      %mul3A_601 = arith.mulf %get3A_600, %get3A_600 : vector<1024x128xf32>
      %reduce_sum3A_602 = arith.constant dense<0.000000e+00> : vector<1024xf32>
      %reduce_sum3A_603 = vector.multi_reduction <add>, %mul3A_601, %reduce_sum3A_602 [1] : vector<1024x128xf32> to vector<1024xf32>
      %broadcast_in_dim3A_604 = vector.shape_cast %reduce_sum3A_603 : vector<1024xf32> to vector<1024x1xf32>
      %sqrt3A_605 = math.sqrt %broadcast_in_dim3A_604 : vector<1024x1xf32>
      %max3A_606 = arith.constant 9.99999996E-13 : f32
      %max3A_607 = vector.broadcast %max3A_606 : f32 to vector<1024x1xf32>
      %max3A_608 = arith.maximumf %sqrt3A_605, %max3A_607 : vector<1024x1xf32>
      %div3A_609 = vector.broadcast %max3A_608 : vector<1024x1xf32> to vector<1024x128xf32>
      %div3A_610 = arith.divf %get3A_600, %div3A_609 : vector<1024x128xf32>
      %swap3A_611 = arith.constant 0 : index
      %swap3A_612 = arith.constant 0 : index
      %swap3A_613 = vector.load %arg13[%swap3A_611, %swap3A_612] : memref<1024x128xf32, #tpu.memory_space<vmem>>, vector<1024x128xf32>
      tpu.vector_store %arg13[%swap3A_611, %swap3A_612], %div3A_610 {strides = array<i32>} : memref<1024x128xf32, #tpu.memory_space<vmem>>, vector<1024x128xf32>,
      %mul3A_614 = arith.constant 14.2857141 : f32
      %mul3A_615 = vector.broadcast %mul3A_614 : f32 to vector<1024x128xf32>
      %mul3A_616 = arith.mulf %div3A_610, %mul3A_615 : vector<1024x128xf32>
      %convert_element_type3A_617 = arith.truncf %mul3A_616 : vector<1024x128xf32> to vector<1024x128xbf16>
      %swap3A_618 = arith.constant 0 : index
      %swap3A_619 = arith.constant 0 : index
      %swap3A_620 = vector.load %arg15[%swap3A_618, %swap3A_619] : memref<1024x128xbf16, #tpu.memory_space<vmem>>, vector<1024x128xbf16>
      tpu.vector_store %arg15[%swap3A_618, %swap3A_619], %convert_element_type3A_617 {strides = array<i32>} : memref<1024x128xbf16, #tpu.memory_space<vmem>>, vector<1024x128xbf16>,
    } else {
    }
    %get3A = arith.constant 0 : index
    %get3A_2 = arith.constant 0 : index
    %get3A_3 = vector.load %arg6[%get3A, %get3A_2] : memref<2048x128xf32, #tpu.memory_space<vmem>>, vector<2048x128xf32>
    %get3A_4 = arith.constant 0 : index
    %get3A_5 = arith.constant 0 : index
    %get3A_6 = vector.load %arg7[%get3A_4, %get3A_5] : memref<2048x128xf32, #tpu.memory_space<vmem>>, vector<2048x128xf32>
    %get3A_7 = arith.constant 0 : index
    %get3A_8 = arith.constant 0 : index
    %get3A_9 = vector.load %arg15[%get3A_7, %get3A_8] : memref<1024x128xbf16, #tpu.memory_space<vmem>>, vector<1024x128xbf16>
    %slice3A = vector.extract_strided_slice %get3A_3 {offsets = [0, 0], sizes = [128, 128], strides = [1, 1]} : vector<2048x128xf32> to vector<128x128xf32>
    %convert_element_type3A_10 = arith.truncf %slice3A : vector<128x128xf32> to vector<128x128xbf16>
    %dot_general3A = arith.constant dense<0.000000e+00> : vector<1024x128xf32>
    %dot_general3A_11 = tpu.matmul %get3A_9, %convert_element_type3A_10, %dot_general3A {dimension_numbers = #tpu.dot_dimension_numbers<[1], [1], [0], [0], [0, 0, 1, 0], [], []>, transpose_lhs_hint = false} : vector<1024x128xbf16>, vector<128x128xbf16>, vector<1024x128xf32> -> vector<1024x128xf32>
    %get3A_12 = arith.constant 0 : index
    %get3A_13 = arith.constant 0 : index
    %get3A_14 = vector.load %arg15[%get3A_12, %get3A_13] : memref<1024x128xbf16, #tpu.memory_space<vmem>>, vector<1024x128xbf16>
    %slice3A_15 = vector.extract_strided_slice %get3A_3 {offsets = [1024, 0], sizes = [128, 128], strides = [1, 1]} : vector<2048x128xf32> to vector<128x128xf32>
    %convert_element_type3A_16 = arith.truncf %slice3A_15 : vector<128x128xf32> to vector<128x128xbf16>
    %dot_general3A_17 = arith.constant dense<0.000000e+00> : vector<1024x128xf32>
    %dot_general3A_18 = tpu.matmul %get3A_14, %convert_element_type3A_16, %dot_general3A_17 {dimension_numbers = #tpu.dot_dimension_numbers<[1], [1], [0], [0], [0, 0, 1, 0], [], []>, transpose_lhs_hint = false} : vector<1024x128xbf16>, vector<128x128xbf16>, vector<1024x128xf32> -> vector<1024x128xf32>
    %bitcast_convert_type3A = tpu.bitcast %dot_general3A_11 : vector<1024x128xf32> -> vector<1024x128xi32>
    %bitcast_convert_type3A_19 = tpu.bitcast %dot_general3A_18 : vector<1024x128xf32> -> vector<1024x128xi32>
    %add3A = arith.constant 32768 : i32
    %add3A_20 = vector.broadcast %add3A : i32 to vector<1024x128xi32>
    %add3A_21 = arith.addi %bitcast_convert_type3A, %add3A_20 : vector<1024x128xi32>
    %shift_right_logical3A = arith.constant 16 : i32
    %shift_right_logical3A_22 = vector.broadcast %shift_right_logical3A : i32 to vector<1024x128xi32>
    %shift_right_logical3A_23 = arith.shrui %add3A_21, %shift_right_logical3A_22 : vector<1024x128xi32>
    %add3A_24 = arith.constant 32768 : i32
    %add3A_25 = vector.broadcast %add3A_24 : i32 to vector<1024x128xi32>
    %add3A_26 = arith.addi %bitcast_convert_type3A_19, %add3A_25 : vector<1024x128xi32>
    %shift_right_logical3A_27 = arith.constant 16 : i32
    %shift_right_logical3A_28 = vector.broadcast %shift_right_logical3A_27 : i32 to vector<1024x128xi32>
    %shift_right_logical3A_29 = arith.shrui %add3A_26, %shift_right_logical3A_28 : vector<1024x128xi32>
    %shift_left3A = arith.constant 16 : i32
    %shift_left3A_30 = vector.broadcast %shift_left3A : i32 to vector<1024x128xi32>
    %shift_left3A_31 = arith.shli %shift_right_logical3A_29, %shift_left3A_30 : vector<1024x128xi32>
    %or3A = arith.ori %shift_left3A_31, %shift_right_logical3A_23 : vector<1024x128xi32>
    %swap3A = arith.constant 0 : index
    %swap3A_32 = arith.constant 0 : index
    %swap3A_33 = vector.load %arg8[%swap3A, %swap3A_32] : memref<8192x128xi32, #tpu.memory_space<vmem>>, vector<1024x128xi32>
    tpu.vector_store %arg8[%swap3A, %swap3A_32], %or3A {strides = array<i32>} : memref<8192x128xi32, #tpu.memory_space<vmem>>, vector<1024x128xi32>,
    %get3A_34 = arith.constant 0 : index
    %get3A_35 = arith.constant 0 : index
    %get3A_36 = vector.load %arg14[%get3A_34, %get3A_35] : memref<1024x128xbf16, #tpu.memory_space<vmem>>, vector<1024x128xbf16>
    %slice3A_37 = vector.extract_strided_slice %get3A_6 {offsets = [0, 0], sizes = [128, 128], strides = [1, 1]} : vector<2048x128xf32> to vector<128x128xf32>
    %convert_element_type3A_38 = arith.truncf %slice3A_37 : vector<128x128xf32> to vector<128x128xbf16>
    %dot_general3A_39 = arith.constant dense<0.000000e+00> : vector<1024x128xf32>
    %dot_general3A_40 = tpu.matmul %get3A_36, %convert_element_type3A_38, %dot_general3A_39 {dimension_numbers = #tpu.dot_dimension_numbers<[1], [1], [0], [0], [0, 0, 1, 0], [], []>, transpose_lhs_hint = false} : vector<1024x128xbf16>, vector<128x128xbf16>, vector<1024x128xf32> -> vector<1024x128xf32>
    %get3A_41 = arith.constant 0 : index
    %get3A_42 = arith.constant 0 : index
    %get3A_43 = vector.load %arg14[%get3A_41, %get3A_42] : memref<1024x128xbf16, #tpu.memory_space<vmem>>, vector<1024x128xbf16>
    %slice3A_44 = vector.extract_strided_slice %get3A_6 {offsets = [1024, 0], sizes = [128, 128], strides = [1, 1]} : vector<2048x128xf32> to vector<128x128xf32>
    %convert_element_type3A_45 = arith.truncf %slice3A_44 : vector<128x128xf32> to vector<128x128xbf16>
    %dot_general3A_46 = arith.constant dense<0.000000e+00> : vector<1024x128xf32>
    %dot_general3A_47 = tpu.matmul %get3A_43, %convert_element_type3A_45, %dot_general3A_46 {dimension_numbers = #tpu.dot_dimension_numbers<[1], [1], [0], [0], [0, 0, 1, 0], [], []>, transpose_lhs_hint = false} : vector<1024x128xbf16>, vector<128x128xbf16>, vector<1024x128xf32> -> vector<1024x128xf32>
    %bitcast_convert_type3A_48 = tpu.bitcast %dot_general3A_40 : vector<1024x128xf32> -> vector<1024x128xi32>
    %bitcast_convert_type3A_49 = tpu.bitcast %dot_general3A_47 : vector<1024x128xf32> -> vector<1024x128xi32>
    %add3A_50 = arith.constant 32768 : i32
    %add3A_51 = vector.broadcast %add3A_50 : i32 to vector<1024x128xi32>
    %add3A_52 = arith.addi %bitcast_convert_type3A_48, %add3A_51 : vector<1024x128xi32>
    %shift_right_logical3A_53 = arith.constant 16 : i32
    %shift_right_logical3A_54 = vector.broadcast %shift_right_logical3A_53 : i32 to vector<1024x128xi32>
    %shift_right_logical3A_55 = arith.shrui %add3A_52, %shift_right_logical3A_54 : vector<1024x128xi32>
    %add3A_56 = arith.constant 32768 : i32
    %add3A_57 = vector.broadcast %add3A_56 : i32 to vector<1024x128xi32>
    %add3A_58 = arith.addi %bitcast_convert_type3A_49, %add3A_57 : vector<1024x128xi32>
    %shift_right_logical3A_59 = arith.constant 16 : i32
    %shift_right_logical3A_60 = vector.broadcast %shift_right_logical3A_59 : i32 to vector<1024x128xi32>
    %shift_right_logical3A_61 = arith.shrui %add3A_58, %shift_right_logical3A_60 : vector<1024x128xi32>
    %shift_left3A_62 = arith.constant 16 : i32
    %shift_left3A_63 = vector.broadcast %shift_left3A_62 : i32 to vector<1024x128xi32>
    %shift_left3A_64 = arith.shli %shift_right_logical3A_61, %shift_left3A_63 : vector<1024x128xi32>
    %or3A_65 = arith.ori %shift_left3A_64, %shift_right_logical3A_55 : vector<1024x128xi32>
    %swap3A_66 = arith.constant 0 : index
    %swap3A_67 = arith.constant 0 : index
    %swap3A_68 = vector.load %arg9[%swap3A_66, %swap3A_67] : memref<8192x128xi32, #tpu.memory_space<vmem>>, vector<1024x128xi32>
    tpu.vector_store %arg9[%swap3A_66, %swap3A_67], %or3A_65 {strides = array<i32>} : memref<8192x128xi32, #tpu.memory_space<vmem>>, vector<1024x128xi32>,
    %get3A_69 = arith.constant 0 : index
    %get3A_70 = arith.constant 0 : index
    %get3A_71 = vector.load %arg15[%get3A_69, %get3A_70] : memref<1024x128xbf16, #tpu.memory_space<vmem>>, vector<1024x128xbf16>
    %slice3A_72 = vector.extract_strided_slice %get3A_3 {offsets = [128, 0], sizes = [128, 128], strides = [1, 1]} : vector<2048x128xf32> to vector<128x128xf32>
    %convert_element_type3A_73 = arith.truncf %slice3A_72 : vector<128x128xf32> to vector<128x128xbf16>
    %dot_general3A_74 = arith.constant dense<0.000000e+00> : vector<1024x128xf32>
    %dot_general3A_75 = tpu.matmul %get3A_71, %convert_element_type3A_73, %dot_general3A_74 {dimension_numbers = #tpu.dot_dimension_numbers<[1], [1], [0], [0], [0, 0, 1, 0], [], []>, transpose_lhs_hint = false} : vector<1024x128xbf16>, vector<128x128xbf16>, vector<1024x128xf32> -> vector<1024x128xf32>
    %get3A_76 = arith.constant 0 : index
    %get3A_77 = arith.constant 0 : index
    %get3A_78 = vector.load %arg15[%get3A_76, %get3A_77] : memref<1024x128xbf16, #tpu.memory_space<vmem>>, vector<1024x128xbf16>
    %slice3A_79 = vector.extract_strided_slice %get3A_3 {offsets = [1152, 0], sizes = [128, 128], strides = [1, 1]} : vector<2048x128xf32> to vector<128x128xf32>
    %convert_element_type3A_80 = arith.truncf %slice3A_79 : vector<128x128xf32> to vector<128x128xbf16>
    %dot_general3A_81 = arith.constant dense<0.000000e+00> : vector<1024x128xf32>
    %dot_general3A_82 = tpu.matmul %get3A_78, %convert_element_type3A_80, %dot_general3A_81 {dimension_numbers = #tpu.dot_dimension_numbers<[1], [1], [0], [0], [0, 0, 1, 0], [], []>, transpose_lhs_hint = false} : vector<1024x128xbf16>, vector<128x128xbf16>, vector<1024x128xf32> -> vector<1024x128xf32>
    %bitcast_convert_type3A_83 = tpu.bitcast %dot_general3A_75 : vector<1024x128xf32> -> vector<1024x128xi32>
    %bitcast_convert_type3A_84 = tpu.bitcast %dot_general3A_82 : vector<1024x128xf32> -> vector<1024x128xi32>
    %add3A_85 = arith.constant 32768 : i32
    %add3A_86 = vector.broadcast %add3A_85 : i32 to vector<1024x128xi32>
    %add3A_87 = arith.addi %bitcast_convert_type3A_83, %add3A_86 : vector<1024x128xi32>
    %shift_right_logical3A_88 = arith.constant 16 : i32
    %shift_right_logical3A_89 = vector.broadcast %shift_right_logical3A_88 : i32 to vector<1024x128xi32>
    %shift_right_logical3A_90 = arith.shrui %add3A_87, %shift_right_logical3A_89 : vector<1024x128xi32>
    %add3A_91 = arith.constant 32768 : i32
    %add3A_92 = vector.broadcast %add3A_91 : i32 to vector<1024x128xi32>
    %add3A_93 = arith.addi %bitcast_convert_type3A_84, %add3A_92 : vector<1024x128xi32>
    %shift_right_logical3A_94 = arith.constant 16 : i32
    %shift_right_logical3A_95 = vector.broadcast %shift_right_logical3A_94 : i32 to vector<1024x128xi32>
    %shift_right_logical3A_96 = arith.shrui %add3A_93, %shift_right_logical3A_95 : vector<1024x128xi32>
    %shift_left3A_97 = arith.constant 16 : i32
    %shift_left3A_98 = vector.broadcast %shift_left3A_97 : i32 to vector<1024x128xi32>
    %shift_left3A_99 = arith.shli %shift_right_logical3A_96, %shift_left3A_98 : vector<1024x128xi32>
    %or3A_100 = arith.ori %shift_left3A_99, %shift_right_logical3A_90 : vector<1024x128xi32>
    %swap3A_101 = arith.constant 1024 : index
    %swap3A_102 = arith.constant 0 : index
    %swap3A_103 = vector.load %arg8[%swap3A_101, %swap3A_102] : memref<8192x128xi32, #tpu.memory_space<vmem>>, vector<1024x128xi32>
    tpu.vector_store %arg8[%swap3A_101, %swap3A_102], %or3A_100 {strides = array<i32>} : memref<8192x128xi32, #tpu.memory_space<vmem>>, vector<1024x128xi32>,
    %get3A_104 = arith.constant 0 : index
    %get3A_105 = arith.constant 0 : index
    %get3A_106 = vector.load %arg14[%get3A_104, %get3A_105] : memref<1024x128xbf16, #tpu.memory_space<vmem>>, vector<1024x128xbf16>
    %slice3A_107 = vector.extract_strided_slice %get3A_6 {offsets = [128, 0], sizes = [128, 128], strides = [1, 1]} : vector<2048x128xf32> to vector<128x128xf32>
    %convert_element_type3A_108 = arith.truncf %slice3A_107 : vector<128x128xf32> to vector<128x128xbf16>
    %dot_general3A_109 = arith.constant dense<0.000000e+00> : vector<1024x128xf32>
    %dot_general3A_110 = tpu.matmul %get3A_106, %convert_element_type3A_108, %dot_general3A_109 {dimension_numbers = #tpu.dot_dimension_numbers<[1], [1], [0], [0], [0, 0, 1, 0], [], []>, transpose_lhs_hint = false} : vector<1024x128xbf16>, vector<128x128xbf16>, vector<1024x128xf32> -> vector<1024x128xf32>
    %get3A_111 = arith.constant 0 : index
    %get3A_112 = arith.constant 0 : index
    %get3A_113 = vector.load %arg14[%get3A_111, %get3A_112] : memref<1024x128xbf16, #tpu.memory_space<vmem>>, vector<1024x128xbf16>
    %slice3A_114 = vector.extract_strided_slice %get3A_6 {offsets = [1152, 0], sizes = [128, 128], strides = [1, 1]} : vector<2048x128xf32> to vector<128x128xf32>
    %convert_element_type3A_115 = arith.truncf %slice3A_114 : vector<128x128xf32> to vector<128x128xbf16>
    %dot_general3A_116 = arith.constant dense<0.000000e+00> : vector<1024x128xf32>
    %dot_general3A_117 = tpu.matmul %get3A_113, %convert_element_type3A_115, %dot_general3A_116 {dimension_numbers = #tpu.dot_dimension_numbers<[1], [1], [0], [0], [0, 0, 1, 0], [], []>, transpose_lhs_hint = false} : vector<1024x128xbf16>, vector<128x128xbf16>, vector<1024x128xf32> -> vector<1024x128xf32>
    %bitcast_convert_type3A_118 = tpu.bitcast %dot_general3A_110 : vector<1024x128xf32> -> vector<1024x128xi32>
    %bitcast_convert_type3A_119 = tpu.bitcast %dot_general3A_117 : vector<1024x128xf32> -> vector<1024x128xi32>
    %add3A_120 = arith.constant 32768 : i32
    %add3A_121 = vector.broadcast %add3A_120 : i32 to vector<1024x128xi32>
    %add3A_122 = arith.addi %bitcast_convert_type3A_118, %add3A_121 : vector<1024x128xi32>
    %shift_right_logical3A_123 = arith.constant 16 : i32
    %shift_right_logical3A_124 = vector.broadcast %shift_right_logical3A_123 : i32 to vector<1024x128xi32>
    %shift_right_logical3A_125 = arith.shrui %add3A_122, %shift_right_logical3A_124 : vector<1024x128xi32>
    %add3A_126 = arith.constant 32768 : i32
    %add3A_127 = vector.broadcast %add3A_126 : i32 to vector<1024x128xi32>
    %add3A_128 = arith.addi %bitcast_convert_type3A_119, %add3A_127 : vector<1024x128xi32>
    %shift_right_logical3A_129 = arith.constant 16 : i32
    %shift_right_logical3A_130 = vector.broadcast %shift_right_logical3A_129 : i32 to vector<1024x128xi32>
    %shift_right_logical3A_131 = arith.shrui %add3A_128, %shift_right_logical3A_130 : vector<1024x128xi32>
    %shift_left3A_132 = arith.constant 16 : i32
    %shift_left3A_133 = vector.broadcast %shift_left3A_132 : i32 to vector<1024x128xi32>
    %shift_left3A_134 = arith.shli %shift_right_logical3A_131, %shift_left3A_133 : vector<1024x128xi32>
    %or3A_135 = arith.ori %shift_left3A_134, %shift_right_logical3A_125 : vector<1024x128xi32>
    %swap3A_136 = arith.constant 1024 : index
    %swap3A_137 = arith.constant 0 : index
    %swap3A_138 = vector.load %arg9[%swap3A_136, %swap3A_137] : memref<8192x128xi32, #tpu.memory_space<vmem>>, vector<1024x128xi32>
    tpu.vector_store %arg9[%swap3A_136, %swap3A_137], %or3A_135 {strides = array<i32>} : memref<8192x128xi32, #tpu.memory_space<vmem>>, vector<1024x128xi32>,
    %get3A_139 = arith.constant 0 : index
    %get3A_140 = arith.constant 0 : index
    %get3A_141 = vector.load %arg15[%get3A_139, %get3A_140] : memref<1024x128xbf16, #tpu.memory_space<vmem>>, vector<1024x128xbf16>
    %slice3A_142 = vector.extract_strided_slice %get3A_3 {offsets = [256, 0], sizes = [128, 128], strides = [1, 1]} : vector<2048x128xf32> to vector<128x128xf32>
    %convert_element_type3A_143 = arith.truncf %slice3A_142 : vector<128x128xf32> to vector<128x128xbf16>
    %dot_general3A_144 = arith.constant dense<0.000000e+00> : vector<1024x128xf32>
    %dot_general3A_145 = tpu.matmul %get3A_141, %convert_element_type3A_143, %dot_general3A_144 {dimension_numbers = #tpu.dot_dimension_numbers<[1], [1], [0], [0], [0, 0, 1, 0], [], []>, transpose_lhs_hint = false} : vector<1024x128xbf16>, vector<128x128xbf16>, vector<1024x128xf32> -> vector<1024x128xf32>
    %get3A_146 = arith.constant 0 : index
    %get3A_147 = arith.constant 0 : index
    %get3A_148 = vector.load %arg15[%get3A_146, %get3A_147] : memref<1024x128xbf16, #tpu.memory_space<vmem>>, vector<1024x128xbf16>
    %slice3A_149 = vector.extract_strided_slice %get3A_3 {offsets = [1280, 0], sizes = [128, 128], strides = [1, 1]} : vector<2048x128xf32> to vector<128x128xf32>
    %convert_element_type3A_150 = arith.truncf %slice3A_149 : vector<128x128xf32> to vector<128x128xbf16>
    %dot_general3A_151 = arith.constant dense<0.000000e+00> : vector<1024x128xf32>
    %dot_general3A_152 = tpu.matmul %get3A_148, %convert_element_type3A_150, %dot_general3A_151 {dimension_numbers = #tpu.dot_dimension_numbers<[1], [1], [0], [0], [0, 0, 1, 0], [], []>, transpose_lhs_hint = false} : vector<1024x128xbf16>, vector<128x128xbf16>, vector<1024x128xf32> -> vector<1024x128xf32>
    %bitcast_convert_type3A_153 = tpu.bitcast %dot_general3A_145 : vector<1024x128xf32> -> vector<1024x128xi32>
    %bitcast_convert_type3A_154 = tpu.bitcast %dot_general3A_152 : vector<1024x128xf32> -> vector<1024x128xi32>
    %add3A_155 = arith.constant 32768 : i32
    %add3A_156 = vector.broadcast %add3A_155 : i32 to vector<1024x128xi32>
    %add3A_157 = arith.addi %bitcast_convert_type3A_153, %add3A_156 : vector<1024x128xi32>
    %shift_right_logical3A_158 = arith.constant 16 : i32
    %shift_right_logical3A_159 = vector.broadcast %shift_right_logical3A_158 : i32 to vector<1024x128xi32>
    %shift_right_logical3A_160 = arith.shrui %add3A_157, %shift_right_logical3A_159 : vector<1024x128xi32>
    %add3A_161 = arith.constant 32768 : i32
    %add3A_162 = vector.broadcast %add3A_161 : i32 to vector<1024x128xi32>
    %add3A_163 = arith.addi %bitcast_convert_type3A_154, %add3A_162 : vector<1024x128xi32>
    %shift_right_logical3A_164 = arith.constant 16 : i32
    %shift_right_logical3A_165 = vector.broadcast %shift_right_logical3A_164 : i32 to vector<1024x128xi32>
    %shift_right_logical3A_166 = arith.shrui %add3A_163, %shift_right_logical3A_165 : vector<1024x128xi32>
    %shift_left3A_167 = arith.constant 16 : i32
    %shift_left3A_168 = vector.broadcast %shift_left3A_167 : i32 to vector<1024x128xi32>
    %shift_left3A_169 = arith.shli %shift_right_logical3A_166, %shift_left3A_168 : vector<1024x128xi32>
    %or3A_170 = arith.ori %shift_left3A_169, %shift_right_logical3A_160 : vector<1024x128xi32>
    %swap3A_171 = arith.constant 2048 : index
    %swap3A_172 = arith.constant 0 : index
    %swap3A_173 = vector.load %arg8[%swap3A_171, %swap3A_172] : memref<8192x128xi32, #tpu.memory_space<vmem>>, vector<1024x128xi32>
    tpu.vector_store %arg8[%swap3A_171, %swap3A_172], %or3A_170 {strides = array<i32>} : memref<8192x128xi32, #tpu.memory_space<vmem>>, vector<1024x128xi32>,
    %get3A_174 = arith.constant 0 : index
    %get3A_175 = arith.constant 0 : index
    %get3A_176 = vector.load %arg14[%get3A_174, %get3A_175] : memref<1024x128xbf16, #tpu.memory_space<vmem>>, vector<1024x128xbf16>
    %slice3A_177 = vector.extract_strided_slice %get3A_6 {offsets = [256, 0], sizes = [128, 128], strides = [1, 1]} : vector<2048x128xf32> to vector<128x128xf32>
    %convert_element_type3A_178 = arith.truncf %slice3A_177 : vector<128x128xf32> to vector<128x128xbf16>
    %dot_general3A_179 = arith.constant dense<0.000000e+00> : vector<1024x128xf32>
    %dot_general3A_180 = tpu.matmul %get3A_176, %convert_element_type3A_178, %dot_general3A_179 {dimension_numbers = #tpu.dot_dimension_numbers<[1], [1], [0], [0], [0, 0, 1, 0], [], []>, transpose_lhs_hint = false} : vector<1024x128xbf16>, vector<128x128xbf16>, vector<1024x128xf32> -> vector<1024x128xf32>
    %get3A_181 = arith.constant 0 : index
    %get3A_182 = arith.constant 0 : index
    %get3A_183 = vector.load %arg14[%get3A_181, %get3A_182] : memref<1024x128xbf16, #tpu.memory_space<vmem>>, vector<1024x128xbf16>
    %slice3A_184 = vector.extract_strided_slice %get3A_6 {offsets = [1280, 0], sizes = [128, 128], strides = [1, 1]} : vector<2048x128xf32> to vector<128x128xf32>
    %convert_element_type3A_185 = arith.truncf %slice3A_184 : vector<128x128xf32> to vector<128x128xbf16>
    %dot_general3A_186 = arith.constant dense<0.000000e+00> : vector<1024x128xf32>
    %dot_general3A_187 = tpu.matmul %get3A_183, %convert_element_type3A_185, %dot_general3A_186 {dimension_numbers = #tpu.dot_dimension_numbers<[1], [1], [0], [0], [0, 0, 1, 0], [], []>, transpose_lhs_hint = false} : vector<1024x128xbf16>, vector<128x128xbf16>, vector<1024x128xf32> -> vector<1024x128xf32>
    %bitcast_convert_type3A_188 = tpu.bitcast %dot_general3A_180 : vector<1024x128xf32> -> vector<1024x128xi32>
    %bitcast_convert_type3A_189 = tpu.bitcast %dot_general3A_187 : vector<1024x128xf32> -> vector<1024x128xi32>
    %add3A_190 = arith.constant 32768 : i32
    %add3A_191 = vector.broadcast %add3A_190 : i32 to vector<1024x128xi32>
    %add3A_192 = arith.addi %bitcast_convert_type3A_188, %add3A_191 : vector<1024x128xi32>
    %shift_right_logical3A_193 = arith.constant 16 : i32
    %shift_right_logical3A_194 = vector.broadcast %shift_right_logical3A_193 : i32 to vector<1024x128xi32>
    %shift_right_logical3A_195 = arith.shrui %add3A_192, %shift_right_logical3A_194 : vector<1024x128xi32>
    %add3A_196 = arith.constant 32768 : i32
    %add3A_197 = vector.broadcast %add3A_196 : i32 to vector<1024x128xi32>
    %add3A_198 = arith.addi %bitcast_convert_type3A_189, %add3A_197 : vector<1024x128xi32>
    %shift_right_logical3A_199 = arith.constant 16 : i32
    %shift_right_logical3A_200 = vector.broadcast %shift_right_logical3A_199 : i32 to vector<1024x128xi32>
    %shift_right_logical3A_201 = arith.shrui %add3A_198, %shift_right_logical3A_200 : vector<1024x128xi32>
    %shift_left3A_202 = arith.constant 16 : i32
    %shift_left3A_203 = vector.broadcast %shift_left3A_202 : i32 to vector<1024x128xi32>
    %shift_left3A_204 = arith.shli %shift_right_logical3A_201, %shift_left3A_203 : vector<1024x128xi32>
    %or3A_205 = arith.ori %shift_left3A_204, %shift_right_logical3A_195 : vector<1024x128xi32>
    %swap3A_206 = arith.constant 2048 : index
    %swap3A_207 = arith.constant 0 : index
    %swap3A_208 = vector.load %arg9[%swap3A_206, %swap3A_207] : memref<8192x128xi32, #tpu.memory_space<vmem>>, vector<1024x128xi32>
    tpu.vector_store %arg9[%swap3A_206, %swap3A_207], %or3A_205 {strides = array<i32>} : memref<8192x128xi32, #tpu.memory_space<vmem>>, vector<1024x128xi32>,
    %get3A_209 = arith.constant 0 : index
    %get3A_210 = arith.constant 0 : index
    %get3A_211 = vector.load %arg15[%get3A_209, %get3A_210] : memref<1024x128xbf16, #tpu.memory_space<vmem>>, vector<1024x128xbf16>
    %slice3A_212 = vector.extract_strided_slice %get3A_3 {offsets = [384, 0], sizes = [128, 128], strides = [1, 1]} : vector<2048x128xf32> to vector<128x128xf32>
    %convert_element_type3A_213 = arith.truncf %slice3A_212 : vector<128x128xf32> to vector<128x128xbf16>
    %dot_general3A_214 = arith.constant dense<0.000000e+00> : vector<1024x128xf32>
    %dot_general3A_215 = tpu.matmul %get3A_211, %convert_element_type3A_213, %dot_general3A_214 {dimension_numbers = #tpu.dot_dimension_numbers<[1], [1], [0], [0], [0, 0, 1, 0], [], []>, transpose_lhs_hint = false} : vector<1024x128xbf16>, vector<128x128xbf16>, vector<1024x128xf32> -> vector<1024x128xf32>
    %get3A_216 = arith.constant 0 : index
    %get3A_217 = arith.constant 0 : index
    %get3A_218 = vector.load %arg15[%get3A_216, %get3A_217] : memref<1024x128xbf16, #tpu.memory_space<vmem>>, vector<1024x128xbf16>
    %slice3A_219 = vector.extract_strided_slice %get3A_3 {offsets = [1408, 0], sizes = [128, 128], strides = [1, 1]} : vector<2048x128xf32> to vector<128x128xf32>
    %convert_element_type3A_220 = arith.truncf %slice3A_219 : vector<128x128xf32> to vector<128x128xbf16>
    %dot_general3A_221 = arith.constant dense<0.000000e+00> : vector<1024x128xf32>
    %dot_general3A_222 = tpu.matmul %get3A_218, %convert_element_type3A_220, %dot_general3A_221 {dimension_numbers = #tpu.dot_dimension_numbers<[1], [1], [0], [0], [0, 0, 1, 0], [], []>, transpose_lhs_hint = false} : vector<1024x128xbf16>, vector<128x128xbf16>, vector<1024x128xf32> -> vector<1024x128xf32>
    %bitcast_convert_type3A_223 = tpu.bitcast %dot_general3A_215 : vector<1024x128xf32> -> vector<1024x128xi32>
    %bitcast_convert_type3A_224 = tpu.bitcast %dot_general3A_222 : vector<1024x128xf32> -> vector<1024x128xi32>
    %add3A_225 = arith.constant 32768 : i32
    %add3A_226 = vector.broadcast %add3A_225 : i32 to vector<1024x128xi32>
    %add3A_227 = arith.addi %bitcast_convert_type3A_223, %add3A_226 : vector<1024x128xi32>
    %shift_right_logical3A_228 = arith.constant 16 : i32
    %shift_right_logical3A_229 = vector.broadcast %shift_right_logical3A_228 : i32 to vector<1024x128xi32>
    %shift_right_logical3A_230 = arith.shrui %add3A_227, %shift_right_logical3A_229 : vector<1024x128xi32>
    %add3A_231 = arith.constant 32768 : i32
    %add3A_232 = vector.broadcast %add3A_231 : i32 to vector<1024x128xi32>
    %add3A_233 = arith.addi %bitcast_convert_type3A_224, %add3A_232 : vector<1024x128xi32>
    %shift_right_logical3A_234 = arith.constant 16 : i32
    %shift_right_logical3A_235 = vector.broadcast %shift_right_logical3A_234 : i32 to vector<1024x128xi32>
    %shift_right_logical3A_236 = arith.shrui %add3A_233, %shift_right_logical3A_235 : vector<1024x128xi32>
    %shift_left3A_237 = arith.constant 16 : i32
    %shift_left3A_238 = vector.broadcast %shift_left3A_237 : i32 to vector<1024x128xi32>
    %shift_left3A_239 = arith.shli %shift_right_logical3A_236, %shift_left3A_238 : vector<1024x128xi32>
    %or3A_240 = arith.ori %shift_left3A_239, %shift_right_logical3A_230 : vector<1024x128xi32>
    %swap3A_241 = arith.constant 3072 : index
    %swap3A_242 = arith.constant 0 : index
    %swap3A_243 = vector.load %arg8[%swap3A_241, %swap3A_242] : memref<8192x128xi32, #tpu.memory_space<vmem>>, vector<1024x128xi32>
    tpu.vector_store %arg8[%swap3A_241, %swap3A_242], %or3A_240 {strides = array<i32>} : memref<8192x128xi32, #tpu.memory_space<vmem>>, vector<1024x128xi32>,
    %get3A_244 = arith.constant 0 : index
    %get3A_245 = arith.constant 0 : index
    %get3A_246 = vector.load %arg14[%get3A_244, %get3A_245] : memref<1024x128xbf16, #tpu.memory_space<vmem>>, vector<1024x128xbf16>
    %slice3A_247 = vector.extract_strided_slice %get3A_6 {offsets = [384, 0], sizes = [128, 128], strides = [1, 1]} : vector<2048x128xf32> to vector<128x128xf32>
    %convert_element_type3A_248 = arith.truncf %slice3A_247 : vector<128x128xf32> to vector<128x128xbf16>
    %dot_general3A_249 = arith.constant dense<0.000000e+00> : vector<1024x128xf32>
    %dot_general3A_250 = tpu.matmul %get3A_246, %convert_element_type3A_248, %dot_general3A_249 {dimension_numbers = #tpu.dot_dimension_numbers<[1], [1], [0], [0], [0, 0, 1, 0], [], []>, transpose_lhs_hint = false} : vector<1024x128xbf16>, vector<128x128xbf16>, vector<1024x128xf32> -> vector<1024x128xf32>
    %get3A_251 = arith.constant 0 : index
    %get3A_252 = arith.constant 0 : index
    %get3A_253 = vector.load %arg14[%get3A_251, %get3A_252] : memref<1024x128xbf16, #tpu.memory_space<vmem>>, vector<1024x128xbf16>
    %slice3A_254 = vector.extract_strided_slice %get3A_6 {offsets = [1408, 0], sizes = [128, 128], strides = [1, 1]} : vector<2048x128xf32> to vector<128x128xf32>
    %convert_element_type3A_255 = arith.truncf %slice3A_254 : vector<128x128xf32> to vector<128x128xbf16>
    %dot_general3A_256 = arith.constant dense<0.000000e+00> : vector<1024x128xf32>
    %dot_general3A_257 = tpu.matmul %get3A_253, %convert_element_type3A_255, %dot_general3A_256 {dimension_numbers = #tpu.dot_dimension_numbers<[1], [1], [0], [0], [0, 0, 1, 0], [], []>, transpose_lhs_hint = false} : vector<1024x128xbf16>, vector<128x128xbf16>, vector<1024x128xf32> -> vector<1024x128xf32>
    %bitcast_convert_type3A_258 = tpu.bitcast %dot_general3A_250 : vector<1024x128xf32> -> vector<1024x128xi32>
    %bitcast_convert_type3A_259 = tpu.bitcast %dot_general3A_257 : vector<1024x128xf32> -> vector<1024x128xi32>
    %add3A_260 = arith.constant 32768 : i32
    %add3A_261 = vector.broadcast %add3A_260 : i32 to vector<1024x128xi32>
    %add3A_262 = arith.addi %bitcast_convert_type3A_258, %add3A_261 : vector<1024x128xi32>
    %shift_right_logical3A_263 = arith.constant 16 : i32
    %shift_right_logical3A_264 = vector.broadcast %shift_right_logical3A_263 : i32 to vector<1024x128xi32>
    %shift_right_logical3A_265 = arith.shrui %add3A_262, %shift_right_logical3A_264 : vector<1024x128xi32>
    %add3A_266 = arith.constant 32768 : i32
    %add3A_267 = vector.broadcast %add3A_266 : i32 to vector<1024x128xi32>
    %add3A_268 = arith.addi %bitcast_convert_type3A_259, %add3A_267 : vector<1024x128xi32>
    %shift_right_logical3A_269 = arith.constant 16 : i32
    %shift_right_logical3A_270 = vector.broadcast %shift_right_logical3A_269 : i32 to vector<1024x128xi32>
    %shift_right_logical3A_271 = arith.shrui %add3A_268, %shift_right_logical3A_270 : vector<1024x128xi32>
    %shift_left3A_272 = arith.constant 16 : i32
    %shift_left3A_273 = vector.broadcast %shift_left3A_272 : i32 to vector<1024x128xi32>
    %shift_left3A_274 = arith.shli %shift_right_logical3A_271, %shift_left3A_273 : vector<1024x128xi32>
    %or3A_275 = arith.ori %shift_left3A_274, %shift_right_logical3A_265 : vector<1024x128xi32>
    %swap3A_276 = arith.constant 3072 : index
    %swap3A_277 = arith.constant 0 : index
    %swap3A_278 = vector.load %arg9[%swap3A_276, %swap3A_277] : memref<8192x128xi32, #tpu.memory_space<vmem>>, vector<1024x128xi32>
    tpu.vector_store %arg9[%swap3A_276, %swap3A_277], %or3A_275 {strides = array<i32>} : memref<8192x128xi32, #tpu.memory_space<vmem>>, vector<1024x128xi32>,
    %get3A_279 = arith.constant 0 : index
    %get3A_280 = arith.constant 0 : index
    %get3A_281 = vector.load %arg15[%get3A_279, %get3A_280] : memref<1024x128xbf16, #tpu.memory_space<vmem>>, vector<1024x128xbf16>
    %slice3A_282 = vector.extract_strided_slice %get3A_3 {offsets = [512, 0], sizes = [128, 128], strides = [1, 1]} : vector<2048x128xf32> to vector<128x128xf32>
    %convert_element_type3A_283 = arith.truncf %slice3A_282 : vector<128x128xf32> to vector<128x128xbf16>
    %dot_general3A_284 = arith.constant dense<0.000000e+00> : vector<1024x128xf32>
    %dot_general3A_285 = tpu.matmul %get3A_281, %convert_element_type3A_283, %dot_general3A_284 {dimension_numbers = #tpu.dot_dimension_numbers<[1], [1], [0], [0], [0, 0, 1, 0], [], []>, transpose_lhs_hint = false} : vector<1024x128xbf16>, vector<128x128xbf16>, vector<1024x128xf32> -> vector<1024x128xf32>
    %get3A_286 = arith.constant 0 : index
    %get3A_287 = arith.constant 0 : index
    %get3A_288 = vector.load %arg15[%get3A_286, %get3A_287] : memref<1024x128xbf16, #tpu.memory_space<vmem>>, vector<1024x128xbf16>
    %slice3A_289 = vector.extract_strided_slice %get3A_3 {offsets = [1536, 0], sizes = [128, 128], strides = [1, 1]} : vector<2048x128xf32> to vector<128x128xf32>
    %convert_element_type3A_290 = arith.truncf %slice3A_289 : vector<128x128xf32> to vector<128x128xbf16>
    %dot_general3A_291 = arith.constant dense<0.000000e+00> : vector<1024x128xf32>
    %dot_general3A_292 = tpu.matmul %get3A_288, %convert_element_type3A_290, %dot_general3A_291 {dimension_numbers = #tpu.dot_dimension_numbers<[1], [1], [0], [0], [0, 0, 1, 0], [], []>, transpose_lhs_hint = false} : vector<1024x128xbf16>, vector<128x128xbf16>, vector<1024x128xf32> -> vector<1024x128xf32>
    %bitcast_convert_type3A_293 = tpu.bitcast %dot_general3A_285 : vector<1024x128xf32> -> vector<1024x128xi32>
    %bitcast_convert_type3A_294 = tpu.bitcast %dot_general3A_292 : vector<1024x128xf32> -> vector<1024x128xi32>
    %add3A_295 = arith.constant 32768 : i32
    %add3A_296 = vector.broadcast %add3A_295 : i32 to vector<1024x128xi32>
    %add3A_297 = arith.addi %bitcast_convert_type3A_293, %add3A_296 : vector<1024x128xi32>
    %shift_right_logical3A_298 = arith.constant 16 : i32
    %shift_right_logical3A_299 = vector.broadcast %shift_right_logical3A_298 : i32 to vector<1024x128xi32>
    %shift_right_logical3A_300 = arith.shrui %add3A_297, %shift_right_logical3A_299 : vector<1024x128xi32>
    %add3A_301 = arith.constant 32768 : i32
    %add3A_302 = vector.broadcast %add3A_301 : i32 to vector<1024x128xi32>
    %add3A_303 = arith.addi %bitcast_convert_type3A_294, %add3A_302 : vector<1024x128xi32>
    %shift_right_logical3A_304 = arith.constant 16 : i32
    %shift_right_logical3A_305 = vector.broadcast %shift_right_logical3A_304 : i32 to vector<1024x128xi32>
    %shift_right_logical3A_306 = arith.shrui %add3A_303, %shift_right_logical3A_305 : vector<1024x128xi32>
    %shift_left3A_307 = arith.constant 16 : i32
    %shift_left3A_308 = vector.broadcast %shift_left3A_307 : i32 to vector<1024x128xi32>
    %shift_left3A_309 = arith.shli %shift_right_logical3A_306, %shift_left3A_308 : vector<1024x128xi32>
    %or3A_310 = arith.ori %shift_left3A_309, %shift_right_logical3A_300 : vector<1024x128xi32>
    %swap3A_311 = arith.constant 4096 : index
    %swap3A_312 = arith.constant 0 : index
    %swap3A_313 = vector.load %arg8[%swap3A_311, %swap3A_312] : memref<8192x128xi32, #tpu.memory_space<vmem>>, vector<1024x128xi32>
    tpu.vector_store %arg8[%swap3A_311, %swap3A_312], %or3A_310 {strides = array<i32>} : memref<8192x128xi32, #tpu.memory_space<vmem>>, vector<1024x128xi32>,
    %get3A_314 = arith.constant 0 : index
    %get3A_315 = arith.constant 0 : index
    %get3A_316 = vector.load %arg14[%get3A_314, %get3A_315] : memref<1024x128xbf16, #tpu.memory_space<vmem>>, vector<1024x128xbf16>
    %slice3A_317 = vector.extract_strided_slice %get3A_6 {offsets = [512, 0], sizes = [128, 128], strides = [1, 1]} : vector<2048x128xf32> to vector<128x128xf32>
    %convert_element_type3A_318 = arith.truncf %slice3A_317 : vector<128x128xf32> to vector<128x128xbf16>
    %dot_general3A_319 = arith.constant dense<0.000000e+00> : vector<1024x128xf32>
    %dot_general3A_320 = tpu.matmul %get3A_316, %convert_element_type3A_318, %dot_general3A_319 {dimension_numbers = #tpu.dot_dimension_numbers<[1], [1], [0], [0], [0, 0, 1, 0], [], []>, transpose_lhs_hint = false} : vector<1024x128xbf16>, vector<128x128xbf16>, vector<1024x128xf32> -> vector<1024x128xf32>
    %get3A_321 = arith.constant 0 : index
    %get3A_322 = arith.constant 0 : index
    %get3A_323 = vector.load %arg14[%get3A_321, %get3A_322] : memref<1024x128xbf16, #tpu.memory_space<vmem>>, vector<1024x128xbf16>
    %slice3A_324 = vector.extract_strided_slice %get3A_6 {offsets = [1536, 0], sizes = [128, 128], strides = [1, 1]} : vector<2048x128xf32> to vector<128x128xf32>
    %convert_element_type3A_325 = arith.truncf %slice3A_324 : vector<128x128xf32> to vector<128x128xbf16>
    %dot_general3A_326 = arith.constant dense<0.000000e+00> : vector<1024x128xf32>
    %dot_general3A_327 = tpu.matmul %get3A_323, %convert_element_type3A_325, %dot_general3A_326 {dimension_numbers = #tpu.dot_dimension_numbers<[1], [1], [0], [0], [0, 0, 1, 0], [], []>, transpose_lhs_hint = false} : vector<1024x128xbf16>, vector<128x128xbf16>, vector<1024x128xf32> -> vector<1024x128xf32>
    %bitcast_convert_type3A_328 = tpu.bitcast %dot_general3A_320 : vector<1024x128xf32> -> vector<1024x128xi32>
    %bitcast_convert_type3A_329 = tpu.bitcast %dot_general3A_327 : vector<1024x128xf32> -> vector<1024x128xi32>
    %add3A_330 = arith.constant 32768 : i32
    %add3A_331 = vector.broadcast %add3A_330 : i32 to vector<1024x128xi32>
    %add3A_332 = arith.addi %bitcast_convert_type3A_328, %add3A_331 : vector<1024x128xi32>
    %shift_right_logical3A_333 = arith.constant 16 : i32
    %shift_right_logical3A_334 = vector.broadcast %shift_right_logical3A_333 : i32 to vector<1024x128xi32>
    %shift_right_logical3A_335 = arith.shrui %add3A_332, %shift_right_logical3A_334 : vector<1024x128xi32>
    %add3A_336 = arith.constant 32768 : i32
    %add3A_337 = vector.broadcast %add3A_336 : i32 to vector<1024x128xi32>
    %add3A_338 = arith.addi %bitcast_convert_type3A_329, %add3A_337 : vector<1024x128xi32>
    %shift_right_logical3A_339 = arith.constant 16 : i32
    %shift_right_logical3A_340 = vector.broadcast %shift_right_logical3A_339 : i32 to vector<1024x128xi32>
    %shift_right_logical3A_341 = arith.shrui %add3A_338, %shift_right_logical3A_340 : vector<1024x128xi32>
    %shift_left3A_342 = arith.constant 16 : i32
    %shift_left3A_343 = vector.broadcast %shift_left3A_342 : i32 to vector<1024x128xi32>
    %shift_left3A_344 = arith.shli %shift_right_logical3A_341, %shift_left3A_343 : vector<1024x128xi32>
    %or3A_345 = arith.ori %shift_left3A_344, %shift_right_logical3A_335 : vector<1024x128xi32>
    %swap3A_346 = arith.constant 4096 : index
    %swap3A_347 = arith.constant 0 : index
    %swap3A_348 = vector.load %arg9[%swap3A_346, %swap3A_347] : memref<8192x128xi32, #tpu.memory_space<vmem>>, vector<1024x128xi32>
    tpu.vector_store %arg9[%swap3A_346, %swap3A_347], %or3A_345 {strides = array<i32>} : memref<8192x128xi32, #tpu.memory_space<vmem>>, vector<1024x128xi32>,
    %get3A_349 = arith.constant 0 : index
    %get3A_350 = arith.constant 0 : index
    %get3A_351 = vector.load %arg15[%get3A_349, %get3A_350] : memref<1024x128xbf16, #tpu.memory_space<vmem>>, vector<1024x128xbf16>
    %slice3A_352 = vector.extract_strided_slice %get3A_3 {offsets = [640, 0], sizes = [128, 128], strides = [1, 1]} : vector<2048x128xf32> to vector<128x128xf32>
    %convert_element_type3A_353 = arith.truncf %slice3A_352 : vector<128x128xf32> to vector<128x128xbf16>
    %dot_general3A_354 = arith.constant dense<0.000000e+00> : vector<1024x128xf32>
    %dot_general3A_355 = tpu.matmul %get3A_351, %convert_element_type3A_353, %dot_general3A_354 {dimension_numbers = #tpu.dot_dimension_numbers<[1], [1], [0], [0], [0, 0, 1, 0], [], []>, transpose_lhs_hint = false} : vector<1024x128xbf16>, vector<128x128xbf16>, vector<1024x128xf32> -> vector<1024x128xf32>
    %get3A_356 = arith.constant 0 : index
    %get3A_357 = arith.constant 0 : index
    %get3A_358 = vector.load %arg15[%get3A_356, %get3A_357] : memref<1024x128xbf16, #tpu.memory_space<vmem>>, vector<1024x128xbf16>
    %slice3A_359 = vector.extract_strided_slice %get3A_3 {offsets = [1664, 0], sizes = [128, 128], strides = [1, 1]} : vector<2048x128xf32> to vector<128x128xf32>
    %convert_element_type3A_360 = arith.truncf %slice3A_359 : vector<128x128xf32> to vector<128x128xbf16>
    %dot_general3A_361 = arith.constant dense<0.000000e+00> : vector<1024x128xf32>
    %dot_general3A_362 = tpu.matmul %get3A_358, %convert_element_type3A_360, %dot_general3A_361 {dimension_numbers = #tpu.dot_dimension_numbers<[1], [1], [0], [0], [0, 0, 1, 0], [], []>, transpose_lhs_hint = false} : vector<1024x128xbf16>, vector<128x128xbf16>, vector<1024x128xf32> -> vector<1024x128xf32>
    %bitcast_convert_type3A_363 = tpu.bitcast %dot_general3A_355 : vector<1024x128xf32> -> vector<1024x128xi32>
    %bitcast_convert_type3A_364 = tpu.bitcast %dot_general3A_362 : vector<1024x128xf32> -> vector<1024x128xi32>
    %add3A_365 = arith.constant 32768 : i32
    %add3A_366 = vector.broadcast %add3A_365 : i32 to vector<1024x128xi32>
    %add3A_367 = arith.addi %bitcast_convert_type3A_363, %add3A_366 : vector<1024x128xi32>
    %shift_right_logical3A_368 = arith.constant 16 : i32
    %shift_right_logical3A_369 = vector.broadcast %shift_right_logical3A_368 : i32 to vector<1024x128xi32>
    %shift_right_logical3A_370 = arith.shrui %add3A_367, %shift_right_logical3A_369 : vector<1024x128xi32>
    %add3A_371 = arith.constant 32768 : i32
    %add3A_372 = vector.broadcast %add3A_371 : i32 to vector<1024x128xi32>
    %add3A_373 = arith.addi %bitcast_convert_type3A_364, %add3A_372 : vector<1024x128xi32>
    %shift_right_logical3A_374 = arith.constant 16 : i32
    %shift_right_logical3A_375 = vector.broadcast %shift_right_logical3A_374 : i32 to vector<1024x128xi32>
    %shift_right_logical3A_376 = arith.shrui %add3A_373, %shift_right_logical3A_375 : vector<1024x128xi32>
    %shift_left3A_377 = arith.constant 16 : i32
    %shift_left3A_378 = vector.broadcast %shift_left3A_377 : i32 to vector<1024x128xi32>
    %shift_left3A_379 = arith.shli %shift_right_logical3A_376, %shift_left3A_378 : vector<1024x128xi32>
    %or3A_380 = arith.ori %shift_left3A_379, %shift_right_logical3A_370 : vector<1024x128xi32>
    %swap3A_381 = arith.constant 5120 : index
    %swap3A_382 = arith.constant 0 : index
    %swap3A_383 = vector.load %arg8[%swap3A_381, %swap3A_382] : memref<8192x128xi32, #tpu.memory_space<vmem>>, vector<1024x128xi32>
    tpu.vector_store %arg8[%swap3A_381, %swap3A_382], %or3A_380 {strides = array<i32>} : memref<8192x128xi32, #tpu.memory_space<vmem>>, vector<1024x128xi32>,
    %get3A_384 = arith.constant 0 : index
    %get3A_385 = arith.constant 0 : index
    %get3A_386 = vector.load %arg14[%get3A_384, %get3A_385] : memref<1024x128xbf16, #tpu.memory_space<vmem>>, vector<1024x128xbf16>
    %slice3A_387 = vector.extract_strided_slice %get3A_6 {offsets = [640, 0], sizes = [128, 128], strides = [1, 1]} : vector<2048x128xf32> to vector<128x128xf32>
    %convert_element_type3A_388 = arith.truncf %slice3A_387 : vector<128x128xf32> to vector<128x128xbf16>
    %dot_general3A_389 = arith.constant dense<0.000000e+00> : vector<1024x128xf32>
    %dot_general3A_390 = tpu.matmul %get3A_386, %convert_element_type3A_388, %dot_general3A_389 {dimension_numbers = #tpu.dot_dimension_numbers<[1], [1], [0], [0], [0, 0, 1, 0], [], []>, transpose_lhs_hint = false} : vector<1024x128xbf16>, vector<128x128xbf16>, vector<1024x128xf32> -> vector<1024x128xf32>
    %get3A_391 = arith.constant 0 : index
    %get3A_392 = arith.constant 0 : index
    %get3A_393 = vector.load %arg14[%get3A_391, %get3A_392] : memref<1024x128xbf16, #tpu.memory_space<vmem>>, vector<1024x128xbf16>
    %slice3A_394 = vector.extract_strided_slice %get3A_6 {offsets = [1664, 0], sizes = [128, 128], strides = [1, 1]} : vector<2048x128xf32> to vector<128x128xf32>
    %convert_element_type3A_395 = arith.truncf %slice3A_394 : vector<128x128xf32> to vector<128x128xbf16>
    %dot_general3A_396 = arith.constant dense<0.000000e+00> : vector<1024x128xf32>
    %dot_general3A_397 = tpu.matmul %get3A_393, %convert_element_type3A_395, %dot_general3A_396 {dimension_numbers = #tpu.dot_dimension_numbers<[1], [1], [0], [0], [0, 0, 1, 0], [], []>, transpose_lhs_hint = false} : vector<1024x128xbf16>, vector<128x128xbf16>, vector<1024x128xf32> -> vector<1024x128xf32>
    %bitcast_convert_type3A_398 = tpu.bitcast %dot_general3A_390 : vector<1024x128xf32> -> vector<1024x128xi32>
    %bitcast_convert_type3A_399 = tpu.bitcast %dot_general3A_397 : vector<1024x128xf32> -> vector<1024x128xi32>
    %add3A_400 = arith.constant 32768 : i32
    %add3A_401 = vector.broadcast %add3A_400 : i32 to vector<1024x128xi32>
    %add3A_402 = arith.addi %bitcast_convert_type3A_398, %add3A_401 : vector<1024x128xi32>
    %shift_right_logical3A_403 = arith.constant 16 : i32
    %shift_right_logical3A_404 = vector.broadcast %shift_right_logical3A_403 : i32 to vector<1024x128xi32>
    %shift_right_logical3A_405 = arith.shrui %add3A_402, %shift_right_logical3A_404 : vector<1024x128xi32>
    %add3A_406 = arith.constant 32768 : i32
    %add3A_407 = vector.broadcast %add3A_406 : i32 to vector<1024x128xi32>
    %add3A_408 = arith.addi %bitcast_convert_type3A_399, %add3A_407 : vector<1024x128xi32>
    %shift_right_logical3A_409 = arith.constant 16 : i32
    %shift_right_logical3A_410 = vector.broadcast %shift_right_logical3A_409 : i32 to vector<1024x128xi32>
    %shift_right_logical3A_411 = arith.shrui %add3A_408, %shift_right_logical3A_410 : vector<1024x128xi32>
    %shift_left3A_412 = arith.constant 16 : i32
    %shift_left3A_413 = vector.broadcast %shift_left3A_412 : i32 to vector<1024x128xi32>
    %shift_left3A_414 = arith.shli %shift_right_logical3A_411, %shift_left3A_413 : vector<1024x128xi32>
    %or3A_415 = arith.ori %shift_left3A_414, %shift_right_logical3A_405 : vector<1024x128xi32>
    %swap3A_416 = arith.constant 5120 : index
    %swap3A_417 = arith.constant 0 : index
    %swap3A_418 = vector.load %arg9[%swap3A_416, %swap3A_417] : memref<8192x128xi32, #tpu.memory_space<vmem>>, vector<1024x128xi32>
    tpu.vector_store %arg9[%swap3A_416, %swap3A_417], %or3A_415 {strides = array<i32>} : memref<8192x128xi32, #tpu.memory_space<vmem>>, vector<1024x128xi32>,
    %get3A_419 = arith.constant 0 : index
    %get3A_420 = arith.constant 0 : index
    %get3A_421 = vector.load %arg15[%get3A_419, %get3A_420] : memref<1024x128xbf16, #tpu.memory_space<vmem>>, vector<1024x128xbf16>
    %slice3A_422 = vector.extract_strided_slice %get3A_3 {offsets = [768, 0], sizes = [128, 128], strides = [1, 1]} : vector<2048x128xf32> to vector<128x128xf32>
    %convert_element_type3A_423 = arith.truncf %slice3A_422 : vector<128x128xf32> to vector<128x128xbf16>
    %dot_general3A_424 = arith.constant dense<0.000000e+00> : vector<1024x128xf32>
    %dot_general3A_425 = tpu.matmul %get3A_421, %convert_element_type3A_423, %dot_general3A_424 {dimension_numbers = #tpu.dot_dimension_numbers<[1], [1], [0], [0], [0, 0, 1, 0], [], []>, transpose_lhs_hint = false} : vector<1024x128xbf16>, vector<128x128xbf16>, vector<1024x128xf32> -> vector<1024x128xf32>
    %get3A_426 = arith.constant 0 : index
    %get3A_427 = arith.constant 0 : index
    %get3A_428 = vector.load %arg15[%get3A_426, %get3A_427] : memref<1024x128xbf16, #tpu.memory_space<vmem>>, vector<1024x128xbf16>
    %slice3A_429 = vector.extract_strided_slice %get3A_3 {offsets = [1792, 0], sizes = [128, 128], strides = [1, 1]} : vector<2048x128xf32> to vector<128x128xf32>
    %convert_element_type3A_430 = arith.truncf %slice3A_429 : vector<128x128xf32> to vector<128x128xbf16>
    %dot_general3A_431 = arith.constant dense<0.000000e+00> : vector<1024x128xf32>
    %dot_general3A_432 = tpu.matmul %get3A_428, %convert_element_type3A_430, %dot_general3A_431 {dimension_numbers = #tpu.dot_dimension_numbers<[1], [1], [0], [0], [0, 0, 1, 0], [], []>, transpose_lhs_hint = false} : vector<1024x128xbf16>, vector<128x128xbf16>, vector<1024x128xf32> -> vector<1024x128xf32>
    %bitcast_convert_type3A_433 = tpu.bitcast %dot_general3A_425 : vector<1024x128xf32> -> vector<1024x128xi32>
    %bitcast_convert_type3A_434 = tpu.bitcast %dot_general3A_432 : vector<1024x128xf32> -> vector<1024x128xi32>
    %add3A_435 = arith.constant 32768 : i32
    %add3A_436 = vector.broadcast %add3A_435 : i32 to vector<1024x128xi32>
    %add3A_437 = arith.addi %bitcast_convert_type3A_433, %add3A_436 : vector<1024x128xi32>
    %shift_right_logical3A_438 = arith.constant 16 : i32
    %shift_right_logical3A_439 = vector.broadcast %shift_right_logical3A_438 : i32 to vector<1024x128xi32>
    %shift_right_logical3A_440 = arith.shrui %add3A_437, %shift_right_logical3A_439 : vector<1024x128xi32>
    %add3A_441 = arith.constant 32768 : i32
    %add3A_442 = vector.broadcast %add3A_441 : i32 to vector<1024x128xi32>
    %add3A_443 = arith.addi %bitcast_convert_type3A_434, %add3A_442 : vector<1024x128xi32>
    %shift_right_logical3A_444 = arith.constant 16 : i32
    %shift_right_logical3A_445 = vector.broadcast %shift_right_logical3A_444 : i32 to vector<1024x128xi32>
    %shift_right_logical3A_446 = arith.shrui %add3A_443, %shift_right_logical3A_445 : vector<1024x128xi32>
    %shift_left3A_447 = arith.constant 16 : i32
    %shift_left3A_448 = vector.broadcast %shift_left3A_447 : i32 to vector<1024x128xi32>
    %shift_left3A_449 = arith.shli %shift_right_logical3A_446, %shift_left3A_448 : vector<1024x128xi32>
    %or3A_450 = arith.ori %shift_left3A_449, %shift_right_logical3A_440 : vector<1024x128xi32>
    %swap3A_451 = arith.constant 6144 : index
    %swap3A_452 = arith.constant 0 : index
    %swap3A_453 = vector.load %arg8[%swap3A_451, %swap3A_452] : memref<8192x128xi32, #tpu.memory_space<vmem>>, vector<1024x128xi32>
    tpu.vector_store %arg8[%swap3A_451, %swap3A_452], %or3A_450 {strides = array<i32>} : memref<8192x128xi32, #tpu.memory_space<vmem>>, vector<1024x128xi32>,
    %get3A_454 = arith.constant 0 : index
    %get3A_455 = arith.constant 0 : index
    %get3A_456 = vector.load %arg14[%get3A_454, %get3A_455] : memref<1024x128xbf16, #tpu.memory_space<vmem>>, vector<1024x128xbf16>
    %slice3A_457 = vector.extract_strided_slice %get3A_6 {offsets = [768, 0], sizes = [128, 128], strides = [1, 1]} : vector<2048x128xf32> to vector<128x128xf32>
    %convert_element_type3A_458 = arith.truncf %slice3A_457 : vector<128x128xf32> to vector<128x128xbf16>
    %dot_general3A_459 = arith.constant dense<0.000000e+00> : vector<1024x128xf32>
    %dot_general3A_460 = tpu.matmul %get3A_456, %convert_element_type3A_458, %dot_general3A_459 {dimension_numbers = #tpu.dot_dimension_numbers<[1], [1], [0], [0], [0, 0, 1, 0], [], []>, transpose_lhs_hint = false} : vector<1024x128xbf16>, vector<128x128xbf16>, vector<1024x128xf32> -> vector<1024x128xf32>
    %get3A_461 = arith.constant 0 : index
    %get3A_462 = arith.constant 0 : index
    %get3A_463 = vector.load %arg14[%get3A_461, %get3A_462] : memref<1024x128xbf16, #tpu.memory_space<vmem>>, vector<1024x128xbf16>
    %slice3A_464 = vector.extract_strided_slice %get3A_6 {offsets = [1792, 0], sizes = [128, 128], strides = [1, 1]} : vector<2048x128xf32> to vector<128x128xf32>
    %convert_element_type3A_465 = arith.truncf %slice3A_464 : vector<128x128xf32> to vector<128x128xbf16>
    %dot_general3A_466 = arith.constant dense<0.000000e+00> : vector<1024x128xf32>
    %dot_general3A_467 = tpu.matmul %get3A_463, %convert_element_type3A_465, %dot_general3A_466 {dimension_numbers = #tpu.dot_dimension_numbers<[1], [1], [0], [0], [0, 0, 1, 0], [], []>, transpose_lhs_hint = false} : vector<1024x128xbf16>, vector<128x128xbf16>, vector<1024x128xf32> -> vector<1024x128xf32>
    %bitcast_convert_type3A_468 = tpu.bitcast %dot_general3A_460 : vector<1024x128xf32> -> vector<1024x128xi32>
    %bitcast_convert_type3A_469 = tpu.bitcast %dot_general3A_467 : vector<1024x128xf32> -> vector<1024x128xi32>
    %add3A_470 = arith.constant 32768 : i32
    %add3A_471 = vector.broadcast %add3A_470 : i32 to vector<1024x128xi32>
    %add3A_472 = arith.addi %bitcast_convert_type3A_468, %add3A_471 : vector<1024x128xi32>
    %shift_right_logical3A_473 = arith.constant 16 : i32
    %shift_right_logical3A_474 = vector.broadcast %shift_right_logical3A_473 : i32 to vector<1024x128xi32>
    %shift_right_logical3A_475 = arith.shrui %add3A_472, %shift_right_logical3A_474 : vector<1024x128xi32>
    %add3A_476 = arith.constant 32768 : i32
    %add3A_477 = vector.broadcast %add3A_476 : i32 to vector<1024x128xi32>
    %add3A_478 = arith.addi %bitcast_convert_type3A_469, %add3A_477 : vector<1024x128xi32>
    %shift_right_logical3A_479 = arith.constant 16 : i32
    %shift_right_logical3A_480 = vector.broadcast %shift_right_logical3A_479 : i32 to vector<1024x128xi32>
    %shift_right_logical3A_481 = arith.shrui %add3A_478, %shift_right_logical3A_480 : vector<1024x128xi32>
    %shift_left3A_482 = arith.constant 16 : i32
    %shift_left3A_483 = vector.broadcast %shift_left3A_482 : i32 to vector<1024x128xi32>
    %shift_left3A_484 = arith.shli %shift_right_logical3A_481, %shift_left3A_483 : vector<1024x128xi32>
    %or3A_485 = arith.ori %shift_left3A_484, %shift_right_logical3A_475 : vector<1024x128xi32>
    %swap3A_486 = arith.constant 6144 : index
    %swap3A_487 = arith.constant 0 : index
    %swap3A_488 = vector.load %arg9[%swap3A_486, %swap3A_487] : memref<8192x128xi32, #tpu.memory_space<vmem>>, vector<1024x128xi32>
    tpu.vector_store %arg9[%swap3A_486, %swap3A_487], %or3A_485 {strides = array<i32>} : memref<8192x128xi32, #tpu.memory_space<vmem>>, vector<1024x128xi32>,
    %get3A_489 = arith.constant 0 : index
    %get3A_490 = arith.constant 0 : index
    %get3A_491 = vector.load %arg15[%get3A_489, %get3A_490] : memref<1024x128xbf16, #tpu.memory_space<vmem>>, vector<1024x128xbf16>
    %slice3A_492 = vector.extract_strided_slice %get3A_3 {offsets = [896, 0], sizes = [128, 128], strides = [1, 1]} : vector<2048x128xf32> to vector<128x128xf32>
    %convert_element_type3A_493 = arith.truncf %slice3A_492 : vector<128x128xf32> to vector<128x128xbf16>
    %dot_general3A_494 = arith.constant dense<0.000000e+00> : vector<1024x128xf32>
    %dot_general3A_495 = tpu.matmul %get3A_491, %convert_element_type3A_493, %dot_general3A_494 {dimension_numbers = #tpu.dot_dimension_numbers<[1], [1], [0], [0], [0, 0, 1, 0], [], []>, transpose_lhs_hint = false} : vector<1024x128xbf16>, vector<128x128xbf16>, vector<1024x128xf32> -> vector<1024x128xf32>
    %get3A_496 = arith.constant 0 : index
    %get3A_497 = arith.constant 0 : index
    %get3A_498 = vector.load %arg15[%get3A_496, %get3A_497] : memref<1024x128xbf16, #tpu.memory_space<vmem>>, vector<1024x128xbf16>
    %slice3A_499 = vector.extract_strided_slice %get3A_3 {offsets = [1920, 0], sizes = [128, 128], strides = [1, 1]} : vector<2048x128xf32> to vector<128x128xf32>
    %convert_element_type3A_500 = arith.truncf %slice3A_499 : vector<128x128xf32> to vector<128x128xbf16>
    %dot_general3A_501 = arith.constant dense<0.000000e+00> : vector<1024x128xf32>
    %dot_general3A_502 = tpu.matmul %get3A_498, %convert_element_type3A_500, %dot_general3A_501 {dimension_numbers = #tpu.dot_dimension_numbers<[1], [1], [0], [0], [0, 0, 1, 0], [], []>, transpose_lhs_hint = false} : vector<1024x128xbf16>, vector<128x128xbf16>, vector<1024x128xf32> -> vector<1024x128xf32>
    %bitcast_convert_type3A_503 = tpu.bitcast %dot_general3A_495 : vector<1024x128xf32> -> vector<1024x128xi32>
    %bitcast_convert_type3A_504 = tpu.bitcast %dot_general3A_502 : vector<1024x128xf32> -> vector<1024x128xi32>
    %add3A_505 = arith.constant 32768 : i32
    %add3A_506 = vector.broadcast %add3A_505 : i32 to vector<1024x128xi32>
    %add3A_507 = arith.addi %bitcast_convert_type3A_503, %add3A_506 : vector<1024x128xi32>
    %shift_right_logical3A_508 = arith.constant 16 : i32
    %shift_right_logical3A_509 = vector.broadcast %shift_right_logical3A_508 : i32 to vector<1024x128xi32>
    %shift_right_logical3A_510 = arith.shrui %add3A_507, %shift_right_logical3A_509 : vector<1024x128xi32>
    %add3A_511 = arith.constant 32768 : i32
    %add3A_512 = vector.broadcast %add3A_511 : i32 to vector<1024x128xi32>
    %add3A_513 = arith.addi %bitcast_convert_type3A_504, %add3A_512 : vector<1024x128xi32>
    %shift_right_logical3A_514 = arith.constant 16 : i32
    %shift_right_logical3A_515 = vector.broadcast %shift_right_logical3A_514 : i32 to vector<1024x128xi32>
    %shift_right_logical3A_516 = arith.shrui %add3A_513, %shift_right_logical3A_515 : vector<1024x128xi32>
    %shift_left3A_517 = arith.constant 16 : i32
    %shift_left3A_518 = vector.broadcast %shift_left3A_517 : i32 to vector<1024x128xi32>
    %shift_left3A_519 = arith.shli %shift_right_logical3A_516, %shift_left3A_518 : vector<1024x128xi32>
    %or3A_520 = arith.ori %shift_left3A_519, %shift_right_logical3A_510 : vector<1024x128xi32>
    %swap3A_521 = arith.constant 7168 : index
    %swap3A_522 = arith.constant 0 : index
    %swap3A_523 = vector.load %arg8[%swap3A_521, %swap3A_522] : memref<8192x128xi32, #tpu.memory_space<vmem>>, vector<1024x128xi32>
    tpu.vector_store %arg8[%swap3A_521, %swap3A_522], %or3A_520 {strides = array<i32>} : memref<8192x128xi32, #tpu.memory_space<vmem>>, vector<1024x128xi32>,
    %get3A_524 = arith.constant 0 : index
    %get3A_525 = arith.constant 0 : index
    %get3A_526 = vector.load %arg14[%get3A_524, %get3A_525] : memref<1024x128xbf16, #tpu.memory_space<vmem>>, vector<1024x128xbf16>
    %slice3A_527 = vector.extract_strided_slice %get3A_6 {offsets = [896, 0], sizes = [128, 128], strides = [1, 1]} : vector<2048x128xf32> to vector<128x128xf32>
    %convert_element_type3A_528 = arith.truncf %slice3A_527 : vector<128x128xf32> to vector<128x128xbf16>
    %dot_general3A_529 = arith.constant dense<0.000000e+00> : vector<1024x128xf32>
    %dot_general3A_530 = tpu.matmul %get3A_526, %convert_element_type3A_528, %dot_general3A_529 {dimension_numbers = #tpu.dot_dimension_numbers<[1], [1], [0], [0], [0, 0, 1, 0], [], []>, transpose_lhs_hint = false} : vector<1024x128xbf16>, vector<128x128xbf16>, vector<1024x128xf32> -> vector<1024x128xf32>
    %get3A_531 = arith.constant 0 : index
    %get3A_532 = arith.constant 0 : index
    %get3A_533 = vector.load %arg14[%get3A_531, %get3A_532] : memref<1024x128xbf16, #tpu.memory_space<vmem>>, vector<1024x128xbf16>
    %slice3A_534 = vector.extract_strided_slice %get3A_6 {offsets = [1920, 0], sizes = [128, 128], strides = [1, 1]} : vector<2048x128xf32> to vector<128x128xf32>
    %convert_element_type3A_535 = arith.truncf %slice3A_534 : vector<128x128xf32> to vector<128x128xbf16>
    %dot_general3A_536 = arith.constant dense<0.000000e+00> : vector<1024x128xf32>
    %dot_general3A_537 = tpu.matmul %get3A_533, %convert_element_type3A_535, %dot_general3A_536 {dimension_numbers = #tpu.dot_dimension_numbers<[1], [1], [0], [0], [0, 0, 1, 0], [], []>, transpose_lhs_hint = false} : vector<1024x128xbf16>, vector<128x128xbf16>, vector<1024x128xf32> -> vector<1024x128xf32>
    %bitcast_convert_type3A_538 = tpu.bitcast %dot_general3A_530 : vector<1024x128xf32> -> vector<1024x128xi32>
    %bitcast_convert_type3A_539 = tpu.bitcast %dot_general3A_537 : vector<1024x128xf32> -> vector<1024x128xi32>
    %add3A_540 = arith.constant 32768 : i32
    %add3A_541 = vector.broadcast %add3A_540 : i32 to vector<1024x128xi32>
    %add3A_542 = arith.addi %bitcast_convert_type3A_538, %add3A_541 : vector<1024x128xi32>
    %shift_right_logical3A_543 = arith.constant 16 : i32
    %shift_right_logical3A_544 = vector.broadcast %shift_right_logical3A_543 : i32 to vector<1024x128xi32>
    %shift_right_logical3A_545 = arith.shrui %add3A_542, %shift_right_logical3A_544 : vector<1024x128xi32>
    %add3A_546 = arith.constant 32768 : i32
    %add3A_547 = vector.broadcast %add3A_546 : i32 to vector<1024x128xi32>
    %add3A_548 = arith.addi %bitcast_convert_type3A_539, %add3A_547 : vector<1024x128xi32>
    %shift_right_logical3A_549 = arith.constant 16 : i32
    %shift_right_logical3A_550 = vector.broadcast %shift_right_logical3A_549 : i32 to vector<1024x128xi32>
    %shift_right_logical3A_551 = arith.shrui %add3A_548, %shift_right_logical3A_550 : vector<1024x128xi32>
    %shift_left3A_552 = arith.constant 16 : i32
    %shift_left3A_553 = vector.broadcast %shift_left3A_552 : i32 to vector<1024x128xi32>
    %shift_left3A_554 = arith.shli %shift_right_logical3A_551, %shift_left3A_553 : vector<1024x128xi32>
    %or3A_555 = arith.ori %shift_left3A_554, %shift_right_logical3A_545 : vector<1024x128xi32>
    %swap3A_556 = arith.constant 7168 : index
    %swap3A_557 = arith.constant 0 : index
    %swap3A_558 = vector.load %arg9[%swap3A_556, %swap3A_557] : memref<8192x128xi32, #tpu.memory_space<vmem>>, vector<1024x128xi32>
    tpu.vector_store %arg9[%swap3A_556, %swap3A_557], %or3A_555 {strides = array<i32>} : memref<8192x128xi32, #tpu.memory_space<vmem>>, vector<1024x128xi32>,
    %swap3A_559 = arith.constant 0 : index
    %swap3A_560 = arith.constant 0 : index
    %swap3A_561 = vector.load %arg10[%swap3A_559, %swap3A_560] : memref<2048x128xf32, #tpu.memory_space<vmem>>, vector<2048x128xf32>
    tpu.vector_store %arg10[%swap3A_559, %swap3A_560], %get3A_3 {strides = array<i32>} : memref<2048x128xf32, #tpu.memory_space<vmem>>, vector<2048x128xf32>,
    %swap3A_562 = arith.constant 0 : index
    %swap3A_563 = arith.constant 0 : index
    %swap3A_564 = vector.load %arg11[%swap3A_562, %swap3A_563] : memref<2048x128xf32, #tpu.memory_space<vmem>>, vector<2048x128xf32>
    tpu.vector_store %arg11[%swap3A_562, %swap3A_563], %get3A_6 {strides = array<i32>} : memref<2048x128xf32, #tpu.memory_space<vmem>>, vector<2048x128xf32>,
    %get3A_565 = arith.index_cast %arg0 : i32 to index
    %get3A_566 = memref.load %arg3[%get3A_565] : memref<50xi32, #tpu.memory_space<smem>>
    %add3A_567 = arith.constant 1 : i32
    %add3A_568 = arith.addi %arg0, %add3A_567 : i32
    %get3A_569 = arith.index_cast %add3A_568 : i32 to index
    %get3A_570 = memref.load %arg3[%get3A_569] : memref<50xi32, #tpu.memory_space<smem>>
    %mul3A = arith.constant 2048 : i32
    %mul3A_571 = arith.muli %arg0, %mul3A : i32
    %while3A = arith.constant 0 : i32
    %while3A_572 = arith.subi %get3A_570, %get3A_566 : i32
    %while3A_573 = arith.addi %get3A_566, %while3A_572 : i32
    %while3A_574 = arith.constant 1 : i32
    %while3A_575 = arith.divsi %while3A_572, %while3A_574 : i32
    %while3A_576 = arith.muli %while3A_575, %while3A_574 : i32
    %while3A_577 = arith.addi %get3A_566, %while3A_576 : i32
    %while3A_578 = arith.constant 1 : i32
    scf.for %while3A_580 = %get3A_566 to %while3A_577 step %while3A_578  : i32 {
      %get3A_581 = arith.index_cast %while3A_580 : i32 to index
      %get3A_582 = memref.load %arg1[%get3A_581] : memref<1024xi32, #tpu.memory_space<smem>>
      %sub3A = arith.subi %get3A_582, %mul3A_571 : i32
      %get3A_583 = arith.index_cast %while3A_580 : i32 to index
      %get3A_584 = memref.load %arg2[%get3A_583] : memref<1024xi32, #tpu.memory_space<smem>>
      %get3A_585 = arith.index_cast %sub3A : i32 to index
      %get3A_586 = arith.constant 0 : index
      %get3A_587 = vector.load %arg6[%get3A_585, %get3A_586] : memref<2048x128xf32, #tpu.memory_space<vmem>>, vector<1x128xf32>
      %get3A_588 = arith.index_cast %sub3A : i32 to index
      %get3A_589 = arith.constant 0 : index
      %get3A_590 = vector.load %arg7[%get3A_588, %get3A_589] : memref<2048x128xf32, #tpu.memory_space<vmem>>, vector<1x128xf32>
      %concatenate3A = tpu.concatenate %get3A_587, %get3A_590 in 0 : vector<1x128xf32>, vector<1x128xf32> -> vector<2x128xf32>
      %get3A_591 = arith.index_cast %get3A_584 : i32 to index
      %get3A_592 = arith.constant 0 : index
      %get3A_593 = vector.load %arg12[%get3A_591, %get3A_592] : memref<1024x128xf32, #tpu.memory_space<vmem>>, vector<1x128xf32>
      %get3A_594 = arith.index_cast %get3A_584 : i32 to index
      %get3A_595 = arith.constant 0 : index
      %get3A_596 = vector.load %arg13[%get3A_594, %get3A_595] : memref<1024x128xf32, #tpu.memory_space<vmem>>, vector<1x128xf32>
      %concatenate3A_597 = tpu.concatenate %get3A_593, %get3A_596 in 0 : vector<1x128xf32>, vector<1x128xf32> -> vector<2x128xf32>
      %mul3A_598 = arith.constant 5.000000e-01 : f32
      %mul3A_599 = vector.broadcast %mul3A_598 : f32 to vector<2x128xf32>
      %mul3A_600 = arith.mulf %concatenate3A, %mul3A_599 : vector<2x128xf32>
      %mul3A_601 = arith.constant 5.000000e-01 : f32
      %mul3A_602 = vector.broadcast %mul3A_601 : f32 to vector<2x128xf32>
      %mul3A_603 = arith.mulf %concatenate3A_597, %mul3A_602 : vector<2x128xf32>
      %add3A_604 = arith.addf %mul3A_600, %mul3A_603 : vector<2x128xf32>
      %mul3A_605 = arith.mulf %add3A_604, %add3A_604 : vector<2x128xf32>
      %reduce_sum3A = arith.constant dense<0.000000e+00> : vector<2xf32>
      %reduce_sum3A_606 = vector.multi_reduction <add>, %mul3A_605, %reduce_sum3A [1] : vector<2x128xf32> to vector<2xf32>
      %broadcast_in_dim3A = vector.shape_cast %reduce_sum3A_606 : vector<2xf32> to vector<2x1xf32>
      %sqrt3A = math.sqrt %broadcast_in_dim3A : vector<2x1xf32>
      %max3A = arith.constant 9.99999996E-13 : f32
      %max3A_607 = vector.broadcast %max3A : f32 to vector<2x1xf32>
      %max3A_608 = arith.maximumf %sqrt3A, %max3A_607 : vector<2x1xf32>
      %div3A = vector.broadcast %max3A_608 : vector<2x1xf32> to vector<2x128xf32>
      %div3A_609 = arith.divf %add3A_604, %div3A : vector<2x128xf32>
      %slice3A_610 = vector.extract_strided_slice %div3A_609 {offsets = [0, 0], sizes = [1, 128], strides = [1, 1]} : vector<2x128xf32> to vector<1x128xf32>
      %swap3A_611 = arith.index_cast %sub3A : i32 to index
      %swap3A_612 = arith.constant 0 : index
      %swap3A_613 = vector.load %arg10[%swap3A_611, %swap3A_612] : memref<2048x128xf32, #tpu.memory_space<vmem>>, vector<1x128xf32>
      tpu.vector_store %arg10[%swap3A_611, %swap3A_612], %slice3A_610 {strides = array<i32>} : memref<2048x128xf32, #tpu.memory_space<vmem>>, vector<1x128xf32>,
      %slice3A_614 = vector.extract_strided_slice %div3A_609 {offsets = [1, 0], sizes = [1, 128], strides = [1, 1]} : vector<2x128xf32> to vector<1x128xf32>
      %swap3A_615 = arith.index_cast %sub3A : i32 to index
      %swap3A_616 = arith.constant 0 : index
      %swap3A_617 = vector.load %arg11[%swap3A_615, %swap3A_616] : memref<2048x128xf32, #tpu.memory_space<vmem>>, vector<1x128xf32>
      tpu.vector_store %arg11[%swap3A_615, %swap3A_616], %slice3A_614 {strides = array<i32>} : memref<2048x128xf32, #tpu.memory_space<vmem>>, vector<1x128xf32>,
    }
    %while3A_579 = arith.constant 1 : i32
    scf.for %while3A_580 = %while3A_577 to %while3A_573 step %while3A_579  : i32 {
      %get3A_581 = arith.index_cast %while3A_580 : i32 to index
      %get3A_582 = memref.load %arg1[%get3A_581] : memref<1024xi32, #tpu.memory_space<smem>>
      %sub3A = arith.subi %get3A_582, %mul3A_571 : i32
      %get3A_583 = arith.index_cast %while3A_580 : i32 to index
      %get3A_584 = memref.load %arg2[%get3A_583] : memref<1024xi32, #tpu.memory_space<smem>>
      %get3A_585 = arith.index_cast %sub3A : i32 to index
      %get3A_586 = arith.constant 0 : index
      %get3A_587 = vector.load %arg6[%get3A_585, %get3A_586] : memref<2048x128xf32, #tpu.memory_space<vmem>>, vector<1x128xf32>
      %get3A_588 = arith.index_cast %sub3A : i32 to index
      %get3A_589 = arith.constant 0 : index
      %get3A_590 = vector.load %arg7[%get3A_588, %get3A_589] : memref<2048x128xf32, #tpu.memory_space<vmem>>, vector<1x128xf32>
      %concatenate3A = tpu.concatenate %get3A_587, %get3A_590 in 0 : vector<1x128xf32>, vector<1x128xf32> -> vector<2x128xf32>
      %get3A_591 = arith.index_cast %get3A_584 : i32 to index
      %get3A_592 = arith.constant 0 : index
      %get3A_593 = vector.load %arg12[%get3A_591, %get3A_592] : memref<1024x128xf32, #tpu.memory_space<vmem>>, vector<1x128xf32>
      %get3A_594 = arith.index_cast %get3A_584 : i32 to index
      %get3A_595 = arith.constant 0 : index
      %get3A_596 = vector.load %arg13[%get3A_594, %get3A_595] : memref<1024x128xf32, #tpu.memory_space<vmem>>, vector<1x128xf32>
      %concatenate3A_597 = tpu.concatenate %get3A_593, %get3A_596 in 0 : vector<1x128xf32>, vector<1x128xf32> -> vector<2x128xf32>
      %mul3A_598 = arith.constant 5.000000e-01 : f32
      %mul3A_599 = vector.broadcast %mul3A_598 : f32 to vector<2x128xf32>
      %mul3A_600 = arith.mulf %concatenate3A, %mul3A_599 : vector<2x128xf32>
      %mul3A_601 = arith.constant 5.000000e-01 : f32
      %mul3A_602 = vector.broadcast %mul3A_601 : f32 to vector<2x128xf32>
      %mul3A_603 = arith.mulf %concatenate3A_597, %mul3A_602 : vector<2x128xf32>
      %add3A_604 = arith.addf %mul3A_600, %mul3A_603 : vector<2x128xf32>
      %mul3A_605 = arith.mulf %add3A_604, %add3A_604 : vector<2x128xf32>
      %reduce_sum3A = arith.constant dense<0.000000e+00> : vector<2xf32>
      %reduce_sum3A_606 = vector.multi_reduction <add>, %mul3A_605, %reduce_sum3A [1] : vector<2x128xf32> to vector<2xf32>
      %broadcast_in_dim3A = vector.shape_cast %reduce_sum3A_606 : vector<2xf32> to vector<2x1xf32>
      %sqrt3A = math.sqrt %broadcast_in_dim3A : vector<2x1xf32>
      %max3A = arith.constant 9.99999996E-13 : f32
      %max3A_607 = vector.broadcast %max3A : f32 to vector<2x1xf32>
      %max3A_608 = arith.maximumf %sqrt3A, %max3A_607 : vector<2x1xf32>
      %div3A = vector.broadcast %max3A_608 : vector<2x1xf32> to vector<2x128xf32>
      %div3A_609 = arith.divf %add3A_604, %div3A : vector<2x128xf32>
      %slice3A_610 = vector.extract_strided_slice %div3A_609 {offsets = [0, 0], sizes = [1, 128], strides = [1, 1]} : vector<2x128xf32> to vector<1x128xf32>
      %swap3A_611 = arith.index_cast %sub3A : i32 to index
      %swap3A_612 = arith.constant 0 : index
      %swap3A_613 = vector.load %arg10[%swap3A_611, %swap3A_612] : memref<2048x128xf32, #tpu.memory_space<vmem>>, vector<1x128xf32>
      tpu.vector_store %arg10[%swap3A_611, %swap3A_612], %slice3A_610 {strides = array<i32>} : memref<2048x128xf32, #tpu.memory_space<vmem>>, vector<1x128xf32>,
      %slice3A_614 = vector.extract_strided_slice %div3A_609 {offsets = [1, 0], sizes = [1, 128], strides = [1, 1]} : vector<2x128xf32> to vector<1x128xf32>
      %swap3A_615 = arith.index_cast %sub3A : i32 to index
      %swap3A_616 = arith.constant 0 : index
      %swap3A_617 = vector.load %arg11[%swap3A_615, %swap3A_616] : memref<2048x128xf32, #tpu.memory_space<vmem>>, vector<1x128xf32>
      tpu.vector_store %arg11[%swap3A_615, %swap3A_616], %slice3A_614 {strides = array<i32>} : memref<2048x128xf32, #tpu.memory_space<vmem>>, vector<1x128xf32>,
    }
    return
  }
  func.func @transform_0(%arg0: i32, %arg1: memref<1024xi32, #tpu.memory_space<smem>>, %arg2: memref<1024xi32, #tpu.memory_space<smem>>, %arg3: memref<50xi32, #tpu.memory_space<smem>>) -> (i32, i32) {
    %c0_i32 = arith.constant 0 : i32
    %c0_i32_0 = arith.constant 0 : i32
    %c0_i32_1 = arith.constant 0 : i32
    return %c0_i32, %c0_i32_0 : i32, i32
  }
  func.func @transform_1(%arg0: i32, %arg1: memref<1024xi32, #tpu.memory_space<smem>>, %arg2: memref<1024xi32, #tpu.memory_space<smem>>, %arg3: memref<50xi32, #tpu.memory_space<smem>>) -> (i32, i32) {
    %c0_i32 = arith.constant 0 : i32
    %c0_i32_0 = arith.constant 0 : i32
    %c0_i32_1 = arith.constant 0 : i32
    return %c0_i32, %c0_i32_0 : i32, i32
  }
  func.func @transform_2(%arg0: i32, %arg1: memref<1024xi32, #tpu.memory_space<smem>>, %arg2: memref<1024xi32, #tpu.memory_space<smem>>, %arg3: memref<50xi32, #tpu.memory_space<smem>>) -> (i32, i32) {
    %c0_i32 = arith.constant 0 : i32
    %c0_i32_0 = arith.constant 0 : i32
    return %arg0, %c0_i32 : i32, i32
  }
  func.func @transform_3(%arg0: i32, %arg1: memref<1024xi32, #tpu.memory_space<smem>>, %arg2: memref<1024xi32, #tpu.memory_space<smem>>, %arg3: memref<50xi32, #tpu.memory_space<smem>>) -> (i32, i32) {
    %c0_i32 = arith.constant 0 : i32
    %c0_i32_0 = arith.constant 0 : i32
    return %arg0, %c0_i32 : i32, i32
  }
  func.func @transform_4(%arg0: i32, %arg1: memref<1024xi32, #tpu.memory_space<smem>>, %arg2: memref<1024xi32, #tpu.memory_space<smem>>, %arg3: memref<50xi32, #tpu.memory_space<smem>>) -> (i32, i32) {
    %c0_i32 = arith.constant 0 : i32
    %c0_i32_0 = arith.constant 0 : i32
    return %arg0, %c0_i32 : i32, i32
  }
  func.func @transform_5(%arg0: i32, %arg1: memref<1024xi32, #tpu.memory_space<smem>>, %arg2: memref<1024xi32, #tpu.memory_space<smem>>, %arg3: memref<50xi32, #tpu.memory_space<smem>>) -> (i32, i32) {
    %c0_i32 = arith.constant 0 : i32
    %c0_i32_0 = arith.constant 0 : i32
    return %arg0, %c0_i32 : i32, i32
  }
  func.func @transform_6(%arg0: i32, %arg1: memref<1024xi32, #tpu.memory_space<smem>>, %arg2: memref<1024xi32, #tpu.memory_space<smem>>, %arg3: memref<50xi32, #tpu.memory_space<smem>>) -> (i32, i32) {
    %c0_i32 = arith.constant 0 : i32
    %c0_i32_0 = arith.constant 0 : i32
    return %arg0, %c0_i32 : i32, i32
  }
  func.func @transform_7(%arg0: i32, %arg1: memref<1024xi32, #tpu.memory_space<smem>>, %arg2: memref<1024xi32, #tpu.memory_space<smem>>, %arg3: memref<50xi32, #tpu.memory_space<smem>>) -> (i32, i32) {
    %c0_i32 = arith.constant 0 : i32
    %c0_i32_0 = arith.constant 0 : i32
    return %arg0, %c0_i32 : i32, i32
  }
}

</mosaic_0001>

<sc_bundles>
// kernel: kernel.4.cloned.1.call-start
scs
__scs_entry_jumppad:
0x0: {  	(pc) =	sbr.rel $0x88, $3  }
0x1: {  	(tag) =	ssettag $0x0;
	lr =	simm.s32 $0x1  }
0x2: {  	[smem:$0x3F9C] =	sst lr;
	_ =	strace $0xD0000000  }
0x3: {  	_ = 	snop  }
0x4: {  	_ = 	snop  }
0x5: {  	_ = 	snop  }
0x6: {  	_ = 	snop  }
0x7: {  	_ = 	snop  }
__scs_overlays_trampoline_lowered:
0x8: {  	[smem:$0x3FAB] =	sst s0  }
0x9: {  	[smem:$0x3FAC] =	sst s1  }
0xa: {  	[smem:$0x3FAD] =	sst s2  }
0xb: {  	[smem:$0x3FAE] =	sst s3  }
0xc: {  	[smem:$0x3FAF] =	sst s4  }
0xd: {  	[smem:$0x3FB0] =	sst s5  }
0xe: {  	[smem:$0x3FB1] =	sst s6  }
0xf: {  	[smem:$0x3FB2] =	sst s7  }
0x10: {  	[smem:$0x3FB3] =	sst s8  }
0x11: {  	[smem:$0x3FB4] =	sst s9;
	s0 =	simm.s32 @!p0 $0x0  }
0x12: {  	s1 =	sld [smem:$0x3F9A];
	s0 =	simm.s32 @p0 $0x1  }
0x13: {  	[smem:$0x3FB5] =	sst s0;
	s0 =	simm.s32 @!p1 $0x0  }
0x14: {  	s2 =	sld [smem:$0x3F99];
	s0 =	simm.s32 @p1 $0x1  }
0x15: {  	[smem:$0x3FB6] =	sst s0;
	s0 =	simm.s32 @!p2 $0x0  }
0x16: {  	s3 =	sld [smem:$0x3FDB];
	s0 =	simm.s32 @p2 $0x1  }
0x17: {  	s4 =	simm.s32 $0x1BF5;
	[smem:$0x3FB8] =	sst s0  }
0x18: {  	s0 =	sld [smem:$0x3F9B];
	_ =	swait.ge [sflag:s4], $0x0  }
0x19: {  	s7 =	sld [smem:$0x3F9C]  }
0x1a: {  	s8 =	sadd.s32 $0xFFFFE003, lr  }
0x1b: {  	s9 =	sadd.s32 $0xFFFFFEF7, lr;
	s5 =	simm.s32 $0xFFFFFFFF;
	p2 =	slt.u32 s8, $0xFFFFF086  }
0x1c: {  	p1 =	slt.u32 s9, $0xF7A;
	s5 =	simm.s32 @!p2 $0x0  }
0x1d: {  	s5 =	simm.s32 @p1 $0x1;
	p0 =	seq.s32 s7, s2  }
0x1e: {  	s7 =	smul.u32 @!p0 $0xF7A, s2;
	p2 =	seq.s32 @!p0 s5, $0x0  }
0x1f: {  	s9 =	smul.u32 $0xF7A, s1;
	s8 =	simm.s32 @!p0 $0x1BF5;
	p2 =	por !p2, p0  }
0x20: {  	[sflag:s8] =	ssyncset.s32 @!p0 $0xFFFFF086;
	s6 =	sadd.s32 @!p0 s3, s7;
	s7 =	simm.s32 @!p0 $0x108  }
0x21: {  	s3 =	sadd.s32 s3, s9;
	s6 =	sadd.s32 @!p0 $0x88, s6;
	s7 =	simm.s32 @p2 $0x1082  }
0x22: {  	[simem:s7], [sflag:s8] =	dma.local @!p0 [hbm:s6], $0xF7A  }
0x23: {  	s9 =	sor.u32 $0xD0000000, s2;
	s6 =	simm.s32 $0x108;
	_ =	swait.ge @!p0 [sflag:s8], $0x0  }
0x24: {  	s3 =	sadd.s32 $0x88, s3;
	s6 =	simm.s32 @!p1 $0x1082;
	[sflag:s4] =	ssyncset.s32 $0xFFFFF086  }
0x25: {  	[simem:s6], [sflag:s4] =	dma.local [hbm:s3], $0xF7A  }
0x26: {  	[smem:$0x3F9C] =	sst s1;
	(tag) =	ssettag s2;
	_ =	strace s9  }
0x27: {  	s1 =	sld [smem:$0x3FAC]  }
0x28: {  	s2 =	sld [smem:$0x3FAD]  }
0x29: {  	s4 =	sld [smem:$0x3FAF]  }
0x2a: {  	p0 =	seq.s32 s5, $0x0;
	s5 =	sld [smem:$0x3FB0]  }
0x2b: {  	s6 =	sld [smem:$0x3FB1]  }
0x2c: {  	s7 =	sld [smem:$0x3FB2]  }
0x2d: {  	s3 =	simm.s32 $0x108;
	s8 =	sld [smem:$0x3FB3]  }
0x2e: {  	s3 =	simm.s32 @!p0 $0x1082;
	s9 =	sld [smem:$0x3FB4]  }
0x2f: {  	lr =	sadd.s32 s0, s3;
	s0 =	sld [smem:$0x3FAB]  }
0x30: {  	s3 =	sld [smem:$0x3FAE]  }
0x31: {  	[smem:$0x3FB7] =	sst s10  }
0x32: {  	s10 =	sld [smem:$0x3FB5];
	_ =	sdelay $0x3  }
0x33: {  	p0 =	seq.s32 s10, $0x1;
	s10 =	sld [smem:$0x3FB7];
	_ =	sdelay $0x3  }
0x34: {  	[smem:$0x3FB7] =	sst s10  }
0x35: {  	s10 =	sld [smem:$0x3FB6];
	_ =	sdelay $0x3  }
0x36: {  	p1 =	seq.s32 s10, $0x1;
	s10 =	sld [smem:$0x3FB7];
	_ =	sdelay $0x3  }
0x37: {  	[smem:$0x3FB7] =	sst s10  }
0x38: {  	s10 =	sld [smem:$0x3FB8]  }
0x39: {  	_ = 	snop;
	(pc) =	sbr.ind lr, $3  }
0x3a: {  	_ = 	snop  }
0x3b: {  	_ = 	snop  }
0x3c: {  	p2 =	seq.s32 s10, $0x1;
	s10 =	sld [smem:$0x3FB7]  }
0x3d: {  	_ =	shalt  }
0x3e: {  	_ =	shalt  }
0x3f: {  	_ =	shalt  }
0x40: {  	_ =	shalt  }
0x41: {  	_ =	shalt  }
0x42: {  	_ =	shalt  }
0x43: {  	_ =	shalt  }
0x44: {  	_ =	shalt  }
0x45: {  	_ =	shalt  }
0x46: {  	_ =	shalt  }
0x47: {  	_ =	shalt  }
0x48: {  	_ =	shalt  }
0x49: {  	_ =	shalt  }
0x4a: {  	_ =	shalt  }
0x4b: {  	_ =	shalt  }
0x4c: {  	_ =	shalt  }
0x4d: {  	_ =	shalt  }
0x4e: {  	_ =	shalt  }
0x4f: {  	_ =	shalt  }
0x50: {  	_ =	shalt  }
0x51: {  	_ =	shalt  }
0x52: {  	_ =	shalt  }
0x53: {  	_ =	shalt  }
0x54: {  	_ =	shalt  }
0x55: {  	_ =	shalt  }
0x56: {  	_ =	shalt  }
0x57: {  	_ =	shalt  }
0x58: {  	_ =	shalt  }
0x59: {  	_ =	shalt  }
0x5a: {  	_ =	shalt  }
0x5b: {  	_ =	shalt  }
0x5c: {  	_ =	shalt  }
0x5d: {  	_ =	shalt  }
0x5e: {  	_ =	shalt  }
0x5f: {  	_ =	shalt  }
0x60: {  	_ =	shalt  }
0x61: {  	_ =	shalt  }
0x62: {  	_ =	shalt  }
0x63: {  	_ =	shalt  }
0x64: {  	_ =	shalt  }
0x65: {  	_ =	shalt  }
0x66: {  	_ =	shalt  }
0x67: {  	_ =	shalt  }
0x68: {  	_ =	shalt  }
0x69: {  	_ =	shalt  }
0x6a: {  	_ =	shalt  }
0x6b: {  	_ =	shalt  }
0x6c: {  	_ =	shalt  }
0x6d: {  	_ =	shalt  }
0x6e: {  	_ =	shalt  }
0x6f: {  	_ =	shalt  }
0x70: {  	_ =	shalt  }
0x71: {  	_ =	shalt  }
0x72: {  	_ =	shalt  }
0x73: {  	_ =	shalt  }
0x74: {  	_ =	shalt  }
0x75: {  	_ =	shalt  }
0x76: {  	_ =	shalt  }
0x77: {  	_ =	shalt  }
0x78: {  	_ =	shalt  }
0x79: {  	_ =	shalt  }
0x7a: {  	_ =	shalt  }
0x7b: {  	_ =	shalt  }
0x7c: {  	_ =	shalt  }
0x7d: {  	_ =	shalt  }
0x7e: {  	_ =	shalt  }
0x7f: {  	_ =	shalt  }
0x80: {  	_ =	shalt  }
0x81: {  	_ =	shalt  }
0x82: {  	_ =	shalt  }
0x83: {  	_ =	shalt  }
0x84: {  	_ =	shalt  }
0x85: {  	_ =	shalt  }
0x86: {  	_ =	shalt  }
0x87: {  	_ =	shalt  }
.Lfunc_end0:
.L_simem_size_0:
called_computation_lowered:
.L_overlay_start_0:
0x88: {  	s2 =	sld [smem:$0x3FD9]  }
0x89: {  	s3 =	sld [smem:$0x3FFE];
	_ =	sdelay $0x1  }
0x8a: {  	s1 =	srdreg.scid  }
0x8b: {  	s0 =	sand.u32 $0x1, s1  }
0x8c: {  	s14 =	sshll.u32 s0, $0xA;
	s2 =	sadd.s32 s3, s2  }
0x8d: {  	s2 =	sadd.s32 s2, s14  }
0x8e: {  	[smem:$0x3FC3] =	sst s2  }
0x8f: {  	_ = 	snop  }
0x90: {  	s2 =	sld [smem:$0x3FD0];
	_ =	sdelay $0x2  }
0x91: {  	s4 =	simm.s32 $0xA;
	s5 =	simm.s32 $0x10;
	s15 =	sld [smem:$0x3FC7]  }
0x92: {  	[smem:s5], [sflag:s4] =	dma.local [hbm:s2], $0x1  }
0x93: {  	_ =	swait.eq [sflag:s4], $0x1  }
0x94: {  	[sflag:s4] =	ssyncset.done $0x0  }
0x95: {  	[sflag:s4] =	ssyncadd.s32 $0xFFFFFFFF  }
0x96: {  	s16 =	sld [smem:$0x10];
	(tm) =	ssettm $0x1  }
0x97: {  	s17 =	sld [smem:$0x3FFB];
	_ =	sdelay $0x3  }
0x98: {  	_ =	strace s17  }
0x99: {  	s4 =	sld [smem:$0x3FFC];
	_ =	sdelay $0x3  }
0x9a: {  	_ =	strace s4  }
0x9b: {  	s4 =	sld [smem:$0x3FFD];
	_ =	sdelay $0x3  }
0x9c: {  	_ =	strace s4  }
0x9d: {  	_ =	strace $0x8FFFFFFF  }
0x9e: {  	s18 =	sld [smem:$0x3FDB];
	_ =	sdelay $0x1  }
0x9f: {  	s19 =	simm.s32 $_scs_section_size  }
0xa0: {  	s6 =	simm.s32 $_size__tile_overlayer_lowered;
	s7 =	simm.s32 $_tile_overlayer_lowered  }
0xa1: {  	s22 =	simm.s32 $0x1BFF;
	s21 =	sshll.u32 s7, $0x1;
	s4 =	sadd.s32 s19, s18  }
0xa2: {  	s8 =	simm.s32 $0x0;
	s20 =	sshll.u32 s6, $0x1;
	s6 =	sadd.s32 s21, s4  }
0xa3: {  	[timem:s8], [sflag:s22] =	dma.local [hbm:s6], s20  }
0xa4: {  	_ =	swait.ge [sflag:s22], s20  }
0xa5: {  	s5 =	ssub.s32 $0x0, s20;
	[sflag:s22] =	ssyncset.done $0x0  }
0xa6: {  	[sflag:s22] =	ssyncadd.s32 s5;
	_ =	sdelay $0x1  }
0xa7: {  	s23 =	simm.s32 $0x1B8B  }
0xa8: {  	_ =	swait.ge [sflag:s23], $0x1  }
0xa9: {  	[sflag:s23] =	ssyncset.done $0x0  }
0xaa: {  	s25 =	simm.s32 $0x1B8E;
	s24 =	sld [smem:$0x3FFE];
	[sflag:s23] =	ssyncadd.s32 $0xFFFFFFFF  }
0xab: {  	s26 =	simm.s32 $execute0_lowered;
	[smem:$0x3FD2] =	sst s25  }
0xac: {  	s6 =	sshll.u32 s26, $0x1;
	_ =	strace $0x80000046;
	[dreg:$0x1] =	wrdreg $0xFFFFFFFF  }
0xad: {  	s28 =	simm.s32 $_size_execute0_lowered;
	s4 =	sadd.s32 s4, s6;
	[dreg:$0x0] =	wrdreg $0x0  }
0xae: {  	s6 =	sshll.u32 s28, $0x1;
	[dreg:$0x2] =	wrdreg s4  }
0xaf: {  	[dreg:$0x3] =	wrdreg s6  }
0xb0: {  	[dreg:$0x4] =	wrdreg $0xC0  }
0xb1: {  	_ =	task [dreg:s8], $0x5FFFF  }
0xb2: {  	[dreg:$0x1] =	wrdreg $0xFFFFFFFF  }
0xb3: {  	[dreg:$0x0] =	wrdreg $0x60  }
0xb4: {  	[dreg:$0x2] =	wrdreg s24  }
0xb5: {  	[dreg:$0x3] =	wrdreg s15  }
0xb6: {  	[dreg:$0x4] =	wrdreg s16  }
0xb7: {  	[dreg:$0x5] =	wrdreg $0x9  }
0xb8: {  	_ =	task.clear_ibuf [dreg:s8], $0x6FFFF;
	_ =	strace $0x90000046  }
0xb9: {  	s29 =	simm.s32 $0x9;
	_ =	strace $0x80000048  }
0xba: {  	_ =	swait.ge [sflag:s29], $0x1  }
0xbb: {  	[sflag:s29] =	ssyncadd.s32 $0xFFFFFFFF  }
0xbc: {  	_ =	strace $0x90000048  }
0xbd: {  	_ =	sfence  }
0xbe: {  	s30 =	sld [smem:$0x0];
	_ =	sdelay $0x2  }
0xbf: {  	s31 =	sshll.u32 s1, $0xD;
	s1 =	sshrl.u32 s1, $0x2  }
0xc0: {  	s3 =	sand.u32 $0x4000, s31;
	s1 =	sadd.s32 s1, s30  }
0xc1: {  	s0 =	sor.u32 s3, s0;
	s1 =	sshll.u32 s1, $0x11  }
0xc2: {  	s0 =	sor.u32 s1, s0  }
0xc3: {  	s0 =	sadd.s32 $0x8F2B, s0  }
0xc4: {  	[sflag:s0] =	ssyncadd.remote.s32 $0x1  }
0xc5: {  	_ =	sfence.sel $0xFFFF  }
0xc6: {  	[dreg:$0x0] =	wrdreg $0xFFFFFFFF;
	(pc) =	sbr.abs _section_cstart, $3  }
0xc7: {  	[dreg:$0x1] =	wrdreg $0xFFFFFFFF  }
0xc8: {  	_ =	task.clear_ibuf [dreg:s8], $0x2FFFF;
	_ =	strace $0x9FFFFFFF  }
0xc9: {  	(tm) =	ssettm $0x7FFFFFFF  }
tec
execute0_lowered:
.L_overlay_start_1:
0x0: {  	(tag) =	ssettag $0x1  }
0x1: {  	s5 =	rddreg [dreg:$0x0]  }
0x2: {  	s6 =	rddreg [dreg:$0x1];
	s1 =	srdreg.scid  }
0x3: {  	s0 =	stileid.u32;
	s7 =	rddreg [dreg:$0x2]  }
0x4: {  	s4 =	sand.u32 $0x1, s1;
	s2 =	sshll.u32 s0, $0x1;
	s1 =	rddreg [dreg:$0x3]  }
0x5: {  	s3 =	sshll.u32 s0, $0x7;
	s8 =	sor.u32 s4, s2;
	s2 =	simm.s32 $0x0  }
0x6: {  	s3 =	sand.u32 $0x700, s3;
	s11 =	ssub.s32 $0x2, s4;
	s4 =	sadd.s32 $0x10000, s5  }
0x7: {  	s9 =	sshll.u32 s8, $0x5;
	[smem:$0x7FF] =	sst s2;
	s12 =	sshrl.u32 s11, $0x1  }
0x8: {  	s28 =	sshll.u32 s8, $0xB;
	s13 =	sshll.u32 s8, $0x2;
	s8 =	sshll.u32 s8, $0xC  }
0x9: {  	s10 =	sand.u32 $0x60, s9;
	_ =	strace $0x80000047;
	s11 =	ssub.s32 s11, s12  }
0xa: {  	s6 =	sadd.s32 s6, s13;
	s29 =	sor.u32 $0x80, s8;
	s30 =	sor.u32 $0x100, s8  }
0xb: {  	s14 =	sor.u32 $0x180, s8;
	s15 =	sor.u32 $0x200, s8;
	s16 =	sor.u32 $0x280, s8  }
0xc: {  	s17 =	sor.u32 $0x300, s8;
	s18 =	sor.u32 $0x380, s8;
	s19 =	sor.u32 $0x400, s8  }
0xd: {  	s20 =	sor.u32 $0x480, s8;
	s31 =	sor.u32 $0x500, s8;
	s21 =	sor.u32 $0x580, s8  }
0xe: {  	v0 =	vlaneseq.u32;
	v1 =	vmov s9;
	s22 =	sor.u32 $0x600, s8;
	s23 =	sor.u32 $0x700, s8;
	s9 =	sor.u32 $0x10, s9  }
0xf: {  	v34 =	vimm.s32 $0x0;
	v20 =	vmul.u32 $0x80, v0;
	s24 =	sor.u32 $0x780, s8;
	s26 =	sor.u32 $0x880, s8;
	s12 =	sor.u32 $0xA80, s8;
	v18 =	vmov s8  }
0x10: {  	s7 =	sadd.s32 s7, s8;
	s13 =	simm.s32 $0x4000;
	s10 =	sor.u32 s3, s10;
	v1 =	vshll.u32 v1, $0x7;
	v0 =	vmov s29;
	v2 =	vmov s30  }
0x11: {  	s3 =	sadd.s32 $0x630000, s5;
	v3 =	vmov s14;
	s14 =	sor.u32 $0x680, s8;
	v4 =	vmov s15;
	v5 =	vmov s16;
	s25 =	sshll.u32 s9, $0x7  }
0x12: {  	v8 =	vmov s19;
	v9 =	vmov s20;
	s19 =	sor.u32 $0x980, s8;
	s20 =	sor.u32 $0xA00, s8;
	v11 =	vmov s21;
	s21 =	sor.u32 $0xB00, s8  }
0x13: {  	v6 =	vmov s17;
	v7 =	vmov s18;
	v12 =	vmov s22;
	s22 =	sor.u32 $0xB80, s8;
	s29 =	sor.u32 $0xC00, s8;
	s30 =	sor.u32 $0xC80, s8  }
0x14: {  	v10 =	vmov s31;
	v14 =	vmov s23;
	v15 =	vmov s24;
	s23 =	sor.u32 $0xD00, s8;
	s31 =	sor.u32 $0xD80, s8;
	s24 =	sor.u32 $0xE00, s8  }
0x15: {  	v19 =	vmov s9;
	v17 =	vmov s26;
	s26 =	sor.u32 $0xF00, s8;
	s9 =	sadd.s32 $0x10, s7;
	v23 =	vmov s12;
	s11 =	smax.u32 s11, $0x1  }
0x16: {  	s12 =	simm.s32 $0x2;
	s15 =	simm.s32 $0x1;
	s16 =	simm.s32 $0x20;
	v1 =	vor.u32 v20, v1;
	v13 =	vmov s14;
	v16 =	vmov s25  }
0x17: {  	s17 =	simm.s32 $0xC080;
	s18 =	simm.s32 $0x14180;
	s10 =	sshrl.u32 s10, $0x3;
	v21 =	vshll.u32 v19, $0x7;
	v22 =	vmov s20;
	v24 =	vmov s21  }
0x18: {  	s25 =	sor.u32 $0xE80, s8;
	v25 =	vmov s22;
	v26 =	vmov s29;
	v27 =	vmov s30;
	s14 =	simm.s32 $0x80;
	s20 =	simm.s32 $0x10180  }
0x19: {  	v28 =	vmov s23;
	v29 =	vmov s31;
	v30 =	vmov s24;
	s10 =	sadd.s32 s10, s5;
	s5 =	sadd.s32 s5, s28;
	s28 =	sor.u32 $0x900, s8  }
0x1a: {  	v32 =	vmov s26;
	s21 =	simm.s32 $0x14200;
	s22 =	simm.s32 $0x0;
	v20 =	vor.u32 v20, v21;
	v19 =	vmov s28;
	s28 =	sor.u32 $0xF80, s8  }
0x1b: {  	v21 =	vmov s19;
	v31 =	vmov s25;
	s19 =	simm.s32 $0x100;
	s8 =	sadd.s32 $0xC50000, s10;
	s10 =	sadd.s32 $0xC50010, s10;
	v33 =	vmov s28  }
.LBB2_1:
0x1c: {  	[tilespmem:s2], [sflag:$0x2] =	stream.linear.gather [hbm4b:s5+s2], $0x4000, $0x38;
	[tilespmem:$0x14280] =	vst v63  }
0x1d: {  	_ =	swait.ge [sflag:s12], $0x4000  }
0x1e: {  	[sflag:s12] =	ssyncset.done $0x0  }
0x1f: {  	[sflag:s12] =	ssyncadd.s32 $0xFFFFC000  }
0x20: {  	[tilespmem:s13], [sflag:$0x2] =	stream.linear.gather [hbm4b:s6+s2], $0x20, $0x38;
	[tilespmem:$0x14280] =	vst v63  }
0x21: {  	_ =	swait.ge [sflag:s12], $0x20  }
0x22: {  	[sflag:s12] =	ssyncset.done $0x0  }
0x23: {  	[sflag:s12] =	ssyncadd.s32 $0xFFFFFFE0  }
0x24: {  	v35 =	vld [tilespmem:$0x4000];
	_ =	sdelay $0x4  }
0x25: {  	v36 =	vshrl.u32 v35, $0x8;
	v37 =	vshrl.u32 v35, $0x7  }
0x26: {  	v36 =	vand.u32 $0x7FF8, v36;
	v37 =	vand.u32 $0x7, v37  }
0x27: {  	v59 =	vand.u32 $0x7F, v35;
	v60 =	vshrl.u32 v35, $0xA;
	v36 =	vor.u32 v37, v36  }
0x28: {  	s23 =	sand.u32 $0x3000, s2;
	v61 =	vand.u32 $0x1, v60;
	v37 =	vor.u32 v1, v59;
	v36 =	vshll.u32 v36, $0x11  }
0x29: {  	s24 =	sand.u32 $0x70, s2;
	s23 =	sshrl.u32 s23, $0x2;
	[tilespmem:$0xC100] =	vst v61;
	v36 =	vadd.s32 v36, v37  }
0x2a: {  	s23 =	sor.u32 s24, s23;
	[tilespmem:$0xC080] =	vst v36  }
0x2b: {  	v62 =	vld [tilespmem:s23+$0x0];
	_ =	sdelay $0x2  }
0x2c: {  	v36 =	vbroadcast v35, $0x0;
	_ =	sdelay $0x1  }
0x2d: {  	vm0 =	vge.s32 v62, v36  }
0x2e: {  	v38 =	vsel vm0, $0x1, v34  }
0x2f: {  	v37 =	vadd.s32 v38, v62  }
0x30: {  	v38 =	vshrl.u32 v37, $0x8;
	v39 =	vshrl.u32 v37, $0x7  }
0x31: {  	v38 =	vand.u32 $0x7FF8, v38;
	v39 =	vand.u32 $0x7, v39  }
0x32: {  	v38 =	vor.u32 v39, v38  }
0x33: {  	v63 =	vand.u32 $0x7F, v37;
	v38 =	vshll.u32 v38, $0x11  }
0x34: {  	s25 =	simm.s32 $0x200;
	s26 =	simm.s32 $0x10;
	v38 =	vor.u32 v63, v38  }
0x35: {  	s29 =	sand.u32 $0x3000, s25;
	s28 =	sand.u32 $0x70, s26;
	s23 =	simm.s32 $0x4080;
	v37 =	vshrl.u32 v37, $0xA;
	v38 =	vor.u32 v18, v38  }
0x36: {  	s26 =	simm.s32 $0x20;
	s24 =	simm.s32 $0x8080;
	s29 =	sshrl.u32 s29, $0x2;
	v37 =	vand.u32 $0x1, v37;
	[tilespmem:s23+$0x0] =	vst v38  }
.LBB2_2:
0x37: {  	p0 =	sne.s32 s26, $0x1F0;
	s28 =	sor.u32 s28, s29;
	[tilespmem:s24+$0x0] =	vst v37  }
0x38: {  	v37 =	vld [tilespmem:s28+$0x0];
	_ =	sdelay $0x4  }
0x39: {  	vm0 =	vge.s32 v37, v36  }
0x3a: {  	v38 =	vsel vm0, $0x1, v34  }
0x3b: {  	v37 =	vadd.s32 v38, v37  }
0x3c: {  	v38 =	vshrl.u32 v37, $0x8;
	v39 =	vshrl.u32 v37, $0x7;
	v40 =	vshrl.u32 v37, $0xA  }
0x3d: {  	v38 =	vand.u32 $0x7FF8, v38;
	v39 =	vand.u32 $0x7, v39  }
.Ltmp0:
0x3e: {  	v38 =	vor.u32 v39, v38;
	(pc) =	sbr.rel @p0 .LBB2_2-.Ltmp0, $4  }
0x3f: {  	v37 =	vand.u32 $0x7F, v37;
	v38 =	vshll.u32 v38, $0x11  }
0x40: {  	s25 =	sadd.s32 $0x200, s25;
	v37 =	vor.u32 v37, v38  }
0x41: {  	s23 =	sadd.s32 $0x10, s23;
	s24 =	sadd.s32 $0x10, s24;
	s29 =	sand.u32 $0x3000, s25;
	v37 =	vor.u32 v18, v37  }
0x42: {  	s28 =	sand.u32 $0x70, s26;
	s26 =	sadd.s32 $0x10, s26;
	s29 =	sshrl.u32 s29, $0x2;
	[tilespmem:s23+$0x0] =	vst v37;
	v37 =	vand.u32 $0x1, v40  }
0x43: {  	s25 =	sor.u32 s28, s29;
	[tilespmem:s24+$0x0] =	vst v37  }
0x44: {  	v37 =	vld [tilespmem:s25+$0x0];
	_ =	sdelay $0x4  }
0x45: {  	vm0 =	vge.s32 v37, v36  }
0x46: {  	v36 =	vsel vm0, $0x1, v34  }
0x47: {  	v36 =	vadd.s32 v36, v37  }
0x48: {  	v37 =	vshrl.u32 v36, $0x8;
	v38 =	vshrl.u32 v36, $0x7  }
0x49: {  	v37 =	vand.u32 $0x7FF8, v37;
	v38 =	vand.u32 $0x7, v38  }
0x4a: {  	v37 =	vor.u32 v38, v37  }
0x4b: {  	v61 =	vand.u32 $0x7F, v36;
	v37 =	vshll.u32 v37, $0x11  }
0x4c: {  	v37 =	vor.u32 v61, v37  }
0x4d: {  	s23 =	sadd.s32 $0x10, s23;
	s29 =	simm.s32 $0x0;
	v36 =	vshrl.u32 v36, $0xA;
	v37 =	vor.u32 v18, v37  }
0x4e: {  	s30 =	sadd.s32 $0x10, s24;
	s31 =	sand.u32 $0x70, s29;
	s25 =	sand.u32 $0xC00, s29;
	v36 =	vand.u32 $0x1, v36;
	[tilespmem:s23+$0x0] =	vst v37  }
0x4f: {  	s23 =	sor.u32 s31, s25;
	[tilespmem:s30+$0x0] =	vst v36  }
0x50: {  	v37 =	vld [tilespmem:s23+$0x80];
	_ =	sdelay $0x2  }
0x51: {  	v36 =	vbroadcast v35, $0x1;
	_ =	sdelay $0x1  }
0x52: {  	vm15 =	vge.s32 v37, v36  }
0x53: {  	v62 =	vsel vm15, $0x1, v34  }
0x54: {  	v37 =	vadd.s32 v62, v37  }
0x55: {  	v38 =	vshrl.u32 v37, $0x8;
	v39 =	vshrl.u32 v37, $0x7  }
0x56: {  	v38 =	vand.u32 $0x7FF8, v38;
	v39 =	vand.u32 $0x7, v39  }
0x57: {  	v38 =	vor.u32 v39, v38  }
0x58: {  	v63 =	vand.u32 $0x7F, v37;
	v38 =	vshll.u32 v38, $0x11  }
0x59: {  	v38 =	vor.u32 v63, v38  }
0x5a: {  	s26 =	simm.s32 $0x10;
	s25 =	simm.s32 $0x80;
	s23 =	simm.s32 $0x4280;
	v37 =	vshrl.u32 v37, $0xA;
	v38 =	vor.u32 v0, v38  }
0x5b: {  	s24 =	simm.s32 $0x8280;
	s26 =	sand.u32 $0x70, s26;
	s28 =	sand.u32 $0xC00, s25;
	v37 =	vand.u32 $0x1, v37;
	[tilespmem:s23+$0x0] =	vst v38  }
0x5c: {  	s28 =	sor.u32 s26, s28;
	s26 =	simm.s32 $0x20;
	[tilespmem:s24+$0x0] =	vst v37  }
.LBB2_4:
0x5d: {  	p0 =	sne.s32 s26, $0x1F0;
	v37 =	vld [tilespmem:s28+$0x80];
	_ =	sdelay $0x4  }
0x5e: {  	vm0 =	vge.s32 v37, v36  }
0x5f: {  	v38 =	vsel vm0, $0x1, v34  }
0x60: {  	v37 =	vadd.s32 v38, v37  }
0x61: {  	v38 =	vshrl.u32 v37, $0x8;
	v39 =	vshrl.u32 v37, $0x7;
	v40 =	vshrl.u32 v37, $0xA  }
0x62: {  	v38 =	vand.u32 $0x7FF8, v38;
	v39 =	vand.u32 $0x7, v39  }
0x63: {  	v38 =	vor.u32 v39, v38  }
.Ltmp1:
0x64: {  	v37 =	vand.u32 $0x7F, v37;
	v38 =	vshll.u32 v38, $0x11;
	(pc) =	sbr.rel @p0 .LBB2_4-.Ltmp1, $4  }
0x65: {  	v37 =	vor.u32 v37, v38  }
0x66: {  	s25 =	sadd.s32 $0x80, s25;
	s23 =	sadd.s32 $0x10, s23;
	v37 =	vor.u32 v0, v37  }
0x67: {  	s28 =	sand.u32 $0x70, s26;
	s24 =	sadd.s32 $0x10, s24;
	s29 =	sand.u32 $0xC00, s25;
	[tilespmem:s23+$0x0] =	vst v37;
	v37 =	vand.u32 $0x1, v40  }
0x68: {  	s26 =	sadd.s32 $0x10, s26;
	s28 =	sor.u32 s28, s29;
	[tilespmem:s24+$0x0] =	vst v37  }
0x69: {  	v37 =	vld [tilespmem:s28+$0x80];
	_ =	sdelay $0x4  }
0x6a: {  	vm0 =	vge.s32 v37, v36  }
0x6b: {  	v36 =	vsel vm0, $0x1, v34  }
0x6c: {  	v36 =	vadd.s32 v36, v37  }
0x6d: {  	v37 =	vshrl.u32 v36, $0x8;
	v38 =	vshrl.u32 v36, $0x7  }
0x6e: {  	v37 =	vand.u32 $0x7FF8, v37;
	v38 =	vand.u32 $0x7, v38  }
0x6f: {  	v37 =	vor.u32 v38, v37  }
0x70: {  	v61 =	vand.u32 $0x7F, v36;
	v37 =	vshll.u32 v37, $0x11  }
0x71: {  	v37 =	vor.u32 v61, v37  }
0x72: {  	s23 =	sadd.s32 $0x10, s23;
	s25 =	simm.s32 $0x0;
	v36 =	vshrl.u32 v36, $0xA;
	v37 =	vor.u32 v0, v37  }
0x73: {  	s29 =	sadd.s32 $0x10, s24;
	s30 =	sand.u32 $0x70, s25;
	s25 =	sand.u32 $0xC00, s25;
	v36 =	vand.u32 $0x1, v36;
	[tilespmem:s23+$0x0] =	vst v37  }
0x74: {  	s31 =	sor.u32 s30, s25;
	[tilespmem:s29+$0x0] =	vst v36  }
0x75: {  	v37 =	vld [tilespmem:s31+$0x100];
	_ =	sdelay $0x2  }
0x76: {  	v36 =	vbroadcast v35, $0x2;
	_ =	sdelay $0x1  }
0x77: {  	vm15 =	vge.s32 v37, v36  }
0x78: {  	v62 =	vsel vm15, $0x1, v34  }
0x79: {  	v37 =	vadd.s32 v62, v37  }
0x7a: {  	v38 =	vshrl.u32 v37, $0x8;
	v39 =	vshrl.u32 v37, $0x7  }
0x7b: {  	v38 =	vand.u32 $0x7FF8, v38;
	v39 =	vand.u32 $0x7, v39  }
0x7c: {  	v38 =	vor.u32 v39, v38  }
0x7d: {  	v63 =	vand.u32 $0x7F, v37;
	v38 =	vshll.u32 v38, $0x11  }
0x7e: {  	v38 =	vor.u32 v63, v38  }
0x7f: {  	s26 =	simm.s32 $0x10;
	s25 =	simm.s32 $0x80;
	s23 =	simm.s32 $0x4480;
	v37 =	vshrl.u32 v37, $0xA;
	v38 =	vor.u32 v2, v38  }
0x80: {  	s24 =	simm.s32 $0x8480;
	s26 =	sand.u32 $0x70, s26;
	s28 =	sand.u32 $0xC00, s25;
	v37 =	vand.u32 $0x1, v37;
	[tilespmem:s23+$0x0] =	vst v38  }
0x81: {  	s28 =	sor.u32 s26, s28;
	s26 =	simm.s32 $0x20;
	[tilespmem:s24+$0x0] =	vst v37  }
.LBB2_6:
0x82: {  	p0 =	sne.s32 s26, $0x1F0;
	v37 =	vld [tilespmem:s28+$0x100];
	_ =	sdelay $0x4  }
0x83: {  	vm0 =	vge.s32 v37, v36  }
0x84: {  	v38 =	vsel vm0, $0x1, v34  }
0x85: {  	v37 =	vadd.s32 v38, v37  }
0x86: {  	v38 =	vshrl.u32 v37, $0x8;
	v39 =	vshrl.u32 v37, $0x7;
	v40 =	vshrl.u32 v37, $0xA  }
0x87: {  	v38 =	vand.u32 $0x7FF8, v38;
	v39 =	vand.u32 $0x7, v39  }
0x88: {  	v38 =	vor.u32 v39, v38  }
.Ltmp2:
0x89: {  	v37 =	vand.u32 $0x7F, v37;
	v38 =	vshll.u32 v38, $0x11;
	(pc) =	sbr.rel @p0 .LBB2_6-.Ltmp2, $4  }
0x8a: {  	v37 =	vor.u32 v37, v38  }
0x8b: {  	s25 =	sadd.s32 $0x80, s25;
	s23 =	sadd.s32 $0x10, s23;
	v37 =	vor.u32 v2, v37  }
0x8c: {  	s28 =	sand.u32 $0x70, s26;
	s24 =	sadd.s32 $0x10, s24;
	s29 =	sand.u32 $0xC00, s25;
	[tilespmem:s23+$0x0] =	vst v37;
	v37 =	vand.u32 $0x1, v40  }
0x8d: {  	s26 =	sadd.s32 $0x10, s26;
	s28 =	sor.u32 s28, s29;
	[tilespmem:s24+$0x0] =	vst v37  }
0x8e: {  	v37 =	vld [tilespmem:s28+$0x100];
	_ =	sdelay $0x4  }
0x8f: {  	vm0 =	vge.s32 v37, v36  }
0x90: {  	v36 =	vsel vm0, $0x1, v34  }
0x91: {  	v36 =	vadd.s32 v36, v37  }
0x92: {  	v37 =	vshrl.u32 v36, $0x8;
	v38 =	vshrl.u32 v36, $0x7  }
0x93: {  	v37 =	vand.u32 $0x7FF8, v37;
	v38 =	vand.u32 $0x7, v38  }
0x94: {  	v37 =	vor.u32 v38, v37  }
0x95: {  	v61 =	vand.u32 $0x7F, v36;
	v37 =	vshll.u32 v37, $0x11  }
0x96: {  	v37 =	vor.u32 v61, v37  }
0x97: {  	s23 =	sadd.s32 $0x10, s23;
	s25 =	simm.s32 $0x0;
	v36 =	vshrl.u32 v36, $0xA;
	v37 =	vor.u32 v2, v37  }
0x98: {  	s29 =	sadd.s32 $0x10, s24;
	s30 =	sand.u32 $0x70, s25;
	s25 =	sand.u32 $0xC00, s25;
	v36 =	vand.u32 $0x1, v36;
	[tilespmem:s23+$0x0] =	vst v37  }
0x99: {  	s31 =	sor.u32 s30, s25;
	[tilespmem:s29+$0x0] =	vst v36  }
0x9a: {  	v37 =	vld [tilespmem:s31+$0x180];
	_ =	sdelay $0x2  }
0x9b: {  	v36 =	vbroadcast v35, $0x3;
	_ =	sdelay $0x1  }
0x9c: {  	vm15 =	vge.s32 v37, v36  }
0x9d: {  	v62 =	vsel vm15, $0x1, v34  }
0x9e: {  	v37 =	vadd.s32 v62, v37  }
0x9f: {  	v38 =	vshrl.u32 v37, $0x8;
	v39 =	vshrl.u32 v37, $0x7  }
0xa0: {  	v38 =	vand.u32 $0x7FF8, v38;
	v39 =	vand.u32 $0x7, v39  }
0xa1: {  	v38 =	vor.u32 v39, v38  }
0xa2: {  	v63 =	vand.u32 $0x7F, v37;
	v38 =	vshll.u32 v38, $0x11  }
0xa3: {  	v38 =	vor.u32 v63, v38  }
0xa4: {  	s26 =	simm.s32 $0x10;
	s25 =	simm.s32 $0x80;
	s23 =	simm.s32 $0x4680;
	v37 =	vshrl.u32 v37, $0xA;
	v38 =	vor.u32 v3, v38  }
0xa5: {  	s24 =	simm.s32 $0x8680;
	s26 =	sand.u32 $0x70, s26;
	s28 =	sand.u32 $0xC00, s25;
	v37 =	vand.u32 $0x1, v37;
	[tilespmem:s23+$0x0] =	vst v38  }
0xa6: {  	s28 =	sor.u32 s26, s28;
	s26 =	simm.s32 $0x20;
	[tilespmem:s24+$0x0] =	vst v37  }
.LBB2_8:
0xa7: {  	p0 =	sne.s32 s26, $0x1F0;
	v37 =	vld [tilespmem:s28+$0x180];
	_ =	sdelay $0x4  }
0xa8: {  	vm0 =	vge.s32 v37, v36  }
0xa9: {  	v38 =	vsel vm0, $0x1, v34  }
0xaa: {  	v37 =	vadd.s32 v38, v37  }
0xab: {  	v38 =	vshrl.u32 v37, $0x8;
	v39 =	vshrl.u32 v37, $0x7;
	v40 =	vshrl.u32 v37, $0xA  }
0xac: {  	v38 =	vand.u32 $0x7FF8, v38;
	v39 =	vand.u32 $0x7, v39  }
0xad: {  	v38 =	vor.u32 v39, v38  }
.Ltmp3:
0xae: {  	v37 =	vand.u32 $0x7F, v37;
	v38 =	vshll.u32 v38, $0x11;
	(pc) =	sbr.rel @p0 .LBB2_8-.Ltmp3, $4  }
0xaf: {  	v37 =	vor.u32 v37, v38  }
0xb0: {  	s25 =	sadd.s32 $0x80, s25;
	s23 =	sadd.s32 $0x10, s23;
	v37 =	vor.u32 v3, v37  }
0xb1: {  	s28 =	sand.u32 $0x70, s26;
	s24 =	sadd.s32 $0x10, s24;
	s29 =	sand.u32 $0xC00, s25;
	[tilespmem:s23+$0x0] =	vst v37;
	v37 =	vand.u32 $0x1, v40  }
0xb2: {  	s26 =	sadd.s32 $0x10, s26;
	s28 =	sor.u32 s28, s29;
	[tilespmem:s24+$0x0] =	vst v37  }
0xb3: {  	v37 =	vld [tilespmem:s28+$0x180];
	_ =	sdelay $0x4  }
0xb4: {  	vm0 =	vge.s32 v37, v36  }
0xb5: {  	v36 =	vsel vm0, $0x1, v34  }
0xb6: {  	v36 =	vadd.s32 v36, v37  }
0xb7: {  	v37 =	vshrl.u32 v36, $0x8;
	v38 =	vshrl.u32 v36, $0x7  }
0xb8: {  	v37 =	vand.u32 $0x7FF8, v37;
	v38 =	vand.u32 $0x7, v38  }
0xb9: {  	v37 =	vor.u32 v38, v37  }
0xba: {  	v61 =	vand.u32 $0x7F, v36;
	v37 =	vshll.u32 v37, $0x11  }
0xbb: {  	v37 =	vor.u32 v61, v37  }
0xbc: {  	s23 =	sadd.s32 $0x10, s23;
	s25 =	simm.s32 $0x0;
	v36 =	vshrl.u32 v36, $0xA;
	v37 =	vor.u32 v3, v37  }
0xbd: {  	s29 =	sadd.s32 $0x10, s24;
	s30 =	sand.u32 $0x70, s25;
	s25 =	sand.u32 $0xC00, s25;
	v36 =	vand.u32 $0x1, v36;
	[tilespmem:s23+$0x0] =	vst v37  }
0xbe: {  	s31 =	sor.u32 s30, s25;
	[tilespmem:s29+$0x0] =	vst v36  }
0xbf: {  	v37 =	vld [tilespmem:s31+$0x200];
	_ =	sdelay $0x2  }
0xc0: {  	v36 =	vbroadcast v35, $0x4;
	_ =	sdelay $0x1  }
0xc1: {  	vm15 =	vge.s32 v37, v36  }
0xc2: {  	v62 =	vsel vm15, $0x1, v34  }
0xc3: {  	v37 =	vadd.s32 v62, v37  }
0xc4: {  	v38 =	vshrl.u32 v37, $0x8;
	v39 =	vshrl.u32 v37, $0x7  }
0xc5: {  	v38 =	vand.u32 $0x7FF8, v38;
	v39 =	vand.u32 $0x7, v39  }
0xc6: {  	v38 =	vor.u32 v39, v38  }
0xc7: {  	v63 =	vand.u32 $0x7F, v37;
	v38 =	vshll.u32 v38, $0x11  }
0xc8: {  	v38 =	vor.u32 v63, v38  }
0xc9: {  	s26 =	simm.s32 $0x10;
	s25 =	simm.s32 $0x80;
	s23 =	simm.s32 $0x4880;
	v37 =	vshrl.u32 v37, $0xA;
	v38 =	vor.u32 v4, v38  }
0xca: {  	s24 =	simm.s32 $0x8880;
	s26 =	sand.u32 $0x70, s26;
	s28 =	sand.u32 $0xC00, s25;
	v37 =	vand.u32 $0x1, v37;
	[tilespmem:s23+$0x0] =	vst v38  }
0xcb: {  	s28 =	sor.u32 s26, s28;
	s26 =	simm.s32 $0x20;
	[tilespmem:s24+$0x0] =	vst v37  }
.LBB2_10:
0xcc: {  	p0 =	sne.s32 s26, $0x1F0;
	v37 =	vld [tilespmem:s28+$0x200];
	_ =	sdelay $0x4  }
0xcd: {  	vm0 =	vge.s32 v37, v36  }
0xce: {  	v38 =	vsel vm0, $0x1, v34  }
0xcf: {  	v37 =	vadd.s32 v38, v37  }
0xd0: {  	v38 =	vshrl.u32 v37, $0x8;
	v39 =	vshrl.u32 v37, $0x7;
	v40 =	vshrl.u32 v37, $0xA  }
0xd1: {  	v38 =	vand.u32 $0x7FF8, v38;
	v39 =	vand.u32 $0x7, v39  }
0xd2: {  	v38 =	vor.u32 v39, v38  }
.Ltmp4:
0xd3: {  	v37 =	vand.u32 $0x7F, v37;
	v38 =	vshll.u32 v38, $0x11;
	(pc) =	sbr.rel @p0 .LBB2_10-.Ltmp4, $4  }
0xd4: {  	v37 =	vor.u32 v37, v38  }
0xd5: {  	s25 =	sadd.s32 $0x80, s25;
	s23 =	sadd.s32 $0x10, s23;
	v37 =	vor.u32 v4, v37  }
0xd6: {  	s28 =	sand.u32 $0x70, s26;
	s24 =	sadd.s32 $0x10, s24;
	s29 =	sand.u32 $0xC00, s25;
	[tilespmem:s23+$0x0] =	vst v37;
	v37 =	vand.u32 $0x1, v40  }
0xd7: {  	s26 =	sadd.s32 $0x10, s26;
	s28 =	sor.u32 s28, s29;
	[tilespmem:s24+$0x0] =	vst v37  }
0xd8: {  	v37 =	vld [tilespmem:s28+$0x200];
	_ =	sdelay $0x4  }
0xd9: {  	vm0 =	vge.s32 v37, v36  }
0xda: {  	v36 =	vsel vm0, $0x1, v34  }
0xdb: {  	v36 =	vadd.s32 v36, v37  }
0xdc: {  	v37 =	vshrl.u32 v36, $0x8;
	v38 =	vshrl.u32 v36, $0x7  }
0xdd: {  	v37 =	vand.u32 $0x7FF8, v37;
	v38 =	vand.u32 $0x7, v38  }
0xde: {  	v37 =	vor.u32 v38, v37  }
0xdf: {  	v61 =	vand.u32 $0x7F, v36;
	v37 =	vshll.u32 v37, $0x11  }
0xe0: {  	v37 =	vor.u32 v61, v37  }
0xe1: {  	s23 =	sadd.s32 $0x10, s23;
	s25 =	simm.s32 $0x0;
	v36 =	vshrl.u32 v36, $0xA;
	v37 =	vor.u32 v4, v37  }
0xe2: {  	s29 =	sadd.s32 $0x10, s24;
	s30 =	sand.u32 $0x70, s25;
	s25 =	sand.u32 $0xC00, s25;
	v36 =	vand.u32 $0x1, v36;
	[tilespmem:s23+$0x0] =	vst v37  }
0xe3: {  	s31 =	sor.u32 s30, s25;
	[tilespmem:s29+$0x0] =	vst v36  }
0xe4: {  	v37 =	vld [tilespmem:s31+$0x280];
	_ =	sdelay $0x2  }
0xe5: {  	v36 =	vbroadcast v35, $0x5;
	_ =	sdelay $0x1  }
0xe6: {  	vm15 =	vge.s32 v37, v36  }
0xe7: {  	v62 =	vsel vm15, $0x1, v34  }
0xe8: {  	v37 =	vadd.s32 v62, v37  }
0xe9: {  	v38 =	vshrl.u32 v37, $0x8;
	v39 =	vshrl.u32 v37, $0x7  }
0xea: {  	v38 =	vand.u32 $0x7FF8, v38;
	v39 =	vand.u32 $0x7, v39  }
0xeb: {  	v38 =	vor.u32 v39, v38  }
0xec: {  	v63 =	vand.u32 $0x7F, v37;
	v38 =	vshll.u32 v38, $0x11  }
0xed: {  	v38 =	vor.u32 v63, v38  }
0xee: {  	s26 =	simm.s32 $0x10;
	s25 =	simm.s32 $0x80;
	s23 =	simm.s32 $0x4A80;
	v37 =	vshrl.u32 v37, $0xA;
	v38 =	vor.u32 v5, v38  }
0xef: {  	s24 =	simm.s32 $0x8A80;
	s26 =	sand.u32 $0x70, s26;
	s28 =	sand.u32 $0xC00, s25;
	v37 =	vand.u32 $0x1, v37;
	[tilespmem:s23+$0x0] =	vst v38  }
0xf0: {  	s28 =	sor.u32 s26, s28;
	s26 =	simm.s32 $0x20;
	[tilespmem:s24+$0x0] =	vst v37  }
.LBB2_12:
0xf1: {  	p0 =	sne.s32 s26, $0x1F0;
	v37 =	vld [tilespmem:s28+$0x280];
	_ =	sdelay $0x4  }
0xf2: {  	vm0 =	vge.s32 v37, v36  }
0xf3: {  	v38 =	vsel vm0, $0x1, v34  }
0xf4: {  	v37 =	vadd.s32 v38, v37  }
0xf5: {  	v38 =	vshrl.u32 v37, $0x8;
	v39 =	vshrl.u32 v37, $0x7;
	v40 =	vshrl.u32 v37, $0xA  }
0xf6: {  	v38 =	vand.u32 $0x7FF8, v38;
	v39 =	vand.u32 $0x7, v39  }
0xf7: {  	v38 =	vor.u32 v39, v38  }
.Ltmp5:
0xf8: {  	v37 =	vand.u32 $0x7F, v37;
	v38 =	vshll.u32 v38, $0x11;
	(pc) =	sbr.rel @p0 .LBB2_12-.Ltmp5, $4  }
0xf9: {  	v37 =	vor.u32 v37, v38  }
0xfa: {  	s25 =	sadd.s32 $0x80, s25;
	s23 =	sadd.s32 $0x10, s23;
	v37 =	vor.u32 v5, v37  }
0xfb: {  	s28 =	sand.u32 $0x70, s26;
	s24 =	sadd.s32 $0x10, s24;
	s29 =	sand.u32 $0xC00, s25;
	[tilespmem:s23+$0x0] =	vst v37;
	v37 =	vand.u32 $0x1, v40  }
0xfc: {  	s26 =	sadd.s32 $0x10, s26;
	s28 =	sor.u32 s28, s29;
	[tilespmem:s24+$0x0] =	vst v37  }
0xfd: {  	v37 =	vld [tilespmem:s28+$0x280];
	_ =	sdelay $0x4  }
0xfe: {  	vm0 =	vge.s32 v37, v36  }
0xff: {  	v36 =	vsel vm0, $0x1, v34  }
0x100: {  	v36 =	vadd.s32 v36, v37  }
0x101: {  	v37 =	vshrl.u32 v36, $0x8;
	v38 =	vshrl.u32 v36, $0x7  }
0x102: {  	v37 =	vand.u32 $0x7FF8, v37;
	v38 =	vand.u32 $0x7, v38  }
0x103: {  	v37 =	vor.u32 v38, v37  }
0x104: {  	v61 =	vand.u32 $0x7F, v36;
	v37 =	vshll.u32 v37, $0x11  }
0x105: {  	v37 =	vor.u32 v61, v37  }
0x106: {  	s23 =	sadd.s32 $0x10, s23;
	s25 =	simm.s32 $0x0;
	v36 =	vshrl.u32 v36, $0xA;
	v37 =	vor.u32 v5, v37  }
0x107: {  	s29 =	sadd.s32 $0x10, s24;
	s30 =	sand.u32 $0x70, s25;
	s25 =	sand.u32 $0xC00, s25;
	v36 =	vand.u32 $0x1, v36;
	[tilespmem:s23+$0x0] =	vst v37  }
0x108: {  	s31 =	sor.u32 s30, s25;
	[tilespmem:s29+$0x0] =	vst v36  }
0x109: {  	v37 =	vld [tilespmem:s31+$0x300];
	_ =	sdelay $0x2  }
0x10a: {  	v36 =	vbroadcast v35, $0x6;
	_ =	sdelay $0x1  }
0x10b: {  	vm15 =	vge.s32 v37, v36  }
0x10c: {  	v62 =	vsel vm15, $0x1, v34  }
0x10d: {  	v37 =	vadd.s32 v62, v37  }
0x10e: {  	v38 =	vshrl.u32 v37, $0x8;
	v39 =	vshrl.u32 v37, $0x7  }
0x10f: {  	v38 =	vand.u32 $0x7FF8, v38;
	v39 =	vand.u32 $0x7, v39  }
0x110: {  	v38 =	vor.u32 v39, v38  }
0x111: {  	v63 =	vand.u32 $0x7F, v37;
	v38 =	vshll.u32 v38, $0x11  }
0x112: {  	v38 =	vor.u32 v63, v38  }
0x113: {  	s26 =	simm.s32 $0x10;
	s25 =	simm.s32 $0x80;
	s23 =	simm.s32 $0x4C80;
	v37 =	vshrl.u32 v37, $0xA;
	v38 =	vor.u32 v6, v38  }
0x114: {  	s24 =	simm.s32 $0x8C80;
	s26 =	sand.u32 $0x70, s26;
	s28 =	sand.u32 $0xC00, s25;
	v37 =	vand.u32 $0x1, v37;
	[tilespmem:s23+$0x0] =	vst v38  }
0x115: {  	s28 =	sor.u32 s26, s28;
	s26 =	simm.s32 $0x20;
	[tilespmem:s24+$0x0] =	vst v37  }
.LBB2_14:
0x116: {  	p0 =	sne.s32 s26, $0x1F0;
	v37 =	vld [tilespmem:s28+$0x300];
	_ =	sdelay $0x4  }
0x117: {  	vm0 =	vge.s32 v37, v36  }
0x118: {  	v38 =	vsel vm0, $0x1, v34  }
0x119: {  	v37 =	vadd.s32 v38, v37  }
0x11a: {  	v38 =	vshrl.u32 v37, $0x8;
	v39 =	vshrl.u32 v37, $0x7;
	v40 =	vshrl.u32 v37, $0xA  }
0x11b: {  	v38 =	vand.u32 $0x7FF8, v38;
	v39 =	vand.u32 $0x7, v39  }
0x11c: {  	v38 =	vor.u32 v39, v38  }
.Ltmp6:
0x11d: {  	v37 =	vand.u32 $0x7F, v37;
	v38 =	vshll.u32 v38, $0x11;
	(pc) =	sbr.rel @p0 .LBB2_14-.Ltmp6, $4  }
0x11e: {  	v37 =	vor.u32 v37, v38  }
0x11f: {  	s25 =	sadd.s32 $0x80, s25;
	s23 =	sadd.s32 $0x10, s23;
	v37 =	vor.u32 v6, v37  }
0x120: {  	s28 =	sand.u32 $0x70, s26;
	s24 =	sadd.s32 $0x10, s24;
	s29 =	sand.u32 $0xC00, s25;
	[tilespmem:s23+$0x0] =	vst v37;
	v37 =	vand.u32 $0x1, v40  }
0x121: {  	s26 =	sadd.s32 $0x10, s26;
	s28 =	sor.u32 s28, s29;
	[tilespmem:s24+$0x0] =	vst v37  }
0x122: {  	v37 =	vld [tilespmem:s28+$0x300];
	_ =	sdelay $0x4  }
0x123: {  	vm0 =	vge.s32 v37, v36  }
0x124: {  	v36 =	vsel vm0, $0x1, v34  }
0x125: {  	v36 =	vadd.s32 v36, v37  }
0x126: {  	v37 =	vshrl.u32 v36, $0x8;
	v38 =	vshrl.u32 v36, $0x7  }
0x127: {  	v37 =	vand.u32 $0x7FF8, v37;
	v38 =	vand.u32 $0x7, v38  }
0x128: {  	v37 =	vor.u32 v38, v37  }
0x129: {  	v61 =	vand.u32 $0x7F, v36;
	v37 =	vshll.u32 v37, $0x11  }
0x12a: {  	v37 =	vor.u32 v61, v37  }
0x12b: {  	s23 =	sadd.s32 $0x10, s23;
	s25 =	simm.s32 $0x0;
	v36 =	vshrl.u32 v36, $0xA;
	v37 =	vor.u32 v6, v37  }
0x12c: {  	s29 =	sadd.s32 $0x10, s24;
	s30 =	sor.u32 s25, s25;
	v36 =	vand.u32 $0x1, v36;
	[tilespmem:s23+$0x0] =	vst v37  }
0x12d: {  	s31 =	sor.u32 $0x380, s30;
	[tilespmem:s29+$0x0] =	vst v36  }
0x12e: {  	v37 =	vld [tilespmem:s31+$0x0];
	_ =	sdelay $0x2  }
0x12f: {  	v36 =	vbroadcast v35, $0x7;
	_ =	sdelay $0x1  }
0x130: {  	vm15 =	vge.s32 v37, v36  }
0x131: {  	v62 =	vsel vm15, $0x1, v34  }
0x132: {  	v37 =	vadd.s32 v62, v37  }
0x133: {  	v38 =	vshrl.u32 v37, $0x8;
	v39 =	vshrl.u32 v37, $0x7  }
0x134: {  	v38 =	vand.u32 $0x7FF8, v38;
	v39 =	vand.u32 $0x7, v39  }
0x135: {  	v38 =	vor.u32 v39, v38  }
0x136: {  	v63 =	vand.u32 $0x7F, v37;
	v38 =	vshll.u32 v38, $0x11  }
0x137: {  	v38 =	vor.u32 v63, v38  }
0x138: {  	s26 =	simm.s32 $0x10;
	s25 =	simm.s32 $0x80;
	s23 =	simm.s32 $0x4E80;
	v37 =	vshrl.u32 v37, $0xA;
	v38 =	vor.u32 v7, v38  }
0x139: {  	s24 =	simm.s32 $0x8E80;
	s26 =	sor.u32 s25, s26;
	v37 =	vand.u32 $0x1, v37;
	[tilespmem:s23+$0x0] =	vst v38  }
0x13a: {  	s28 =	sor.u32 $0x380, s26;
	s26 =	simm.s32 $0x20;
	[tilespmem:s24+$0x0] =	vst v37  }
.LBB2_16:
0x13b: {  	p0 =	sne.s32 s26, $0x1F0;
	v37 =	vld [tilespmem:s28+$0x0];
	_ =	sdelay $0x4  }
0x13c: {  	vm0 =	vge.s32 v37, v36  }
0x13d: {  	v38 =	vsel vm0, $0x1, v34  }
0x13e: {  	v37 =	vadd.s32 v38, v37  }
0x13f: {  	v38 =	vshrl.u32 v37, $0x8;
	v39 =	vshrl.u32 v37, $0x7;
	v40 =	vshrl.u32 v37, $0xA  }
0x140: {  	v38 =	vand.u32 $0x7FF8, v38;
	v39 =	vand.u32 $0x7, v39  }
0x141: {  	v38 =	vor.u32 v39, v38  }
.Ltmp7:
0x142: {  	v37 =	vand.u32 $0x7F, v37;
	v38 =	vshll.u32 v38, $0x11;
	(pc) =	sbr.rel @p0 .LBB2_16-.Ltmp7, $4  }
0x143: {  	v37 =	vor.u32 v37, v38  }
0x144: {  	s25 =	sadd.s32 $0x80, s25;
	s23 =	sadd.s32 $0x10, s23;
	v37 =	vor.u32 v7, v37  }
0x145: {  	s24 =	sadd.s32 $0x10, s24;
	s28 =	sor.u32 s25, s26;
	[tilespmem:s23+$0x0] =	vst v37;
	v37 =	vand.u32 $0x1, v40  }
0x146: {  	s26 =	sadd.s32 $0x10, s26;
	s28 =	sor.u32 $0x380, s28;
	[tilespmem:s24+$0x0] =	vst v37  }
0x147: {  	v37 =	vld [tilespmem:s28+$0x0];
	_ =	sdelay $0x4  }
0x148: {  	vm0 =	vge.s32 v37, v36  }
0x149: {  	v36 =	vsel vm0, $0x1, v34  }
0x14a: {  	v36 =	vadd.s32 v36, v37  }
0x14b: {  	v37 =	vshrl.u32 v36, $0x8;
	v38 =	vshrl.u32 v36, $0x7  }
0x14c: {  	v37 =	vand.u32 $0x7FF8, v37;
	v38 =	vand.u32 $0x7, v38  }
0x14d: {  	v37 =	vor.u32 v38, v37  }
0x14e: {  	v61 =	vand.u32 $0x7F, v36;
	v37 =	vshll.u32 v37, $0x11  }
0x14f: {  	v37 =	vor.u32 v61, v37  }
0x150: {  	s23 =	sadd.s32 $0x10, s23;
	s25 =	simm.s32 $0x0;
	v36 =	vshrl.u32 v36, $0xA;
	v37 =	vor.u32 v7, v37  }
0x151: {  	s29 =	sadd.s32 $0x10, s24;
	s30 =	sand.u32 $0x70, s25;
	s25 =	sand.u32 $0xC00, s25;
	v36 =	vand.u32 $0x1, v36;
	[tilespmem:s23+$0x0] =	vst v37  }
0x152: {  	s31 =	sor.u32 s30, s25;
	[tilespmem:s29+$0x0] =	vst v36  }
0x153: {  	v37 =	vld [tilespmem:s31+$0x1000];
	_ =	sdelay $0x2  }
0x154: {  	v36 =	vbroadcast v35, $0x8;
	_ =	sdelay $0x1  }
0x155: {  	vm15 =	vge.s32 v37, v36  }
0x156: {  	v62 =	vsel vm15, $0x1, v34  }
0x157: {  	v37 =	vadd.s32 v62, v37  }
0x158: {  	v38 =	vshrl.u32 v37, $0x8;
	v39 =	vshrl.u32 v37, $0x7  }
0x159: {  	v38 =	vand.u32 $0x7FF8, v38;
	v39 =	vand.u32 $0x7, v39  }
0x15a: {  	v38 =	vor.u32 v39, v38  }
0x15b: {  	v63 =	vand.u32 $0x7F, v37;
	v38 =	vshll.u32 v38, $0x11  }
0x15c: {  	v38 =	vor.u32 v63, v38  }
0x15d: {  	s26 =	simm.s32 $0x10;
	s25 =	simm.s32 $0x80;
	s23 =	simm.s32 $0x5080;
	v37 =	vshrl.u32 v37, $0xA;
	v38 =	vor.u32 v8, v38  }
0x15e: {  	s24 =	simm.s32 $0x9080;
	s26 =	sand.u32 $0x70, s26;
	s28 =	sand.u32 $0xC00, s25;
	v37 =	vand.u32 $0x1, v37;
	[tilespmem:s23+$0x0] =	vst v38  }
0x15f: {  	s28 =	sor.u32 s26, s28;
	s26 =	simm.s32 $0x20;
	[tilespmem:s24+$0x0] =	vst v37  }
.LBB2_18:
0x160: {  	p0 =	sne.s32 s26, $0x1F0;
	v37 =	vld [tilespmem:s28+$0x1000];
	_ =	sdelay $0x4  }
0x161: {  	vm0 =	vge.s32 v37, v36  }
0x162: {  	v38 =	vsel vm0, $0x1, v34  }
0x163: {  	v37 =	vadd.s32 v38, v37  }
0x164: {  	v38 =	vshrl.u32 v37, $0x8;
	v39 =	vshrl.u32 v37, $0x7;
	v40 =	vshrl.u32 v37, $0xA  }
0x165: {  	v38 =	vand.u32 $0x7FF8, v38;
	v39 =	vand.u32 $0x7, v39  }
0x166: {  	v38 =	vor.u32 v39, v38  }
.Ltmp8:
0x167: {  	v37 =	vand.u32 $0x7F, v37;
	v38 =	vshll.u32 v38, $0x11;
	(pc) =	sbr.rel @p0 .LBB2_18-.Ltmp8, $4  }
0x168: {  	v37 =	vor.u32 v37, v38  }
0x169: {  	s25 =	sadd.s32 $0x80, s25;
	s23 =	sadd.s32 $0x10, s23;
	v37 =	vor.u32 v8, v37  }
0x16a: {  	s28 =	sand.u32 $0x70, s26;
	s24 =	sadd.s32 $0x10, s24;
	s29 =	sand.u32 $0xC00, s25;
	[tilespmem:s23+$0x0] =	vst v37;
	v37 =	vand.u32 $0x1, v40  }
0x16b: {  	s26 =	sadd.s32 $0x10, s26;
	s28 =	sor.u32 s28, s29;
	[tilespmem:s24+$0x0] =	vst v37  }
0x16c: {  	v37 =	vld [tilespmem:s28+$0x1000];
	_ =	sdelay $0x4  }
0x16d: {  	vm0 =	vge.s32 v37, v36  }
0x16e: {  	v36 =	vsel vm0, $0x1, v34  }
0x16f: {  	v36 =	vadd.s32 v36, v37  }
0x170: {  	v37 =	vshrl.u32 v36, $0x8;
	v38 =	vshrl.u32 v36, $0x7  }
0x171: {  	v37 =	vand.u32 $0x7FF8, v37;
	v38 =	vand.u32 $0x7, v38  }
0x172: {  	v37 =	vor.u32 v38, v37  }
0x173: {  	v61 =	vand.u32 $0x7F, v36;
	v37 =	vshll.u32 v37, $0x11  }
0x174: {  	v37 =	vor.u32 v61, v37  }
0x175: {  	s23 =	sadd.s32 $0x10, s23;
	s25 =	simm.s32 $0x0;
	v36 =	vshrl.u32 v36, $0xA;
	v37 =	vor.u32 v8, v37  }
0x176: {  	s29 =	sadd.s32 $0x10, s24;
	s30 =	sand.u32 $0x70, s25;
	s25 =	sand.u32 $0xC00, s25;
	v36 =	vand.u32 $0x1, v36;
	[tilespmem:s23+$0x0] =	vst v37  }
0x177: {  	s31 =	sor.u32 s30, s25;
	[tilespmem:s29+$0x0] =	vst v36  }
0x178: {  	v37 =	vld [tilespmem:s31+$0x1080];
	_ =	sdelay $0x2  }
0x179: {  	v36 =	vbroadcast v35, $0x9;
	_ =	sdelay $0x1  }
0x17a: {  	vm15 =	vge.s32 v37, v36  }
0x17b: {  	v62 =	vsel vm15, $0x1, v34  }
0x17c: {  	v37 =	vadd.s32 v62, v37  }
0x17d: {  	v38 =	vshrl.u32 v37, $0x8;
	v39 =	vshrl.u32 v37, $0x7  }
0x17e: {  	v38 =	vand.u32 $0x7FF8, v38;
	v39 =	vand.u32 $0x7, v39  }
0x17f: {  	v38 =	vor.u32 v39, v38  }
0x180: {  	v63 =	vand.u32 $0x7F, v37;
	v38 =	vshll.u32 v38, $0x11  }
0x181: {  	v38 =	vor.u32 v63, v38  }
0x182: {  	s26 =	simm.s32 $0x10;
	s25 =	simm.s32 $0x80;
	s23 =	simm.s32 $0x5280;
	v37 =	vshrl.u32 v37, $0xA;
	v38 =	vor.u32 v9, v38  }
0x183: {  	s24 =	simm.s32 $0x9280;
	s26 =	sand.u32 $0x70, s26;
	s28 =	sand.u32 $0xC00, s25;
	v37 =	vand.u32 $0x1, v37;
	[tilespmem:s23+$0x0] =	vst v38  }
0x184: {  	s28 =	sor.u32 s26, s28;
	s26 =	simm.s32 $0x20;
	[tilespmem:s24+$0x0] =	vst v37  }
.LBB2_20:
0x185: {  	p0 =	sne.s32 s26, $0x1F0;
	v37 =	vld [tilespmem:s28+$0x1080];
	_ =	sdelay $0x4  }
0x186: {  	vm0 =	vge.s32 v37, v36  }
0x187: {  	v38 =	vsel vm0, $0x1, v34  }
0x188: {  	v37 =	vadd.s32 v38, v37  }
0x189: {  	v38 =	vshrl.u32 v37, $0x8;
	v39 =	vshrl.u32 v37, $0x7;
	v40 =	vshrl.u32 v37, $0xA  }
0x18a: {  	v38 =	vand.u32 $0x7FF8, v38;
	v39 =	vand.u32 $0x7, v39  }
0x18b: {  	v38 =	vor.u32 v39, v38  }
.Ltmp9:
0x18c: {  	v37 =	vand.u32 $0x7F, v37;
	v38 =	vshll.u32 v38, $0x11;
	(pc) =	sbr.rel @p0 .LBB2_20-.Ltmp9, $4  }
0x18d: {  	v37 =	vor.u32 v37, v38  }
0x18e: {  	s25 =	sadd.s32 $0x80, s25;
	s23 =	sadd.s32 $0x10, s23;
	v37 =	vor.u32 v9, v37  }
0x18f: {  	s28 =	sand.u32 $0x70, s26;
	s24 =	sadd.s32 $0x10, s24;
	s29 =	sand.u32 $0xC00, s25;
	[tilespmem:s23+$0x0] =	vst v37;
	v37 =	vand.u32 $0x1, v40  }
0x190: {  	s26 =	sadd.s32 $0x10, s26;
	s28 =	sor.u32 s28, s29;
	[tilespmem:s24+$0x0] =	vst v37  }
0x191: {  	v37 =	vld [tilespmem:s28+$0x1080];
	_ =	sdelay $0x4  }
0x192: {  	vm0 =	vge.s32 v37, v36  }
0x193: {  	v36 =	vsel vm0, $0x1, v34  }
0x194: {  	v36 =	vadd.s32 v36, v37  }
0x195: {  	v37 =	vshrl.u32 v36, $0x8;
	v38 =	vshrl.u32 v36, $0x7  }
0x196: {  	v37 =	vand.u32 $0x7FF8, v37;
	v38 =	vand.u32 $0x7, v38  }
0x197: {  	v37 =	vor.u32 v38, v37  }
0x198: {  	v61 =	vand.u32 $0x7F, v36;
	v37 =	vshll.u32 v37, $0x11  }
0x199: {  	v37 =	vor.u32 v61, v37  }
0x19a: {  	s23 =	sadd.s32 $0x10, s23;
	s25 =	simm.s32 $0x0;
	v36 =	vshrl.u32 v36, $0xA;
	v37 =	vor.u32 v9, v37  }
0x19b: {  	s29 =	sadd.s32 $0x10, s24;
	s30 =	sand.u32 $0x70, s25;
	s25 =	sand.u32 $0xC00, s25;
	v36 =	vand.u32 $0x1, v36;
	[tilespmem:s23+$0x0] =	vst v37  }
0x19c: {  	s31 =	sor.u32 s30, s25;
	[tilespmem:s29+$0x0] =	vst v36  }
0x19d: {  	v37 =	vld [tilespmem:s31+$0x1100];
	_ =	sdelay $0x2  }
0x19e: {  	v36 =	vbroadcast v35, $0xA;
	_ =	sdelay $0x1  }
0x19f: {  	vm15 =	vge.s32 v37, v36  }
0x1a0: {  	v62 =	vsel vm15, $0x1, v34  }
0x1a1: {  	v37 =	vadd.s32 v62, v37  }
0x1a2: {  	v38 =	vshrl.u32 v37, $0x8;
	v39 =	vshrl.u32 v37, $0x7  }
0x1a3: {  	v38 =	vand.u32 $0x7FF8, v38;
	v39 =	vand.u32 $0x7, v39  }
0x1a4: {  	v38 =	vor.u32 v39, v38  }
0x1a5: {  	v63 =	vand.u32 $0x7F, v37;
	v38 =	vshll.u32 v38, $0x11  }
0x1a6: {  	v38 =	vor.u32 v63, v38  }
0x1a7: {  	s26 =	simm.s32 $0x10;
	s25 =	simm.s32 $0x80;
	s23 =	simm.s32 $0x5480;
	v37 =	vshrl.u32 v37, $0xA;
	v38 =	vor.u32 v10, v38  }
0x1a8: {  	s24 =	simm.s32 $0x9480;
	s26 =	sand.u32 $0x70, s26;
	s28 =	sand.u32 $0xC00, s25;
	v37 =	vand.u32 $0x1, v37;
	[tilespmem:s23+$0x0] =	vst v38  }
0x1a9: {  	s28 =	sor.u32 s26, s28;
	s26 =	simm.s32 $0x20;
	[tilespmem:s24+$0x0] =	vst v37  }
.LBB2_22:
0x1aa: {  	p0 =	sne.s32 s26, $0x1F0;
	v37 =	vld [tilespmem:s28+$0x1100];
	_ =	sdelay $0x4  }
0x1ab: {  	vm0 =	vge.s32 v37, v36  }
0x1ac: {  	v38 =	vsel vm0, $0x1, v34  }
0x1ad: {  	v37 =	vadd.s32 v38, v37  }
0x1ae: {  	v38 =	vshrl.u32 v37, $0x8;
	v39 =	vshrl.u32 v37, $0x7;
	v40 =	vshrl.u32 v37, $0xA  }
0x1af: {  	v38 =	vand.u32 $0x7FF8, v38;
	v39 =	vand.u32 $0x7, v39  }
0x1b0: {  	v38 =	vor.u32 v39, v38  }
.Ltmp10:
0x1b1: {  	v37 =	vand.u32 $0x7F, v37;
	v38 =	vshll.u32 v38, $0x11;
	(pc) =	sbr.rel @p0 .LBB2_22-.Ltmp10, $4  }
0x1b2: {  	v37 =	vor.u32 v37, v38  }
0x1b3: {  	s25 =	sadd.s32 $0x80, s25;
	s23 =	sadd.s32 $0x10, s23;
	v37 =	vor.u32 v10, v37  }
0x1b4: {  	s28 =	sand.u32 $0x70, s26;
	s24 =	sadd.s32 $0x10, s24;
	s29 =	sand.u32 $0xC00, s25;
	[tilespmem:s23+$0x0] =	vst v37;
	v37 =	vand.u32 $0x1, v40  }
0x1b5: {  	s26 =	sadd.s32 $0x10, s26;
	s28 =	sor.u32 s28, s29;
	[tilespmem:s24+$0x0] =	vst v37  }
0x1b6: {  	v37 =	vld [tilespmem:s28+$0x1100];
	_ =	sdelay $0x4  }
0x1b7: {  	vm0 =	vge.s32 v37, v36  }
0x1b8: {  	v36 =	vsel vm0, $0x1, v34  }
0x1b9: {  	v36 =	vadd.s32 v36, v37  }
0x1ba: {  	v37 =	vshrl.u32 v36, $0x8;
	v38 =	vshrl.u32 v36, $0x7  }
0x1bb: {  	v37 =	vand.u32 $0x7FF8, v37;
	v38 =	vand.u32 $0x7, v38  }
0x1bc: {  	v37 =	vor.u32 v38, v37  }
0x1bd: {  	v61 =	vand.u32 $0x7F, v36;
	v37 =	vshll.u32 v37, $0x11  }
0x1be: {  	v37 =	vor.u32 v61, v37  }
0x1bf: {  	s23 =	sadd.s32 $0x10, s23;
	s25 =	simm.s32 $0x0;
	v36 =	vshrl.u32 v36, $0xA;
	v37 =	vor.u32 v10, v37  }
0x1c0: {  	s29 =	sadd.s32 $0x10, s24;
	s30 =	sand.u32 $0x70, s25;
	s25 =	sand.u32 $0xC00, s25;
	v36 =	vand.u32 $0x1, v36;
	[tilespmem:s23+$0x0] =	vst v37  }
0x1c1: {  	s31 =	sor.u32 s30, s25;
	[tilespmem:s29+$0x0] =	vst v36  }
0x1c2: {  	v37 =	vld [tilespmem:s31+$0x1180];
	_ =	sdelay $0x2  }
0x1c3: {  	v36 =	vbroadcast v35, $0xB;
	_ =	sdelay $0x1  }
0x1c4: {  	vm15 =	vge.s32 v37, v36  }
0x1c5: {  	v62 =	vsel vm15, $0x1, v34  }
0x1c6: {  	v37 =	vadd.s32 v62, v37  }
0x1c7: {  	v38 =	vshrl.u32 v37, $0x8;
	v39 =	vshrl.u32 v37, $0x7  }
0x1c8: {  	v38 =	vand.u32 $0x7FF8, v38;
	v39 =	vand.u32 $0x7, v39  }
0x1c9: {  	v38 =	vor.u32 v39, v38  }
0x1ca: {  	v63 =	vand.u32 $0x7F, v37;
	v38 =	vshll.u32 v38, $0x11  }
0x1cb: {  	v38 =	vor.u32 v63, v38  }
0x1cc: {  	s26 =	simm.s32 $0x10;
	s25 =	simm.s32 $0x80;
	s23 =	simm.s32 $0x5680;
	v37 =	vshrl.u32 v37, $0xA;
	v38 =	vor.u32 v11, v38  }
0x1cd: {  	s24 =	simm.s32 $0x9680;
	s26 =	sand.u32 $0x70, s26;
	s28 =	sand.u32 $0xC00, s25;
	v37 =	vand.u32 $0x1, v37;
	[tilespmem:s23+$0x0] =	vst v38  }
0x1ce: {  	s28 =	sor.u32 s26, s28;
	s26 =	simm.s32 $0x20;
	[tilespmem:s24+$0x0] =	vst v37  }
.LBB2_24:
0x1cf: {  	p0 =	sne.s32 s26, $0x1F0;
	v37 =	vld [tilespmem:s28+$0x1180];
	_ =	sdelay $0x4  }
0x1d0: {  	vm0 =	vge.s32 v37, v36  }
0x1d1: {  	v38 =	vsel vm0, $0x1, v34  }
0x1d2: {  	v37 =	vadd.s32 v38, v37  }
0x1d3: {  	v38 =	vshrl.u32 v37, $0x8;
	v39 =	vshrl.u32 v37, $0x7;
	v40 =	vshrl.u32 v37, $0xA  }
0x1d4: {  	v38 =	vand.u32 $0x7FF8, v38;
	v39 =	vand.u32 $0x7, v39  }
0x1d5: {  	v38 =	vor.u32 v39, v38  }
.Ltmp11:
0x1d6: {  	v37 =	vand.u32 $0x7F, v37;
	v38 =	vshll.u32 v38, $0x11;
	(pc) =	sbr.rel @p0 .LBB2_24-.Ltmp11, $4  }
0x1d7: {  	v37 =	vor.u32 v37, v38  }
0x1d8: {  	s25 =	sadd.s32 $0x80, s25;
	s23 =	sadd.s32 $0x10, s23;
	v37 =	vor.u32 v11, v37  }
0x1d9: {  	s28 =	sand.u32 $0x70, s26;
	s24 =	sadd.s32 $0x10, s24;
	s29 =	sand.u32 $0xC00, s25;
	[tilespmem:s23+$0x0] =	vst v37;
	v37 =	vand.u32 $0x1, v40  }
0x1da: {  	s26 =	sadd.s32 $0x10, s26;
	s28 =	sor.u32 s28, s29;
	[tilespmem:s24+$0x0] =	vst v37  }
0x1db: {  	v37 =	vld [tilespmem:s28+$0x1180];
	_ =	sdelay $0x4  }
0x1dc: {  	vm0 =	vge.s32 v37, v36  }
0x1dd: {  	v36 =	vsel vm0, $0x1, v34  }
0x1de: {  	v36 =	vadd.s32 v36, v37  }
0x1df: {  	v37 =	vshrl.u32 v36, $0x8;
	v38 =	vshrl.u32 v36, $0x7  }
0x1e0: {  	v37 =	vand.u32 $0x7FF8, v37;
	v38 =	vand.u32 $0x7, v38  }
0x1e1: {  	v37 =	vor.u32 v38, v37  }
0x1e2: {  	v61 =	vand.u32 $0x7F, v36;
	v37 =	vshll.u32 v37, $0x11  }
0x1e3: {  	v37 =	vor.u32 v61, v37  }
0x1e4: {  	s23 =	sadd.s32 $0x10, s23;
	s25 =	simm.s32 $0x0;
	v36 =	vshrl.u32 v36, $0xA;
	v37 =	vor.u32 v11, v37  }
0x1e5: {  	s29 =	sadd.s32 $0x10, s24;
	s30 =	sand.u32 $0x70, s25;
	s25 =	sand.u32 $0xC00, s25;
	v36 =	vand.u32 $0x1, v36;
	[tilespmem:s23+$0x0] =	vst v37  }
0x1e6: {  	s31 =	sor.u32 s30, s25;
	[tilespmem:s29+$0x0] =	vst v36  }
0x1e7: {  	v37 =	vld [tilespmem:s31+$0x1200];
	_ =	sdelay $0x2  }
0x1e8: {  	v36 =	vbroadcast v35, $0xC;
	_ =	sdelay $0x1  }
0x1e9: {  	vm15 =	vge.s32 v37, v36  }
0x1ea: {  	v62 =	vsel vm15, $0x1, v34  }
0x1eb: {  	v37 =	vadd.s32 v62, v37  }
0x1ec: {  	v38 =	vshrl.u32 v37, $0x8;
	v39 =	vshrl.u32 v37, $0x7  }
0x1ed: {  	v38 =	vand.u32 $0x7FF8, v38;
	v39 =	vand.u32 $0x7, v39  }
0x1ee: {  	v38 =	vor.u32 v39, v38  }
0x1ef: {  	v63 =	vand.u32 $0x7F, v37;
	v38 =	vshll.u32 v38, $0x11  }
0x1f0: {  	v38 =	vor.u32 v63, v38  }
0x1f1: {  	s26 =	simm.s32 $0x10;
	s25 =	simm.s32 $0x80;
	s23 =	simm.s32 $0x5880;
	v37 =	vshrl.u32 v37, $0xA;
	v38 =	vor.u32 v12, v38  }
0x1f2: {  	s24 =	simm.s32 $0x9880;
	s26 =	sand.u32 $0x70, s26;
	s28 =	sand.u32 $0xC00, s25;
	v37 =	vand.u32 $0x1, v37;
	[tilespmem:s23+$0x0] =	vst v38  }
0x1f3: {  	s28 =	sor.u32 s26, s28;
	s26 =	simm.s32 $0x20;
	[tilespmem:s24+$0x0] =	vst v37  }
.LBB2_26:
0x1f4: {  	p0 =	sne.s32 s26, $0x1F0;
	v37 =	vld [tilespmem:s28+$0x1200];
	_ =	sdelay $0x4  }
0x1f5: {  	vm0 =	vge.s32 v37, v36  }
0x1f6: {  	v38 =	vsel vm0, $0x1, v34  }
0x1f7: {  	v37 =	vadd.s32 v38, v37  }
0x1f8: {  	v38 =	vshrl.u32 v37, $0x8;
	v39 =	vshrl.u32 v37, $0x7;
	v40 =	vshrl.u32 v37, $0xA  }
0x1f9: {  	v38 =	vand.u32 $0x7FF8, v38;
	v39 =	vand.u32 $0x7, v39  }
0x1fa: {  	v38 =	vor.u32 v39, v38  }
.Ltmp12:
0x1fb: {  	v37 =	vand.u32 $0x7F, v37;
	v38 =	vshll.u32 v38, $0x11;
	(pc) =	sbr.rel @p0 .LBB2_26-.Ltmp12, $4  }
0x1fc: {  	v37 =	vor.u32 v37, v38  }
0x1fd: {  	s25 =	sadd.s32 $0x80, s25;
	s23 =	sadd.s32 $0x10, s23;
	v37 =	vor.u32 v12, v37  }
0x1fe: {  	s28 =	sand.u32 $0x70, s26;
	s24 =	sadd.s32 $0x10, s24;
	s29 =	sand.u32 $0xC00, s25;
	[tilespmem:s23+$0x0] =	vst v37;
	v37 =	vand.u32 $0x1, v40  }
0x1ff: {  	s26 =	sadd.s32 $0x10, s26;
	s28 =	sor.u32 s28, s29;
	[tilespmem:s24+$0x0] =	vst v37  }
0x200: {  	v37 =	vld [tilespmem:s28+$0x1200];
	_ =	sdelay $0x4  }
0x201: {  	vm0 =	vge.s32 v37, v36  }
0x202: {  	v36 =	vsel vm0, $0x1, v34  }
0x203: {  	v36 =	vadd.s32 v36, v37  }
0x204: {  	v37 =	vshrl.u32 v36, $0x8;
	v38 =	vshrl.u32 v36, $0x7  }
0x205: {  	v37 =	vand.u32 $0x7FF8, v37;
	v38 =	vand.u32 $0x7, v38  }
0x206: {  	v37 =	vor.u32 v38, v37  }
0x207: {  	v61 =	vand.u32 $0x7F, v36;
	v37 =	vshll.u32 v37, $0x11  }
0x208: {  	v37 =	vor.u32 v61, v37  }
0x209: {  	s23 =	sadd.s32 $0x10, s23;
	s25 =	simm.s32 $0x0;
	v36 =	vshrl.u32 v36, $0xA;
	v37 =	vor.u32 v12, v37  }
0x20a: {  	s29 =	sadd.s32 $0x10, s24;
	s30 =	sand.u32 $0x70, s25;
	s25 =	sand.u32 $0xC00, s25;
	v36 =	vand.u32 $0x1, v36;
	[tilespmem:s23+$0x0] =	vst v37  }
0x20b: {  	s31 =	sor.u32 s30, s25;
	[tilespmem:s29+$0x0] =	vst v36  }
0x20c: {  	v37 =	vld [tilespmem:s31+$0x1280];
	_ =	sdelay $0x2  }
0x20d: {  	v36 =	vbroadcast v35, $0xD;
	_ =	sdelay $0x1  }
0x20e: {  	vm15 =	vge.s32 v37, v36  }
0x20f: {  	v62 =	vsel vm15, $0x1, v34  }
0x210: {  	v37 =	vadd.s32 v62, v37  }
0x211: {  	v38 =	vshrl.u32 v37, $0x8;
	v39 =	vshrl.u32 v37, $0x7  }
0x212: {  	v38 =	vand.u32 $0x7FF8, v38;
	v39 =	vand.u32 $0x7, v39  }
0x213: {  	v38 =	vor.u32 v39, v38  }
0x214: {  	v63 =	vand.u32 $0x7F, v37;
	v38 =	vshll.u32 v38, $0x11  }
0x215: {  	v38 =	vor.u32 v63, v38  }
0x216: {  	s26 =	simm.s32 $0x10;
	s25 =	simm.s32 $0x80;
	s23 =	simm.s32 $0x5A80;
	v37 =	vshrl.u32 v37, $0xA;
	v38 =	vor.u32 v13, v38  }
0x217: {  	s24 =	simm.s32 $0x9A80;
	s26 =	sand.u32 $0x70, s26;
	s28 =	sand.u32 $0xC00, s25;
	v37 =	vand.u32 $0x1, v37;
	[tilespmem:s23+$0x0] =	vst v38  }
0x218: {  	s28 =	sor.u32 s26, s28;
	s26 =	simm.s32 $0x20;
	[tilespmem:s24+$0x0] =	vst v37  }
.LBB2_28:
0x219: {  	p0 =	sne.s32 s26, $0x1F0;
	v37 =	vld [tilespmem:s28+$0x1280];
	_ =	sdelay $0x4  }
0x21a: {  	vm0 =	vge.s32 v37, v36  }
0x21b: {  	v38 =	vsel vm0, $0x1, v34  }
0x21c: {  	v37 =	vadd.s32 v38, v37  }
0x21d: {  	v38 =	vshrl.u32 v37, $0x8;
	v39 =	vshrl.u32 v37, $0x7;
	v40 =	vshrl.u32 v37, $0xA  }
0x21e: {  	v38 =	vand.u32 $0x7FF8, v38;
	v39 =	vand.u32 $0x7, v39  }
0x21f: {  	v38 =	vor.u32 v39, v38  }
.Ltmp13:
0x220: {  	v37 =	vand.u32 $0x7F, v37;
	v38 =	vshll.u32 v38, $0x11;
	(pc) =	sbr.rel @p0 .LBB2_28-.Ltmp13, $4  }
0x221: {  	v37 =	vor.u32 v37, v38  }
0x222: {  	s25 =	sadd.s32 $0x80, s25;
	s23 =	sadd.s32 $0x10, s23;
	v37 =	vor.u32 v13, v37  }
0x223: {  	s28 =	sand.u32 $0x70, s26;
	s24 =	sadd.s32 $0x10, s24;
	s29 =	sand.u32 $0xC00, s25;
	[tilespmem:s23+$0x0] =	vst v37;
	v37 =	vand.u32 $0x1, v40  }
0x224: {  	s26 =	sadd.s32 $0x10, s26;
	s28 =	sor.u32 s28, s29;
	[tilespmem:s24+$0x0] =	vst v37  }
0x225: {  	v37 =	vld [tilespmem:s28+$0x1280];
	_ =	sdelay $0x4  }
0x226: {  	vm0 =	vge.s32 v37, v36  }
0x227: {  	v36 =	vsel vm0, $0x1, v34  }
0x228: {  	v36 =	vadd.s32 v36, v37  }
0x229: {  	v37 =	vshrl.u32 v36, $0x8;
	v38 =	vshrl.u32 v36, $0x7  }
0x22a: {  	v37 =	vand.u32 $0x7FF8, v37;
	v38 =	vand.u32 $0x7, v38  }
0x22b: {  	v37 =	vor.u32 v38, v37  }
0x22c: {  	v61 =	vand.u32 $0x7F, v36;
	v37 =	vshll.u32 v37, $0x11  }
0x22d: {  	v37 =	vor.u32 v61, v37  }
0x22e: {  	s23 =	sadd.s32 $0x10, s23;
	s25 =	simm.s32 $0x0;
	v36 =	vshrl.u32 v36, $0xA;
	v37 =	vor.u32 v13, v37  }
0x22f: {  	s29 =	sadd.s32 $0x10, s24;
	s30 =	sand.u32 $0x70, s25;
	s25 =	sand.u32 $0xC00, s25;
	v36 =	vand.u32 $0x1, v36;
	[tilespmem:s23+$0x0] =	vst v37  }
0x230: {  	s31 =	sor.u32 s30, s25;
	[tilespmem:s29+$0x0] =	vst v36  }
0x231: {  	v37 =	vld [tilespmem:s31+$0x1300];
	_ =	sdelay $0x2  }
0x232: {  	v36 =	vbroadcast v35, $0xE;
	_ =	sdelay $0x1  }
0x233: {  	vm15 =	vge.s32 v37, v36  }
0x234: {  	v62 =	vsel vm15, $0x1, v34  }
0x235: {  	v37 =	vadd.s32 v62, v37  }
0x236: {  	v38 =	vshrl.u32 v37, $0x8;
	v39 =	vshrl.u32 v37, $0x7  }
0x237: {  	v38 =	vand.u32 $0x7FF8, v38;
	v39 =	vand.u32 $0x7, v39  }
0x238: {  	v38 =	vor.u32 v39, v38  }
0x239: {  	v63 =	vand.u32 $0x7F, v37;
	v38 =	vshll.u32 v38, $0x11  }
0x23a: {  	v38 =	vor.u32 v63, v38  }
0x23b: {  	s26 =	simm.s32 $0x10;
	s25 =	simm.s32 $0x80;
	s23 =	simm.s32 $0x5C80;
	v37 =	vshrl.u32 v37, $0xA;
	v38 =	vor.u32 v14, v38  }
0x23c: {  	s24 =	simm.s32 $0x9C80;
	s26 =	sand.u32 $0x70, s26;
	s28 =	sand.u32 $0xC00, s25;
	v37 =	vand.u32 $0x1, v37;
	[tilespmem:s23+$0x0] =	vst v38  }
0x23d: {  	s28 =	sor.u32 s26, s28;
	s26 =	simm.s32 $0x20;
	[tilespmem:s24+$0x0] =	vst v37  }
.LBB2_30:
0x23e: {  	p0 =	sne.s32 s26, $0x1F0;
	v37 =	vld [tilespmem:s28+$0x1300];
	_ =	sdelay $0x4  }
0x23f: {  	vm0 =	vge.s32 v37, v36  }
0x240: {  	v38 =	vsel vm0, $0x1, v34  }
0x241: {  	v37 =	vadd.s32 v38, v37  }
0x242: {  	v38 =	vshrl.u32 v37, $0x8;
	v39 =	vshrl.u32 v37, $0x7;
	v40 =	vshrl.u32 v37, $0xA  }
0x243: {  	v38 =	vand.u32 $0x7FF8, v38;
	v39 =	vand.u32 $0x7, v39  }
0x244: {  	v38 =	vor.u32 v39, v38  }
.Ltmp14:
0x245: {  	v37 =	vand.u32 $0x7F, v37;
	v38 =	vshll.u32 v38, $0x11;
	(pc) =	sbr.rel @p0 .LBB2_30-.Ltmp14, $4  }
0x246: {  	v37 =	vor.u32 v37, v38  }
0x247: {  	s25 =	sadd.s32 $0x80, s25;
	s23 =	sadd.s32 $0x10, s23;
	v37 =	vor.u32 v14, v37  }
0x248: {  	s28 =	sand.u32 $0x70, s26;
	s24 =	sadd.s32 $0x10, s24;
	s29 =	sand.u32 $0xC00, s25;
	[tilespmem:s23+$0x0] =	vst v37;
	v37 =	vand.u32 $0x1, v40  }
0x249: {  	s26 =	sadd.s32 $0x10, s26;
	s28 =	sor.u32 s28, s29;
	[tilespmem:s24+$0x0] =	vst v37  }
0x24a: {  	v37 =	vld [tilespmem:s28+$0x1300];
	_ =	sdelay $0x4  }
0x24b: {  	vm0 =	vge.s32 v37, v36  }
0x24c: {  	v36 =	vsel vm0, $0x1, v34  }
0x24d: {  	v36 =	vadd.s32 v36, v37  }
0x24e: {  	v37 =	vshrl.u32 v36, $0x8;
	v38 =	vshrl.u32 v36, $0x7  }
0x24f: {  	v37 =	vand.u32 $0x7FF8, v37;
	v38 =	vand.u32 $0x7, v38  }
0x250: {  	v37 =	vor.u32 v38, v37  }
0x251: {  	v60 =	vand.u32 $0x7F, v36;
	v37 =	vshll.u32 v37, $0x11  }
0x252: {  	v37 =	vor.u32 v60, v37  }
0x253: {  	s23 =	sadd.s32 $0x10, s23;
	s25 =	simm.s32 $0x0;
	v36 =	vshrl.u32 v36, $0xA;
	v37 =	vor.u32 v14, v37  }
0x254: {  	s29 =	sadd.s32 $0x10, s24;
	s30 =	sand.u32 $0x70, s25;
	s25 =	sand.u32 $0xC00, s25;
	v36 =	vand.u32 $0x1, v36;
	[tilespmem:s23+$0x0] =	vst v37  }
0x255: {  	s31 =	sor.u32 s30, s25;
	[tilespmem:s29+$0x0] =	vst v36  }
0x256: {  	v36 =	vld [tilespmem:s31+$0x1380];
	_ =	sdelay $0x2  }
0x257: {  	v35 =	vbroadcast v35, $0xF;
	_ =	sdelay $0x1  }
0x258: {  	vm15 =	vge.s32 v36, v35  }
0x259: {  	v61 =	vsel vm15, $0x1, v34  }
0x25a: {  	v36 =	vadd.s32 v61, v36  }
0x25b: {  	v37 =	vshrl.u32 v36, $0x8;
	v62 =	vshrl.u32 v36, $0x7  }
0x25c: {  	v37 =	vand.u32 $0x7FF8, v37;
	v38 =	vand.u32 $0x7, v62  }
0x25d: {  	v37 =	vor.u32 v38, v37  }
0x25e: {  	v63 =	vand.u32 $0x7F, v36;
	v37 =	vshll.u32 v37, $0x11  }
0x25f: {  	v37 =	vor.u32 v63, v37  }
0x260: {  	s26 =	simm.s32 $0x10;
	s25 =	simm.s32 $0x80;
	s23 =	simm.s32 $0x5E80;
	v36 =	vshrl.u32 v36, $0xA;
	v37 =	vor.u32 v15, v37  }
0x261: {  	s24 =	simm.s32 $0x9E80;
	s26 =	sand.u32 $0x70, s26;
	s28 =	sand.u32 $0xC00, s25;
	v36 =	vand.u32 $0x1, v36;
	[tilespmem:s23+$0x0] =	vst v37  }
0x262: {  	s28 =	sor.u32 s26, s28;
	s26 =	simm.s32 $0x20;
	[tilespmem:s24+$0x0] =	vst v36  }
.LBB2_32:
0x263: {  	p0 =	sne.s32 s26, $0x1F0;
	v36 =	vld [tilespmem:s28+$0x1380];
	_ =	sdelay $0x4  }
0x264: {  	vm0 =	vge.s32 v36, v35  }
0x265: {  	v37 =	vsel vm0, $0x1, v34  }
0x266: {  	v36 =	vadd.s32 v37, v36  }
0x267: {  	v37 =	vshrl.u32 v36, $0x8;
	v38 =	vshrl.u32 v36, $0x7;
	v39 =	vshrl.u32 v36, $0xA  }
0x268: {  	v37 =	vand.u32 $0x7FF8, v37;
	v38 =	vand.u32 $0x7, v38  }
0x269: {  	v37 =	vor.u32 v38, v37  }
.Ltmp15:
0x26a: {  	v36 =	vand.u32 $0x7F, v36;
	v37 =	vshll.u32 v37, $0x11;
	(pc) =	sbr.rel @p0 .LBB2_32-.Ltmp15, $4  }
0x26b: {  	v36 =	vor.u32 v36, v37  }
0x26c: {  	s25 =	sadd.s32 $0x80, s25;
	s23 =	sadd.s32 $0x10, s23;
	v36 =	vor.u32 v15, v36  }
0x26d: {  	s28 =	sand.u32 $0x70, s26;
	s24 =	sadd.s32 $0x10, s24;
	s29 =	sand.u32 $0xC00, s25;
	[tilespmem:s23+$0x0] =	vst v36;
	v36 =	vand.u32 $0x1, v39  }
0x26e: {  	s26 =	sadd.s32 $0x10, s26;
	s28 =	sor.u32 s28, s29;
	[tilespmem:s24+$0x0] =	vst v36  }
0x26f: {  	v36 =	vld [tilespmem:s28+$0x1380];
	_ =	sdelay $0x4  }
0x270: {  	vm0 =	vge.s32 v36, v35  }
0x271: {  	v35 =	vsel vm0, $0x1, v34  }
0x272: {  	v35 =	vadd.s32 v35, v36  }
0x273: {  	v36 =	vshrl.u32 v35, $0x8;
	v37 =	vshrl.u32 v35, $0x7  }
0x274: {  	v36 =	vand.u32 $0x7FF8, v36;
	v37 =	vand.u32 $0x7, v37  }
0x275: {  	v36 =	vor.u32 v37, v36  }
0x276: {  	v56 =	vand.u32 $0x7F, v35;
	v36 =	vshll.u32 v36, $0x11  }
0x277: {  	v36 =	vor.u32 v56, v36  }
0x278: {  	s23 =	sadd.s32 $0x10, s23;
	v35 =	vshrl.u32 v35, $0xA;
	v36 =	vor.u32 v15, v36  }
0x279: {  	s29 =	sadd.s32 $0x10, s24;
	v35 =	vand.u32 $0x1, v35;
	[tilespmem:s23+$0x0] =	vst v36  }
0x27a: {  	[tilespmem:s29+$0x0] =	vst v35  }
0x27b: {  	v35 =	vld [tilespmem:$0x4010];
	_ =	sdelay $0x4  }
0x27c: {  	v57 =	vshrl.u32 v35, $0x8;
	v58 =	vshrl.u32 v35, $0x7  }
0x27d: {  	v36 =	vand.u32 $0x7FF8, v57;
	v37 =	vand.u32 $0x7, v58  }
0x27e: {  	v59 =	vand.u32 $0x7F, v35;
	v60 =	vshrl.u32 v35, $0xA;
	v36 =	vor.u32 v37, v36  }
0x27f: {  	s30 =	simm.s32 $0x0;
	v61 =	vand.u32 $0x1, v60;
	v37 =	vor.u32 v20, v59;
	v36 =	vshll.u32 v36, $0x11  }
0x280: {  	s31 =	sand.u32 $0x70, s30;
	s23 =	sand.u32 $0xC00, s30;
	[tilespmem:$0xC110] =	vst v61;
	v36 =	vadd.s32 v36, v37  }
0x281: {  	s23 =	sor.u32 s31, s23;
	[tilespmem:$0xC090] =	vst v36  }
0x282: {  	v62 =	vld [tilespmem:s23+$0x2000];
	_ =	sdelay $0x2  }
0x283: {  	v36 =	vbroadcast v35, $0x0;
	_ =	sdelay $0x1  }
0x284: {  	vm15 =	vge.s32 v62, v36  }
0x285: {  	v38 =	vsel vm15, $0x1, v34  }
0x286: {  	v37 =	vadd.s32 v38, v62  }
0x287: {  	v38 =	vshrl.u32 v37, $0x8;
	v39 =	vshrl.u32 v37, $0x7  }
0x288: {  	v38 =	vand.u32 $0x7FF8, v38;
	v39 =	vand.u32 $0x7, v39  }
0x289: {  	v63 =	vand.u32 $0x7F, v37;
	v38 =	vor.u32 v39, v38  }
0x28a: {  	v39 =	vor.u32 v16, v63;
	v38 =	vshll.u32 v38, $0x11  }
0x28b: {  	s26 =	simm.s32 $0x10;
	s25 =	simm.s32 $0x80;
	s23 =	simm.s32 $0x6080;
	v37 =	vshrl.u32 v37, $0xA;
	v38 =	vadd.s32 v38, v39  }
0x28c: {  	s24 =	simm.s32 $0xA080;
	s26 =	sand.u32 $0x70, s26;
	s28 =	sand.u32 $0xC00, s25;
	v37 =	vand.u32 $0x1, v37;
	[tilespmem:s23+$0x0] =	vst v38  }
0x28d: {  	s28 =	sor.u32 s26, s28;
	s26 =	simm.s32 $0x20;
	[tilespmem:s24+$0x0] =	vst v37  }
.LBB2_34:
0x28e: {  	p0 =	sne.s32 s26, $0x1F0;
	v37 =	vld [tilespmem:s28+$0x2000];
	_ =	sdelay $0x4  }
0x28f: {  	vm0 =	vge.s32 v37, v36  }
0x290: {  	v38 =	vsel vm0, $0x1, v34  }
0x291: {  	v37 =	vadd.s32 v38, v37  }
0x292: {  	v38 =	vshrl.u32 v37, $0x8;
	v39 =	vshrl.u32 v37, $0x7;
	v40 =	vshrl.u32 v37, $0xA  }
0x293: {  	v38 =	vand.u32 $0x7FF8, v38;
	v39 =	vand.u32 $0x7, v39  }
.Ltmp16:
0x294: {  	v37 =	vand.u32 $0x7F, v37;
	v38 =	vor.u32 v39, v38;
	(pc) =	sbr.rel @p0 .LBB2_34-.Ltmp16, $4  }
0x295: {  	v37 =	vor.u32 v16, v37;
	v38 =	vshll.u32 v38, $0x11  }
0x296: {  	s25 =	sadd.s32 $0x80, s25;
	s23 =	sadd.s32 $0x10, s23;
	v37 =	vadd.s32 v38, v37  }
0x297: {  	s28 =	sand.u32 $0x70, s26;
	s24 =	sadd.s32 $0x10, s24;
	s29 =	sand.u32 $0xC00, s25;
	[tilespmem:s23+$0x0] =	vst v37;
	v37 =	vand.u32 $0x1, v40  }
0x298: {  	s26 =	sadd.s32 $0x10, s26;
	s28 =	sor.u32 s28, s29;
	[tilespmem:s24+$0x0] =	vst v37  }
0x299: {  	v37 =	vld [tilespmem:s28+$0x2000];
	_ =	sdelay $0x4  }
0x29a: {  	vm0 =	vge.s32 v37, v36  }
0x29b: {  	v36 =	vsel vm0, $0x1, v34  }
0x29c: {  	v36 =	vadd.s32 v36, v37  }
0x29d: {  	v37 =	vshrl.u32 v36, $0x8;
	v38 =	vshrl.u32 v36, $0x7  }
0x29e: {  	v37 =	vand.u32 $0x7FF8, v37;
	v38 =	vand.u32 $0x7, v38  }
0x29f: {  	v61 =	vand.u32 $0x7F, v36;
	v37 =	vor.u32 v38, v37  }
0x2a0: {  	v38 =	vor.u32 v16, v61;
	v37 =	vshll.u32 v37, $0x11  }
0x2a1: {  	s23 =	sadd.s32 $0x10, s23;
	s25 =	simm.s32 $0x0;
	v36 =	vshrl.u32 v36, $0xA;
	v37 =	vadd.s32 v37, v38  }
0x2a2: {  	s29 =	sadd.s32 $0x10, s24;
	s30 =	sand.u32 $0x70, s25;
	s25 =	sand.u32 $0xC00, s25;
	v36 =	vand.u32 $0x1, v36;
	[tilespmem:s23+$0x0] =	vst v37  }
0x2a3: {  	s31 =	sor.u32 s30, s25;
	[tilespmem:s29+$0x0] =	vst v36  }
0x2a4: {  	v37 =	vld [tilespmem:s31+$0x2080];
	_ =	sdelay $0x2  }
0x2a5: {  	v36 =	vbroadcast v35, $0x1;
	_ =	sdelay $0x1  }
0x2a6: {  	vm15 =	vge.s32 v37, v36  }
0x2a7: {  	v62 =	vsel vm15, $0x1, v34  }
0x2a8: {  	v37 =	vadd.s32 v62, v37  }
0x2a9: {  	v38 =	vshrl.u32 v37, $0x8;
	v39 =	vshrl.u32 v37, $0x7  }
0x2aa: {  	v38 =	vand.u32 $0x7FF8, v38;
	v39 =	vand.u32 $0x7, v39  }
0x2ab: {  	v38 =	vor.u32 v39, v38  }
0x2ac: {  	v63 =	vand.u32 $0x7F, v37;
	v38 =	vshll.u32 v38, $0x11  }
0x2ad: {  	v38 =	vor.u32 v63, v38  }
0x2ae: {  	s26 =	simm.s32 $0x10;
	s25 =	simm.s32 $0x80;
	s23 =	simm.s32 $0x6280;
	v37 =	vshrl.u32 v37, $0xA;
	v38 =	vor.u32 v17, v38  }
0x2af: {  	s24 =	simm.s32 $0xA280;
	s26 =	sand.u32 $0x70, s26;
	s28 =	sand.u32 $0xC00, s25;
	v37 =	vand.u32 $0x1, v37;
	[tilespmem:s23+$0x0] =	vst v38  }
0x2b0: {  	s28 =	sor.u32 s26, s28;
	s26 =	simm.s32 $0x20;
	[tilespmem:s24+$0x0] =	vst v37  }
.LBB2_36:
0x2b1: {  	p0 =	sne.s32 s26, $0x1F0;
	v37 =	vld [tilespmem:s28+$0x2080];
	_ =	sdelay $0x4  }
0x2b2: {  	vm0 =	vge.s32 v37, v36  }
0x2b3: {  	v38 =	vsel vm0, $0x1, v34  }
0x2b4: {  	v37 =	vadd.s32 v38, v37  }
0x2b5: {  	v38 =	vshrl.u32 v37, $0x8;
	v39 =	vshrl.u32 v37, $0x7;
	v40 =	vshrl.u32 v37, $0xA  }
0x2b6: {  	v38 =	vand.u32 $0x7FF8, v38;
	v39 =	vand.u32 $0x7, v39  }
0x2b7: {  	v38 =	vor.u32 v39, v38  }
.Ltmp17:
0x2b8: {  	v37 =	vand.u32 $0x7F, v37;
	v38 =	vshll.u32 v38, $0x11;
	(pc) =	sbr.rel @p0 .LBB2_36-.Ltmp17, $4  }
0x2b9: {  	v37 =	vor.u32 v37, v38  }
0x2ba: {  	s25 =	sadd.s32 $0x80, s25;
	s23 =	sadd.s32 $0x10, s23;
	v37 =	vor.u32 v17, v37  }
0x2bb: {  	s28 =	sand.u32 $0x70, s26;
	s24 =	sadd.s32 $0x10, s24;
	s29 =	sand.u32 $0xC00, s25;
	[tilespmem:s23+$0x0] =	vst v37;
	v37 =	vand.u32 $0x1, v40  }
0x2bc: {  	s26 =	sadd.s32 $0x10, s26;
	s28 =	sor.u32 s28, s29;
	[tilespmem:s24+$0x0] =	vst v37  }
0x2bd: {  	v37 =	vld [tilespmem:s28+$0x2080];
	_ =	sdelay $0x4  }
0x2be: {  	vm0 =	vge.s32 v37, v36  }
0x2bf: {  	v36 =	vsel vm0, $0x1, v34  }
0x2c0: {  	v36 =	vadd.s32 v36, v37  }
0x2c1: {  	v37 =	vshrl.u32 v36, $0x8;
	v38 =	vshrl.u32 v36, $0x7  }
0x2c2: {  	v37 =	vand.u32 $0x7FF8, v37;
	v38 =	vand.u32 $0x7, v38  }
0x2c3: {  	v37 =	vor.u32 v38, v37  }
0x2c4: {  	v61 =	vand.u32 $0x7F, v36;
	v37 =	vshll.u32 v37, $0x11  }
0x2c5: {  	v37 =	vor.u32 v61, v37  }
0x2c6: {  	s23 =	sadd.s32 $0x10, s23;
	s25 =	simm.s32 $0x0;
	v36 =	vshrl.u32 v36, $0xA;
	v37 =	vor.u32 v17, v37  }
0x2c7: {  	s29 =	sadd.s32 $0x10, s24;
	s30 =	sand.u32 $0x70, s25;
	s25 =	sand.u32 $0xC00, s25;
	v36 =	vand.u32 $0x1, v36;
	[tilespmem:s23+$0x0] =	vst v37  }
0x2c8: {  	s31 =	sor.u32 s30, s25;
	[tilespmem:s29+$0x0] =	vst v36  }
0x2c9: {  	v37 =	vld [tilespmem:s31+$0x2100];
	_ =	sdelay $0x2  }
0x2ca: {  	v36 =	vbroadcast v35, $0x2;
	_ =	sdelay $0x1  }
0x2cb: {  	vm15 =	vge.s32 v37, v36  }
0x2cc: {  	v62 =	vsel vm15, $0x1, v34  }
0x2cd: {  	v37 =	vadd.s32 v62, v37  }
0x2ce: {  	v38 =	vshrl.u32 v37, $0x8;
	v39 =	vshrl.u32 v37, $0x7  }
0x2cf: {  	v38 =	vand.u32 $0x7FF8, v38;
	v39 =	vand.u32 $0x7, v39  }
0x2d0: {  	v38 =	vor.u32 v39, v38  }
0x2d1: {  	v63 =	vand.u32 $0x7F, v37;
	v38 =	vshll.u32 v38, $0x11  }
0x2d2: {  	v38 =	vor.u32 v63, v38  }
0x2d3: {  	s26 =	simm.s32 $0x10;
	s25 =	simm.s32 $0x80;
	s23 =	simm.s32 $0x6480;
	v37 =	vshrl.u32 v37, $0xA;
	v38 =	vor.u32 v19, v38  }
0x2d4: {  	s24 =	simm.s32 $0xA480;
	s26 =	sand.u32 $0x70, s26;
	s28 =	sand.u32 $0xC00, s25;
	v37 =	vand.u32 $0x1, v37;
	[tilespmem:s23+$0x0] =	vst v38  }
0x2d5: {  	s28 =	sor.u32 s26, s28;
	s26 =	simm.s32 $0x20;
	[tilespmem:s24+$0x0] =	vst v37  }
.LBB2_38:
0x2d6: {  	p0 =	sne.s32 s26, $0x1F0;
	v37 =	vld [tilespmem:s28+$0x2100];
	_ =	sdelay $0x4  }
0x2d7: {  	vm0 =	vge.s32 v37, v36  }
0x2d8: {  	v38 =	vsel vm0, $0x1, v34  }
0x2d9: {  	v37 =	vadd.s32 v38, v37  }
0x2da: {  	v38 =	vshrl.u32 v37, $0x8;
	v39 =	vshrl.u32 v37, $0x7;
	v40 =	vshrl.u32 v37, $0xA  }
0x2db: {  	v38 =	vand.u32 $0x7FF8, v38;
	v39 =	vand.u32 $0x7, v39  }
0x2dc: {  	v38 =	vor.u32 v39, v38  }
.Ltmp18:
0x2dd: {  	v37 =	vand.u32 $0x7F, v37;
	v38 =	vshll.u32 v38, $0x11;
	(pc) =	sbr.rel @p0 .LBB2_38-.Ltmp18, $4  }
0x2de: {  	v37 =	vor.u32 v37, v38  }
0x2df: {  	s25 =	sadd.s32 $0x80, s25;
	s23 =	sadd.s32 $0x10, s23;
	v37 =	vor.u32 v19, v37  }
0x2e0: {  	s28 =	sand.u32 $0x70, s26;
	s24 =	sadd.s32 $0x10, s24;
	s29 =	sand.u32 $0xC00, s25;
	[tilespmem:s23+$0x0] =	vst v37;
	v37 =	vand.u32 $0x1, v40  }
0x2e1: {  	s26 =	sadd.s32 $0x10, s26;
	s28 =	sor.u32 s28, s29;
	[tilespmem:s24+$0x0] =	vst v37  }
0x2e2: {  	v37 =	vld [tilespmem:s28+$0x2100];
	_ =	sdelay $0x4  }
0x2e3: {  	vm0 =	vge.s32 v37, v36  }
0x2e4: {  	v36 =	vsel vm0, $0x1, v34  }
0x2e5: {  	v36 =	vadd.s32 v36, v37  }
0x2e6: {  	v37 =	vshrl.u32 v36, $0x8;
	v38 =	vshrl.u32 v36, $0x7  }
0x2e7: {  	v37 =	vand.u32 $0x7FF8, v37;
	v38 =	vand.u32 $0x7, v38  }
0x2e8: {  	v37 =	vor.u32 v38, v37  }
0x2e9: {  	v61 =	vand.u32 $0x7F, v36;
	v37 =	vshll.u32 v37, $0x11  }
0x2ea: {  	v37 =	vor.u32 v61, v37  }
0x2eb: {  	s23 =	sadd.s32 $0x10, s23;
	s25 =	simm.s32 $0x0;
	v36 =	vshrl.u32 v36, $0xA;
	v37 =	vor.u32 v19, v37  }
0x2ec: {  	s29 =	sadd.s32 $0x10, s24;
	s30 =	sand.u32 $0x70, s25;
	s25 =	sand.u32 $0xC00, s25;
	v36 =	vand.u32 $0x1, v36;
	[tilespmem:s23+$0x0] =	vst v37  }
0x2ed: {  	s31 =	sor.u32 s30, s25;
	[tilespmem:s29+$0x0] =	vst v36  }
0x2ee: {  	v37 =	vld [tilespmem:s31+$0x2180];
	_ =	sdelay $0x2  }
0x2ef: {  	v36 =	vbroadcast v35, $0x3;
	_ =	sdelay $0x1  }
0x2f0: {  	vm15 =	vge.s32 v37, v36  }
0x2f1: {  	v62 =	vsel vm15, $0x1, v34  }
0x2f2: {  	v37 =	vadd.s32 v62, v37  }
0x2f3: {  	v38 =	vshrl.u32 v37, $0x8;
	v39 =	vshrl.u32 v37, $0x7  }
0x2f4: {  	v38 =	vand.u32 $0x7FF8, v38;
	v39 =	vand.u32 $0x7, v39  }
0x2f5: {  	v38 =	vor.u32 v39, v38  }
0x2f6: {  	v63 =	vand.u32 $0x7F, v37;
	v38 =	vshll.u32 v38, $0x11  }
0x2f7: {  	v38 =	vor.u32 v63, v38  }
0x2f8: {  	s26 =	simm.s32 $0x10;
	s25 =	simm.s32 $0x80;
	s23 =	simm.s32 $0x6680;
	v37 =	vshrl.u32 v37, $0xA;
	v38 =	vor.u32 v21, v38  }
0x2f9: {  	s24 =	simm.s32 $0xA680;
	s26 =	sand.u32 $0x70, s26;
	s28 =	sand.u32 $0xC00, s25;
	v37 =	vand.u32 $0x1, v37;
	[tilespmem:s23+$0x0] =	vst v38  }
0x2fa: {  	s28 =	sor.u32 s26, s28;
	s26 =	simm.s32 $0x20;
	[tilespmem:s24+$0x0] =	vst v37  }
.LBB2_40:
0x2fb: {  	p0 =	sne.s32 s26, $0x1F0;
	v37 =	vld [tilespmem:s28+$0x2180];
	_ =	sdelay $0x4  }
0x2fc: {  	vm0 =	vge.s32 v37, v36  }
0x2fd: {  	v38 =	vsel vm0, $0x1, v34  }
0x2fe: {  	v37 =	vadd.s32 v38, v37  }
0x2ff: {  	v38 =	vshrl.u32 v37, $0x8;
	v39 =	vshrl.u32 v37, $0x7;
	v40 =	vshrl.u32 v37, $0xA  }
0x300: {  	v38 =	vand.u32 $0x7FF8, v38;
	v39 =	vand.u32 $0x7, v39  }
0x301: {  	v38 =	vor.u32 v39, v38  }
.Ltmp19:
0x302: {  	v37 =	vand.u32 $0x7F, v37;
	v38 =	vshll.u32 v38, $0x11;
	(pc) =	sbr.rel @p0 .LBB2_40-.Ltmp19, $4  }
0x303: {  	v37 =	vor.u32 v37, v38  }
0x304: {  	s25 =	sadd.s32 $0x80, s25;
	s23 =	sadd.s32 $0x10, s23;
	v37 =	vor.u32 v21, v37  }
0x305: {  	s28 =	sand.u32 $0x70, s26;
	s24 =	sadd.s32 $0x10, s24;
	s29 =	sand.u32 $0xC00, s25;
	[tilespmem:s23+$0x0] =	vst v37;
	v37 =	vand.u32 $0x1, v40  }
0x306: {  	s26 =	sadd.s32 $0x10, s26;
	s28 =	sor.u32 s28, s29;
	[tilespmem:s24+$0x0] =	vst v37  }
0x307: {  	v37 =	vld [tilespmem:s28+$0x2180];
	_ =	sdelay $0x4  }
0x308: {  	vm0 =	vge.s32 v37, v36  }
0x309: {  	v36 =	vsel vm0, $0x1, v34  }
0x30a: {  	v36 =	vadd.s32 v36, v37  }
0x30b: {  	v37 =	vshrl.u32 v36, $0x8;
	v38 =	vshrl.u32 v36, $0x7  }
0x30c: {  	v37 =	vand.u32 $0x7FF8, v37;
	v38 =	vand.u32 $0x7, v38  }
0x30d: {  	v37 =	vor.u32 v38, v37  }
0x30e: {  	v61 =	vand.u32 $0x7F, v36;
	v37 =	vshll.u32 v37, $0x11  }
0x30f: {  	v37 =	vor.u32 v61, v37  }
0x310: {  	s23 =	sadd.s32 $0x10, s23;
	s25 =	simm.s32 $0x0;
	v36 =	vshrl.u32 v36, $0xA;
	v37 =	vor.u32 v21, v37  }
0x311: {  	s29 =	sadd.s32 $0x10, s24;
	s30 =	sand.u32 $0x70, s25;
	s25 =	sand.u32 $0xC00, s25;
	v36 =	vand.u32 $0x1, v36;
	[tilespmem:s23+$0x0] =	vst v37  }
0x312: {  	s31 =	sor.u32 s30, s25;
	[tilespmem:s29+$0x0] =	vst v36  }
0x313: {  	v37 =	vld [tilespmem:s31+$0x2200];
	_ =	sdelay $0x2  }
0x314: {  	v36 =	vbroadcast v35, $0x4;
	_ =	sdelay $0x1  }
0x315: {  	vm15 =	vge.s32 v37, v36  }
0x316: {  	v62 =	vsel vm15, $0x1, v34  }
0x317: {  	v37 =	vadd.s32 v62, v37  }
0x318: {  	v38 =	vshrl.u32 v37, $0x8;
	v39 =	vshrl.u32 v37, $0x7  }
0x319: {  	v38 =	vand.u32 $0x7FF8, v38;
	v39 =	vand.u32 $0x7, v39  }
0x31a: {  	v38 =	vor.u32 v39, v38  }
0x31b: {  	v63 =	vand.u32 $0x7F, v37;
	v38 =	vshll.u32 v38, $0x11  }
0x31c: {  	v38 =	vor.u32 v63, v38  }
0x31d: {  	s26 =	simm.s32 $0x10;
	s25 =	simm.s32 $0x80;
	s23 =	simm.s32 $0x6880;
	v37 =	vshrl.u32 v37, $0xA;
	v38 =	vor.u32 v22, v38  }
0x31e: {  	s24 =	simm.s32 $0xA880;
	s26 =	sand.u32 $0x70, s26;
	s28 =	sand.u32 $0xC00, s25;
	v37 =	vand.u32 $0x1, v37;
	[tilespmem:s23+$0x0] =	vst v38  }
0x31f: {  	s28 =	sor.u32 s26, s28;
	s26 =	simm.s32 $0x20;
	[tilespmem:s24+$0x0] =	vst v37  }
.LBB2_42:
0x320: {  	p0 =	sne.s32 s26, $0x1F0;
	v37 =	vld [tilespmem:s28+$0x2200];
	_ =	sdelay $0x4  }
0x321: {  	vm0 =	vge.s32 v37, v36  }
0x322: {  	v38 =	vsel vm0, $0x1, v34  }
0x323: {  	v37 =	vadd.s32 v38, v37  }
0x324: {  	v38 =	vshrl.u32 v37, $0x8;
	v39 =	vshrl.u32 v37, $0x7;
	v40 =	vshrl.u32 v37, $0xA  }
0x325: {  	v38 =	vand.u32 $0x7FF8, v38;
	v39 =	vand.u32 $0x7, v39  }
0x326: {  	v38 =	vor.u32 v39, v38  }
.Ltmp20:
0x327: {  	v37 =	vand.u32 $0x7F, v37;
	v38 =	vshll.u32 v38, $0x11;
	(pc) =	sbr.rel @p0 .LBB2_42-.Ltmp20, $4  }
0x328: {  	v37 =	vor.u32 v37, v38  }
0x329: {  	s25 =	sadd.s32 $0x80, s25;
	s23 =	sadd.s32 $0x10, s23;
	v37 =	vor.u32 v22, v37  }
0x32a: {  	s28 =	sand.u32 $0x70, s26;
	s24 =	sadd.s32 $0x10, s24;
	s29 =	sand.u32 $0xC00, s25;
	[tilespmem:s23+$0x0] =	vst v37;
	v37 =	vand.u32 $0x1, v40  }
0x32b: {  	s26 =	sadd.s32 $0x10, s26;
	s28 =	sor.u32 s28, s29;
	[tilespmem:s24+$0x0] =	vst v37  }
0x32c: {  	v37 =	vld [tilespmem:s28+$0x2200];
	_ =	sdelay $0x4  }
0x32d: {  	vm0 =	vge.s32 v37, v36  }
0x32e: {  	v36 =	vsel vm0, $0x1, v34  }
0x32f: {  	v36 =	vadd.s32 v36, v37  }
0x330: {  	v37 =	vshrl.u32 v36, $0x8;
	v38 =	vshrl.u32 v36, $0x7  }
0x331: {  	v37 =	vand.u32 $0x7FF8, v37;
	v38 =	vand.u32 $0x7, v38  }
0x332: {  	v37 =	vor.u32 v38, v37  }
0x333: {  	v61 =	vand.u32 $0x7F, v36;
	v37 =	vshll.u32 v37, $0x11  }
0x334: {  	v37 =	vor.u32 v61, v37  }
0x335: {  	s23 =	sadd.s32 $0x10, s23;
	s25 =	simm.s32 $0x0;
	v36 =	vshrl.u32 v36, $0xA;
	v37 =	vor.u32 v22, v37  }
0x336: {  	s29 =	sadd.s32 $0x10, s24;
	s30 =	sand.u32 $0x70, s25;
	s25 =	sand.u32 $0xC00, s25;
	v36 =	vand.u32 $0x1, v36;
	[tilespmem:s23+$0x0] =	vst v37  }
0x337: {  	s31 =	sor.u32 s30, s25;
	[tilespmem:s29+$0x0] =	vst v36  }
0x338: {  	v37 =	vld [tilespmem:s31+$0x2280];
	_ =	sdelay $0x2  }
0x339: {  	v36 =	vbroadcast v35, $0x5;
	_ =	sdelay $0x1  }
0x33a: {  	vm15 =	vge.s32 v37, v36  }
0x33b: {  	v62 =	vsel vm15, $0x1, v34  }
0x33c: {  	v37 =	vadd.s32 v62, v37  }
0x33d: {  	v38 =	vshrl.u32 v37, $0x8;
	v39 =	vshrl.u32 v37, $0x7  }
0x33e: {  	v38 =	vand.u32 $0x7FF8, v38;
	v39 =	vand.u32 $0x7, v39  }
0x33f: {  	v38 =	vor.u32 v39, v38  }
0x340: {  	v63 =	vand.u32 $0x7F, v37;
	v38 =	vshll.u32 v38, $0x11  }
0x341: {  	v38 =	vor.u32 v63, v38  }
0x342: {  	s26 =	simm.s32 $0x10;
	s25 =	simm.s32 $0x80;
	s23 =	simm.s32 $0x6A80;
	v37 =	vshrl.u32 v37, $0xA;
	v38 =	vor.u32 v23, v38  }
0x343: {  	s24 =	simm.s32 $0xAA80;
	s26 =	sand.u32 $0x70, s26;
	s28 =	sand.u32 $0xC00, s25;
	v37 =	vand.u32 $0x1, v37;
	[tilespmem:s23+$0x0] =	vst v38  }
0x344: {  	s28 =	sor.u32 s26, s28;
	s26 =	simm.s32 $0x20;
	[tilespmem:s24+$0x0] =	vst v37  }
.LBB2_44:
0x345: {  	p0 =	sne.s32 s26, $0x1F0;
	v37 =	vld [tilespmem:s28+$0x2280];
	_ =	sdelay $0x4  }
0x346: {  	vm0 =	vge.s32 v37, v36  }
0x347: {  	v38 =	vsel vm0, $0x1, v34  }
0x348: {  	v37 =	vadd.s32 v38, v37  }
0x349: {  	v38 =	vshrl.u32 v37, $0x8;
	v39 =	vshrl.u32 v37, $0x7;
	v40 =	vshrl.u32 v37, $0xA  }
0x34a: {  	v38 =	vand.u32 $0x7FF8, v38;
	v39 =	vand.u32 $0x7, v39  }
0x34b: {  	v38 =	vor.u32 v39, v38  }
.Ltmp21:
0x34c: {  	v37 =	vand.u32 $0x7F, v37;
	v38 =	vshll.u32 v38, $0x11;
	(pc) =	sbr.rel @p0 .LBB2_44-.Ltmp21, $4  }
0x34d: {  	v37 =	vor.u32 v37, v38  }
0x34e: {  	s25 =	sadd.s32 $0x80, s25;
	s23 =	sadd.s32 $0x10, s23;
	v37 =	vor.u32 v23, v37  }
0x34f: {  	s28 =	sand.u32 $0x70, s26;
	s24 =	sadd.s32 $0x10, s24;
	s29 =	sand.u32 $0xC00, s25;
	[tilespmem:s23+$0x0] =	vst v37;
	v37 =	vand.u32 $0x1, v40  }
0x350: {  	s26 =	sadd.s32 $0x10, s26;
	s28 =	sor.u32 s28, s29;
	[tilespmem:s24+$0x0] =	vst v37  }
0x351: {  	v37 =	vld [tilespmem:s28+$0x2280];
	_ =	sdelay $0x4  }
0x352: {  	vm0 =	vge.s32 v37, v36  }
0x353: {  	v36 =	vsel vm0, $0x1, v34  }
0x354: {  	v36 =	vadd.s32 v36, v37  }
0x355: {  	v37 =	vshrl.u32 v36, $0x8;
	v38 =	vshrl.u32 v36, $0x7  }
0x356: {  	v37 =	vand.u32 $0x7FF8, v37;
	v38 =	vand.u32 $0x7, v38  }
0x357: {  	v37 =	vor.u32 v38, v37  }
0x358: {  	v61 =	vand.u32 $0x7F, v36;
	v37 =	vshll.u32 v37, $0x11  }
0x359: {  	v37 =	vor.u32 v61, v37  }
0x35a: {  	s23 =	sadd.s32 $0x10, s23;
	s25 =	simm.s32 $0x0;
	v36 =	vshrl.u32 v36, $0xA;
	v37 =	vor.u32 v23, v37  }
0x35b: {  	s29 =	sadd.s32 $0x10, s24;
	s30 =	sand.u32 $0x70, s25;
	s25 =	sand.u32 $0xC00, s25;
	v36 =	vand.u32 $0x1, v36;
	[tilespmem:s23+$0x0] =	vst v37  }
0x35c: {  	s31 =	sor.u32 s30, s25;
	[tilespmem:s29+$0x0] =	vst v36  }
0x35d: {  	v37 =	vld [tilespmem:s31+$0x2300];
	_ =	sdelay $0x2  }
0x35e: {  	v36 =	vbroadcast v35, $0x6;
	_ =	sdelay $0x1  }
0x35f: {  	vm15 =	vge.s32 v37, v36  }
0x360: {  	v62 =	vsel vm15, $0x1, v34  }
0x361: {  	v37 =	vadd.s32 v62, v37  }
0x362: {  	v38 =	vshrl.u32 v37, $0x8;
	v39 =	vshrl.u32 v37, $0x7  }
0x363: {  	v38 =	vand.u32 $0x7FF8, v38;
	v39 =	vand.u32 $0x7, v39  }
0x364: {  	v38 =	vor.u32 v39, v38  }
0x365: {  	v63 =	vand.u32 $0x7F, v37;
	v38 =	vshll.u32 v38, $0x11  }
0x366: {  	v38 =	vor.u32 v63, v38  }
0x367: {  	s26 =	simm.s32 $0x10;
	s25 =	simm.s32 $0x80;
	s23 =	simm.s32 $0x6C80;
	v37 =	vshrl.u32 v37, $0xA;
	v38 =	vor.u32 v24, v38  }
0x368: {  	s24 =	simm.s32 $0xAC80;
	s26 =	sand.u32 $0x70, s26;
	s28 =	sand.u32 $0xC00, s25;
	v37 =	vand.u32 $0x1, v37;
	[tilespmem:s23+$0x0] =	vst v38  }
0x369: {  	s28 =	sor.u32 s26, s28;
	s26 =	simm.s32 $0x20;
	[tilespmem:s24+$0x0] =	vst v37  }
.LBB2_46:
0x36a: {  	p0 =	sne.s32 s26, $0x1F0;
	v37 =	vld [tilespmem:s28+$0x2300];
	_ =	sdelay $0x4  }
0x36b: {  	vm0 =	vge.s32 v37, v36  }
0x36c: {  	v38 =	vsel vm0, $0x1, v34  }
0x36d: {  	v37 =	vadd.s32 v38, v37  }
0x36e: {  	v38 =	vshrl.u32 v37, $0x8;
	v39 =	vshrl.u32 v37, $0x7;
	v40 =	vshrl.u32 v37, $0xA  }
0x36f: {  	v38 =	vand.u32 $0x7FF8, v38;
	v39 =	vand.u32 $0x7, v39  }
0x370: {  	v38 =	vor.u32 v39, v38  }
.Ltmp22:
0x371: {  	v37 =	vand.u32 $0x7F, v37;
	v38 =	vshll.u32 v38, $0x11;
	(pc) =	sbr.rel @p0 .LBB2_46-.Ltmp22, $4  }
0x372: {  	v37 =	vor.u32 v37, v38  }
0x373: {  	s25 =	sadd.s32 $0x80, s25;
	s23 =	sadd.s32 $0x10, s23;
	v37 =	vor.u32 v24, v37  }
0x374: {  	s28 =	sand.u32 $0x70, s26;
	s24 =	sadd.s32 $0x10, s24;
	s29 =	sand.u32 $0xC00, s25;
	[tilespmem:s23+$0x0] =	vst v37;
	v37 =	vand.u32 $0x1, v40  }
0x375: {  	s26 =	sadd.s32 $0x10, s26;
	s28 =	sor.u32 s28, s29;
	[tilespmem:s24+$0x0] =	vst v37  }
0x376: {  	v37 =	vld [tilespmem:s28+$0x2300];
	_ =	sdelay $0x4  }
0x377: {  	vm0 =	vge.s32 v37, v36  }
0x378: {  	v36 =	vsel vm0, $0x1, v34  }
0x379: {  	v36 =	vadd.s32 v36, v37  }
0x37a: {  	v37 =	vshrl.u32 v36, $0x8;
	v38 =	vshrl.u32 v36, $0x7  }
0x37b: {  	v37 =	vand.u32 $0x7FF8, v37;
	v38 =	vand.u32 $0x7, v38  }
0x37c: {  	v37 =	vor.u32 v38, v37  }
0x37d: {  	v61 =	vand.u32 $0x7F, v36;
	v37 =	vshll.u32 v37, $0x11  }
0x37e: {  	v37 =	vor.u32 v61, v37  }
0x37f: {  	s23 =	sadd.s32 $0x10, s23;
	s25 =	simm.s32 $0x0;
	v36 =	vshrl.u32 v36, $0xA;
	v37 =	vor.u32 v24, v37  }
0x380: {  	s29 =	sadd.s32 $0x10, s24;
	s30 =	sand.u32 $0x70, s25;
	s25 =	sand.u32 $0xC00, s25;
	v36 =	vand.u32 $0x1, v36;
	[tilespmem:s23+$0x0] =	vst v37  }
0x381: {  	s31 =	sor.u32 s30, s25;
	[tilespmem:s29+$0x0] =	vst v36  }
0x382: {  	v37 =	vld [tilespmem:s31+$0x2380];
	_ =	sdelay $0x2  }
0x383: {  	v36 =	vbroadcast v35, $0x7;
	_ =	sdelay $0x1  }
0x384: {  	vm15 =	vge.s32 v37, v36  }
0x385: {  	v62 =	vsel vm15, $0x1, v34  }
0x386: {  	v37 =	vadd.s32 v62, v37  }
0x387: {  	v38 =	vshrl.u32 v37, $0x8;
	v39 =	vshrl.u32 v37, $0x7  }
0x388: {  	v38 =	vand.u32 $0x7FF8, v38;
	v39 =	vand.u32 $0x7, v39  }
0x389: {  	v38 =	vor.u32 v39, v38  }
0x38a: {  	v63 =	vand.u32 $0x7F, v37;
	v38 =	vshll.u32 v38, $0x11  }
0x38b: {  	v38 =	vor.u32 v63, v38  }
0x38c: {  	s26 =	simm.s32 $0x10;
	s25 =	simm.s32 $0x80;
	s23 =	simm.s32 $0x6E80;
	v37 =	vshrl.u32 v37, $0xA;
	v38 =	vor.u32 v25, v38  }
0x38d: {  	s24 =	simm.s32 $0xAE80;
	s26 =	sand.u32 $0x70, s26;
	s28 =	sand.u32 $0xC00, s25;
	v37 =	vand.u32 $0x1, v37;
	[tilespmem:s23+$0x0] =	vst v38  }
0x38e: {  	s28 =	sor.u32 s26, s28;
	s26 =	simm.s32 $0x20;
	[tilespmem:s24+$0x0] =	vst v37  }
.LBB2_48:
0x38f: {  	p0 =	sne.s32 s26, $0x1F0;
	v37 =	vld [tilespmem:s28+$0x2380];
	_ =	sdelay $0x4  }
0x390: {  	vm0 =	vge.s32 v37, v36  }
0x391: {  	v38 =	vsel vm0, $0x1, v34  }
0x392: {  	v37 =	vadd.s32 v38, v37  }
0x393: {  	v38 =	vshrl.u32 v37, $0x8;
	v39 =	vshrl.u32 v37, $0x7;
	v40 =	vshrl.u32 v37, $0xA  }
0x394: {  	v38 =	vand.u32 $0x7FF8, v38;
	v39 =	vand.u32 $0x7, v39  }
0x395: {  	v38 =	vor.u32 v39, v38  }
.Ltmp23:
0x396: {  	v37 =	vand.u32 $0x7F, v37;
	v38 =	vshll.u32 v38, $0x11;
	(pc) =	sbr.rel @p0 .LBB2_48-.Ltmp23, $4  }
0x397: {  	v37 =	vor.u32 v37, v38  }
0x398: {  	s25 =	sadd.s32 $0x80, s25;
	s23 =	sadd.s32 $0x10, s23;
	v37 =	vor.u32 v25, v37  }
0x399: {  	s28 =	sand.u32 $0x70, s26;
	s24 =	sadd.s32 $0x10, s24;
	s29 =	sand.u32 $0xC00, s25;
	[tilespmem:s23+$0x0] =	vst v37;
	v37 =	vand.u32 $0x1, v40  }
0x39a: {  	s26 =	sadd.s32 $0x10, s26;
	s28 =	sor.u32 s28, s29;
	[tilespmem:s24+$0x0] =	vst v37  }
0x39b: {  	v37 =	vld [tilespmem:s28+$0x2380];
	_ =	sdelay $0x4  }
0x39c: {  	vm0 =	vge.s32 v37, v36  }
0x39d: {  	v36 =	vsel vm0, $0x1, v34  }
0x39e: {  	v36 =	vadd.s32 v36, v37  }
0x39f: {  	v37 =	vshrl.u32 v36, $0x8;
	v38 =	vshrl.u32 v36, $0x7  }
0x3a0: {  	v37 =	vand.u32 $0x7FF8, v37;
	v38 =	vand.u32 $0x7, v38  }
0x3a1: {  	v37 =	vor.u32 v38, v37  }
0x3a2: {  	v61 =	vand.u32 $0x7F, v36;
	v37 =	vshll.u32 v37, $0x11  }
0x3a3: {  	v37 =	vor.u32 v61, v37  }
0x3a4: {  	s23 =	sadd.s32 $0x10, s23;
	s25 =	simm.s32 $0x0;
	v36 =	vshrl.u32 v36, $0xA;
	v37 =	vor.u32 v25, v37  }
0x3a5: {  	s29 =	sadd.s32 $0x10, s24;
	s30 =	sand.u32 $0x70, s25;
	s25 =	sand.u32 $0xC00, s25;
	v36 =	vand.u32 $0x1, v36;
	[tilespmem:s23+$0x0] =	vst v37  }
0x3a6: {  	s31 =	sor.u32 s30, s25;
	[tilespmem:s29+$0x0] =	vst v36  }
0x3a7: {  	v37 =	vld [tilespmem:s31+$0x3000];
	_ =	sdelay $0x2  }
0x3a8: {  	v36 =	vbroadcast v35, $0x8;
	_ =	sdelay $0x1  }
0x3a9: {  	vm15 =	vge.s32 v37, v36  }
0x3aa: {  	v62 =	vsel vm15, $0x1, v34  }
0x3ab: {  	v37 =	vadd.s32 v62, v37  }
0x3ac: {  	v38 =	vshrl.u32 v37, $0x8;
	v39 =	vshrl.u32 v37, $0x7  }
0x3ad: {  	v38 =	vand.u32 $0x7FF8, v38;
	v39 =	vand.u32 $0x7, v39  }
0x3ae: {  	v38 =	vor.u32 v39, v38  }
0x3af: {  	v63 =	vand.u32 $0x7F, v37;
	v38 =	vshll.u32 v38, $0x11  }
0x3b0: {  	v38 =	vor.u32 v63, v38  }
0x3b1: {  	s26 =	simm.s32 $0x10;
	s25 =	simm.s32 $0x80;
	s23 =	simm.s32 $0x7080;
	v37 =	vshrl.u32 v37, $0xA;
	v38 =	vor.u32 v26, v38  }
0x3b2: {  	s24 =	simm.s32 $0xB080;
	s26 =	sand.u32 $0x70, s26;
	s28 =	sand.u32 $0xC00, s25;
	v37 =	vand.u32 $0x1, v37;
	[tilespmem:s23+$0x0] =	vst v38  }
0x3b3: {  	s28 =	sor.u32 s26, s28;
	s26 =	simm.s32 $0x20;
	[tilespmem:s24+$0x0] =	vst v37  }
.LBB2_50:
0x3b4: {  	p0 =	sne.s32 s26, $0x1F0;
	v37 =	vld [tilespmem:s28+$0x3000];
	_ =	sdelay $0x4  }
0x3b5: {  	vm0 =	vge.s32 v37, v36  }
0x3b6: {  	v38 =	vsel vm0, $0x1, v34  }
0x3b7: {  	v37 =	vadd.s32 v38, v37  }
0x3b8: {  	v38 =	vshrl.u32 v37, $0x8;
	v39 =	vshrl.u32 v37, $0x7;
	v40 =	vshrl.u32 v37, $0xA  }
0x3b9: {  	v38 =	vand.u32 $0x7FF8, v38;
	v39 =	vand.u32 $0x7, v39  }
0x3ba: {  	v38 =	vor.u32 v39, v38  }
.Ltmp24:
0x3bb: {  	v37 =	vand.u32 $0x7F, v37;
	v38 =	vshll.u32 v38, $0x11;
	(pc) =	sbr.rel @p0 .LBB2_50-.Ltmp24, $4  }
0x3bc: {  	v37 =	vor.u32 v37, v38  }
0x3bd: {  	s25 =	sadd.s32 $0x80, s25;
	s23 =	sadd.s32 $0x10, s23;
	v37 =	vor.u32 v26, v37  }
0x3be: {  	s28 =	sand.u32 $0x70, s26;
	s24 =	sadd.s32 $0x10, s24;
	s29 =	sand.u32 $0xC00, s25;
	[tilespmem:s23+$0x0] =	vst v37;
	v37 =	vand.u32 $0x1, v40  }
0x3bf: {  	s26 =	sadd.s32 $0x10, s26;
	s28 =	sor.u32 s28, s29;
	[tilespmem:s24+$0x0] =	vst v37  }
0x3c0: {  	v37 =	vld [tilespmem:s28+$0x3000];
	_ =	sdelay $0x4  }
0x3c1: {  	vm0 =	vge.s32 v37, v36  }
0x3c2: {  	v36 =	vsel vm0, $0x1, v34  }
0x3c3: {  	v36 =	vadd.s32 v36, v37  }
0x3c4: {  	v37 =	vshrl.u32 v36, $0x8;
	v38 =	vshrl.u32 v36, $0x7  }
0x3c5: {  	v37 =	vand.u32 $0x7FF8, v37;
	v38 =	vand.u32 $0x7, v38  }
0x3c6: {  	v37 =	vor.u32 v38, v37  }
0x3c7: {  	v61 =	vand.u32 $0x7F, v36;
	v37 =	vshll.u32 v37, $0x11  }
0x3c8: {  	v37 =	vor.u32 v61, v37  }
0x3c9: {  	s23 =	sadd.s32 $0x10, s23;
	s25 =	simm.s32 $0x0;
	v36 =	vshrl.u32 v36, $0xA;
	v37 =	vor.u32 v26, v37  }
0x3ca: {  	s29 =	sadd.s32 $0x10, s24;
	s30 =	sand.u32 $0x70, s25;
	s25 =	sand.u32 $0xC00, s25;
	v36 =	vand.u32 $0x1, v36;
	[tilespmem:s23+$0x0] =	vst v37  }
0x3cb: {  	s31 =	sor.u32 s30, s25;
	[tilespmem:s29+$0x0] =	vst v36  }
0x3cc: {  	v37 =	vld [tilespmem:s31+$0x3080];
	_ =	sdelay $0x2  }
0x3cd: {  	v36 =	vbroadcast v35, $0x9;
	_ =	sdelay $0x1  }
0x3ce: {  	vm15 =	vge.s32 v37, v36  }
0x3cf: {  	v62 =	vsel vm15, $0x1, v34  }
0x3d0: {  	v37 =	vadd.s32 v62, v37  }
0x3d1: {  	v38 =	vshrl.u32 v37, $0x8;
	v39 =	vshrl.u32 v37, $0x7  }
0x3d2: {  	v38 =	vand.u32 $0x7FF8, v38;
	v39 =	vand.u32 $0x7, v39  }
0x3d3: {  	v38 =	vor.u32 v39, v38  }
0x3d4: {  	v63 =	vand.u32 $0x7F, v37;
	v38 =	vshll.u32 v38, $0x11  }
0x3d5: {  	v38 =	vor.u32 v63, v38  }
0x3d6: {  	s26 =	simm.s32 $0x10;
	s25 =	simm.s32 $0x80;
	s23 =	simm.s32 $0x7280;
	v37 =	vshrl.u32 v37, $0xA;
	v38 =	vor.u32 v27, v38  }
0x3d7: {  	s24 =	simm.s32 $0xB280;
	s26 =	sand.u32 $0x70, s26;
	s28 =	sand.u32 $0xC00, s25;
	v37 =	vand.u32 $0x1, v37;
	[tilespmem:s23+$0x0] =	vst v38  }
0x3d8: {  	s28 =	sor.u32 s26, s28;
	s26 =	simm.s32 $0x20;
	[tilespmem:s24+$0x0] =	vst v37  }
.LBB2_52:
0x3d9: {  	p0 =	sne.s32 s26, $0x1F0;
	v37 =	vld [tilespmem:s28+$0x3080];
	_ =	sdelay $0x4  }
0x3da: {  	vm0 =	vge.s32 v37, v36  }
0x3db: {  	v38 =	vsel vm0, $0x1, v34  }
0x3dc: {  	v37 =	vadd.s32 v38, v37  }
0x3dd: {  	v38 =	vshrl.u32 v37, $0x8;
	v39 =	vshrl.u32 v37, $0x7;
	v40 =	vshrl.u32 v37, $0xA  }
0x3de: {  	v38 =	vand.u32 $0x7FF8, v38;
	v39 =	vand.u32 $0x7, v39  }
0x3df: {  	v38 =	vor.u32 v39, v38  }
.Ltmp25:
0x3e0: {  	v37 =	vand.u32 $0x7F, v37;
	v38 =	vshll.u32 v38, $0x11;
	(pc) =	sbr.rel @p0 .LBB2_52-.Ltmp25, $4  }
0x3e1: {  	v37 =	vor.u32 v37, v38  }
0x3e2: {  	s25 =	sadd.s32 $0x80, s25;
	s23 =	sadd.s32 $0x10, s23;
	v37 =	vor.u32 v27, v37  }
0x3e3: {  	s28 =	sand.u32 $0x70, s26;
	s24 =	sadd.s32 $0x10, s24;
	s29 =	sand.u32 $0xC00, s25;
	[tilespmem:s23+$0x0] =	vst v37;
	v37 =	vand.u32 $0x1, v40  }
0x3e4: {  	s26 =	sadd.s32 $0x10, s26;
	s28 =	sor.u32 s28, s29;
	[tilespmem:s24+$0x0] =	vst v37  }
0x3e5: {  	v37 =	vld [tilespmem:s28+$0x3080];
	_ =	sdelay $0x4  }
0x3e6: {  	vm0 =	vge.s32 v37, v36  }
0x3e7: {  	v36 =	vsel vm0, $0x1, v34  }
0x3e8: {  	v36 =	vadd.s32 v36, v37  }
0x3e9: {  	v37 =	vshrl.u32 v36, $0x8;
	v38 =	vshrl.u32 v36, $0x7  }
0x3ea: {  	v37 =	vand.u32 $0x7FF8, v37;
	v38 =	vand.u32 $0x7, v38  }
0x3eb: {  	v37 =	vor.u32 v38, v37  }
0x3ec: {  	v61 =	vand.u32 $0x7F, v36;
	v37 =	vshll.u32 v37, $0x11  }
0x3ed: {  	v37 =	vor.u32 v61, v37  }
0x3ee: {  	s23 =	sadd.s32 $0x10, s23;
	s25 =	simm.s32 $0x0;
	v36 =	vshrl.u32 v36, $0xA;
	v37 =	vor.u32 v27, v37  }
0x3ef: {  	s29 =	sadd.s32 $0x10, s24;
	s30 =	sand.u32 $0x70, s25;
	s25 =	sand.u32 $0xC00, s25;
	v36 =	vand.u32 $0x1, v36;
	[tilespmem:s23+$0x0] =	vst v37  }
0x3f0: {  	s31 =	sor.u32 s30, s25;
	[tilespmem:s29+$0x0] =	vst v36  }
0x3f1: {  	v37 =	vld [tilespmem:s31+$0x3100];
	_ =	sdelay $0x2  }
0x3f2: {  	v36 =	vbroadcast v35, $0xA;
	_ =	sdelay $0x1  }
0x3f3: {  	vm15 =	vge.s32 v37, v36  }
0x3f4: {  	v62 =	vsel vm15, $0x1, v34  }
0x3f5: {  	v37 =	vadd.s32 v62, v37  }
0x3f6: {  	v38 =	vshrl.u32 v37, $0x8;
	v39 =	vshrl.u32 v37, $0x7  }
0x3f7: {  	v38 =	vand.u32 $0x7FF8, v38;
	v39 =	vand.u32 $0x7, v39  }
0x3f8: {  	v38 =	vor.u32 v39, v38  }
0x3f9: {  	v63 =	vand.u32 $0x7F, v37;
	v38 =	vshll.u32 v38, $0x11  }
0x3fa: {  	v38 =	vor.u32 v63, v38  }
0x3fb: {  	s26 =	simm.s32 $0x10;
	s25 =	simm.s32 $0x80;
	s23 =	simm.s32 $0x7480;
	v37 =	vshrl.u32 v37, $0xA;
	v38 =	vor.u32 v28, v38  }
0x3fc: {  	s24 =	simm.s32 $0xB480;
	s26 =	sand.u32 $0x70, s26;
	s28 =	sand.u32 $0xC00, s25;
	v37 =	vand.u32 $0x1, v37;
	[tilespmem:s23+$0x0] =	vst v38  }
0x3fd: {  	s28 =	sor.u32 s26, s28;
	s26 =	simm.s32 $0x20;
	[tilespmem:s24+$0x0] =	vst v37  }
.LBB2_54:
0x3fe: {  	p0 =	sne.s32 s26, $0x1F0;
	v37 =	vld [tilespmem:s28+$0x3100];
	_ =	sdelay $0x4  }
0x3ff: {  	vm0 =	vge.s32 v37, v36  }
0x400: {  	v38 =	vsel vm0, $0x1, v34  }
0x401: {  	v37 =	vadd.s32 v38, v37  }
0x402: {  	v38 =	vshrl.u32 v37, $0x8;
	v39 =	vshrl.u32 v37, $0x7;
	v40 =	vshrl.u32 v37, $0xA  }
0x403: {  	v38 =	vand.u32 $0x7FF8, v38;
	v39 =	vand.u32 $0x7, v39  }
0x404: {  	v38 =	vor.u32 v39, v38  }
.Ltmp26:
0x405: {  	v37 =	vand.u32 $0x7F, v37;
	v38 =	vshll.u32 v38, $0x11;
	(pc) =	sbr.rel @p0 .LBB2_54-.Ltmp26, $4  }
0x406: {  	v37 =	vor.u32 v37, v38  }
0x407: {  	s25 =	sadd.s32 $0x80, s25;
	s23 =	sadd.s32 $0x10, s23;
	v37 =	vor.u32 v28, v37  }
0x408: {  	s28 =	sand.u32 $0x70, s26;
	s24 =	sadd.s32 $0x10, s24;
	s29 =	sand.u32 $0xC00, s25;
	[tilespmem:s23+$0x0] =	vst v37;
	v37 =	vand.u32 $0x1, v40  }
0x409: {  	s26 =	sadd.s32 $0x10, s26;
	s28 =	sor.u32 s28, s29;
	[tilespmem:s24+$0x0] =	vst v37  }
0x40a: {  	v37 =	vld [tilespmem:s28+$0x3100];
	_ =	sdelay $0x4  }
0x40b: {  	vm0 =	vge.s32 v37, v36  }
0x40c: {  	v36 =	vsel vm0, $0x1, v34  }
0x40d: {  	v36 =	vadd.s32 v36, v37  }
0x40e: {  	v37 =	vshrl.u32 v36, $0x8;
	v38 =	vshrl.u32 v36, $0x7  }
0x40f: {  	v37 =	vand.u32 $0x7FF8, v37;
	v38 =	vand.u32 $0x7, v38  }
0x410: {  	v37 =	vor.u32 v38, v37  }
0x411: {  	v61 =	vand.u32 $0x7F, v36;
	v37 =	vshll.u32 v37, $0x11  }
0x412: {  	v37 =	vor.u32 v61, v37  }
0x413: {  	s23 =	sadd.s32 $0x10, s23;
	s25 =	simm.s32 $0x0;
	v36 =	vshrl.u32 v36, $0xA;
	v37 =	vor.u32 v28, v37  }
0x414: {  	s29 =	sadd.s32 $0x10, s24;
	s30 =	sand.u32 $0x70, s25;
	s25 =	sand.u32 $0xC00, s25;
	v36 =	vand.u32 $0x1, v36;
	[tilespmem:s23+$0x0] =	vst v37  }
0x415: {  	s31 =	sor.u32 s30, s25;
	[tilespmem:s29+$0x0] =	vst v36  }
0x416: {  	v37 =	vld [tilespmem:s31+$0x3180];
	_ =	sdelay $0x2  }
0x417: {  	v36 =	vbroadcast v35, $0xB;
	_ =	sdelay $0x1  }
0x418: {  	vm15 =	vge.s32 v37, v36  }
0x419: {  	v62 =	vsel vm15, $0x1, v34  }
0x41a: {  	v37 =	vadd.s32 v62, v37  }
0x41b: {  	v38 =	vshrl.u32 v37, $0x8;
	v39 =	vshrl.u32 v37, $0x7  }
0x41c: {  	v38 =	vand.u32 $0x7FF8, v38;
	v39 =	vand.u32 $0x7, v39  }
0x41d: {  	v38 =	vor.u32 v39, v38  }
0x41e: {  	v63 =	vand.u32 $0x7F, v37;
	v38 =	vshll.u32 v38, $0x11  }
0x41f: {  	v38 =	vor.u32 v63, v38  }
0x420: {  	s26 =	simm.s32 $0x10;
	s25 =	simm.s32 $0x80;
	s23 =	simm.s32 $0x7680;
	v37 =	vshrl.u32 v37, $0xA;
	v38 =	vor.u32 v29, v38  }
0x421: {  	s24 =	simm.s32 $0xB680;
	s26 =	sand.u32 $0x70, s26;
	s28 =	sand.u32 $0xC00, s25;
	v37 =	vand.u32 $0x1, v37;
	[tilespmem:s23+$0x0] =	vst v38  }
0x422: {  	s28 =	sor.u32 s26, s28;
	s26 =	simm.s32 $0x20;
	[tilespmem:s24+$0x0] =	vst v37  }
.LBB2_56:
0x423: {  	p0 =	sne.s32 s26, $0x1F0;
	v37 =	vld [tilespmem:s28+$0x3180];
	_ =	sdelay $0x4  }
0x424: {  	vm0 =	vge.s32 v37, v36  }
0x425: {  	v38 =	vsel vm0, $0x1, v34  }
0x426: {  	v37 =	vadd.s32 v38, v37  }
0x427: {  	v38 =	vshrl.u32 v37, $0x8;
	v39 =	vshrl.u32 v37, $0x7;
	v40 =	vshrl.u32 v37, $0xA  }
0x428: {  	v38 =	vand.u32 $0x7FF8, v38;
	v39 =	vand.u32 $0x7, v39  }
0x429: {  	v38 =	vor.u32 v39, v38  }
.Ltmp27:
0x42a: {  	v37 =	vand.u32 $0x7F, v37;
	v38 =	vshll.u32 v38, $0x11;
	(pc) =	sbr.rel @p0 .LBB2_56-.Ltmp27, $4  }
0x42b: {  	v37 =	vor.u32 v37, v38  }
0x42c: {  	s25 =	sadd.s32 $0x80, s25;
	s23 =	sadd.s32 $0x10, s23;
	v37 =	vor.u32 v29, v37  }
0x42d: {  	s28 =	sand.u32 $0x70, s26;
	s24 =	sadd.s32 $0x10, s24;
	s29 =	sand.u32 $0xC00, s25;
	[tilespmem:s23+$0x0] =	vst v37;
	v37 =	vand.u32 $0x1, v40  }
0x42e: {  	s26 =	sadd.s32 $0x10, s26;
	s28 =	sor.u32 s28, s29;
	[tilespmem:s24+$0x0] =	vst v37  }
0x42f: {  	v37 =	vld [tilespmem:s28+$0x3180];
	_ =	sdelay $0x4  }
0x430: {  	vm0 =	vge.s32 v37, v36  }
0x431: {  	v36 =	vsel vm0, $0x1, v34  }
0x432: {  	v36 =	vadd.s32 v36, v37  }
0x433: {  	v37 =	vshrl.u32 v36, $0x8;
	v38 =	vshrl.u32 v36, $0x7  }
0x434: {  	v37 =	vand.u32 $0x7FF8, v37;
	v38 =	vand.u32 $0x7, v38  }
0x435: {  	v37 =	vor.u32 v38, v37  }
0x436: {  	v61 =	vand.u32 $0x7F, v36;
	v37 =	vshll.u32 v37, $0x11  }
0x437: {  	v37 =	vor.u32 v61, v37  }
0x438: {  	s23 =	sadd.s32 $0x10, s23;
	s25 =	simm.s32 $0x0;
	v36 =	vshrl.u32 v36, $0xA;
	v37 =	vor.u32 v29, v37  }
0x439: {  	s29 =	sadd.s32 $0x10, s24;
	s30 =	sand.u32 $0x70, s25;
	s25 =	sand.u32 $0xC00, s25;
	v36 =	vand.u32 $0x1, v36;
	[tilespmem:s23+$0x0] =	vst v37  }
0x43a: {  	s31 =	sor.u32 s30, s25;
	[tilespmem:s29+$0x0] =	vst v36  }
0x43b: {  	v37 =	vld [tilespmem:s31+$0x3200];
	_ =	sdelay $0x2  }
0x43c: {  	v36 =	vbroadcast v35, $0xC;
	_ =	sdelay $0x1  }
0x43d: {  	vm15 =	vge.s32 v37, v36  }
0x43e: {  	v62 =	vsel vm15, $0x1, v34  }
0x43f: {  	v37 =	vadd.s32 v62, v37  }
0x440: {  	v38 =	vshrl.u32 v37, $0x8;
	v39 =	vshrl.u32 v37, $0x7  }
0x441: {  	v38 =	vand.u32 $0x7FF8, v38;
	v39 =	vand.u32 $0x7, v39  }
0x442: {  	v38 =	vor.u32 v39, v38  }
0x443: {  	v63 =	vand.u32 $0x7F, v37;
	v38 =	vshll.u32 v38, $0x11  }
0x444: {  	v38 =	vor.u32 v63, v38  }
0x445: {  	s26 =	simm.s32 $0x10;
	s25 =	simm.s32 $0x80;
	s23 =	simm.s32 $0x7880;
	v37 =	vshrl.u32 v37, $0xA;
	v38 =	vor.u32 v30, v38  }
0x446: {  	s24 =	simm.s32 $0xB880;
	s26 =	sand.u32 $0x70, s26;
	s28 =	sand.u32 $0xC00, s25;
	v37 =	vand.u32 $0x1, v37;
	[tilespmem:s23+$0x0] =	vst v38  }
0x447: {  	s28 =	sor.u32 s26, s28;
	s26 =	simm.s32 $0x20;
	[tilespmem:s24+$0x0] =	vst v37  }
.LBB2_58:
0x448: {  	p0 =	sne.s32 s26, $0x1F0;
	v37 =	vld [tilespmem:s28+$0x3200];
	_ =	sdelay $0x4  }
0x449: {  	vm0 =	vge.s32 v37, v36  }
0x44a: {  	v38 =	vsel vm0, $0x1, v34  }
0x44b: {  	v37 =	vadd.s32 v38, v37  }
0x44c: {  	v38 =	vshrl.u32 v37, $0x8;
	v39 =	vshrl.u32 v37, $0x7;
	v40 =	vshrl.u32 v37, $0xA  }
0x44d: {  	v38 =	vand.u32 $0x7FF8, v38;
	v39 =	vand.u32 $0x7, v39  }
0x44e: {  	v38 =	vor.u32 v39, v38  }
.Ltmp28:
0x44f: {  	v37 =	vand.u32 $0x7F, v37;
	v38 =	vshll.u32 v38, $0x11;
	(pc) =	sbr.rel @p0 .LBB2_58-.Ltmp28, $4  }
0x450: {  	v37 =	vor.u32 v37, v38  }
0x451: {  	s25 =	sadd.s32 $0x80, s25;
	s23 =	sadd.s32 $0x10, s23;
	v37 =	vor.u32 v30, v37  }
0x452: {  	s28 =	sand.u32 $0x70, s26;
	s24 =	sadd.s32 $0x10, s24;
	s29 =	sand.u32 $0xC00, s25;
	[tilespmem:s23+$0x0] =	vst v37;
	v37 =	vand.u32 $0x1, v40  }
0x453: {  	s26 =	sadd.s32 $0x10, s26;
	s28 =	sor.u32 s28, s29;
	[tilespmem:s24+$0x0] =	vst v37  }
0x454: {  	v37 =	vld [tilespmem:s28+$0x3200];
	_ =	sdelay $0x4  }
0x455: {  	vm0 =	vge.s32 v37, v36  }
0x456: {  	v36 =	vsel vm0, $0x1, v34  }
0x457: {  	v36 =	vadd.s32 v36, v37  }
0x458: {  	v37 =	vshrl.u32 v36, $0x8;
	v38 =	vshrl.u32 v36, $0x7  }
0x459: {  	v37 =	vand.u32 $0x7FF8, v37;
	v38 =	vand.u32 $0x7, v38  }
0x45a: {  	v37 =	vor.u32 v38, v37  }
0x45b: {  	v61 =	vand.u32 $0x7F, v36;
	v37 =	vshll.u32 v37, $0x11  }
0x45c: {  	v37 =	vor.u32 v61, v37  }
0x45d: {  	s23 =	sadd.s32 $0x10, s23;
	s25 =	simm.s32 $0x0;
	v36 =	vshrl.u32 v36, $0xA;
	v37 =	vor.u32 v30, v37  }
0x45e: {  	s29 =	sadd.s32 $0x10, s24;
	s30 =	sand.u32 $0x70, s25;
	s25 =	sand.u32 $0xC00, s25;
	v36 =	vand.u32 $0x1, v36;
	[tilespmem:s23+$0x0] =	vst v37  }
0x45f: {  	s31 =	sor.u32 s30, s25;
	[tilespmem:s29+$0x0] =	vst v36  }
0x460: {  	v37 =	vld [tilespmem:s31+$0x3280];
	_ =	sdelay $0x2  }
0x461: {  	v36 =	vbroadcast v35, $0xD;
	_ =	sdelay $0x1  }
0x462: {  	vm15 =	vge.s32 v37, v36  }
0x463: {  	v62 =	vsel vm15, $0x1, v34  }
0x464: {  	v37 =	vadd.s32 v62, v37  }
0x465: {  	v38 =	vshrl.u32 v37, $0x8;
	v39 =	vshrl.u32 v37, $0x7  }
0x466: {  	v38 =	vand.u32 $0x7FF8, v38;
	v39 =	vand.u32 $0x7, v39  }
0x467: {  	v38 =	vor.u32 v39, v38  }
0x468: {  	v63 =	vand.u32 $0x7F, v37;
	v38 =	vshll.u32 v38, $0x11  }
0x469: {  	v38 =	vor.u32 v63, v38  }
0x46a: {  	s26 =	simm.s32 $0x10;
	s25 =	simm.s32 $0x80;
	s23 =	simm.s32 $0x7A80;
	v37 =	vshrl.u32 v37, $0xA;
	v38 =	vor.u32 v31, v38  }
0x46b: {  	s24 =	simm.s32 $0xBA80;
	s26 =	sand.u32 $0x70, s26;
	s28 =	sand.u32 $0xC00, s25;
	v37 =	vand.u32 $0x1, v37;
	[tilespmem:s23+$0x0] =	vst v38  }
0x46c: {  	s28 =	sor.u32 s26, s28;
	s26 =	simm.s32 $0x20;
	[tilespmem:s24+$0x0] =	vst v37  }
.LBB2_60:
0x46d: {  	p0 =	sne.s32 s26, $0x1F0;
	v37 =	vld [tilespmem:s28+$0x3280];
	_ =	sdelay $0x4  }
0x46e: {  	vm0 =	vge.s32 v37, v36  }
0x46f: {  	v38 =	vsel vm0, $0x1, v34  }
0x470: {  	v37 =	vadd.s32 v38, v37  }
0x471: {  	v38 =	vshrl.u32 v37, $0x8;
	v39 =	vshrl.u32 v37, $0x7;
	v40 =	vshrl.u32 v37, $0xA  }
0x472: {  	v38 =	vand.u32 $0x7FF8, v38;
	v39 =	vand.u32 $0x7, v39  }
0x473: {  	v38 =	vor.u32 v39, v38  }
.Ltmp29:
0x474: {  	v37 =	vand.u32 $0x7F, v37;
	v38 =	vshll.u32 v38, $0x11;
	(pc) =	sbr.rel @p0 .LBB2_60-.Ltmp29, $4  }
0x475: {  	v37 =	vor.u32 v37, v38  }
0x476: {  	s25 =	sadd.s32 $0x80, s25;
	s23 =	sadd.s32 $0x10, s23;
	v37 =	vor.u32 v31, v37  }
0x477: {  	s28 =	sand.u32 $0x70, s26;
	s24 =	sadd.s32 $0x10, s24;
	s29 =	sand.u32 $0xC00, s25;
	[tilespmem:s23+$0x0] =	vst v37;
	v37 =	vand.u32 $0x1, v40  }
0x478: {  	s26 =	sadd.s32 $0x10, s26;
	s28 =	sor.u32 s28, s29;
	[tilespmem:s24+$0x0] =	vst v37  }
0x479: {  	v37 =	vld [tilespmem:s28+$0x3280];
	_ =	sdelay $0x4  }
0x47a: {  	vm0 =	vge.s32 v37, v36  }
0x47b: {  	v36 =	vsel vm0, $0x1, v34  }
0x47c: {  	v36 =	vadd.s32 v36, v37  }
0x47d: {  	v37 =	vshrl.u32 v36, $0x8;
	v38 =	vshrl.u32 v36, $0x7  }
0x47e: {  	v37 =	vand.u32 $0x7FF8, v37;
	v38 =	vand.u32 $0x7, v38  }
0x47f: {  	v37 =	vor.u32 v38, v37  }
0x480: {  	v61 =	vand.u32 $0x7F, v36;
	v37 =	vshll.u32 v37, $0x11  }
0x481: {  	v37 =	vor.u32 v61, v37  }
0x482: {  	s23 =	sadd.s32 $0x10, s23;
	s25 =	simm.s32 $0x0;
	v36 =	vshrl.u32 v36, $0xA;
	v37 =	vor.u32 v31, v37  }
0x483: {  	s29 =	sadd.s32 $0x10, s24;
	s30 =	sand.u32 $0x70, s25;
	s25 =	sand.u32 $0xC00, s25;
	v36 =	vand.u32 $0x1, v36;
	[tilespmem:s23+$0x0] =	vst v37  }
0x484: {  	s31 =	sor.u32 s30, s25;
	[tilespmem:s29+$0x0] =	vst v36  }
0x485: {  	v37 =	vld [tilespmem:s31+$0x3300];
	_ =	sdelay $0x2  }
0x486: {  	v36 =	vbroadcast v35, $0xE;
	_ =	sdelay $0x1  }
0x487: {  	vm15 =	vge.s32 v37, v36  }
0x488: {  	v62 =	vsel vm15, $0x1, v34  }
0x489: {  	v37 =	vadd.s32 v62, v37  }
0x48a: {  	v38 =	vshrl.u32 v37, $0x8;
	v39 =	vshrl.u32 v37, $0x7  }
0x48b: {  	v38 =	vand.u32 $0x7FF8, v38;
	v39 =	vand.u32 $0x7, v39  }
0x48c: {  	v38 =	vor.u32 v39, v38  }
0x48d: {  	v63 =	vand.u32 $0x7F, v37;
	v38 =	vshll.u32 v38, $0x11  }
0x48e: {  	v38 =	vor.u32 v63, v38  }
0x48f: {  	s26 =	simm.s32 $0x10;
	s25 =	simm.s32 $0x80;
	s23 =	simm.s32 $0x7C80;
	v37 =	vshrl.u32 v37, $0xA;
	v38 =	vor.u32 v32, v38  }
0x490: {  	s24 =	simm.s32 $0xBC80;
	s26 =	sand.u32 $0x70, s26;
	s28 =	sand.u32 $0xC00, s25;
	v37 =	vand.u32 $0x1, v37;
	[tilespmem:s23+$0x0] =	vst v38  }
0x491: {  	s28 =	sor.u32 s26, s28;
	s26 =	simm.s32 $0x20;
	[tilespmem:s24+$0x0] =	vst v37  }
.LBB2_62:
0x492: {  	p0 =	sne.s32 s26, $0x1F0;
	v37 =	vld [tilespmem:s28+$0x3300];
	_ =	sdelay $0x4  }
0x493: {  	vm0 =	vge.s32 v37, v36  }
0x494: {  	v38 =	vsel vm0, $0x1, v34  }
0x495: {  	v37 =	vadd.s32 v38, v37  }
0x496: {  	v38 =	vshrl.u32 v37, $0x8;
	v39 =	vshrl.u32 v37, $0x7;
	v40 =	vshrl.u32 v37, $0xA  }
0x497: {  	v38 =	vand.u32 $0x7FF8, v38;
	v39 =	vand.u32 $0x7, v39  }
0x498: {  	v38 =	vor.u32 v39, v38  }
.Ltmp30:
0x499: {  	v37 =	vand.u32 $0x7F, v37;
	v38 =	vshll.u32 v38, $0x11;
	(pc) =	sbr.rel @p0 .LBB2_62-.Ltmp30, $4  }
0x49a: {  	v37 =	vor.u32 v37, v38  }
0x49b: {  	s25 =	sadd.s32 $0x80, s25;
	s23 =	sadd.s32 $0x10, s23;
	v37 =	vor.u32 v32, v37  }
0x49c: {  	s28 =	sand.u32 $0x70, s26;
	s24 =	sadd.s32 $0x10, s24;
	s29 =	sand.u32 $0xC00, s25;
	[tilespmem:s23+$0x0] =	vst v37;
	v37 =	vand.u32 $0x1, v40  }
0x49d: {  	s26 =	sadd.s32 $0x10, s26;
	s28 =	sor.u32 s28, s29;
	[tilespmem:s24+$0x0] =	vst v37  }
0x49e: {  	v37 =	vld [tilespmem:s28+$0x3300];
	_ =	sdelay $0x4  }
0x49f: {  	vm0 =	vge.s32 v37, v36  }
0x4a0: {  	v36 =	vsel vm0, $0x1, v34  }
0x4a1: {  	v36 =	vadd.s32 v36, v37  }
0x4a2: {  	v37 =	vshrl.u32 v36, $0x8;
	v38 =	vshrl.u32 v36, $0x7  }
0x4a3: {  	v37 =	vand.u32 $0x7FF8, v37;
	v38 =	vand.u32 $0x7, v38  }
0x4a4: {  	v37 =	vor.u32 v38, v37  }
0x4a5: {  	v60 =	vand.u32 $0x7F, v36;
	v37 =	vshll.u32 v37, $0x11  }
0x4a6: {  	v37 =	vor.u32 v60, v37  }
0x4a7: {  	s23 =	sadd.s32 $0x10, s23;
	s25 =	simm.s32 $0x0;
	v36 =	vshrl.u32 v36, $0xA;
	v37 =	vor.u32 v32, v37  }
0x4a8: {  	s29 =	sadd.s32 $0x10, s24;
	s30 =	sand.u32 $0x70, s25;
	s25 =	sand.u32 $0xC00, s25;
	v36 =	vand.u32 $0x1, v36;
	[tilespmem:s23+$0x0] =	vst v37  }
0x4a9: {  	s31 =	sor.u32 s30, s25;
	[tilespmem:s29+$0x0] =	vst v36  }
0x4aa: {  	v36 =	vld [tilespmem:s31+$0x3380];
	_ =	sdelay $0x2  }
0x4ab: {  	v35 =	vbroadcast v35, $0xF;
	_ =	sdelay $0x1  }
0x4ac: {  	vm15 =	vge.s32 v36, v35  }
0x4ad: {  	v61 =	vsel vm15, $0x1, v34  }
0x4ae: {  	v36 =	vadd.s32 v61, v36  }
0x4af: {  	v37 =	vshrl.u32 v36, $0x8;
	v62 =	vshrl.u32 v36, $0x7  }
0x4b0: {  	v37 =	vand.u32 $0x7FF8, v37;
	v38 =	vand.u32 $0x7, v62  }
0x4b1: {  	v37 =	vor.u32 v38, v37  }
0x4b2: {  	v63 =	vand.u32 $0x7F, v36;
	v37 =	vshll.u32 v37, $0x11  }
0x4b3: {  	v37 =	vor.u32 v63, v37  }
0x4b4: {  	s26 =	simm.s32 $0x10;
	s25 =	simm.s32 $0x80;
	s23 =	simm.s32 $0x7E80;
	v36 =	vshrl.u32 v36, $0xA;
	v37 =	vor.u32 v33, v37  }
0x4b5: {  	s24 =	simm.s32 $0xBE80;
	s26 =	sand.u32 $0x70, s26;
	s28 =	sand.u32 $0xC00, s25;
	v36 =	vand.u32 $0x1, v36;
	[tilespmem:s23+$0x0] =	vst v37  }
0x4b6: {  	s28 =	sor.u32 s26, s28;
	s26 =	simm.s32 $0x20;
	[tilespmem:s24+$0x0] =	vst v36  }
.LBB2_64:
0x4b7: {  	p0 =	sne.s32 s26, $0x1F0;
	v36 =	vld [tilespmem:s28+$0x3380];
	_ =	sdelay $0x4  }
0x4b8: {  	vm0 =	vge.s32 v36, v35  }
0x4b9: {  	v37 =	vsel vm0, $0x1, v34  }
0x4ba: {  	v36 =	vadd.s32 v37, v36  }
0x4bb: {  	v37 =	vshrl.u32 v36, $0x8;
	v38 =	vshrl.u32 v36, $0x7;
	v39 =	vshrl.u32 v36, $0xA  }
0x4bc: {  	v37 =	vand.u32 $0x7FF8, v37;
	v38 =	vand.u32 $0x7, v38  }
0x4bd: {  	v37 =	vor.u32 v38, v37  }
.Ltmp31:
0x4be: {  	v36 =	vand.u32 $0x7F, v36;
	v37 =	vshll.u32 v37, $0x11;
	(pc) =	sbr.rel @p0 .LBB2_64-.Ltmp31, $4  }
0x4bf: {  	v36 =	vor.u32 v36, v37  }
0x4c0: {  	s25 =	sadd.s32 $0x80, s25;
	s23 =	sadd.s32 $0x10, s23;
	v36 =	vor.u32 v33, v36  }
0x4c1: {  	s28 =	sand.u32 $0x70, s26;
	s24 =	sadd.s32 $0x10, s24;
	s29 =	sand.u32 $0xC00, s25;
	[tilespmem:s23+$0x0] =	vst v36;
	v36 =	vand.u32 $0x1, v39  }
0x4c2: {  	s26 =	sadd.s32 $0x10, s26;
	s28 =	sor.u32 s28, s29;
	[tilespmem:s24+$0x0] =	vst v36  }
0x4c3: {  	v36 =	vld [tilespmem:s28+$0x3380];
	_ =	sdelay $0x4  }
0x4c4: {  	vm0 =	vge.s32 v36, v35  }
0x4c5: {  	v35 =	vsel vm0, $0x1, v34  }
0x4c6: {  	v35 =	vadd.s32 v35, v36  }
0x4c7: {  	v36 =	vshrl.u32 v35, $0x8;
	v37 =	vshrl.u32 v35, $0x7  }
0x4c8: {  	v36 =	vand.u32 $0x7FF8, v36;
	v37 =	vand.u32 $0x7, v37  }
0x4c9: {  	v36 =	vor.u32 v37, v36  }
0x4ca: {  	v63 =	vand.u32 $0x7F, v35;
	v36 =	vshll.u32 v36, $0x11  }
0x4cb: {  	v36 =	vor.u32 v63, v36  }
0x4cc: {  	s23 =	sadd.s32 $0x10, s23;
	v35 =	vshrl.u32 v35, $0xA;
	v36 =	vor.u32 v33, v36  }
0x4cd: {  	s30 =	sadd.s32 $0x10, s24;
	p0 =	por $0x1, $0x1;
	v35 =	vand.u32 $0x1, v35;
	[tilespmem:s23+$0x0] =	vst v36  }
0x4ce: {  	s31 =	simm.s32 $0x4080;
	s26 =	simm.s32 @!p0 $0x1;
	s23 =	simm.s32 $0xC180;
	[tilespmem:s30+$0x0] =	vst v35  }
0x4cf: {  	[tilespmem:s23], [sflag:$0x1] =	stream.indirect.gather [hbm4b:s3+s14], $0x1, s31, s14, $0xb8;
	[tilespmem:$0x14280] =	vst v63  }
0x4d0: {  	_ =	swait.ge @!p0 [sflag:s26], $0x80  }
0x4d1: {  	s24 =	simm.s32 $0x1;
	s25 =	simm.s32 $0x4100;
	[sflag:s26] =	ssyncset.done @!p0 $0x0  }
.LBB2_66:
0x4d2: {  	[sflag:s26] =	ssyncadd.s32 @!p0 $0xFFFFFF80  }
0x4d3: {  	s23 =	sadd.s32 $0x80, s23;
	s26 =	smov.u32 s24;
	s24 =	sadd.s32 $0x1, s24  }
0x4d4: {  	p1 =	sne.s32 s24, $0x80  }
0x4d5: {  	[tilespmem:s23], [sflag:$0x1] =	stream.indirect.gather [hbm4b:s3+s14], $0x1, s25, s14, $0xb8;
	[tilespmem:$0x14280] =	vst v63  }
.Ltmp32:
0x4d6: {  	_ = 	snop;
	(pc) =	sbr.rel @p1 .LBB2_66-.Ltmp32, $4  }
0x4d7: {  	p0 =	slt.u32 s26, $0x10  }
0x4d8: {  	s26 =	simm.s32 @!p0 $0x1  }
0x4d9: {  	_ =	swait.ge @!p0 [sflag:s26], $0x80  }
0x4da: {  	s25 =	sadd.s32 $0x80, s25;
	[sflag:s26] =	ssyncset.done @!p0 $0x0  }
0x4db: {  	[sflag:s26] =	ssyncadd.s32 @!p0 $0xFFFFFF80  }
0x4dc: {  	_ =	swait.ge [sflag:s15], $0x80  }
0x4dd: {  	[sflag:s15] =	ssyncset.done $0x0  }
0x4de: {  	[sflag:s15] =	ssyncadd.s32 $0xFFFFFF80  }
0x4df: {  	_ =	swait.ge [sflag:s15], $0x80  }
0x4e0: {  	[sflag:s15] =	ssyncset.done $0x0  }
0x4e1: {  	[sflag:s15] =	ssyncadd.s32 $0xFFFFFF80  }
0x4e2: {  	_ =	swait.ge [sflag:s15], $0x80  }
0x4e3: {  	[sflag:s15] =	ssyncset.done $0x0  }
0x4e4: {  	[sflag:s15] =	ssyncadd.s32 $0xFFFFFF80  }
0x4e5: {  	_ =	swait.ge [sflag:s15], $0x80  }
0x4e6: {  	[sflag:s15] =	ssyncset.done $0x0  }
0x4e7: {  	[sflag:s15] =	ssyncadd.s32 $0xFFFFFF80  }
0x4e8: {  	_ =	swait.ge [sflag:s15], $0x80  }
0x4e9: {  	[sflag:s15] =	ssyncset.done $0x0  }
0x4ea: {  	[sflag:s15] =	ssyncadd.s32 $0xFFFFFF80  }
0x4eb: {  	_ =	swait.ge [sflag:s15], $0x80  }
0x4ec: {  	[sflag:s15] =	ssyncset.done $0x0  }
0x4ed: {  	[sflag:s15] =	ssyncadd.s32 $0xFFFFFF80  }
0x4ee: {  	_ =	swait.ge [sflag:s15], $0x80  }
0x4ef: {  	[sflag:s15] =	ssyncset.done $0x0  }
0x4f0: {  	[sflag:s15] =	ssyncadd.s32 $0xFFFFFF80  }
0x4f1: {  	_ =	swait.ge [sflag:s15], $0x80  }
0x4f2: {  	[sflag:s15] =	ssyncset.done $0x0  }
0x4f3: {  	[sflag:s15] =	ssyncadd.s32 $0xFFFFFF80  }
0x4f4: {  	_ =	swait.ge [sflag:s15], $0x80  }
0x4f5: {  	[sflag:s15] =	ssyncset.done $0x0  }
0x4f6: {  	[sflag:s15] =	ssyncadd.s32 $0xFFFFFF80  }
0x4f7: {  	_ =	swait.ge [sflag:s15], $0x80  }
0x4f8: {  	[sflag:s15] =	ssyncset.done $0x0  }
0x4f9: {  	[sflag:s15] =	ssyncadd.s32 $0xFFFFFF80  }
0x4fa: {  	_ =	swait.ge [sflag:s15], $0x80  }
0x4fb: {  	[sflag:s15] =	ssyncset.done $0x0  }
0x4fc: {  	[sflag:s15] =	ssyncadd.s32 $0xFFFFFF80  }
0x4fd: {  	_ =	swait.ge [sflag:s15], $0x80  }
0x4fe: {  	[sflag:s15] =	ssyncset.done $0x0  }
0x4ff: {  	[sflag:s15] =	ssyncadd.s32 $0xFFFFFF80  }
0x500: {  	_ =	swait.ge [sflag:s15], $0x80  }
0x501: {  	[sflag:s15] =	ssyncset.done $0x0  }
0x502: {  	[sflag:s15] =	ssyncadd.s32 $0xFFFFFF80  }
0x503: {  	_ =	swait.ge [sflag:s15], $0x80  }
0x504: {  	[sflag:s15] =	ssyncset.done $0x0  }
0x505: {  	[sflag:s15] =	ssyncadd.s32 $0xFFFFFF80  }
0x506: {  	_ =	swait.ge [sflag:s15], $0x80  }
0x507: {  	[sflag:s15] =	ssyncset.done $0x0  }
0x508: {  	[sflag:s15] =	ssyncadd.s32 $0xFFFFFF80  }
0x509: {  	_ =	swait.ge [sflag:s15], $0x80  }
0x50a: {  	[sflag:s15] =	ssyncset.done $0x0  }
0x50b: {  	[sflag:s15] =	ssyncadd.s32 $0xFFFFFF80  }
0x50c: {  	[tilespmem:s18], [sflag:$0x1] =	stream.indirect.gather [hbm4b:s3+s16], $0x1, s17, s16, $0xb8;
	[tilespmem:$0x14280] =	vst v63  }
0x50d: {  	_ =	swait.ge [sflag:s15], $0x20  }
0x50e: {  	[sflag:s15] =	ssyncset.done $0x0  }
0x50f: {  	s23 =	simm.s32 $0x0;
	[sflag:s15] =	ssyncadd.s32 $0xFFFFFFE0  }
0x510: {  	v35 =	vld [tilespmem:s23+$0x8080]  }
0x511: {  	s24 =	simm.s32 $0x40;
	v36 =	vld [tilespmem:s23+$0xC180]  }
.LBB2_68:
0x512: {  	_ = 	snop  }
0x513: {  	p0 =	sne.s32 s24, $0xFFC0  }
.Ltmp33:
0x514: {  	_ = 	snop;
	(pc) =	sbr.rel @p0 .LBB2_68-.Ltmp33, $4  }
0x515: {  	v37 =	vshll.u32 v35, $0x4  }
0x516: {  	s25 =	sshra.s32 s24, $0x2;
	v37 =	vshrl.u32 v36, v37  }
0x517: {  	v35 =	vld [tilespmem:s25+$0x8080];
	v37 =	vshll.u32 v37, $0x10  }
0x518: {  	s24 =	sadd.s32 $0x40, s24;
	v36 =	vld [tilespmem:s25+$0xC180];
	[tilespmem:s23+$0x10180] =	vst v37;
	s23 =	smov.u32 s25  }
0x519: {  	_ =	sdelay $0x2  }
0x51a: {  	v35 =	vshll.u32 v35, $0x4  }
0x51b: {  	v35 =	vshrl.u32 v36, v35  }
0x51c: {  	v35 =	vshll.u32 v35, $0x10  }
0x51d: {  	[tilespmem:s23+$0x10180] =	vst v35  }
0x51e: {  	v35 =	vld [tilespmem:$0x14180]  }
0x51f: {  	v61 =	vld [tilespmem:$0xC100]  }
0x520: {  	v37 =	vld [tilespmem:$0xC110]  }
0x521: {  	v38 =	vld [tilespmem:$0x14190];
	_ =	sdelay $0x2  }
0x522: {  	v36 =	vshll.u32 v61, $0x4  }
0x523: {  	v62 =	vshll.u32 v37, $0x4;
	v35 =	vshrl.u32 v35, v36  }
0x524: {  	v36 =	vshrl.u32 v38, v62;
	v35 =	vshll.u32 v35, $0x10  }
0x525: {  	v63 =	vshll.u32 v36, $0x10;
	[tilespmem:$0x14200] =	vst v35  }
0x526: {  	[tilespmem:$0x14210] =	vst v63  }
0x527: {  	[hbm4b:s7+s14] =	stream.strided.scatter [tilespmem:s20], [sflag:$0x2], $0x4000, s19, s14, $0x38;
	[tilespmem:$0x14280] =	vst v63  }
0x528: {  	_ =	swait.ge [sflag:s12], $0x4000  }
0x529: {  	[sflag:s12] =	ssyncset.done $0x0  }
0x52a: {  	s31 =	simm.s32 $0x0;
	[sflag:s12] =	ssyncadd.s32 $0xFFFFC000  }
0x52b: {  	[hbm4b:s8+s31] =	stream.linear.scatter [tilespmem:s21], [sflag:$0x2], $0x20, $0x38;
	[tilespmem:$0x14280] =	vst v63  }
0x52c: {  	_ =	swait.ge [sflag:s12], $0x20  }
0x52d: {  	s24 =	simm.s32 $0x4080;
	p0 =	por $0x1, $0x1;
	[sflag:s12] =	ssyncset.done $0x0  }
0x52e: {  	s26 =	simm.s32 @!p0 $0x1;
	s23 =	simm.s32 $0xC180;
	[sflag:s12] =	ssyncadd.s32 $0xFFFFFFE0  }
0x52f: {  	[tilespmem:s23], [sflag:$0x1] =	stream.indirect.gather [hbm4b:s4+s14], $0x1, s24, s14, $0xb8;
	[tilespmem:$0x14280] =	vst v63  }
0x530: {  	_ =	swait.ge @!p0 [sflag:s26], $0x80  }
0x531: {  	s25 =	simm.s32 $0x4100;
	s24 =	simm.s32 $0x1;
	[sflag:s26] =	ssyncset.done @!p0 $0x0  }
.LBB2_70:
0x532: {  	[sflag:s26] =	ssyncadd.s32 @!p0 $0xFFFFFF80  }
0x533: {  	s23 =	sadd.s32 $0x80, s23;
	s26 =	smov.u32 s24;
	s24 =	sadd.s32 $0x1, s24  }
0x534: {  	p1 =	sne.s32 s24, $0x80  }
0x535: {  	[tilespmem:s23], [sflag:$0x1] =	stream.indirect.gather [hbm4b:s4+s14], $0x1, s25, s14, $0xb8;
	[tilespmem:$0x14280] =	vst v63  }
.Ltmp34:
0x536: {  	_ = 	snop;
	(pc) =	sbr.rel @p1 .LBB2_70-.Ltmp34, $4  }
0x537: {  	p0 =	slt.u32 s26, $0x10  }
0x538: {  	s26 =	simm.s32 @!p0 $0x1  }
0x539: {  	_ =	swait.ge @!p0 [sflag:s26], $0x80  }
0x53a: {  	s25 =	sadd.s32 $0x80, s25;
	[sflag:s26] =	ssyncset.done @!p0 $0x0  }
0x53b: {  	[sflag:s26] =	ssyncadd.s32 @!p0 $0xFFFFFF80  }
0x53c: {  	_ =	swait.ge [sflag:s15], $0x80  }
0x53d: {  	[sflag:s15] =	ssyncset.done $0x0  }
0x53e: {  	[sflag:s15] =	ssyncadd.s32 $0xFFFFFF80  }
0x53f: {  	_ =	swait.ge [sflag:s15], $0x80  }
0x540: {  	[sflag:s15] =	ssyncset.done $0x0  }
0x541: {  	[sflag:s15] =	ssyncadd.s32 $0xFFFFFF80  }
0x542: {  	_ =	swait.ge [sflag:s15], $0x80  }
0x543: {  	[sflag:s15] =	ssyncset.done $0x0  }
0x544: {  	[sflag:s15] =	ssyncadd.s32 $0xFFFFFF80  }
0x545: {  	_ =	swait.ge [sflag:s15], $0x80  }
0x546: {  	[sflag:s15] =	ssyncset.done $0x0  }
0x547: {  	[sflag:s15] =	ssyncadd.s32 $0xFFFFFF80  }
0x548: {  	_ =	swait.ge [sflag:s15], $0x80  }
0x549: {  	[sflag:s15] =	ssyncset.done $0x0  }
0x54a: {  	[sflag:s15] =	ssyncadd.s32 $0xFFFFFF80  }
0x54b: {  	_ =	swait.ge [sflag:s15], $0x80  }
0x54c: {  	[sflag:s15] =	ssyncset.done $0x0  }
0x54d: {  	[sflag:s15] =	ssyncadd.s32 $0xFFFFFF80  }
0x54e: {  	_ =	swait.ge [sflag:s15], $0x80  }
0x54f: {  	[sflag:s15] =	ssyncset.done $0x0  }
0x550: {  	[sflag:s15] =	ssyncadd.s32 $0xFFFFFF80  }
0x551: {  	_ =	swait.ge [sflag:s15], $0x80  }
0x552: {  	[sflag:s15] =	ssyncset.done $0x0  }
0x553: {  	[sflag:s15] =	ssyncadd.s32 $0xFFFFFF80  }
0x554: {  	_ =	swait.ge [sflag:s15], $0x80  }
0x555: {  	[sflag:s15] =	ssyncset.done $0x0  }
0x556: {  	[sflag:s15] =	ssyncadd.s32 $0xFFFFFF80  }
0x557: {  	_ =	swait.ge [sflag:s15], $0x80  }
0x558: {  	[sflag:s15] =	ssyncset.done $0x0  }
0x559: {  	[sflag:s15] =	ssyncadd.s32 $0xFFFFFF80  }
0x55a: {  	_ =	swait.ge [sflag:s15], $0x80  }
0x55b: {  	[sflag:s15] =	ssyncset.done $0x0  }
0x55c: {  	[sflag:s15] =	ssyncadd.s32 $0xFFFFFF80  }
0x55d: {  	_ =	swait.ge [sflag:s15], $0x80  }
0x55e: {  	[sflag:s15] =	ssyncset.done $0x0  }
0x55f: {  	[sflag:s15] =	ssyncadd.s32 $0xFFFFFF80  }
0x560: {  	_ =	swait.ge [sflag:s15], $0x80  }
0x561: {  	[sflag:s15] =	ssyncset.done $0x0  }
0x562: {  	[sflag:s15] =	ssyncadd.s32 $0xFFFFFF80  }
0x563: {  	_ =	swait.ge [sflag:s15], $0x80  }
0x564: {  	[sflag:s15] =	ssyncset.done $0x0  }
0x565: {  	[sflag:s15] =	ssyncadd.s32 $0xFFFFFF80  }
0x566: {  	_ =	swait.ge [sflag:s15], $0x80  }
0x567: {  	[sflag:s15] =	ssyncset.done $0x0  }
0x568: {  	[sflag:s15] =	ssyncadd.s32 $0xFFFFFF80  }
0x569: {  	_ =	swait.ge [sflag:s15], $0x80  }
0x56a: {  	[sflag:s15] =	ssyncset.done $0x0  }
0x56b: {  	[sflag:s15] =	ssyncadd.s32 $0xFFFFFF80  }
0x56c: {  	[tilespmem:s18], [sflag:$0x1] =	stream.indirect.gather [hbm4b:s4+s16], $0x1, s17, s16, $0xb8;
	[tilespmem:$0x14280] =	vst v63  }
0x56d: {  	_ =	swait.ge [sflag:s15], $0x20  }
0x56e: {  	[sflag:s15] =	ssyncset.done $0x0  }
0x56f: {  	s23 =	simm.s32 $0x0;
	[sflag:s15] =	ssyncadd.s32 $0xFFFFFFE0  }
0x570: {  	v35 =	vld [tilespmem:s23+$0x8080]  }
0x571: {  	s24 =	simm.s32 $0x40;
	v36 =	vld [tilespmem:s23+$0xC180]  }
.LBB2_72:
0x572: {  	_ = 	snop  }
0x573: {  	p0 =	sne.s32 s24, $0xFFC0  }
.Ltmp35:
0x574: {  	_ = 	snop;
	(pc) =	sbr.rel @p0 .LBB2_72-.Ltmp35, $4  }
0x575: {  	v37 =	vshll.u32 v35, $0x4  }
0x576: {  	s25 =	sshra.s32 s24, $0x2;
	v37 =	vshrl.u32 v36, v37  }
0x577: {  	v35 =	vld [tilespmem:s25+$0x8080];
	v37 =	vshll.u32 v37, $0x10  }
0x578: {  	s24 =	sadd.s32 $0x40, s24;
	v36 =	vld [tilespmem:s25+$0xC180];
	[tilespmem:s23+$0x10180] =	vst v37;
	s23 =	smov.u32 s25  }
0x579: {  	_ =	sdelay $0x2  }
0x57a: {  	v35 =	vshll.u32 v35, $0x4  }
0x57b: {  	v35 =	vshrl.u32 v36, v35  }
0x57c: {  	v35 =	vshll.u32 v35, $0x10  }
0x57d: {  	[tilespmem:s23+$0x10180] =	vst v35  }
0x57e: {  	v35 =	vld [tilespmem:$0x14180]  }
0x57f: {  	v61 =	vld [tilespmem:$0xC100]  }
0x580: {  	v37 =	vld [tilespmem:$0xC110]  }
0x581: {  	v38 =	vld [tilespmem:$0x14190];
	_ =	sdelay $0x2  }
0x582: {  	v36 =	vshll.u32 v61, $0x4  }
0x583: {  	v62 =	vshll.u32 v37, $0x4;
	v35 =	vshrl.u32 v35, v36  }
0x584: {  	v36 =	vshrl.u32 v38, v62;
	v35 =	vshll.u32 v35, $0x10  }
0x585: {  	v63 =	vshll.u32 v36, $0x10;
	[tilespmem:$0x14200] =	vst v35  }
0x586: {  	[tilespmem:$0x14210] =	vst v63  }
0x587: {  	[hbm4b:s9+s14] =	stream.strided.scatter [tilespmem:s20], [sflag:$0x2], $0x4000, s19, s14, $0x38;
	[tilespmem:$0x14280] =	vst v63  }
0x588: {  	s22 =	sadd.s32 $0x1, s22;
	_ =	swait.ge [sflag:s12], $0x4000  }
0x589: {  	p0 =	sne.s32 s22, s11;
	[sflag:s12] =	ssyncset.done $0x0  }
.Ltmp36:
0x58a: {  	[sflag:s12] =	ssyncadd.s32 $0xFFFFC000;
	(pc) =	sbr.rel @p0 .LBB2_1-.Ltmp36, $4  }
0x58b: {  	[hbm4b:s10+s2] =	stream.linear.scatter [tilespmem:s21], [sflag:$0x2], $0x20, $0x38;
	[tilespmem:$0x14280] =	vst v63  }
0x58c: {  	_ =	swait.ge [sflag:s12], $0x20  }
0x58d: {  	[sflag:s12] =	ssyncset.done $0x0  }
0x58e: {  	[sflag:s12] =	ssyncadd.s32 $0xFFFFFFE0  }
0x58f: {  	_ =	sfence.sel $0x180000  }
0x590: {  	[bflag:$0x0] =	sbarrier.arrive $0xFFFF  }
0x591: {  	p0 =	sne.s32 s0, $0x0;
	_ =	strace $0x90000047  }
0x592: {  	s0 =	sadd.s32 @!p0 $0x100000, s1;
	[bflag:$0x2] =	sbarrier.arrive $0xFFFF  }
0x593: {  	[sflag:s0] =	ssyncadd.tile.s32 @!p0 $0x1;
	_ =	shalt  }
.Lfunc_end2:
_tile_overlayer_lowered:
.L_overlay_start_2:
0x594: {  	(tag) =	ssettag $0x2  }
0x595: {  	s0 =	rddreg [dreg:$0x0];
	s2 =	stileid.u32  }
0x596: {  	s1 =	rddreg [dreg:$0x1];
	p0 =	sne.s32 s2, $0x0  }
0x597: {  	s3 =	rddreg [dreg:$0x2];
	[bflag:$0x3] =	sbarrier.arrive $0xFFFF;
	s2 =	simm.s32 @!p0 $0x1C02  }
0x598: {  	[timem:s3], [sflag:s2] =	dma.local @!p0 [hbm:s0], s1  }
0x599: {  	s0 =	simm.s32 @!p0 $0x2  }
0x59a: {  	_ =	swait.ge @!p0 [sflag:s0], s1  }
0x59b: {  	s1 =	ssub.s32 @!p0 $0x0, s1;
	[sflag:s0] =	ssyncset.done @!p0 $0x0  }
0x59c: {  	[sflag:s0] =	ssyncadd.s32 @!p0 s1  }
0x59d: {  	[bflag:$0x3] =	sbarrier.arrive $0xFFFF  }
0x59e: {  	_ =	shalt  }

</sc_bundles>
